<compile_context>
chip_gen: v7x
topology: tpu7x:2x2x1
jax: 0.10.2.dev20260603
libtpu: 0.0.44.dev20260713+nightly
codegen_flags: <defaults>
</compile_context>

<pallas_src>
import functools

import jax
import jax.numpy as jnp
from jax import lax
from jax.experimental import pallas as pl
from jax.experimental.pallas import tpu as pltpu
from jax.experimental.pallas import tpu_sc as plsc


def _make_copy_kernel(L, D, dtype, num_cores):
    rows_per_c = L // num_cores
    chunk = 32
    nbuf = 32
    look = 16
    nchunks = rows_per_c // chunk

    mesh = plsc.ScalarSubcoreMesh(axis_name="c", num_cores=num_cores)

    @functools.partial(
        pl.kernel,
        mesh=mesh,
        out_type=jax.ShapeDtypeStruct((1, L, D), dtype),
        scratch_types=[
            pltpu.VMEM_SHARED((nbuf, chunk, D), dtype),
            pltpu.SemaphoreType.DMA((nbuf,)),
            pltpu.SemaphoreType.DMA((nbuf,)),
        ],
    )
    def copy_k(table_hbm, out_hbm, buf, in_sems, out_sems):
        base = lax.axis_index("c") * rows_per_c

        def load(j):
            pltpu.async_copy(
                table_hbm.at[pl.ds(base + j * chunk, chunk)],
                buf.at[j % nbuf],
                in_sems.at[j % nbuf],
            )

        def store(j):
            pltpu.async_copy(
                buf.at[j % nbuf],
                out_hbm.at[0, pl.ds(base + j * chunk, chunk)],
                out_sems.at[j % nbuf],
            )

        def drain_in(j):
            pltpu.make_async_copy(
                table_hbm.at[pl.ds(base, chunk)],
                buf.at[j % nbuf],
                in_sems.at[j % nbuf],
            ).wait()

        def drain_out(j):
            pltpu.make_async_copy(
                buf.at[j % nbuf],
                out_hbm.at[0, pl.ds(base, chunk)],
                out_sems.at[j % nbuf],
            ).wait()

        for j in range(min(look, nchunks)):
            load(j)
        for i in range(nchunks):
            d = i - (nbuf - look)
            if d >= 0:
                drain_out(d)
            j = i + look
            if j < nchunks:
                load(j)
            drain_in(i)
            store(i)
        for d in range(max(0, nchunks - (nbuf - look)), nchunks):
            drain_out(d)

    return copy_k


def kernel(hidden_states, position_table):
    L = hidden_states.shape[1]
    D = position_table.shape[1]
    copy_k = _make_copy_kernel(L, D, position_table.dtype, 2)
    return copy_k(position_table)

# --- scband reference (transcript-rebuilt; emitter-appended) ---
"""Pipeline reference for scband-positional-embedding-69879117906570 (READ-ONLY COPY).

The authoritative reference and input builder live on the scoring server;
editing this copy changes nothing except your own understanding.
"""

import jax, jax.numpy as jnp
import numpy as np


def setup_inputs(seed: int = 0) -> dict:
    key = jax.random.key(seed)
    k1, k2 = jax.random.split(key)
    hidden_states = jax.random.normal(k1, (4, 4096, 1024), dtype=jnp.float32)
    # learned positional embedding table sized per init_kwargs (max_length, hidden_size)
    position_table = jax.random.normal(k2, (8192, 1024), dtype=jnp.float32) * 0.02
    return {"hidden_states": hidden_states, "position_table": position_table}


def reference(hidden_states, position_table):
    # Faithful translation of PositionalEmbedding.forward:
    # position_ids = arange(L); emb = table[position_ids]; return emb.unsqueeze(0)
    L = hidden_states.shape[1]
    position_ids = jnp.arange(0, L, 1)
    position_embeddings = jnp.take(position_table, position_ids, axis=0)
    return position_embeddings[None, :, :]

if __name__ == "__main__":
    import jax
    _d = setup_inputs()
    print(jax.jit(kernel)(*tuple(_d.values())))

</pallas_src>

<mosaic_0001>
#map = affine_map<(d0) -> (0, 0)>
#map1 = affine_map<(d0) -> (0, 0, 0)>
module attributes {stable_mosaic.version = 14 : i64} {
  func.func @copy_k(%arg0: i32, %arg1: memref<8192x1024xf32, #tpu.memory_space<hbm>>, %arg2: memref<1x4096x1024xf32, #tpu.memory_space<hbm>>, %arg3: memref<32x32x1024xf32, #tpu.memory_space<vmem_shared>>, %arg4: memref<32x!tpu.dma_semaphore, #tpu.memory_space<semaphore_mem>>, %arg5: memref<32x!tpu.dma_semaphore, #tpu.memory_space<semaphore_mem>>) attributes {dimension_semantics = [#tpu.dimension_semantics<core_parallel>], iteration_bounds = array<i64: 2>, scalar_prefetch = 0 : i64, scratch_operands = 3 : i64, tpu.core_type = #tpu.core_type<sc_scalar_subcore>, window_params = [{transform_indices = #map}, {transform_indices = #map1}]} {
    %mul3A = arith.constant 2048 : i32
    %mul3A_0 = arith.muli %arg0, %mul3A : i32
    %add3A = arith.constant 0 : i32
    %add3A_1 = arith.addi %mul3A_0, %add3A : i32
    %dma_start3A = arith.constant 0 : i32
    %dma_start3A_2 = arith.constant 0 : i32
    %dma_start3A_3 = tpu.memref_slice %arg4[%dma_start3A_2] : memref<32x!tpu.dma_semaphore, #tpu.memory_space<semaphore_mem>> -> memref<1x!tpu.dma_semaphore, #tpu.memory_space<semaphore_mem>>
    %dma_start3A_4 = tpu.memref_squeeze %dma_start3A_3 : memref<1x!tpu.dma_semaphore, #tpu.memory_space<semaphore_mem>> -> memref<!tpu.dma_semaphore, #tpu.memory_space<semaphore_mem>>
    %dma_start3A_5 = arith.constant 0 : i32
    %dma_start3A_6 = arith.constant 0 : i32
    %dma_start3A_7 = tpu.memref_slice %arg3[%dma_start3A, %dma_start3A_5, %dma_start3A_6] : memref<32x32x1024xf32, #tpu.memory_space<vmem_shared>> -> memref<1x32x1024xf32, #tpu.memory_space<vmem_shared>>
    %dma_start3A_8 = tpu.memref_squeeze %dma_start3A_7 : memref<1x32x1024xf32, #tpu.memory_space<vmem_shared>> -> memref<32x1024xf32, #tpu.memory_space<vmem_shared>>
    %dma_start3A_9 = arith.constant 0 : i32
    %dma_start3A_10 = tpu.memref_slice %arg1[%add3A_1, %dma_start3A_9] : memref<8192x1024xf32, #tpu.memory_space<hbm>> -> memref<32x1024xf32, #tpu.memory_space<hbm>>
    tpu.enqueue_dma source(%dma_start3A_10 : memref<32x1024xf32, #tpu.memory_space<hbm>>) target(%dma_start3A_8 : memref<32x1024xf32, #tpu.memory_space<vmem_shared>>) target_semaphore(%dma_start3A_4 : memref<!tpu.dma_semaphore, #tpu.memory_space<semaphore_mem>>)
    %add3A_11 = arith.constant 32 : i32
    %add3A_12 = arith.addi %mul3A_0, %add3A_11 : i32
    %dma_start3A_13 = arith.constant 1 : i32
    %dma_start3A_14 = arith.constant 1 : i32
    %dma_start3A_15 = tpu.memref_slice %arg4[%dma_start3A_14] : memref<32x!tpu.dma_semaphore, #tpu.memory_space<semaphore_mem>> -> memref<1x!tpu.dma_semaphore, #tpu.memory_space<semaphore_mem>>
    %dma_start3A_16 = tpu.memref_squeeze %dma_start3A_15 : memref<1x!tpu.dma_semaphore, #tpu.memory_space<semaphore_mem>> -> memref<!tpu.dma_semaphore, #tpu.memory_space<semaphore_mem>>
    %dma_start3A_17 = arith.constant 0 : i32
    %dma_start3A_18 = arith.constant 0 : i32
    %dma_start3A_19 = tpu.memref_slice %arg3[%dma_start3A_13, %dma_start3A_17, %dma_start3A_18] : memref<32x32x1024xf32, #tpu.memory_space<vmem_shared>> -> memref<1x32x1024xf32, #tpu.memory_space<vmem_shared>>
    %dma_start3A_20 = tpu.memref_squeeze %dma_start3A_19 : memref<1x32x1024xf32, #tpu.memory_space<vmem_shared>> -> memref<32x1024xf32, #tpu.memory_space<vmem_shared>>
    %dma_start3A_21 = arith.constant 0 : i32
    %dma_start3A_22 = tpu.memref_slice %arg1[%add3A_12, %dma_start3A_21] : memref<8192x1024xf32, #tpu.memory_space<hbm>> -> memref<32x1024xf32, #tpu.memory_space<hbm>>
    tpu.enqueue_dma source(%dma_start3A_22 : memref<32x1024xf32, #tpu.memory_space<hbm>>) target(%dma_start3A_20 : memref<32x1024xf32, #tpu.memory_space<vmem_shared>>) target_semaphore(%dma_start3A_16 : memref<!tpu.dma_semaphore, #tpu.memory_space<semaphore_mem>>)
    %add3A_23 = arith.constant 64 : i32
    %add3A_24 = arith.addi %mul3A_0, %add3A_23 : i32
    %dma_start3A_25 = arith.constant 2 : i32
    %dma_start3A_26 = arith.constant 2 : i32
    %dma_start3A_27 = tpu.memref_slice %arg4[%dma_start3A_26] : memref<32x!tpu.dma_semaphore, #tpu.memory_space<semaphore_mem>> -> memref<1x!tpu.dma_semaphore, #tpu.memory_space<semaphore_mem>>
    %dma_start3A_28 = tpu.memref_squeeze %dma_start3A_27 : memref<1x!tpu.dma_semaphore, #tpu.memory_space<semaphore_mem>> -> memref<!tpu.dma_semaphore, #tpu.memory_space<semaphore_mem>>
    %dma_start3A_29 = arith.constant 0 : i32
    %dma_start3A_30 = arith.constant 0 : i32
    %dma_start3A_31 = tpu.memref_slice %arg3[%dma_start3A_25, %dma_start3A_29, %dma_start3A_30] : memref<32x32x1024xf32, #tpu.memory_space<vmem_shared>> -> memref<1x32x1024xf32, #tpu.memory_space<vmem_shared>>
    %dma_start3A_32 = tpu.memref_squeeze %dma_start3A_31 : memref<1x32x1024xf32, #tpu.memory_space<vmem_shared>> -> memref<32x1024xf32, #tpu.memory_space<vmem_shared>>
    %dma_start3A_33 = arith.constant 0 : i32
    %dma_start3A_34 = tpu.memref_slice %arg1[%add3A_24, %dma_start3A_33] : memref<8192x1024xf32, #tpu.memory_space<hbm>> -> memref<32x1024xf32, #tpu.memory_space<hbm>>
    tpu.enqueue_dma source(%dma_start3A_34 : memref<32x1024xf32, #tpu.memory_space<hbm>>) target(%dma_start3A_32 : memref<32x1024xf32, #tpu.memory_space<vmem_shared>>) target_semaphore(%dma_start3A_28 : memref<!tpu.dma_semaphore, #tpu.memory_space<semaphore_mem>>)
    %add3A_35 = arith.constant 96 : i32
    %add3A_36 = arith.addi %mul3A_0, %add3A_35 : i32
    %dma_start3A_37 = arith.constant 3 : i32
    %dma_start3A_38 = arith.constant 3 : i32
    %dma_start3A_39 = tpu.memref_slice %arg4[%dma_start3A_38] : memref<32x!tpu.dma_semaphore, #tpu.memory_space<semaphore_mem>> -> memref<1x!tpu.dma_semaphore, #tpu.memory_space<semaphore_mem>>
    %dma_start3A_40 = tpu.memref_squeeze %dma_start3A_39 : memref<1x!tpu.dma_semaphore, #tpu.memory_space<semaphore_mem>> -> memref<!tpu.dma_semaphore, #tpu.memory_space<semaphore_mem>>
    %dma_start3A_41 = arith.constant 0 : i32
    %dma_start3A_42 = arith.constant 0 : i32
    %dma_start3A_43 = tpu.memref_slice %arg3[%dma_start3A_37, %dma_start3A_41, %dma_start3A_42] : memref<32x32x1024xf32, #tpu.memory_space<vmem_shared>> -> memref<1x32x1024xf32, #tpu.memory_space<vmem_shared>>
    %dma_start3A_44 = tpu.memref_squeeze %dma_start3A_43 : memref<1x32x1024xf32, #tpu.memory_space<vmem_shared>> -> memref<32x1024xf32, #tpu.memory_space<vmem_shared>>
    %dma_start3A_45 = arith.constant 0 : i32
    %dma_start3A_46 = tpu.memref_slice %arg1[%add3A_36, %dma_start3A_45] : memref<8192x1024xf32, #tpu.memory_space<hbm>> -> memref<32x1024xf32, #tpu.memory_space<hbm>>
    tpu.enqueue_dma source(%dma_start3A_46 : memref<32x1024xf32, #tpu.memory_space<hbm>>) target(%dma_start3A_44 : memref<32x1024xf32, #tpu.memory_space<vmem_shared>>) target_semaphore(%dma_start3A_40 : memref<!tpu.dma_semaphore, #tpu.memory_space<semaphore_mem>>)
    %add3A_47 = arith.constant 128 : i32
    %add3A_48 = arith.addi %mul3A_0, %add3A_47 : i32
    %dma_start3A_49 = arith.constant 4 : i32
    %dma_start3A_50 = arith.constant 4 : i32
    %dma_start3A_51 = tpu.memref_slice %arg4[%dma_start3A_50] : memref<32x!tpu.dma_semaphore, #tpu.memory_space<semaphore_mem>> -> memref<1x!tpu.dma_semaphore, #tpu.memory_space<semaphore_mem>>
    %dma_start3A_52 = tpu.memref_squeeze %dma_start3A_51 : memref<1x!tpu.dma_semaphore, #tpu.memory_space<semaphore_mem>> -> memref<!tpu.dma_semaphore, #tpu.memory_space<semaphore_mem>>
    %dma_start3A_53 = arith.constant 0 : i32
    %dma_start3A_54 = arith.constant 0 : i32
    %dma_start3A_55 = tpu.memref_slice %arg3[%dma_start3A_49, %dma_start3A_53, %dma_start3A_54] : memref<32x32x1024xf32, #tpu.memory_space<vmem_shared>> -> memref<1x32x1024xf32, #tpu.memory_space<vmem_shared>>
    %dma_start3A_56 = tpu.memref_squeeze %dma_start3A_55 : memref<1x32x1024xf32, #tpu.memory_space<vmem_shared>> -> memref<32x1024xf32, #tpu.memory_space<vmem_shared>>
    %dma_start3A_57 = arith.constant 0 : i32
    %dma_start3A_58 = tpu.memref_slice %arg1[%add3A_48, %dma_start3A_57] : memref<8192x1024xf32, #tpu.memory_space<hbm>> -> memref<32x1024xf32, #tpu.memory_space<hbm>>
    tpu.enqueue_dma source(%dma_start3A_58 : memref<32x1024xf32, #tpu.memory_space<hbm>>) target(%dma_start3A_56 : memref<32x1024xf32, #tpu.memory_space<vmem_shared>>) target_semaphore(%dma_start3A_52 : memref<!tpu.dma_semaphore, #tpu.memory_space<semaphore_mem>>)
    %add3A_59 = arith.constant 160 : i32
    %add3A_60 = arith.addi %mul3A_0, %add3A_59 : i32
    %dma_start3A_61 = arith.constant 5 : i32
    %dma_start3A_62 = arith.constant 5 : i32
    %dma_start3A_63 = tpu.memref_slice %arg4[%dma_start3A_62] : memref<32x!tpu.dma_semaphore, #tpu.memory_space<semaphore_mem>> -> memref<1x!tpu.dma_semaphore, #tpu.memory_space<semaphore_mem>>
    %dma_start3A_64 = tpu.memref_squeeze %dma_start3A_63 : memref<1x!tpu.dma_semaphore, #tpu.memory_space<semaphore_mem>> -> memref<!tpu.dma_semaphore, #tpu.memory_space<semaphore_mem>>
    %dma_start3A_65 = arith.constant 0 : i32
    %dma_start3A_66 = arith.constant 0 : i32
    %dma_start3A_67 = tpu.memref_slice %arg3[%dma_start3A_61, %dma_start3A_65, %dma_start3A_66] : memref<32x32x1024xf32, #tpu.memory_space<vmem_shared>> -> memref<1x32x1024xf32, #tpu.memory_space<vmem_shared>>
    %dma_start3A_68 = tpu.memref_squeeze %dma_start3A_67 : memref<1x32x1024xf32, #tpu.memory_space<vmem_shared>> -> memref<32x1024xf32, #tpu.memory_space<vmem_shared>>
    %dma_start3A_69 = arith.constant 0 : i32
    %dma_start3A_70 = tpu.memref_slice %arg1[%add3A_60, %dma_start3A_69] : memref<8192x1024xf32, #tpu.memory_space<hbm>> -> memref<32x1024xf32, #tpu.memory_space<hbm>>
    tpu.enqueue_dma source(%dma_start3A_70 : memref<32x1024xf32, #tpu.memory_space<hbm>>) target(%dma_start3A_68 : memref<32x1024xf32, #tpu.memory_space<vmem_shared>>) target_semaphore(%dma_start3A_64 : memref<!tpu.dma_semaphore, #tpu.memory_space<semaphore_mem>>)
    %add3A_71 = arith.constant 192 : i32
    %add3A_72 = arith.addi %mul3A_0, %add3A_71 : i32
    %dma_start3A_73 = arith.constant 6 : i32
    %dma_start3A_74 = arith.constant 6 : i32
    %dma_start3A_75 = tpu.memref_slice %arg4[%dma_start3A_74] : memref<32x!tpu.dma_semaphore, #tpu.memory_space<semaphore_mem>> -> memref<1x!tpu.dma_semaphore, #tpu.memory_space<semaphore_mem>>
    %dma_start3A_76 = tpu.memref_squeeze %dma_start3A_75 : memref<1x!tpu.dma_semaphore, #tpu.memory_space<semaphore_mem>> -> memref<!tpu.dma_semaphore, #tpu.memory_space<semaphore_mem>>
    %dma_start3A_77 = arith.constant 0 : i32
    %dma_start3A_78 = arith.constant 0 : i32
    %dma_start3A_79 = tpu.memref_slice %arg3[%dma_start3A_73, %dma_start3A_77, %dma_start3A_78] : memref<32x32x1024xf32, #tpu.memory_space<vmem_shared>> -> memref<1x32x1024xf32, #tpu.memory_space<vmem_shared>>
    %dma_start3A_80 = tpu.memref_squeeze %dma_start3A_79 : memref<1x32x1024xf32, #tpu.memory_space<vmem_shared>> -> memref<32x1024xf32, #tpu.memory_space<vmem_shared>>
    %dma_start3A_81 = arith.constant 0 : i32
    %dma_start3A_82 = tpu.memref_slice %arg1[%add3A_72, %dma_start3A_81] : memref<8192x1024xf32, #tpu.memory_space<hbm>> -> memref<32x1024xf32, #tpu.memory_space<hbm>>
    tpu.enqueue_dma source(%dma_start3A_82 : memref<32x1024xf32, #tpu.memory_space<hbm>>) target(%dma_start3A_80 : memref<32x1024xf32, #tpu.memory_space<vmem_shared>>) target_semaphore(%dma_start3A_76 : memref<!tpu.dma_semaphore, #tpu.memory_space<semaphore_mem>>)
    %add3A_83 = arith.constant 224 : i32
    %add3A_84 = arith.addi %mul3A_0, %add3A_83 : i32
    %dma_start3A_85 = arith.constant 7 : i32
    %dma_start3A_86 = arith.constant 7 : i32
    %dma_start3A_87 = tpu.memref_slice %arg4[%dma_start3A_86] : memref<32x!tpu.dma_semaphore, #tpu.memory_space<semaphore_mem>> -> memref<1x!tpu.dma_semaphore, #tpu.memory_space<semaphore_mem>>
    %dma_start3A_88 = tpu.memref_squeeze %dma_start3A_87 : memref<1x!tpu.dma_semaphore, #tpu.memory_space<semaphore_mem>> -> memref<!tpu.dma_semaphore, #tpu.memory_space<semaphore_mem>>
    %dma_start3A_89 = arith.constant 0 : i32
    %dma_start3A_90 = arith.constant 0 : i32
    %dma_start3A_91 = tpu.memref_slice %arg3[%dma_start3A_85, %dma_start3A_89, %dma_start3A_90] : memref<32x32x1024xf32, #tpu.memory_space<vmem_shared>> -> memref<1x32x1024xf32, #tpu.memory_space<vmem_shared>>
    %dma_start3A_92 = tpu.memref_squeeze %dma_start3A_91 : memref<1x32x1024xf32, #tpu.memory_space<vmem_shared>> -> memref<32x1024xf32, #tpu.memory_space<vmem_shared>>
    %dma_start3A_93 = arith.constant 0 : i32
    %dma_start3A_94 = tpu.memref_slice %arg1[%add3A_84, %dma_start3A_93] : memref<8192x1024xf32, #tpu.memory_space<hbm>> -> memref<32x1024xf32, #tpu.memory_space<hbm>>
    tpu.enqueue_dma source(%dma_start3A_94 : memref<32x1024xf32, #tpu.memory_space<hbm>>) target(%dma_start3A_92 : memref<32x1024xf32, #tpu.memory_space<vmem_shared>>) target_semaphore(%dma_start3A_88 : memref<!tpu.dma_semaphore, #tpu.memory_space<semaphore_mem>>)
    %add3A_95 = arith.constant 256 : i32
    %add3A_96 = arith.addi %mul3A_0, %add3A_95 : i32
    %dma_start3A_97 = arith.constant 8 : i32
    %dma_start3A_98 = arith.constant 8 : i32
    %dma_start3A_99 = tpu.memref_slice %arg4[%dma_start3A_98] : memref<32x!tpu.dma_semaphore, #tpu.memory_space<semaphore_mem>> -> memref<1x!tpu.dma_semaphore, #tpu.memory_space<semaphore_mem>>
    %dma_start3A_100 = tpu.memref_squeeze %dma_start3A_99 : memref<1x!tpu.dma_semaphore, #tpu.memory_space<semaphore_mem>> -> memref<!tpu.dma_semaphore, #tpu.memory_space<semaphore_mem>>
    %dma_start3A_101 = arith.constant 0 : i32
    %dma_start3A_102 = arith.constant 0 : i32
    %dma_start3A_103 = tpu.memref_slice %arg3[%dma_start3A_97, %dma_start3A_101, %dma_start3A_102] : memref<32x32x1024xf32, #tpu.memory_space<vmem_shared>> -> memref<1x32x1024xf32, #tpu.memory_space<vmem_shared>>
    %dma_start3A_104 = tpu.memref_squeeze %dma_start3A_103 : memref<1x32x1024xf32, #tpu.memory_space<vmem_shared>> -> memref<32x1024xf32, #tpu.memory_space<vmem_shared>>
    %dma_start3A_105 = arith.constant 0 : i32
    %dma_start3A_106 = tpu.memref_slice %arg1[%add3A_96, %dma_start3A_105] : memref<8192x1024xf32, #tpu.memory_space<hbm>> -> memref<32x1024xf32, #tpu.memory_space<hbm>>
    tpu.enqueue_dma source(%dma_start3A_106 : memref<32x1024xf32, #tpu.memory_space<hbm>>) target(%dma_start3A_104 : memref<32x1024xf32, #tpu.memory_space<vmem_shared>>) target_semaphore(%dma_start3A_100 : memref<!tpu.dma_semaphore, #tpu.memory_space<semaphore_mem>>)
    %add3A_107 = arith.constant 288 : i32
    %add3A_108 = arith.addi %mul3A_0, %add3A_107 : i32
    %dma_start3A_109 = arith.constant 9 : i32
    %dma_start3A_110 = arith.constant 9 : i32
    %dma_start3A_111 = tpu.memref_slice %arg4[%dma_start3A_110] : memref<32x!tpu.dma_semaphore, #tpu.memory_space<semaphore_mem>> -> memref<1x!tpu.dma_semaphore, #tpu.memory_space<semaphore_mem>>
    %dma_start3A_112 = tpu.memref_squeeze %dma_start3A_111 : memref<1x!tpu.dma_semaphore, #tpu.memory_space<semaphore_mem>> -> memref<!tpu.dma_semaphore, #tpu.memory_space<semaphore_mem>>
    %dma_start3A_113 = arith.constant 0 : i32
    %dma_start3A_114 = arith.constant 0 : i32
    %dma_start3A_115 = tpu.memref_slice %arg3[%dma_start3A_109, %dma_start3A_113, %dma_start3A_114] : memref<32x32x1024xf32, #tpu.memory_space<vmem_shared>> -> memref<1x32x1024xf32, #tpu.memory_space<vmem_shared>>
    %dma_start3A_116 = tpu.memref_squeeze %dma_start3A_115 : memref<1x32x1024xf32, #tpu.memory_space<vmem_shared>> -> memref<32x1024xf32, #tpu.memory_space<vmem_shared>>
    %dma_start3A_117 = arith.constant 0 : i32
    %dma_start3A_118 = tpu.memref_slice %arg1[%add3A_108, %dma_start3A_117] : memref<8192x1024xf32, #tpu.memory_space<hbm>> -> memref<32x1024xf32, #tpu.memory_space<hbm>>
    tpu.enqueue_dma source(%dma_start3A_118 : memref<32x1024xf32, #tpu.memory_space<hbm>>) target(%dma_start3A_116 : memref<32x1024xf32, #tpu.memory_space<vmem_shared>>) target_semaphore(%dma_start3A_112 : memref<!tpu.dma_semaphore, #tpu.memory_space<semaphore_mem>>)
    %add3A_119 = arith.constant 320 : i32
    %add3A_120 = arith.addi %mul3A_0, %add3A_119 : i32
    %dma_start3A_121 = arith.constant 10 : i32
    %dma_start3A_122 = arith.constant 10 : i32
    %dma_start3A_123 = tpu.memref_slice %arg4[%dma_start3A_122] : memref<32x!tpu.dma_semaphore, #tpu.memory_space<semaphore_mem>> -> memref<1x!tpu.dma_semaphore, #tpu.memory_space<semaphore_mem>>
    %dma_start3A_124 = tpu.memref_squeeze %dma_start3A_123 : memref<1x!tpu.dma_semaphore, #tpu.memory_space<semaphore_mem>> -> memref<!tpu.dma_semaphore, #tpu.memory_space<semaphore_mem>>
    %dma_start3A_125 = arith.constant 0 : i32
    %dma_start3A_126 = arith.constant 0 : i32
    %dma_start3A_127 = tpu.memref_slice %arg3[%dma_start3A_121, %dma_start3A_125, %dma_start3A_126] : memref<32x32x1024xf32, #tpu.memory_space<vmem_shared>> -> memref<1x32x1024xf32, #tpu.memory_space<vmem_shared>>
    %dma_start3A_128 = tpu.memref_squeeze %dma_start3A_127 : memref<1x32x1024xf32, #tpu.memory_space<vmem_shared>> -> memref<32x1024xf32, #tpu.memory_space<vmem_shared>>
    %dma_start3A_129 = arith.constant 0 : i32
    %dma_start3A_130 = tpu.memref_slice %arg1[%add3A_120, %dma_start3A_129] : memref<8192x1024xf32, #tpu.memory_space<hbm>> -> memref<32x1024xf32, #tpu.memory_space<hbm>>
    tpu.enqueue_dma source(%dma_start3A_130 : memref<32x1024xf32, #tpu.memory_space<hbm>>) target(%dma_start3A_128 : memref<32x1024xf32, #tpu.memory_space<vmem_shared>>) target_semaphore(%dma_start3A_124 : memref<!tpu.dma_semaphore, #tpu.memory_space<semaphore_mem>>)
    %add3A_131 = arith.constant 352 : i32
    %add3A_132 = arith.addi %mul3A_0, %add3A_131 : i32
    %dma_start3A_133 = arith.constant 11 : i32
    %dma_start3A_134 = arith.constant 11 : i32
    %dma_start3A_135 = tpu.memref_slice %arg4[%dma_start3A_134] : memref<32x!tpu.dma_semaphore, #tpu.memory_space<semaphore_mem>> -> memref<1x!tpu.dma_semaphore, #tpu.memory_space<semaphore_mem>>
    %dma_start3A_136 = tpu.memref_squeeze %dma_start3A_135 : memref<1x!tpu.dma_semaphore, #tpu.memory_space<semaphore_mem>> -> memref<!tpu.dma_semaphore, #tpu.memory_space<semaphore_mem>>
    %dma_start3A_137 = arith.constant 0 : i32
    %dma_start3A_138 = arith.constant 0 : i32
    %dma_start3A_139 = tpu.memref_slice %arg3[%dma_start3A_133, %dma_start3A_137, %dma_start3A_138] : memref<32x32x1024xf32, #tpu.memory_space<vmem_shared>> -> memref<1x32x1024xf32, #tpu.memory_space<vmem_shared>>
    %dma_start3A_140 = tpu.memref_squeeze %dma_start3A_139 : memref<1x32x1024xf32, #tpu.memory_space<vmem_shared>> -> memref<32x1024xf32, #tpu.memory_space<vmem_shared>>
    %dma_start3A_141 = arith.constant 0 : i32
    %dma_start3A_142 = tpu.memref_slice %arg1[%add3A_132, %dma_start3A_141] : memref<8192x1024xf32, #tpu.memory_space<hbm>> -> memref<32x1024xf32, #tpu.memory_space<hbm>>
    tpu.enqueue_dma source(%dma_start3A_142 : memref<32x1024xf32, #tpu.memory_space<hbm>>) target(%dma_start3A_140 : memref<32x1024xf32, #tpu.memory_space<vmem_shared>>) target_semaphore(%dma_start3A_136 : memref<!tpu.dma_semaphore, #tpu.memory_space<semaphore_mem>>)
    %add3A_143 = arith.constant 384 : i32
    %add3A_144 = arith.addi %mul3A_0, %add3A_143 : i32
    %dma_start3A_145 = arith.constant 12 : i32
    %dma_start3A_146 = arith.constant 12 : i32
    %dma_start3A_147 = tpu.memref_slice %arg4[%dma_start3A_146] : memref<32x!tpu.dma_semaphore, #tpu.memory_space<semaphore_mem>> -> memref<1x!tpu.dma_semaphore, #tpu.memory_space<semaphore_mem>>
    %dma_start3A_148 = tpu.memref_squeeze %dma_start3A_147 : memref<1x!tpu.dma_semaphore, #tpu.memory_space<semaphore_mem>> -> memref<!tpu.dma_semaphore, #tpu.memory_space<semaphore_mem>>
    %dma_start3A_149 = arith.constant 0 : i32
    %dma_start3A_150 = arith.constant 0 : i32
    %dma_start3A_151 = tpu.memref_slice %arg3[%dma_start3A_145, %dma_start3A_149, %dma_start3A_150] : memref<32x32x1024xf32, #tpu.memory_space<vmem_shared>> -> memref<1x32x1024xf32, #tpu.memory_space<vmem_shared>>
    %dma_start3A_152 = tpu.memref_squeeze %dma_start3A_151 : memref<1x32x1024xf32, #tpu.memory_space<vmem_shared>> -> memref<32x1024xf32, #tpu.memory_space<vmem_shared>>
    %dma_start3A_153 = arith.constant 0 : i32
    %dma_start3A_154 = tpu.memref_slice %arg1[%add3A_144, %dma_start3A_153] : memref<8192x1024xf32, #tpu.memory_space<hbm>> -> memref<32x1024xf32, #tpu.memory_space<hbm>>
    tpu.enqueue_dma source(%dma_start3A_154 : memref<32x1024xf32, #tpu.memory_space<hbm>>) target(%dma_start3A_152 : memref<32x1024xf32, #tpu.memory_space<vmem_shared>>) target_semaphore(%dma_start3A_148 : memref<!tpu.dma_semaphore, #tpu.memory_space<semaphore_mem>>)
    %add3A_155 = arith.constant 416 : i32
    %add3A_156 = arith.addi %mul3A_0, %add3A_155 : i32
    %dma_start3A_157 = arith.constant 13 : i32
    %dma_start3A_158 = arith.constant 13 : i32
    %dma_start3A_159 = tpu.memref_slice %arg4[%dma_start3A_158] : memref<32x!tpu.dma_semaphore, #tpu.memory_space<semaphore_mem>> -> memref<1x!tpu.dma_semaphore, #tpu.memory_space<semaphore_mem>>
    %dma_start3A_160 = tpu.memref_squeeze %dma_start3A_159 : memref<1x!tpu.dma_semaphore, #tpu.memory_space<semaphore_mem>> -> memref<!tpu.dma_semaphore, #tpu.memory_space<semaphore_mem>>
    %dma_start3A_161 = arith.constant 0 : i32
    %dma_start3A_162 = arith.constant 0 : i32
    %dma_start3A_163 = tpu.memref_slice %arg3[%dma_start3A_157, %dma_start3A_161, %dma_start3A_162] : memref<32x32x1024xf32, #tpu.memory_space<vmem_shared>> -> memref<1x32x1024xf32, #tpu.memory_space<vmem_shared>>
    %dma_start3A_164 = tpu.memref_squeeze %dma_start3A_163 : memref<1x32x1024xf32, #tpu.memory_space<vmem_shared>> -> memref<32x1024xf32, #tpu.memory_space<vmem_shared>>
    %dma_start3A_165 = arith.constant 0 : i32
    %dma_start3A_166 = tpu.memref_slice %arg1[%add3A_156, %dma_start3A_165] : memref<8192x1024xf32, #tpu.memory_space<hbm>> -> memref<32x1024xf32, #tpu.memory_space<hbm>>
    tpu.enqueue_dma source(%dma_start3A_166 : memref<32x1024xf32, #tpu.memory_space<hbm>>) target(%dma_start3A_164 : memref<32x1024xf32, #tpu.memory_space<vmem_shared>>) target_semaphore(%dma_start3A_160 : memref<!tpu.dma_semaphore, #tpu.memory_space<semaphore_mem>>)
    %add3A_167 = arith.constant 448 : i32
    %add3A_168 = arith.addi %mul3A_0, %add3A_167 : i32
    %dma_start3A_169 = arith.constant 14 : i32
    %dma_start3A_170 = arith.constant 14 : i32
    %dma_start3A_171 = tpu.memref_slice %arg4[%dma_start3A_170] : memref<32x!tpu.dma_semaphore, #tpu.memory_space<semaphore_mem>> -> memref<1x!tpu.dma_semaphore, #tpu.memory_space<semaphore_mem>>
    %dma_start3A_172 = tpu.memref_squeeze %dma_start3A_171 : memref<1x!tpu.dma_semaphore, #tpu.memory_space<semaphore_mem>> -> memref<!tpu.dma_semaphore, #tpu.memory_space<semaphore_mem>>
    %dma_start3A_173 = arith.constant 0 : i32
    %dma_start3A_174 = arith.constant 0 : i32
    %dma_start3A_175 = tpu.memref_slice %arg3[%dma_start3A_169, %dma_start3A_173, %dma_start3A_174] : memref<32x32x1024xf32, #tpu.memory_space<vmem_shared>> -> memref<1x32x1024xf32, #tpu.memory_space<vmem_shared>>
    %dma_start3A_176 = tpu.memref_squeeze %dma_start3A_175 : memref<1x32x1024xf32, #tpu.memory_space<vmem_shared>> -> memref<32x1024xf32, #tpu.memory_space<vmem_shared>>
    %dma_start3A_177 = arith.constant 0 : i32
    %dma_start3A_178 = tpu.memref_slice %arg1[%add3A_168, %dma_start3A_177] : memref<8192x1024xf32, #tpu.memory_space<hbm>> -> memref<32x1024xf32, #tpu.memory_space<hbm>>
    tpu.enqueue_dma source(%dma_start3A_178 : memref<32x1024xf32, #tpu.memory_space<hbm>>) target(%dma_start3A_176 : memref<32x1024xf32, #tpu.memory_space<vmem_shared>>) target_semaphore(%dma_start3A_172 : memref<!tpu.dma_semaphore, #tpu.memory_space<semaphore_mem>>)
    %add3A_179 = arith.constant 480 : i32
    %add3A_180 = arith.addi %mul3A_0, %add3A_179 : i32
    %dma_start3A_181 = arith.constant 15 : i32
    %dma_start3A_182 = arith.constant 15 : i32
    %dma_start3A_183 = tpu.memref_slice %arg4[%dma_start3A_182] : memref<32x!tpu.dma_semaphore, #tpu.memory_space<semaphore_mem>> -> memref<1x!tpu.dma_semaphore, #tpu.memory_space<semaphore_mem>>
    %dma_start3A_184 = tpu.memref_squeeze %dma_start3A_183 : memref<1x!tpu.dma_semaphore, #tpu.memory_space<semaphore_mem>> -> memref<!tpu.dma_semaphore, #tpu.memory_space<semaphore_mem>>
    %dma_start3A_185 = arith.constant 0 : i32
    %dma_start3A_186 = arith.constant 0 : i32
    %dma_start3A_187 = tpu.memref_slice %arg3[%dma_start3A_181, %dma_start3A_185, %dma_start3A_186] : memref<32x32x1024xf32, #tpu.memory_space<vmem_shared>> -> memref<1x32x1024xf32, #tpu.memory_space<vmem_shared>>
    %dma_start3A_188 = tpu.memref_squeeze %dma_start3A_187 : memref<1x32x1024xf32, #tpu.memory_space<vmem_shared>> -> memref<32x1024xf32, #tpu.memory_space<vmem_shared>>
    %dma_start3A_189 = arith.constant 0 : i32
    %dma_start3A_190 = tpu.memref_slice %arg1[%add3A_180, %dma_start3A_189] : memref<8192x1024xf32, #tpu.memory_space<hbm>> -> memref<32x1024xf32, #tpu.memory_space<hbm>>
    tpu.enqueue_dma source(%dma_start3A_190 : memref<32x1024xf32, #tpu.memory_space<hbm>>) target(%dma_start3A_188 : memref<32x1024xf32, #tpu.memory_space<vmem_shared>>) target_semaphore(%dma_start3A_184 : memref<!tpu.dma_semaphore, #tpu.memory_space<semaphore_mem>>)
    %add3A_191 = arith.constant 512 : i32
    %add3A_192 = arith.addi %mul3A_0, %add3A_191 : i32
    %dma_start3A_193 = arith.constant 16 : i32
    %dma_start3A_194 = arith.constant 16 : i32
    %dma_start3A_195 = tpu.memref_slice %arg4[%dma_start3A_194] : memref<32x!tpu.dma_semaphore, #tpu.memory_space<semaphore_mem>> -> memref<1x!tpu.dma_semaphore, #tpu.memory_space<semaphore_mem>>
    %dma_start3A_196 = tpu.memref_squeeze %dma_start3A_195 : memref<1x!tpu.dma_semaphore, #tpu.memory_space<semaphore_mem>> -> memref<!tpu.dma_semaphore, #tpu.memory_space<semaphore_mem>>
    %dma_start3A_197 = arith.constant 0 : i32
    %dma_start3A_198 = arith.constant 0 : i32
    %dma_start3A_199 = tpu.memref_slice %arg3[%dma_start3A_193, %dma_start3A_197, %dma_start3A_198] : memref<32x32x1024xf32, #tpu.memory_space<vmem_shared>> -> memref<1x32x1024xf32, #tpu.memory_space<vmem_shared>>
    %dma_start3A_200 = tpu.memref_squeeze %dma_start3A_199 : memref<1x32x1024xf32, #tpu.memory_space<vmem_shared>> -> memref<32x1024xf32, #tpu.memory_space<vmem_shared>>
    %dma_start3A_201 = arith.constant 0 : i32
    %dma_start3A_202 = tpu.memref_slice %arg1[%add3A_192, %dma_start3A_201] : memref<8192x1024xf32, #tpu.memory_space<hbm>> -> memref<32x1024xf32, #tpu.memory_space<hbm>>
    tpu.enqueue_dma source(%dma_start3A_202 : memref<32x1024xf32, #tpu.memory_space<hbm>>) target(%dma_start3A_200 : memref<32x1024xf32, #tpu.memory_space<vmem_shared>>) target_semaphore(%dma_start3A_196 : memref<!tpu.dma_semaphore, #tpu.memory_space<semaphore_mem>>)
    %dma_wait3A = arith.constant 0 : i32
    %dma_wait3A_203 = arith.constant 0 : i32
    %dma_wait3A_204 = tpu.memref_slice %arg4[%dma_wait3A_203] : memref<32x!tpu.dma_semaphore, #tpu.memory_space<semaphore_mem>> -> memref<1x!tpu.dma_semaphore, #tpu.memory_space<semaphore_mem>>
    %dma_wait3A_205 = tpu.memref_squeeze %dma_wait3A_204 : memref<1x!tpu.dma_semaphore, #tpu.memory_space<semaphore_mem>> -> memref<!tpu.dma_semaphore, #tpu.memory_space<semaphore_mem>>
    %dma_wait3A_206 = arith.constant 0 : i32
    %dma_wait3A_207 = arith.constant 0 : i32
    %dma_wait3A_208 = tpu.memref_slice %arg3[%dma_wait3A, %dma_wait3A_206, %dma_wait3A_207] : memref<32x32x1024xf32, #tpu.memory_space<vmem_shared>> -> memref<1x32x1024xf32, #tpu.memory_space<vmem_shared>>
    %dma_wait3A_209 = tpu.memref_squeeze %dma_wait3A_208 : memref<1x32x1024xf32, #tpu.memory_space<vmem_shared>> -> memref<32x1024xf32, #tpu.memory_space<vmem_shared>>
    %dma_wait3A_210 = arith.constant 0 : i32
    %dma_wait3A_211 = tpu.memref_slice %arg1[%mul3A_0, %dma_wait3A_210] : memref<8192x1024xf32, #tpu.memory_space<hbm>> -> memref<32x1024xf32, #tpu.memory_space<hbm>>
    tpu.wait_dma2 semaphore(%dma_wait3A_205 : memref<!tpu.dma_semaphore, #tpu.memory_space<semaphore_mem>>) src(%dma_wait3A_211 : memref<32x1024xf32, #tpu.memory_space<hbm>>) dst(%dma_wait3A_209 : memref<32x1024xf32, #tpu.memory_space<vmem_shared>>)
    %add3A_212 = arith.constant 0 : i32
    %add3A_213 = arith.addi %mul3A_0, %add3A_212 : i32
    %dma_start3A_214 = arith.constant 0 : i32
    %dma_start3A_215 = arith.constant 0 : i32
    %dma_start3A_216 = arith.constant 0 : i32
    %dma_start3A_217 = tpu.memref_slice %arg5[%dma_start3A_216] : memref<32x!tpu.dma_semaphore, #tpu.memory_space<semaphore_mem>> -> memref<1x!tpu.dma_semaphore, #tpu.memory_space<semaphore_mem>>
    %dma_start3A_218 = tpu.memref_squeeze %dma_start3A_217 : memref<1x!tpu.dma_semaphore, #tpu.memory_space<semaphore_mem>> -> memref<!tpu.dma_semaphore, #tpu.memory_space<semaphore_mem>>
    %dma_start3A_219 = arith.constant 0 : i32
    %dma_start3A_220 = tpu.memref_slice %arg2[%dma_start3A_215, %add3A_213, %dma_start3A_219] : memref<1x4096x1024xf32, #tpu.memory_space<hbm>> -> memref<1x32x1024xf32, #tpu.memory_space<hbm>>
    %dma_start3A_221 = tpu.memref_squeeze %dma_start3A_220 : memref<1x32x1024xf32, #tpu.memory_space<hbm>> -> memref<32x1024xf32, #tpu.memory_space<hbm>>
    %dma_start3A_222 = arith.constant 0 : i32
    %dma_start3A_223 = arith.constant 0 : i32
    %dma_start3A_224 = tpu.memref_slice %arg3[%dma_start3A_214, %dma_start3A_222, %dma_start3A_223] : memref<32x32x1024xf32, #tpu.memory_space<vmem_shared>> -> memref<1x32x1024xf32, #tpu.memory_space<vmem_shared>>
    %dma_start3A_225 = tpu.memref_squeeze %dma_start3A_224 : memref<1x32x1024xf32, #tpu.memory_space<vmem_shared>> -> memref<32x1024xf32, #tpu.memory_space<vmem_shared>>
    tpu.enqueue_dma source(%dma_start3A_225 : memref<32x1024xf32, #tpu.memory_space<vmem_shared>>) target(%dma_start3A_221 : memref<32x1024xf32, #tpu.memory_space<hbm>>) target_semaphore(%dma_start3A_218 : memref<!tpu.dma_semaphore, #tpu.memory_space<semaphore_mem>>)
    %add3A_226 = arith.constant 544 : i32
    %add3A_227 = arith.addi %mul3A_0, %add3A_226 : i32
    %dma_start3A_228 = arith.constant 17 : i32
    %dma_start3A_229 = arith.constant 17 : i32
    %dma_start3A_230 = tpu.memref_slice %arg4[%dma_start3A_229] : memref<32x!tpu.dma_semaphore, #tpu.memory_space<semaphore_mem>> -> memref<1x!tpu.dma_semaphore, #tpu.memory_space<semaphore_mem>>
    %dma_start3A_231 = tpu.memref_squeeze %dma_start3A_230 : memref<1x!tpu.dma_semaphore, #tpu.memory_space<semaphore_mem>> -> memref<!tpu.dma_semaphore, #tpu.memory_space<semaphore_mem>>
    %dma_start3A_232 = arith.constant 0 : i32
    %dma_start3A_233 = arith.constant 0 : i32
    %dma_start3A_234 = tpu.memref_slice %arg3[%dma_start3A_228, %dma_start3A_232, %dma_start3A_233] : memref<32x32x1024xf32, #tpu.memory_space<vmem_shared>> -> memref<1x32x1024xf32, #tpu.memory_space<vmem_shared>>
    %dma_start3A_235 = tpu.memref_squeeze %dma_start3A_234 : memref<1x32x1024xf32, #tpu.memory_space<vmem_shared>> -> memref<32x1024xf32, #tpu.memory_space<vmem_shared>>
    %dma_start3A_236 = arith.constant 0 : i32
    %dma_start3A_237 = tpu.memref_slice %arg1[%add3A_227, %dma_start3A_236] : memref<8192x1024xf32, #tpu.memory_space<hbm>> -> memref<32x1024xf32, #tpu.memory_space<hbm>>
    tpu.enqueue_dma source(%dma_start3A_237 : memref<32x1024xf32, #tpu.memory_space<hbm>>) target(%dma_start3A_235 : memref<32x1024xf32, #tpu.memory_space<vmem_shared>>) target_semaphore(%dma_start3A_231 : memref<!tpu.dma_semaphore, #tpu.memory_space<semaphore_mem>>)
    %dma_wait3A_238 = arith.constant 1 : i32
    %dma_wait3A_239 = arith.constant 1 : i32
    %dma_wait3A_240 = tpu.memref_slice %arg4[%dma_wait3A_239] : memref<32x!tpu.dma_semaphore, #tpu.memory_space<semaphore_mem>> -> memref<1x!tpu.dma_semaphore, #tpu.memory_space<semaphore_mem>>
    %dma_wait3A_241 = tpu.memref_squeeze %dma_wait3A_240 : memref<1x!tpu.dma_semaphore, #tpu.memory_space<semaphore_mem>> -> memref<!tpu.dma_semaphore, #tpu.memory_space<semaphore_mem>>
    %dma_wait3A_242 = arith.constant 0 : i32
    %dma_wait3A_243 = arith.constant 0 : i32
    %dma_wait3A_244 = tpu.memref_slice %arg3[%dma_wait3A_238, %dma_wait3A_242, %dma_wait3A_243] : memref<32x32x1024xf32, #tpu.memory_space<vmem_shared>> -> memref<1x32x1024xf32, #tpu.memory_space<vmem_shared>>
    %dma_wait3A_245 = tpu.memref_squeeze %dma_wait3A_244 : memref<1x32x1024xf32, #tpu.memory_space<vmem_shared>> -> memref<32x1024xf32, #tpu.memory_space<vmem_shared>>
    %dma_wait3A_246 = arith.constant 0 : i32
    %dma_wait3A_247 = tpu.memref_slice %arg1[%mul3A_0, %dma_wait3A_246] : memref<8192x1024xf32, #tpu.memory_space<hbm>> -> memref<32x1024xf32, #tpu.memory_space<hbm>>
    tpu.wait_dma2 semaphore(%dma_wait3A_241 : memref<!tpu.dma_semaphore, #tpu.memory_space<semaphore_mem>>) src(%dma_wait3A_247 : memref<32x1024xf32, #tpu.memory_space<hbm>>) dst(%dma_wait3A_245 : memref<32x1024xf32, #tpu.memory_space<vmem_shared>>)
    %add3A_248 = arith.constant 32 : i32
    %add3A_249 = arith.addi %mul3A_0, %add3A_248 : i32
    %dma_start3A_250 = arith.constant 1 : i32
    %dma_start3A_251 = arith.constant 0 : i32
    %dma_start3A_252 = arith.constant 1 : i32
    %dma_start3A_253 = tpu.memref_slice %arg5[%dma_start3A_252] : memref<32x!tpu.dma_semaphore, #tpu.memory_space<semaphore_mem>> -> memref<1x!tpu.dma_semaphore, #tpu.memory_space<semaphore_mem>>
    %dma_start3A_254 = tpu.memref_squeeze %dma_start3A_253 : memref<1x!tpu.dma_semaphore, #tpu.memory_space<semaphore_mem>> -> memref<!tpu.dma_semaphore, #tpu.memory_space<semaphore_mem>>
    %dma_start3A_255 = arith.constant 0 : i32
    %dma_start3A_256 = tpu.memref_slice %arg2[%dma_start3A_251, %add3A_249, %dma_start3A_255] : memref<1x4096x1024xf32, #tpu.memory_space<hbm>> -> memref<1x32x1024xf32, #tpu.memory_space<hbm>>
    %dma_start3A_257 = tpu.memref_squeeze %dma_start3A_256 : memref<1x32x1024xf32, #tpu.memory_space<hbm>> -> memref<32x1024xf32, #tpu.memory_space<hbm>>
    %dma_start3A_258 = arith.constant 0 : i32
    %dma_start3A_259 = arith.constant 0 : i32
    %dma_start3A_260 = tpu.memref_slice %arg3[%dma_start3A_250, %dma_start3A_258, %dma_start3A_259] : memref<32x32x1024xf32, #tpu.memory_space<vmem_shared>> -> memref<1x32x1024xf32, #tpu.memory_space<vmem_shared>>
    %dma_start3A_261 = tpu.memref_squeeze %dma_start3A_260 : memref<1x32x1024xf32, #tpu.memory_space<vmem_shared>> -> memref<32x1024xf32, #tpu.memory_space<vmem_shared>>
    tpu.enqueue_dma source(%dma_start3A_261 : memref<32x1024xf32, #tpu.memory_space<vmem_shared>>) target(%dma_start3A_257 : memref<32x1024xf32, #tpu.memory_space<hbm>>) target_semaphore(%dma_start3A_254 : memref<!tpu.dma_semaphore, #tpu.memory_space<semaphore_mem>>)
    %add3A_262 = arith.constant 576 : i32
    %add3A_263 = arith.addi %mul3A_0, %add3A_262 : i32
    %dma_start3A_264 = arith.constant 18 : i32
    %dma_start3A_265 = arith.constant 18 : i32
    %dma_start3A_266 = tpu.memref_slice %arg4[%dma_start3A_265] : memref<32x!tpu.dma_semaphore, #tpu.memory_space<semaphore_mem>> -> memref<1x!tpu.dma_semaphore, #tpu.memory_space<semaphore_mem>>
    %dma_start3A_267 = tpu.memref_squeeze %dma_start3A_266 : memref<1x!tpu.dma_semaphore, #tpu.memory_space<semaphore_mem>> -> memref<!tpu.dma_semaphore, #tpu.memory_space<semaphore_mem>>
    %dma_start3A_268 = arith.constant 0 : i32
    %dma_start3A_269 = arith.constant 0 : i32
    %dma_start3A_270 = tpu.memref_slice %arg3[%dma_start3A_264, %dma_start3A_268, %dma_start3A_269] : memref<32x32x1024xf32, #tpu.memory_space<vmem_shared>> -> memref<1x32x1024xf32, #tpu.memory_space<vmem_shared>>
    %dma_start3A_271 = tpu.memref_squeeze %dma_start3A_270 : memref<1x32x1024xf32, #tpu.memory_space<vmem_shared>> -> memref<32x1024xf32, #tpu.memory_space<vmem_shared>>
    %dma_start3A_272 = arith.constant 0 : i32
    %dma_start3A_273 = tpu.memref_slice %arg1[%add3A_263, %dma_start3A_272] : memref<8192x1024xf32, #tpu.memory_space<hbm>> -> memref<32x1024xf32, #tpu.memory_space<hbm>>
    tpu.enqueue_dma source(%dma_start3A_273 : memref<32x1024xf32, #tpu.memory_space<hbm>>) target(%dma_start3A_271 : memref<32x1024xf32, #tpu.memory_space<vmem_shared>>) target_semaphore(%dma_start3A_267 : memref<!tpu.dma_semaphore, #tpu.memory_space<semaphore_mem>>)
    %dma_wait3A_274 = arith.constant 2 : i32
    %dma_wait3A_275 = arith.constant 2 : i32
    %dma_wait3A_276 = tpu.memref_slice %arg4[%dma_wait3A_275] : memref<32x!tpu.dma_semaphore, #tpu.memory_space<semaphore_mem>> -> memref<1x!tpu.dma_semaphore, #tpu.memory_space<semaphore_mem>>
    %dma_wait3A_277 = tpu.memref_squeeze %dma_wait3A_276 : memref<1x!tpu.dma_semaphore, #tpu.memory_space<semaphore_mem>> -> memref<!tpu.dma_semaphore, #tpu.memory_space<semaphore_mem>>
    %dma_wait3A_278 = arith.constant 0 : i32
    %dma_wait3A_279 = arith.constant 0 : i32
    %dma_wait3A_280 = tpu.memref_slice %arg3[%dma_wait3A_274, %dma_wait3A_278, %dma_wait3A_279] : memref<32x32x1024xf32, #tpu.memory_space<vmem_shared>> -> memref<1x32x1024xf32, #tpu.memory_space<vmem_shared>>
    %dma_wait3A_281 = tpu.memref_squeeze %dma_wait3A_280 : memref<1x32x1024xf32, #tpu.memory_space<vmem_shared>> -> memref<32x1024xf32, #tpu.memory_space<vmem_shared>>
    %dma_wait3A_282 = arith.constant 0 : i32
    %dma_wait3A_283 = tpu.memref_slice %arg1[%mul3A_0, %dma_wait3A_282] : memref<8192x1024xf32, #tpu.memory_space<hbm>> -> memref<32x1024xf32, #tpu.memory_space<hbm>>
    tpu.wait_dma2 semaphore(%dma_wait3A_277 : memref<!tpu.dma_semaphore, #tpu.memory_space<semaphore_mem>>) src(%dma_wait3A_283 : memref<32x1024xf32, #tpu.memory_space<hbm>>) dst(%dma_wait3A_281 : memref<32x1024xf32, #tpu.memory_space<vmem_shared>>)
    %add3A_284 = arith.constant 64 : i32
    %add3A_285 = arith.addi %mul3A_0, %add3A_284 : i32
    %dma_start3A_286 = arith.constant 2 : i32
    %dma_start3A_287 = arith.constant 0 : i32
    %dma_start3A_288 = arith.constant 2 : i32
    %dma_start3A_289 = tpu.memref_slice %arg5[%dma_start3A_288] : memref<32x!tpu.dma_semaphore, #tpu.memory_space<semaphore_mem>> -> memref<1x!tpu.dma_semaphore, #tpu.memory_space<semaphore_mem>>
    %dma_start3A_290 = tpu.memref_squeeze %dma_start3A_289 : memref<1x!tpu.dma_semaphore, #tpu.memory_space<semaphore_mem>> -> memref<!tpu.dma_semaphore, #tpu.memory_space<semaphore_mem>>
    %dma_start3A_291 = arith.constant 0 : i32
    %dma_start3A_292 = tpu.memref_slice %arg2[%dma_start3A_287, %add3A_285, %dma_start3A_291] : memref<1x4096x1024xf32, #tpu.memory_space<hbm>> -> memref<1x32x1024xf32, #tpu.memory_space<hbm>>
    %dma_start3A_293 = tpu.memref_squeeze %dma_start3A_292 : memref<1x32x1024xf32, #tpu.memory_space<hbm>> -> memref<32x1024xf32, #tpu.memory_space<hbm>>
    %dma_start3A_294 = arith.constant 0 : i32
    %dma_start3A_295 = arith.constant 0 : i32
    %dma_start3A_296 = tpu.memref_slice %arg3[%dma_start3A_286, %dma_start3A_294, %dma_start3A_295] : memref<32x32x1024xf32, #tpu.memory_space<vmem_shared>> -> memref<1x32x1024xf32, #tpu.memory_space<vmem_shared>>
    %dma_start3A_297 = tpu.memref_squeeze %dma_start3A_296 : memref<1x32x1024xf32, #tpu.memory_space<vmem_shared>> -> memref<32x1024xf32, #tpu.memory_space<vmem_shared>>
    tpu.enqueue_dma source(%dma_start3A_297 : memref<32x1024xf32, #tpu.memory_space<vmem_shared>>) target(%dma_start3A_293 : memref<32x1024xf32, #tpu.memory_space<hbm>>) target_semaphore(%dma_start3A_290 : memref<!tpu.dma_semaphore, #tpu.memory_space<semaphore_mem>>)
    %add3A_298 = arith.constant 608 : i32
    %add3A_299 = arith.addi %mul3A_0, %add3A_298 : i32
    %dma_start3A_300 = arith.constant 19 : i32
    %dma_start3A_301 = arith.constant 19 : i32
    %dma_start3A_302 = tpu.memref_slice %arg4[%dma_start3A_301] : memref<32x!tpu.dma_semaphore, #tpu.memory_space<semaphore_mem>> -> memref<1x!tpu.dma_semaphore, #tpu.memory_space<semaphore_mem>>
    %dma_start3A_303 = tpu.memref_squeeze %dma_start3A_302 : memref<1x!tpu.dma_semaphore, #tpu.memory_space<semaphore_mem>> -> memref<!tpu.dma_semaphore, #tpu.memory_space<semaphore_mem>>
    %dma_start3A_304 = arith.constant 0 : i32
    %dma_start3A_305 = arith.constant 0 : i32
    %dma_start3A_306 = tpu.memref_slice %arg3[%dma_start3A_300, %dma_start3A_304, %dma_start3A_305] : memref<32x32x1024xf32, #tpu.memory_space<vmem_shared>> -> memref<1x32x1024xf32, #tpu.memory_space<vmem_shared>>
    %dma_start3A_307 = tpu.memref_squeeze %dma_start3A_306 : memref<1x32x1024xf32, #tpu.memory_space<vmem_shared>> -> memref<32x1024xf32, #tpu.memory_space<vmem_shared>>
    %dma_start3A_308 = arith.constant 0 : i32
    %dma_start3A_309 = tpu.memref_slice %arg1[%add3A_299, %dma_start3A_308] : memref<8192x1024xf32, #tpu.memory_space<hbm>> -> memref<32x1024xf32, #tpu.memory_space<hbm>>
    tpu.enqueue_dma source(%dma_start3A_309 : memref<32x1024xf32, #tpu.memory_space<hbm>>) target(%dma_start3A_307 : memref<32x1024xf32, #tpu.memory_space<vmem_shared>>) target_semaphore(%dma_start3A_303 : memref<!tpu.dma_semaphore, #tpu.memory_space<semaphore_mem>>)
    %dma_wait3A_310 = arith.constant 3 : i32
    %dma_wait3A_311 = arith.constant 3 : i32
    %dma_wait3A_312 = tpu.memref_slice %arg4[%dma_wait3A_311] : memref<32x!tpu.dma_semaphore, #tpu.memory_space<semaphore_mem>> -> memref<1x!tpu.dma_semaphore, #tpu.memory_space<semaphore_mem>>
    %dma_wait3A_313 = tpu.memref_squeeze %dma_wait3A_312 : memref<1x!tpu.dma_semaphore, #tpu.memory_space<semaphore_mem>> -> memref<!tpu.dma_semaphore, #tpu.memory_space<semaphore_mem>>
    %dma_wait3A_314 = arith.constant 0 : i32
    %dma_wait3A_315 = arith.constant 0 : i32
    %dma_wait3A_316 = tpu.memref_slice %arg3[%dma_wait3A_310, %dma_wait3A_314, %dma_wait3A_315] : memref<32x32x1024xf32, #tpu.memory_space<vmem_shared>> -> memref<1x32x1024xf32, #tpu.memory_space<vmem_shared>>
    %dma_wait3A_317 = tpu.memref_squeeze %dma_wait3A_316 : memref<1x32x1024xf32, #tpu.memory_space<vmem_shared>> -> memref<32x1024xf32, #tpu.memory_space<vmem_shared>>
    %dma_wait3A_318 = arith.constant 0 : i32
    %dma_wait3A_319 = tpu.memref_slice %arg1[%mul3A_0, %dma_wait3A_318] : memref<8192x1024xf32, #tpu.memory_space<hbm>> -> memref<32x1024xf32, #tpu.memory_space<hbm>>
    tpu.wait_dma2 semaphore(%dma_wait3A_313 : memref<!tpu.dma_semaphore, #tpu.memory_space<semaphore_mem>>) src(%dma_wait3A_319 : memref<32x1024xf32, #tpu.memory_space<hbm>>) dst(%dma_wait3A_317 : memref<32x1024xf32, #tpu.memory_space<vmem_shared>>)
    %add3A_320 = arith.constant 96 : i32
    %add3A_321 = arith.addi %mul3A_0, %add3A_320 : i32
    %dma_start3A_322 = arith.constant 3 : i32
    %dma_start3A_323 = arith.constant 0 : i32
    %dma_start3A_324 = arith.constant 3 : i32
    %dma_start3A_325 = tpu.memref_slice %arg5[%dma_start3A_324] : memref<32x!tpu.dma_semaphore, #tpu.memory_space<semaphore_mem>> -> memref<1x!tpu.dma_semaphore, #tpu.memory_space<semaphore_mem>>
    %dma_start3A_326 = tpu.memref_squeeze %dma_start3A_325 : memref<1x!tpu.dma_semaphore, #tpu.memory_space<semaphore_mem>> -> memref<!tpu.dma_semaphore, #tpu.memory_space<semaphore_mem>>
    %dma_start3A_327 = arith.constant 0 : i32
    %dma_start3A_328 = tpu.memref_slice %arg2[%dma_start3A_323, %add3A_321, %dma_start3A_327] : memref<1x4096x1024xf32, #tpu.memory_space<hbm>> -> memref<1x32x1024xf32, #tpu.memory_space<hbm>>
    %dma_start3A_329 = tpu.memref_squeeze %dma_start3A_328 : memref<1x32x1024xf32, #tpu.memory_space<hbm>> -> memref<32x1024xf32, #tpu.memory_space<hbm>>
    %dma_start3A_330 = arith.constant 0 : i32
    %dma_start3A_331 = arith.constant 0 : i32
    %dma_start3A_332 = tpu.memref_slice %arg3[%dma_start3A_322, %dma_start3A_330, %dma_start3A_331] : memref<32x32x1024xf32, #tpu.memory_space<vmem_shared>> -> memref<1x32x1024xf32, #tpu.memory_space<vmem_shared>>
    %dma_start3A_333 = tpu.memref_squeeze %dma_start3A_332 : memref<1x32x1024xf32, #tpu.memory_space<vmem_shared>> -> memref<32x1024xf32, #tpu.memory_space<vmem_shared>>
    tpu.enqueue_dma source(%dma_start3A_333 : memref<32x1024xf32, #tpu.memory_space<vmem_shared>>) target(%dma_start3A_329 : memref<32x1024xf32, #tpu.memory_space<hbm>>) target_semaphore(%dma_start3A_326 : memref<!tpu.dma_semaphore, #tpu.memory_space<semaphore_mem>>)
    %add3A_334 = arith.constant 640 : i32
    %add3A_335 = arith.addi %mul3A_0, %add3A_334 : i32
    %dma_start3A_336 = arith.constant 20 : i32
    %dma_start3A_337 = arith.constant 20 : i32
    %dma_start3A_338 = tpu.memref_slice %arg4[%dma_start3A_337] : memref<32x!tpu.dma_semaphore, #tpu.memory_space<semaphore_mem>> -> memref<1x!tpu.dma_semaphore, #tpu.memory_space<semaphore_mem>>
    %dma_start3A_339 = tpu.memref_squeeze %dma_start3A_338 : memref<1x!tpu.dma_semaphore, #tpu.memory_space<semaphore_mem>> -> memref<!tpu.dma_semaphore, #tpu.memory_space<semaphore_mem>>
    %dma_start3A_340 = arith.constant 0 : i32
    %dma_start3A_341 = arith.constant 0 : i32
    %dma_start3A_342 = tpu.memref_slice %arg3[%dma_start3A_336, %dma_start3A_340, %dma_start3A_341] : memref<32x32x1024xf32, #tpu.memory_space<vmem_shared>> -> memref<1x32x1024xf32, #tpu.memory_space<vmem_shared>>
    %dma_start3A_343 = tpu.memref_squeeze %dma_start3A_342 : memref<1x32x1024xf32, #tpu.memory_space<vmem_shared>> -> memref<32x1024xf32, #tpu.memory_space<vmem_shared>>
    %dma_start3A_344 = arith.constant 0 : i32
    %dma_start3A_345 = tpu.memref_slice %arg1[%add3A_335, %dma_start3A_344] : memref<8192x1024xf32, #tpu.memory_space<hbm>> -> memref<32x1024xf32, #tpu.memory_space<hbm>>
    tpu.enqueue_dma source(%dma_start3A_345 : memref<32x1024xf32, #tpu.memory_space<hbm>>) target(%dma_start3A_343 : memref<32x1024xf32, #tpu.memory_space<vmem_shared>>) target_semaphore(%dma_start3A_339 : memref<!tpu.dma_semaphore, #tpu.memory_space<semaphore_mem>>)
    %dma_wait3A_346 = arith.constant 4 : i32
    %dma_wait3A_347 = arith.constant 4 : i32
    %dma_wait3A_348 = tpu.memref_slice %arg4[%dma_wait3A_347] : memref<32x!tpu.dma_semaphore, #tpu.memory_space<semaphore_mem>> -> memref<1x!tpu.dma_semaphore, #tpu.memory_space<semaphore_mem>>
    %dma_wait3A_349 = tpu.memref_squeeze %dma_wait3A_348 : memref<1x!tpu.dma_semaphore, #tpu.memory_space<semaphore_mem>> -> memref<!tpu.dma_semaphore, #tpu.memory_space<semaphore_mem>>
    %dma_wait3A_350 = arith.constant 0 : i32
    %dma_wait3A_351 = arith.constant 0 : i32
    %dma_wait3A_352 = tpu.memref_slice %arg3[%dma_wait3A_346, %dma_wait3A_350, %dma_wait3A_351] : memref<32x32x1024xf32, #tpu.memory_space<vmem_shared>> -> memref<1x32x1024xf32, #tpu.memory_space<vmem_shared>>
    %dma_wait3A_353 = tpu.memref_squeeze %dma_wait3A_352 : memref<1x32x1024xf32, #tpu.memory_space<vmem_shared>> -> memref<32x1024xf32, #tpu.memory_space<vmem_shared>>
    %dma_wait3A_354 = arith.constant 0 : i32
    %dma_wait3A_355 = tpu.memref_slice %arg1[%mul3A_0, %dma_wait3A_354] : memref<8192x1024xf32, #tpu.memory_space<hbm>> -> memref<32x1024xf32, #tpu.memory_space<hbm>>
    tpu.wait_dma2 semaphore(%dma_wait3A_349 : memref<!tpu.dma_semaphore, #tpu.memory_space<semaphore_mem>>) src(%dma_wait3A_355 : memref<32x1024xf32, #tpu.memory_space<hbm>>) dst(%dma_wait3A_353 : memref<32x1024xf32, #tpu.memory_space<vmem_shared>>)
    %add3A_356 = arith.constant 128 : i32
    %add3A_357 = arith.addi %mul3A_0, %add3A_356 : i32
    %dma_start3A_358 = arith.constant 4 : i32
    %dma_start3A_359 = arith.constant 0 : i32
    %dma_start3A_360 = arith.constant 4 : i32
    %dma_start3A_361 = tpu.memref_slice %arg5[%dma_start3A_360] : memref<32x!tpu.dma_semaphore, #tpu.memory_space<semaphore_mem>> -> memref<1x!tpu.dma_semaphore, #tpu.memory_space<semaphore_mem>>
    %dma_start3A_362 = tpu.memref_squeeze %dma_start3A_361 : memref<1x!tpu.dma_semaphore, #tpu.memory_space<semaphore_mem>> -> memref<!tpu.dma_semaphore, #tpu.memory_space<semaphore_mem>>
    %dma_start3A_363 = arith.constant 0 : i32
    %dma_start3A_364 = tpu.memref_slice %arg2[%dma_start3A_359, %add3A_357, %dma_start3A_363] : memref<1x4096x1024xf32, #tpu.memory_space<hbm>> -> memref<1x32x1024xf32, #tpu.memory_space<hbm>>
    %dma_start3A_365 = tpu.memref_squeeze %dma_start3A_364 : memref<1x32x1024xf32, #tpu.memory_space<hbm>> -> memref<32x1024xf32, #tpu.memory_space<hbm>>
    %dma_start3A_366 = arith.constant 0 : i32
    %dma_start3A_367 = arith.constant 0 : i32
    %dma_start3A_368 = tpu.memref_slice %arg3[%dma_start3A_358, %dma_start3A_366, %dma_start3A_367] : memref<32x32x1024xf32, #tpu.memory_space<vmem_shared>> -> memref<1x32x1024xf32, #tpu.memory_space<vmem_shared>>
    %dma_start3A_369 = tpu.memref_squeeze %dma_start3A_368 : memref<1x32x1024xf32, #tpu.memory_space<vmem_shared>> -> memref<32x1024xf32, #tpu.memory_space<vmem_shared>>
    tpu.enqueue_dma source(%dma_start3A_369 : memref<32x1024xf32, #tpu.memory_space<vmem_shared>>) target(%dma_start3A_365 : memref<32x1024xf32, #tpu.memory_space<hbm>>) target_semaphore(%dma_start3A_362 : memref<!tpu.dma_semaphore, #tpu.memory_space<semaphore_mem>>)
    %add3A_370 = arith.constant 672 : i32
    %add3A_371 = arith.addi %mul3A_0, %add3A_370 : i32
    %dma_start3A_372 = arith.constant 21 : i32
    %dma_start3A_373 = arith.constant 21 : i32
    %dma_start3A_374 = tpu.memref_slice %arg4[%dma_start3A_373] : memref<32x!tpu.dma_semaphore, #tpu.memory_space<semaphore_mem>> -> memref<1x!tpu.dma_semaphore, #tpu.memory_space<semaphore_mem>>
    %dma_start3A_375 = tpu.memref_squeeze %dma_start3A_374 : memref<1x!tpu.dma_semaphore, #tpu.memory_space<semaphore_mem>> -> memref<!tpu.dma_semaphore, #tpu.memory_space<semaphore_mem>>
    %dma_start3A_376 = arith.constant 0 : i32
    %dma_start3A_377 = arith.constant 0 : i32
    %dma_start3A_378 = tpu.memref_slice %arg3[%dma_start3A_372, %dma_start3A_376, %dma_start3A_377] : memref<32x32x1024xf32, #tpu.memory_space<vmem_shared>> -> memref<1x32x1024xf32, #tpu.memory_space<vmem_shared>>
    %dma_start3A_379 = tpu.memref_squeeze %dma_start3A_378 : memref<1x32x1024xf32, #tpu.memory_space<vmem_shared>> -> memref<32x1024xf32, #tpu.memory_space<vmem_shared>>
    %dma_start3A_380 = arith.constant 0 : i32
    %dma_start3A_381 = tpu.memref_slice %arg1[%add3A_371, %dma_start3A_380] : memref<8192x1024xf32, #tpu.memory_space<hbm>> -> memref<32x1024xf32, #tpu.memory_space<hbm>>
    tpu.enqueue_dma source(%dma_start3A_381 : memref<32x1024xf32, #tpu.memory_space<hbm>>) target(%dma_start3A_379 : memref<32x1024xf32, #tpu.memory_space<vmem_shared>>) target_semaphore(%dma_start3A_375 : memref<!tpu.dma_semaphore, #tpu.memory_space<semaphore_mem>>)
    %dma_wait3A_382 = arith.constant 5 : i32
    %dma_wait3A_383 = arith.constant 5 : i32
    %dma_wait3A_384 = tpu.memref_slice %arg4[%dma_wait3A_383] : memref<32x!tpu.dma_semaphore, #tpu.memory_space<semaphore_mem>> -> memref<1x!tpu.dma_semaphore, #tpu.memory_space<semaphore_mem>>
    %dma_wait3A_385 = tpu.memref_squeeze %dma_wait3A_384 : memref<1x!tpu.dma_semaphore, #tpu.memory_space<semaphore_mem>> -> memref<!tpu.dma_semaphore, #tpu.memory_space<semaphore_mem>>
    %dma_wait3A_386 = arith.constant 0 : i32
    %dma_wait3A_387 = arith.constant 0 : i32
    %dma_wait3A_388 = tpu.memref_slice %arg3[%dma_wait3A_382, %dma_wait3A_386, %dma_wait3A_387] : memref<32x32x1024xf32, #tpu.memory_space<vmem_shared>> -> memref<1x32x1024xf32, #tpu.memory_space<vmem_shared>>
    %dma_wait3A_389 = tpu.memref_squeeze %dma_wait3A_388 : memref<1x32x1024xf32, #tpu.memory_space<vmem_shared>> -> memref<32x1024xf32, #tpu.memory_space<vmem_shared>>
    %dma_wait3A_390 = arith.constant 0 : i32
    %dma_wait3A_391 = tpu.memref_slice %arg1[%mul3A_0, %dma_wait3A_390] : memref<8192x1024xf32, #tpu.memory_space<hbm>> -> memref<32x1024xf32, #tpu.memory_space<hbm>>
    tpu.wait_dma2 semaphore(%dma_wait3A_385 : memref<!tpu.dma_semaphore, #tpu.memory_space<semaphore_mem>>) src(%dma_wait3A_391 : memref<32x1024xf32, #tpu.memory_space<hbm>>) dst(%dma_wait3A_389 : memref<32x1024xf32, #tpu.memory_space<vmem_shared>>)
    %add3A_392 = arith.constant 160 : i32
    %add3A_393 = arith.addi %mul3A_0, %add3A_392 : i32
    %dma_start3A_394 = arith.constant 5 : i32
    %dma_start3A_395 = arith.constant 0 : i32
    %dma_start3A_396 = arith.constant 5 : i32
    %dma_start3A_397 = tpu.memref_slice %arg5[%dma_start3A_396] : memref<32x!tpu.dma_semaphore, #tpu.memory_space<semaphore_mem>> -> memref<1x!tpu.dma_semaphore, #tpu.memory_space<semaphore_mem>>
    %dma_start3A_398 = tpu.memref_squeeze %dma_start3A_397 : memref<1x!tpu.dma_semaphore, #tpu.memory_space<semaphore_mem>> -> memref<!tpu.dma_semaphore, #tpu.memory_space<semaphore_mem>>
    %dma_start3A_399 = arith.constant 0 : i32
    %dma_start3A_400 = tpu.memref_slice %arg2[%dma_start3A_395, %add3A_393, %dma_start3A_399] : memref<1x4096x1024xf32, #tpu.memory_space<hbm>> -> memref<1x32x1024xf32, #tpu.memory_space<hbm>>
    %dma_start3A_401 = tpu.memref_squeeze %dma_start3A_400 : memref<1x32x1024xf32, #tpu.memory_space<hbm>> -> memref<32x1024xf32, #tpu.memory_space<hbm>>
    %dma_start3A_402 = arith.constant 0 : i32
    %dma_start3A_403 = arith.constant 0 : i32
    %dma_start3A_404 = tpu.memref_slice %arg3[%dma_start3A_394, %dma_start3A_402, %dma_start3A_403] : memref<32x32x1024xf32, #tpu.memory_space<vmem_shared>> -> memref<1x32x1024xf32, #tpu.memory_space<vmem_shared>>
    %dma_start3A_405 = tpu.memref_squeeze %dma_start3A_404 : memref<1x32x1024xf32, #tpu.memory_space<vmem_shared>> -> memref<32x1024xf32, #tpu.memory_space<vmem_shared>>
    tpu.enqueue_dma source(%dma_start3A_405 : memref<32x1024xf32, #tpu.memory_space<vmem_shared>>) target(%dma_start3A_401 : memref<32x1024xf32, #tpu.memory_space<hbm>>) target_semaphore(%dma_start3A_398 : memref<!tpu.dma_semaphore, #tpu.memory_space<semaphore_mem>>)
    %add3A_406 = arith.constant 704 : i32
    %add3A_407 = arith.addi %mul3A_0, %add3A_406 : i32
    %dma_start3A_408 = arith.constant 22 : i32
    %dma_start3A_409 = arith.constant 22 : i32
    %dma_start3A_410 = tpu.memref_slice %arg4[%dma_start3A_409] : memref<32x!tpu.dma_semaphore, #tpu.memory_space<semaphore_mem>> -> memref<1x!tpu.dma_semaphore, #tpu.memory_space<semaphore_mem>>
    %dma_start3A_411 = tpu.memref_squeeze %dma_start3A_410 : memref<1x!tpu.dma_semaphore, #tpu.memory_space<semaphore_mem>> -> memref<!tpu.dma_semaphore, #tpu.memory_space<semaphore_mem>>
    %dma_start3A_412 = arith.constant 0 : i32
    %dma_start3A_413 = arith.constant 0 : i32
    %dma_start3A_414 = tpu.memref_slice %arg3[%dma_start3A_408, %dma_start3A_412, %dma_start3A_413] : memref<32x32x1024xf32, #tpu.memory_space<vmem_shared>> -> memref<1x32x1024xf32, #tpu.memory_space<vmem_shared>>
    %dma_start3A_415 = tpu.memref_squeeze %dma_start3A_414 : memref<1x32x1024xf32, #tpu.memory_space<vmem_shared>> -> memref<32x1024xf32, #tpu.memory_space<vmem_shared>>
    %dma_start3A_416 = arith.constant 0 : i32
    %dma_start3A_417 = tpu.memref_slice %arg1[%add3A_407, %dma_start3A_416] : memref<8192x1024xf32, #tpu.memory_space<hbm>> -> memref<32x1024xf32, #tpu.memory_space<hbm>>
    tpu.enqueue_dma source(%dma_start3A_417 : memref<32x1024xf32, #tpu.memory_space<hbm>>) target(%dma_start3A_415 : memref<32x1024xf32, #tpu.memory_space<vmem_shared>>) target_semaphore(%dma_start3A_411 : memref<!tpu.dma_semaphore, #tpu.memory_space<semaphore_mem>>)
    %dma_wait3A_418 = arith.constant 6 : i32
    %dma_wait3A_419 = arith.constant 6 : i32
    %dma_wait3A_420 = tpu.memref_slice %arg4[%dma_wait3A_419] : memref<32x!tpu.dma_semaphore, #tpu.memory_space<semaphore_mem>> -> memref<1x!tpu.dma_semaphore, #tpu.memory_space<semaphore_mem>>
    %dma_wait3A_421 = tpu.memref_squeeze %dma_wait3A_420 : memref<1x!tpu.dma_semaphore, #tpu.memory_space<semaphore_mem>> -> memref<!tpu.dma_semaphore, #tpu.memory_space<semaphore_mem>>
    %dma_wait3A_422 = arith.constant 0 : i32
    %dma_wait3A_423 = arith.constant 0 : i32
    %dma_wait3A_424 = tpu.memref_slice %arg3[%dma_wait3A_418, %dma_wait3A_422, %dma_wait3A_423] : memref<32x32x1024xf32, #tpu.memory_space<vmem_shared>> -> memref<1x32x1024xf32, #tpu.memory_space<vmem_shared>>
    %dma_wait3A_425 = tpu.memref_squeeze %dma_wait3A_424 : memref<1x32x1024xf32, #tpu.memory_space<vmem_shared>> -> memref<32x1024xf32, #tpu.memory_space<vmem_shared>>
    %dma_wait3A_426 = arith.constant 0 : i32
    %dma_wait3A_427 = tpu.memref_slice %arg1[%mul3A_0, %dma_wait3A_426] : memref<8192x1024xf32, #tpu.memory_space<hbm>> -> memref<32x1024xf32, #tpu.memory_space<hbm>>
    tpu.wait_dma2 semaphore(%dma_wait3A_421 : memref<!tpu.dma_semaphore, #tpu.memory_space<semaphore_mem>>) src(%dma_wait3A_427 : memref<32x1024xf32, #tpu.memory_space<hbm>>) dst(%dma_wait3A_425 : memref<32x1024xf32, #tpu.memory_space<vmem_shared>>)
    %add3A_428 = arith.constant 192 : i32
    %add3A_429 = arith.addi %mul3A_0, %add3A_428 : i32
    %dma_start3A_430 = arith.constant 6 : i32
    %dma_start3A_431 = arith.constant 0 : i32
    %dma_start3A_432 = arith.constant 6 : i32
    %dma_start3A_433 = tpu.memref_slice %arg5[%dma_start3A_432] : memref<32x!tpu.dma_semaphore, #tpu.memory_space<semaphore_mem>> -> memref<1x!tpu.dma_semaphore, #tpu.memory_space<semaphore_mem>>
    %dma_start3A_434 = tpu.memref_squeeze %dma_start3A_433 : memref<1x!tpu.dma_semaphore, #tpu.memory_space<semaphore_mem>> -> memref<!tpu.dma_semaphore, #tpu.memory_space<semaphore_mem>>
    %dma_start3A_435 = arith.constant 0 : i32
    %dma_start3A_436 = tpu.memref_slice %arg2[%dma_start3A_431, %add3A_429, %dma_start3A_435] : memref<1x4096x1024xf32, #tpu.memory_space<hbm>> -> memref<1x32x1024xf32, #tpu.memory_space<hbm>>
    %dma_start3A_437 = tpu.memref_squeeze %dma_start3A_436 : memref<1x32x1024xf32, #tpu.memory_space<hbm>> -> memref<32x1024xf32, #tpu.memory_space<hbm>>
    %dma_start3A_438 = arith.constant 0 : i32
    %dma_start3A_439 = arith.constant 0 : i32
    %dma_start3A_440 = tpu.memref_slice %arg3[%dma_start3A_430, %dma_start3A_438, %dma_start3A_439] : memref<32x32x1024xf32, #tpu.memory_space<vmem_shared>> -> memref<1x32x1024xf32, #tpu.memory_space<vmem_shared>>
    %dma_start3A_441 = tpu.memref_squeeze %dma_start3A_440 : memref<1x32x1024xf32, #tpu.memory_space<vmem_shared>> -> memref<32x1024xf32, #tpu.memory_space<vmem_shared>>
    tpu.enqueue_dma source(%dma_start3A_441 : memref<32x1024xf32, #tpu.memory_space<vmem_shared>>) target(%dma_start3A_437 : memref<32x1024xf32, #tpu.memory_space<hbm>>) target_semaphore(%dma_start3A_434 : memref<!tpu.dma_semaphore, #tpu.memory_space<semaphore_mem>>)
    %add3A_442 = arith.constant 736 : i32
    %add3A_443 = arith.addi %mul3A_0, %add3A_442 : i32
    %dma_start3A_444 = arith.constant 23 : i32
    %dma_start3A_445 = arith.constant 23 : i32
    %dma_start3A_446 = tpu.memref_slice %arg4[%dma_start3A_445] : memref<32x!tpu.dma_semaphore, #tpu.memory_space<semaphore_mem>> -> memref<1x!tpu.dma_semaphore, #tpu.memory_space<semaphore_mem>>
    %dma_start3A_447 = tpu.memref_squeeze %dma_start3A_446 : memref<1x!tpu.dma_semaphore, #tpu.memory_space<semaphore_mem>> -> memref<!tpu.dma_semaphore, #tpu.memory_space<semaphore_mem>>
    %dma_start3A_448 = arith.constant 0 : i32
    %dma_start3A_449 = arith.constant 0 : i32
    %dma_start3A_450 = tpu.memref_slice %arg3[%dma_start3A_444, %dma_start3A_448, %dma_start3A_449] : memref<32x32x1024xf32, #tpu.memory_space<vmem_shared>> -> memref<1x32x1024xf32, #tpu.memory_space<vmem_shared>>
    %dma_start3A_451 = tpu.memref_squeeze %dma_start3A_450 : memref<1x32x1024xf32, #tpu.memory_space<vmem_shared>> -> memref<32x1024xf32, #tpu.memory_space<vmem_shared>>
    %dma_start3A_452 = arith.constant 0 : i32
    %dma_start3A_453 = tpu.memref_slice %arg1[%add3A_443, %dma_start3A_452] : memref<8192x1024xf32, #tpu.memory_space<hbm>> -> memref<32x1024xf32, #tpu.memory_space<hbm>>
    tpu.enqueue_dma source(%dma_start3A_453 : memref<32x1024xf32, #tpu.memory_space<hbm>>) target(%dma_start3A_451 : memref<32x1024xf32, #tpu.memory_space<vmem_shared>>) target_semaphore(%dma_start3A_447 : memref<!tpu.dma_semaphore, #tpu.memory_space<semaphore_mem>>)
    %dma_wait3A_454 = arith.constant 7 : i32
    %dma_wait3A_455 = arith.constant 7 : i32
    %dma_wait3A_456 = tpu.memref_slice %arg4[%dma_wait3A_455] : memref<32x!tpu.dma_semaphore, #tpu.memory_space<semaphore_mem>> -> memref<1x!tpu.dma_semaphore, #tpu.memory_space<semaphore_mem>>
    %dma_wait3A_457 = tpu.memref_squeeze %dma_wait3A_456 : memref<1x!tpu.dma_semaphore, #tpu.memory_space<semaphore_mem>> -> memref<!tpu.dma_semaphore, #tpu.memory_space<semaphore_mem>>
    %dma_wait3A_458 = arith.constant 0 : i32
    %dma_wait3A_459 = arith.constant 0 : i32
    %dma_wait3A_460 = tpu.memref_slice %arg3[%dma_wait3A_454, %dma_wait3A_458, %dma_wait3A_459] : memref<32x32x1024xf32, #tpu.memory_space<vmem_shared>> -> memref<1x32x1024xf32, #tpu.memory_space<vmem_shared>>
    %dma_wait3A_461 = tpu.memref_squeeze %dma_wait3A_460 : memref<1x32x1024xf32, #tpu.memory_space<vmem_shared>> -> memref<32x1024xf32, #tpu.memory_space<vmem_shared>>
    %dma_wait3A_462 = arith.constant 0 : i32
    %dma_wait3A_463 = tpu.memref_slice %arg1[%mul3A_0, %dma_wait3A_462] : memref<8192x1024xf32, #tpu.memory_space<hbm>> -> memref<32x1024xf32, #tpu.memory_space<hbm>>
    tpu.wait_dma2 semaphore(%dma_wait3A_457 : memref<!tpu.dma_semaphore, #tpu.memory_space<semaphore_mem>>) src(%dma_wait3A_463 : memref<32x1024xf32, #tpu.memory_space<hbm>>) dst(%dma_wait3A_461 : memref<32x1024xf32, #tpu.memory_space<vmem_shared>>)
    %add3A_464 = arith.constant 224 : i32
    %add3A_465 = arith.addi %mul3A_0, %add3A_464 : i32
    %dma_start3A_466 = arith.constant 7 : i32
    %dma_start3A_467 = arith.constant 0 : i32
    %dma_start3A_468 = arith.constant 7 : i32
    %dma_start3A_469 = tpu.memref_slice %arg5[%dma_start3A_468] : memref<32x!tpu.dma_semaphore, #tpu.memory_space<semaphore_mem>> -> memref<1x!tpu.dma_semaphore, #tpu.memory_space<semaphore_mem>>
    %dma_start3A_470 = tpu.memref_squeeze %dma_start3A_469 : memref<1x!tpu.dma_semaphore, #tpu.memory_space<semaphore_mem>> -> memref<!tpu.dma_semaphore, #tpu.memory_space<semaphore_mem>>
    %dma_start3A_471 = arith.constant 0 : i32
    %dma_start3A_472 = tpu.memref_slice %arg2[%dma_start3A_467, %add3A_465, %dma_start3A_471] : memref<1x4096x1024xf32, #tpu.memory_space<hbm>> -> memref<1x32x1024xf32, #tpu.memory_space<hbm>>
    %dma_start3A_473 = tpu.memref_squeeze %dma_start3A_472 : memref<1x32x1024xf32, #tpu.memory_space<hbm>> -> memref<32x1024xf32, #tpu.memory_space<hbm>>
    %dma_start3A_474 = arith.constant 0 : i32
    %dma_start3A_475 = arith.constant 0 : i32
    %dma_start3A_476 = tpu.memref_slice %arg3[%dma_start3A_466, %dma_start3A_474, %dma_start3A_475] : memref<32x32x1024xf32, #tpu.memory_space<vmem_shared>> -> memref<1x32x1024xf32, #tpu.memory_space<vmem_shared>>
    %dma_start3A_477 = tpu.memref_squeeze %dma_start3A_476 : memref<1x32x1024xf32, #tpu.memory_space<vmem_shared>> -> memref<32x1024xf32, #tpu.memory_space<vmem_shared>>
    tpu.enqueue_dma source(%dma_start3A_477 : memref<32x1024xf32, #tpu.memory_space<vmem_shared>>) target(%dma_start3A_473 : memref<32x1024xf32, #tpu.memory_space<hbm>>) target_semaphore(%dma_start3A_470 : memref<!tpu.dma_semaphore, #tpu.memory_space<semaphore_mem>>)
    %add3A_478 = arith.constant 768 : i32
    %add3A_479 = arith.addi %mul3A_0, %add3A_478 : i32
    %dma_start3A_480 = arith.constant 24 : i32
    %dma_start3A_481 = arith.constant 24 : i32
    %dma_start3A_482 = tpu.memref_slice %arg4[%dma_start3A_481] : memref<32x!tpu.dma_semaphore, #tpu.memory_space<semaphore_mem>> -> memref<1x!tpu.dma_semaphore, #tpu.memory_space<semaphore_mem>>
    %dma_start3A_483 = tpu.memref_squeeze %dma_start3A_482 : memref<1x!tpu.dma_semaphore, #tpu.memory_space<semaphore_mem>> -> memref<!tpu.dma_semaphore, #tpu.memory_space<semaphore_mem>>
    %dma_start3A_484 = arith.constant 0 : i32
    %dma_start3A_485 = arith.constant 0 : i32
    %dma_start3A_486 = tpu.memref_slice %arg3[%dma_start3A_480, %dma_start3A_484, %dma_start3A_485] : memref<32x32x1024xf32, #tpu.memory_space<vmem_shared>> -> memref<1x32x1024xf32, #tpu.memory_space<vmem_shared>>
    %dma_start3A_487 = tpu.memref_squeeze %dma_start3A_486 : memref<1x32x1024xf32, #tpu.memory_space<vmem_shared>> -> memref<32x1024xf32, #tpu.memory_space<vmem_shared>>
    %dma_start3A_488 = arith.constant 0 : i32
    %dma_start3A_489 = tpu.memref_slice %arg1[%add3A_479, %dma_start3A_488] : memref<8192x1024xf32, #tpu.memory_space<hbm>> -> memref<32x1024xf32, #tpu.memory_space<hbm>>
    tpu.enqueue_dma source(%dma_start3A_489 : memref<32x1024xf32, #tpu.memory_space<hbm>>) target(%dma_start3A_487 : memref<32x1024xf32, #tpu.memory_space<vmem_shared>>) target_semaphore(%dma_start3A_483 : memref<!tpu.dma_semaphore, #tpu.memory_space<semaphore_mem>>)
    %dma_wait3A_490 = arith.constant 8 : i32
    %dma_wait3A_491 = arith.constant 8 : i32
    %dma_wait3A_492 = tpu.memref_slice %arg4[%dma_wait3A_491] : memref<32x!tpu.dma_semaphore, #tpu.memory_space<semaphore_mem>> -> memref<1x!tpu.dma_semaphore, #tpu.memory_space<semaphore_mem>>
    %dma_wait3A_493 = tpu.memref_squeeze %dma_wait3A_492 : memref<1x!tpu.dma_semaphore, #tpu.memory_space<semaphore_mem>> -> memref<!tpu.dma_semaphore, #tpu.memory_space<semaphore_mem>>
    %dma_wait3A_494 = arith.constant 0 : i32
    %dma_wait3A_495 = arith.constant 0 : i32
    %dma_wait3A_496 = tpu.memref_slice %arg3[%dma_wait3A_490, %dma_wait3A_494, %dma_wait3A_495] : memref<32x32x1024xf32, #tpu.memory_space<vmem_shared>> -> memref<1x32x1024xf32, #tpu.memory_space<vmem_shared>>
    %dma_wait3A_497 = tpu.memref_squeeze %dma_wait3A_496 : memref<1x32x1024xf32, #tpu.memory_space<vmem_shared>> -> memref<32x1024xf32, #tpu.memory_space<vmem_shared>>
    %dma_wait3A_498 = arith.constant 0 : i32
    %dma_wait3A_499 = tpu.memref_slice %arg1[%mul3A_0, %dma_wait3A_498] : memref<8192x1024xf32, #tpu.memory_space<hbm>> -> memref<32x1024xf32, #tpu.memory_space<hbm>>
    tpu.wait_dma2 semaphore(%dma_wait3A_493 : memref<!tpu.dma_semaphore, #tpu.memory_space<semaphore_mem>>) src(%dma_wait3A_499 : memref<32x1024xf32, #tpu.memory_space<hbm>>) dst(%dma_wait3A_497 : memref<32x1024xf32, #tpu.memory_space<vmem_shared>>)
    %add3A_500 = arith.constant 256 : i32
    %add3A_501 = arith.addi %mul3A_0, %add3A_500 : i32
    %dma_start3A_502 = arith.constant 8 : i32
    %dma_start3A_503 = arith.constant 0 : i32
    %dma_start3A_504 = arith.constant 8 : i32
    %dma_start3A_505 = tpu.memref_slice %arg5[%dma_start3A_504] : memref<32x!tpu.dma_semaphore, #tpu.memory_space<semaphore_mem>> -> memref<1x!tpu.dma_semaphore, #tpu.memory_space<semaphore_mem>>
    %dma_start3A_506 = tpu.memref_squeeze %dma_start3A_505 : memref<1x!tpu.dma_semaphore, #tpu.memory_space<semaphore_mem>> -> memref<!tpu.dma_semaphore, #tpu.memory_space<semaphore_mem>>
    %dma_start3A_507 = arith.constant 0 : i32
    %dma_start3A_508 = tpu.memref_slice %arg2[%dma_start3A_503, %add3A_501, %dma_start3A_507] : memref<1x4096x1024xf32, #tpu.memory_space<hbm>> -> memref<1x32x1024xf32, #tpu.memory_space<hbm>>
    %dma_start3A_509 = tpu.memref_squeeze %dma_start3A_508 : memref<1x32x1024xf32, #tpu.memory_space<hbm>> -> memref<32x1024xf32, #tpu.memory_space<hbm>>
    %dma_start3A_510 = arith.constant 0 : i32
    %dma_start3A_511 = arith.constant 0 : i32
    %dma_start3A_512 = tpu.memref_slice %arg3[%dma_start3A_502, %dma_start3A_510, %dma_start3A_511] : memref<32x32x1024xf32, #tpu.memory_space<vmem_shared>> -> memref<1x32x1024xf32, #tpu.memory_space<vmem_shared>>
    %dma_start3A_513 = tpu.memref_squeeze %dma_start3A_512 : memref<1x32x1024xf32, #tpu.memory_space<vmem_shared>> -> memref<32x1024xf32, #tpu.memory_space<vmem_shared>>
    tpu.enqueue_dma source(%dma_start3A_513 : memref<32x1024xf32, #tpu.memory_space<vmem_shared>>) target(%dma_start3A_509 : memref<32x1024xf32, #tpu.memory_space<hbm>>) target_semaphore(%dma_start3A_506 : memref<!tpu.dma_semaphore, #tpu.memory_space<semaphore_mem>>)
    %add3A_514 = arith.constant 800 : i32
    %add3A_515 = arith.addi %mul3A_0, %add3A_514 : i32
    %dma_start3A_516 = arith.constant 25 : i32
    %dma_start3A_517 = arith.constant 25 : i32
    %dma_start3A_518 = tpu.memref_slice %arg4[%dma_start3A_517] : memref<32x!tpu.dma_semaphore, #tpu.memory_space<semaphore_mem>> -> memref<1x!tpu.dma_semaphore, #tpu.memory_space<semaphore_mem>>
    %dma_start3A_519 = tpu.memref_squeeze %dma_start3A_518 : memref<1x!tpu.dma_semaphore, #tpu.memory_space<semaphore_mem>> -> memref<!tpu.dma_semaphore, #tpu.memory_space<semaphore_mem>>
    %dma_start3A_520 = arith.constant 0 : i32
    %dma_start3A_521 = arith.constant 0 : i32
    %dma_start3A_522 = tpu.memref_slice %arg3[%dma_start3A_516, %dma_start3A_520, %dma_start3A_521] : memref<32x32x1024xf32, #tpu.memory_space<vmem_shared>> -> memref<1x32x1024xf32, #tpu.memory_space<vmem_shared>>
    %dma_start3A_523 = tpu.memref_squeeze %dma_start3A_522 : memref<1x32x1024xf32, #tpu.memory_space<vmem_shared>> -> memref<32x1024xf32, #tpu.memory_space<vmem_shared>>
    %dma_start3A_524 = arith.constant 0 : i32
    %dma_start3A_525 = tpu.memref_slice %arg1[%add3A_515, %dma_start3A_524] : memref<8192x1024xf32, #tpu.memory_space<hbm>> -> memref<32x1024xf32, #tpu.memory_space<hbm>>
    tpu.enqueue_dma source(%dma_start3A_525 : memref<32x1024xf32, #tpu.memory_space<hbm>>) target(%dma_start3A_523 : memref<32x1024xf32, #tpu.memory_space<vmem_shared>>) target_semaphore(%dma_start3A_519 : memref<!tpu.dma_semaphore, #tpu.memory_space<semaphore_mem>>)
    %dma_wait3A_526 = arith.constant 9 : i32
    %dma_wait3A_527 = arith.constant 9 : i32
    %dma_wait3A_528 = tpu.memref_slice %arg4[%dma_wait3A_527] : memref<32x!tpu.dma_semaphore, #tpu.memory_space<semaphore_mem>> -> memref<1x!tpu.dma_semaphore, #tpu.memory_space<semaphore_mem>>
    %dma_wait3A_529 = tpu.memref_squeeze %dma_wait3A_528 : memref<1x!tpu.dma_semaphore, #tpu.memory_space<semaphore_mem>> -> memref<!tpu.dma_semaphore, #tpu.memory_space<semaphore_mem>>
    %dma_wait3A_530 = arith.constant 0 : i32
    %dma_wait3A_531 = arith.constant 0 : i32
    %dma_wait3A_532 = tpu.memref_slice %arg3[%dma_wait3A_526, %dma_wait3A_530, %dma_wait3A_531] : memref<32x32x1024xf32, #tpu.memory_space<vmem_shared>> -> memref<1x32x1024xf32, #tpu.memory_space<vmem_shared>>
    %dma_wait3A_533 = tpu.memref_squeeze %dma_wait3A_532 : memref<1x32x1024xf32, #tpu.memory_space<vmem_shared>> -> memref<32x1024xf32, #tpu.memory_space<vmem_shared>>
    %dma_wait3A_534 = arith.constant 0 : i32
    %dma_wait3A_535 = tpu.memref_slice %arg1[%mul3A_0, %dma_wait3A_534] : memref<8192x1024xf32, #tpu.memory_space<hbm>> -> memref<32x1024xf32, #tpu.memory_space<hbm>>
    tpu.wait_dma2 semaphore(%dma_wait3A_529 : memref<!tpu.dma_semaphore, #tpu.memory_space<semaphore_mem>>) src(%dma_wait3A_535 : memref<32x1024xf32, #tpu.memory_space<hbm>>) dst(%dma_wait3A_533 : memref<32x1024xf32, #tpu.memory_space<vmem_shared>>)
    %add3A_536 = arith.constant 288 : i32
    %add3A_537 = arith.addi %mul3A_0, %add3A_536 : i32
    %dma_start3A_538 = arith.constant 9 : i32
    %dma_start3A_539 = arith.constant 0 : i32
    %dma_start3A_540 = arith.constant 9 : i32
    %dma_start3A_541 = tpu.memref_slice %arg5[%dma_start3A_540] : memref<32x!tpu.dma_semaphore, #tpu.memory_space<semaphore_mem>> -> memref<1x!tpu.dma_semaphore, #tpu.memory_space<semaphore_mem>>
    %dma_start3A_542 = tpu.memref_squeeze %dma_start3A_541 : memref<1x!tpu.dma_semaphore, #tpu.memory_space<semaphore_mem>> -> memref<!tpu.dma_semaphore, #tpu.memory_space<semaphore_mem>>
    %dma_start3A_543 = arith.constant 0 : i32
    %dma_start3A_544 = tpu.memref_slice %arg2[%dma_start3A_539, %add3A_537, %dma_start3A_543] : memref<1x4096x1024xf32, #tpu.memory_space<hbm>> -> memref<1x32x1024xf32, #tpu.memory_space<hbm>>
    %dma_start3A_545 = tpu.memref_squeeze %dma_start3A_544 : memref<1x32x1024xf32, #tpu.memory_space<hbm>> -> memref<32x1024xf32, #tpu.memory_space<hbm>>
    %dma_start3A_546 = arith.constant 0 : i32
    %dma_start3A_547 = arith.constant 0 : i32
    %dma_start3A_548 = tpu.memref_slice %arg3[%dma_start3A_538, %dma_start3A_546, %dma_start3A_547] : memref<32x32x1024xf32, #tpu.memory_space<vmem_shared>> -> memref<1x32x1024xf32, #tpu.memory_space<vmem_shared>>
    %dma_start3A_549 = tpu.memref_squeeze %dma_start3A_548 : memref<1x32x1024xf32, #tpu.memory_space<vmem_shared>> -> memref<32x1024xf32, #tpu.memory_space<vmem_shared>>
    tpu.enqueue_dma source(%dma_start3A_549 : memref<32x1024xf32, #tpu.memory_space<vmem_shared>>) target(%dma_start3A_545 : memref<32x1024xf32, #tpu.memory_space<hbm>>) target_semaphore(%dma_start3A_542 : memref<!tpu.dma_semaphore, #tpu.memory_space<semaphore_mem>>)
    %add3A_550 = arith.constant 832 : i32
    %add3A_551 = arith.addi %mul3A_0, %add3A_550 : i32
    %dma_start3A_552 = arith.constant 26 : i32
    %dma_start3A_553 = arith.constant 26 : i32
    %dma_start3A_554 = tpu.memref_slice %arg4[%dma_start3A_553] : memref<32x!tpu.dma_semaphore, #tpu.memory_space<semaphore_mem>> -> memref<1x!tpu.dma_semaphore, #tpu.memory_space<semaphore_mem>>
    %dma_start3A_555 = tpu.memref_squeeze %dma_start3A_554 : memref<1x!tpu.dma_semaphore, #tpu.memory_space<semaphore_mem>> -> memref<!tpu.dma_semaphore, #tpu.memory_space<semaphore_mem>>
    %dma_start3A_556 = arith.constant 0 : i32
    %dma_start3A_557 = arith.constant 0 : i32
    %dma_start3A_558 = tpu.memref_slice %arg3[%dma_start3A_552, %dma_start3A_556, %dma_start3A_557] : memref<32x32x1024xf32, #tpu.memory_space<vmem_shared>> -> memref<1x32x1024xf32, #tpu.memory_space<vmem_shared>>
    %dma_start3A_559 = tpu.memref_squeeze %dma_start3A_558 : memref<1x32x1024xf32, #tpu.memory_space<vmem_shared>> -> memref<32x1024xf32, #tpu.memory_space<vmem_shared>>
    %dma_start3A_560 = arith.constant 0 : i32
    %dma_start3A_561 = tpu.memref_slice %arg1[%add3A_551, %dma_start3A_560] : memref<8192x1024xf32, #tpu.memory_space<hbm>> -> memref<32x1024xf32, #tpu.memory_space<hbm>>
    tpu.enqueue_dma source(%dma_start3A_561 : memref<32x1024xf32, #tpu.memory_space<hbm>>) target(%dma_start3A_559 : memref<32x1024xf32, #tpu.memory_space<vmem_shared>>) target_semaphore(%dma_start3A_555 : memref<!tpu.dma_semaphore, #tpu.memory_space<semaphore_mem>>)
    %dma_wait3A_562 = arith.constant 10 : i32
    %dma_wait3A_563 = arith.constant 10 : i32
    %dma_wait3A_564 = tpu.memref_slice %arg4[%dma_wait3A_563] : memref<32x!tpu.dma_semaphore, #tpu.memory_space<semaphore_mem>> -> memref<1x!tpu.dma_semaphore, #tpu.memory_space<semaphore_mem>>
    %dma_wait3A_565 = tpu.memref_squeeze %dma_wait3A_564 : memref<1x!tpu.dma_semaphore, #tpu.memory_space<semaphore_mem>> -> memref<!tpu.dma_semaphore, #tpu.memory_space<semaphore_mem>>
    %dma_wait3A_566 = arith.constant 0 : i32
    %dma_wait3A_567 = arith.constant 0 : i32
    %dma_wait3A_568 = tpu.memref_slice %arg3[%dma_wait3A_562, %dma_wait3A_566, %dma_wait3A_567] : memref<32x32x1024xf32, #tpu.memory_space<vmem_shared>> -> memref<1x32x1024xf32, #tpu.memory_space<vmem_shared>>
    %dma_wait3A_569 = tpu.memref_squeeze %dma_wait3A_568 : memref<1x32x1024xf32, #tpu.memory_space<vmem_shared>> -> memref<32x1024xf32, #tpu.memory_space<vmem_shared>>
    %dma_wait3A_570 = arith.constant 0 : i32
    %dma_wait3A_571 = tpu.memref_slice %arg1[%mul3A_0, %dma_wait3A_570] : memref<8192x1024xf32, #tpu.memory_space<hbm>> -> memref<32x1024xf32, #tpu.memory_space<hbm>>
    tpu.wait_dma2 semaphore(%dma_wait3A_565 : memref<!tpu.dma_semaphore, #tpu.memory_space<semaphore_mem>>) src(%dma_wait3A_571 : memref<32x1024xf32, #tpu.memory_space<hbm>>) dst(%dma_wait3A_569 : memref<32x1024xf32, #tpu.memory_space<vmem_shared>>)
    %add3A_572 = arith.constant 320 : i32
    %add3A_573 = arith.addi %mul3A_0, %add3A_572 : i32
    %dma_start3A_574 = arith.constant 10 : i32
    %dma_start3A_575 = arith.constant 0 : i32
    %dma_start3A_576 = arith.constant 10 : i32
    %dma_start3A_577 = tpu.memref_slice %arg5[%dma_start3A_576] : memref<32x!tpu.dma_semaphore, #tpu.memory_space<semaphore_mem>> -> memref<1x!tpu.dma_semaphore, #tpu.memory_space<semaphore_mem>>
    %dma_start3A_578 = tpu.memref_squeeze %dma_start3A_577 : memref<1x!tpu.dma_semaphore, #tpu.memory_space<semaphore_mem>> -> memref<!tpu.dma_semaphore, #tpu.memory_space<semaphore_mem>>
    %dma_start3A_579 = arith.constant 0 : i32
    %dma_start3A_580 = tpu.memref_slice %arg2[%dma_start3A_575, %add3A_573, %dma_start3A_579] : memref<1x4096x1024xf32, #tpu.memory_space<hbm>> -> memref<1x32x1024xf32, #tpu.memory_space<hbm>>
    %dma_start3A_581 = tpu.memref_squeeze %dma_start3A_580 : memref<1x32x1024xf32, #tpu.memory_space<hbm>> -> memref<32x1024xf32, #tpu.memory_space<hbm>>
    %dma_start3A_582 = arith.constant 0 : i32
    %dma_start3A_583 = arith.constant 0 : i32
    %dma_start3A_584 = tpu.memref_slice %arg3[%dma_start3A_574, %dma_start3A_582, %dma_start3A_583] : memref<32x32x1024xf32, #tpu.memory_space<vmem_shared>> -> memref<1x32x1024xf32, #tpu.memory_space<vmem_shared>>
    %dma_start3A_585 = tpu.memref_squeeze %dma_start3A_584 : memref<1x32x1024xf32, #tpu.memory_space<vmem_shared>> -> memref<32x1024xf32, #tpu.memory_space<vmem_shared>>
    tpu.enqueue_dma source(%dma_start3A_585 : memref<32x1024xf32, #tpu.memory_space<vmem_shared>>) target(%dma_start3A_581 : memref<32x1024xf32, #tpu.memory_space<hbm>>) target_semaphore(%dma_start3A_578 : memref<!tpu.dma_semaphore, #tpu.memory_space<semaphore_mem>>)
    %add3A_586 = arith.constant 864 : i32
    %add3A_587 = arith.addi %mul3A_0, %add3A_586 : i32
    %dma_start3A_588 = arith.constant 27 : i32
    %dma_start3A_589 = arith.constant 27 : i32
    %dma_start3A_590 = tpu.memref_slice %arg4[%dma_start3A_589] : memref<32x!tpu.dma_semaphore, #tpu.memory_space<semaphore_mem>> -> memref<1x!tpu.dma_semaphore, #tpu.memory_space<semaphore_mem>>
    %dma_start3A_591 = tpu.memref_squeeze %dma_start3A_590 : memref<1x!tpu.dma_semaphore, #tpu.memory_space<semaphore_mem>> -> memref<!tpu.dma_semaphore, #tpu.memory_space<semaphore_mem>>
    %dma_start3A_592 = arith.constant 0 : i32
    %dma_start3A_593 = arith.constant 0 : i32
    %dma_start3A_594 = tpu.memref_slice %arg3[%dma_start3A_588, %dma_start3A_592, %dma_start3A_593] : memref<32x32x1024xf32, #tpu.memory_space<vmem_shared>> -> memref<1x32x1024xf32, #tpu.memory_space<vmem_shared>>
    %dma_start3A_595 = tpu.memref_squeeze %dma_start3A_594 : memref<1x32x1024xf32, #tpu.memory_space<vmem_shared>> -> memref<32x1024xf32, #tpu.memory_space<vmem_shared>>
    %dma_start3A_596 = arith.constant 0 : i32
    %dma_start3A_597 = tpu.memref_slice %arg1[%add3A_587, %dma_start3A_596] : memref<8192x1024xf32, #tpu.memory_space<hbm>> -> memref<32x1024xf32, #tpu.memory_space<hbm>>
    tpu.enqueue_dma source(%dma_start3A_597 : memref<32x1024xf32, #tpu.memory_space<hbm>>) target(%dma_start3A_595 : memref<32x1024xf32, #tpu.memory_space<vmem_shared>>) target_semaphore(%dma_start3A_591 : memref<!tpu.dma_semaphore, #tpu.memory_space<semaphore_mem>>)
    %dma_wait3A_598 = arith.constant 11 : i32
    %dma_wait3A_599 = arith.constant 11 : i32
    %dma_wait3A_600 = tpu.memref_slice %arg4[%dma_wait3A_599] : memref<32x!tpu.dma_semaphore, #tpu.memory_space<semaphore_mem>> -> memref<1x!tpu.dma_semaphore, #tpu.memory_space<semaphore_mem>>
    %dma_wait3A_601 = tpu.memref_squeeze %dma_wait3A_600 : memref<1x!tpu.dma_semaphore, #tpu.memory_space<semaphore_mem>> -> memref<!tpu.dma_semaphore, #tpu.memory_space<semaphore_mem>>
    %dma_wait3A_602 = arith.constant 0 : i32
    %dma_wait3A_603 = arith.constant 0 : i32
    %dma_wait3A_604 = tpu.memref_slice %arg3[%dma_wait3A_598, %dma_wait3A_602, %dma_wait3A_603] : memref<32x32x1024xf32, #tpu.memory_space<vmem_shared>> -> memref<1x32x1024xf32, #tpu.memory_space<vmem_shared>>
    %dma_wait3A_605 = tpu.memref_squeeze %dma_wait3A_604 : memref<1x32x1024xf32, #tpu.memory_space<vmem_shared>> -> memref<32x1024xf32, #tpu.memory_space<vmem_shared>>
    %dma_wait3A_606 = arith.constant 0 : i32
    %dma_wait3A_607 = tpu.memref_slice %arg1[%mul3A_0, %dma_wait3A_606] : memref<8192x1024xf32, #tpu.memory_space<hbm>> -> memref<32x1024xf32, #tpu.memory_space<hbm>>
    tpu.wait_dma2 semaphore(%dma_wait3A_601 : memref<!tpu.dma_semaphore, #tpu.memory_space<semaphore_mem>>) src(%dma_wait3A_607 : memref<32x1024xf32, #tpu.memory_space<hbm>>) dst(%dma_wait3A_605 : memref<32x1024xf32, #tpu.memory_space<vmem_shared>>)
    %add3A_608 = arith.constant 352 : i32
    %add3A_609 = arith.addi %mul3A_0, %add3A_608 : i32
    %dma_start3A_610 = arith.constant 11 : i32
    %dma_start3A_611 = arith.constant 0 : i32
    %dma_start3A_612 = arith.constant 11 : i32
    %dma_start3A_613 = tpu.memref_slice %arg5[%dma_start3A_612] : memref<32x!tpu.dma_semaphore, #tpu.memory_space<semaphore_mem>> -> memref<1x!tpu.dma_semaphore, #tpu.memory_space<semaphore_mem>>
    %dma_start3A_614 = tpu.memref_squeeze %dma_start3A_613 : memref<1x!tpu.dma_semaphore, #tpu.memory_space<semaphore_mem>> -> memref<!tpu.dma_semaphore, #tpu.memory_space<semaphore_mem>>
    %dma_start3A_615 = arith.constant 0 : i32
    %dma_start3A_616 = tpu.memref_slice %arg2[%dma_start3A_611, %add3A_609, %dma_start3A_615] : memref<1x4096x1024xf32, #tpu.memory_space<hbm>> -> memref<1x32x1024xf32, #tpu.memory_space<hbm>>
    %dma_start3A_617 = tpu.memref_squeeze %dma_start3A_616 : memref<1x32x1024xf32, #tpu.memory_space<hbm>> -> memref<32x1024xf32, #tpu.memory_space<hbm>>
    %dma_start3A_618 = arith.constant 0 : i32
    %dma_start3A_619 = arith.constant 0 : i32
    %dma_start3A_620 = tpu.memref_slice %arg3[%dma_start3A_610, %dma_start3A_618, %dma_start3A_619] : memref<32x32x1024xf32, #tpu.memory_space<vmem_shared>> -> memref<1x32x1024xf32, #tpu.memory_space<vmem_shared>>
    %dma_start3A_621 = tpu.memref_squeeze %dma_start3A_620 : memref<1x32x1024xf32, #tpu.memory_space<vmem_shared>> -> memref<32x1024xf32, #tpu.memory_space<vmem_shared>>
    tpu.enqueue_dma source(%dma_start3A_621 : memref<32x1024xf32, #tpu.memory_space<vmem_shared>>) target(%dma_start3A_617 : memref<32x1024xf32, #tpu.memory_space<hbm>>) target_semaphore(%dma_start3A_614 : memref<!tpu.dma_semaphore, #tpu.memory_space<semaphore_mem>>)
    %add3A_622 = arith.constant 896 : i32
    %add3A_623 = arith.addi %mul3A_0, %add3A_622 : i32
    %dma_start3A_624 = arith.constant 28 : i32
    %dma_start3A_625 = arith.constant 28 : i32
    %dma_start3A_626 = tpu.memref_slice %arg4[%dma_start3A_625] : memref<32x!tpu.dma_semaphore, #tpu.memory_space<semaphore_mem>> -> memref<1x!tpu.dma_semaphore, #tpu.memory_space<semaphore_mem>>
    %dma_start3A_627 = tpu.memref_squeeze %dma_start3A_626 : memref<1x!tpu.dma_semaphore, #tpu.memory_space<semaphore_mem>> -> memref<!tpu.dma_semaphore, #tpu.memory_space<semaphore_mem>>
    %dma_start3A_628 = arith.constant 0 : i32
    %dma_start3A_629 = arith.constant 0 : i32
    %dma_start3A_630 = tpu.memref_slice %arg3[%dma_start3A_624, %dma_start3A_628, %dma_start3A_629] : memref<32x32x1024xf32, #tpu.memory_space<vmem_shared>> -> memref<1x32x1024xf32, #tpu.memory_space<vmem_shared>>
    %dma_start3A_631 = tpu.memref_squeeze %dma_start3A_630 : memref<1x32x1024xf32, #tpu.memory_space<vmem_shared>> -> memref<32x1024xf32, #tpu.memory_space<vmem_shared>>
    %dma_start3A_632 = arith.constant 0 : i32
    %dma_start3A_633 = tpu.memref_slice %arg1[%add3A_623, %dma_start3A_632] : memref<8192x1024xf32, #tpu.memory_space<hbm>> -> memref<32x1024xf32, #tpu.memory_space<hbm>>
    tpu.enqueue_dma source(%dma_start3A_633 : memref<32x1024xf32, #tpu.memory_space<hbm>>) target(%dma_start3A_631 : memref<32x1024xf32, #tpu.memory_space<vmem_shared>>) target_semaphore(%dma_start3A_627 : memref<!tpu.dma_semaphore, #tpu.memory_space<semaphore_mem>>)
    %dma_wait3A_634 = arith.constant 12 : i32
    %dma_wait3A_635 = arith.constant 12 : i32
    %dma_wait3A_636 = tpu.memref_slice %arg4[%dma_wait3A_635] : memref<32x!tpu.dma_semaphore, #tpu.memory_space<semaphore_mem>> -> memref<1x!tpu.dma_semaphore, #tpu.memory_space<semaphore_mem>>
    %dma_wait3A_637 = tpu.memref_squeeze %dma_wait3A_636 : memref<1x!tpu.dma_semaphore, #tpu.memory_space<semaphore_mem>> -> memref<!tpu.dma_semaphore, #tpu.memory_space<semaphore_mem>>
    %dma_wait3A_638 = arith.constant 0 : i32
    %dma_wait3A_639 = arith.constant 0 : i32
    %dma_wait3A_640 = tpu.memref_slice %arg3[%dma_wait3A_634, %dma_wait3A_638, %dma_wait3A_639] : memref<32x32x1024xf32, #tpu.memory_space<vmem_shared>> -> memref<1x32x1024xf32, #tpu.memory_space<vmem_shared>>
    %dma_wait3A_641 = tpu.memref_squeeze %dma_wait3A_640 : memref<1x32x1024xf32, #tpu.memory_space<vmem_shared>> -> memref<32x1024xf32, #tpu.memory_space<vmem_shared>>
    %dma_wait3A_642 = arith.constant 0 : i32
    %dma_wait3A_643 = tpu.memref_slice %arg1[%mul3A_0, %dma_wait3A_642] : memref<8192x1024xf32, #tpu.memory_space<hbm>> -> memref<32x1024xf32, #tpu.memory_space<hbm>>
    tpu.wait_dma2 semaphore(%dma_wait3A_637 : memref<!tpu.dma_semaphore, #tpu.memory_space<semaphore_mem>>) src(%dma_wait3A_643 : memref<32x1024xf32, #tpu.memory_space<hbm>>) dst(%dma_wait3A_641 : memref<32x1024xf32, #tpu.memory_space<vmem_shared>>)
    %add3A_644 = arith.constant 384 : i32
    %add3A_645 = arith.addi %mul3A_0, %add3A_644 : i32
    %dma_start3A_646 = arith.constant 12 : i32
    %dma_start3A_647 = arith.constant 0 : i32
    %dma_start3A_648 = arith.constant 12 : i32
    %dma_start3A_649 = tpu.memref_slice %arg5[%dma_start3A_648] : memref<32x!tpu.dma_semaphore, #tpu.memory_space<semaphore_mem>> -> memref<1x!tpu.dma_semaphore, #tpu.memory_space<semaphore_mem>>
    %dma_start3A_650 = tpu.memref_squeeze %dma_start3A_649 : memref<1x!tpu.dma_semaphore, #tpu.memory_space<semaphore_mem>> -> memref<!tpu.dma_semaphore, #tpu.memory_space<semaphore_mem>>
    %dma_start3A_651 = arith.constant 0 : i32
    %dma_start3A_652 = tpu.memref_slice %arg2[%dma_start3A_647, %add3A_645, %dma_start3A_651] : memref<1x4096x1024xf32, #tpu.memory_space<hbm>> -> memref<1x32x1024xf32, #tpu.memory_space<hbm>>
    %dma_start3A_653 = tpu.memref_squeeze %dma_start3A_652 : memref<1x32x1024xf32, #tpu.memory_space<hbm>> -> memref<32x1024xf32, #tpu.memory_space<hbm>>
    %dma_start3A_654 = arith.constant 0 : i32
    %dma_start3A_655 = arith.constant 0 : i32
    %dma_start3A_656 = tpu.memref_slice %arg3[%dma_start3A_646, %dma_start3A_654, %dma_start3A_655] : memref<32x32x1024xf32, #tpu.memory_space<vmem_shared>> -> memref<1x32x1024xf32, #tpu.memory_space<vmem_shared>>
    %dma_start3A_657 = tpu.memref_squeeze %dma_start3A_656 : memref<1x32x1024xf32, #tpu.memory_space<vmem_shared>> -> memref<32x1024xf32, #tpu.memory_space<vmem_shared>>
    tpu.enqueue_dma source(%dma_start3A_657 : memref<32x1024xf32, #tpu.memory_space<vmem_shared>>) target(%dma_start3A_653 : memref<32x1024xf32, #tpu.memory_space<hbm>>) target_semaphore(%dma_start3A_650 : memref<!tpu.dma_semaphore, #tpu.memory_space<semaphore_mem>>)
    %add3A_658 = arith.constant 928 : i32
    %add3A_659 = arith.addi %mul3A_0, %add3A_658 : i32
    %dma_start3A_660 = arith.constant 29 : i32
    %dma_start3A_661 = arith.constant 29 : i32
    %dma_start3A_662 = tpu.memref_slice %arg4[%dma_start3A_661] : memref<32x!tpu.dma_semaphore, #tpu.memory_space<semaphore_mem>> -> memref<1x!tpu.dma_semaphore, #tpu.memory_space<semaphore_mem>>
    %dma_start3A_663 = tpu.memref_squeeze %dma_start3A_662 : memref<1x!tpu.dma_semaphore, #tpu.memory_space<semaphore_mem>> -> memref<!tpu.dma_semaphore, #tpu.memory_space<semaphore_mem>>
    %dma_start3A_664 = arith.constant 0 : i32
    %dma_start3A_665 = arith.constant 0 : i32
    %dma_start3A_666 = tpu.memref_slice %arg3[%dma_start3A_660, %dma_start3A_664, %dma_start3A_665] : memref<32x32x1024xf32, #tpu.memory_space<vmem_shared>> -> memref<1x32x1024xf32, #tpu.memory_space<vmem_shared>>
    %dma_start3A_667 = tpu.memref_squeeze %dma_start3A_666 : memref<1x32x1024xf32, #tpu.memory_space<vmem_shared>> -> memref<32x1024xf32, #tpu.memory_space<vmem_shared>>
    %dma_start3A_668 = arith.constant 0 : i32
    %dma_start3A_669 = tpu.memref_slice %arg1[%add3A_659, %dma_start3A_668] : memref<8192x1024xf32, #tpu.memory_space<hbm>> -> memref<32x1024xf32, #tpu.memory_space<hbm>>
    tpu.enqueue_dma source(%dma_start3A_669 : memref<32x1024xf32, #tpu.memory_space<hbm>>) target(%dma_start3A_667 : memref<32x1024xf32, #tpu.memory_space<vmem_shared>>) target_semaphore(%dma_start3A_663 : memref<!tpu.dma_semaphore, #tpu.memory_space<semaphore_mem>>)
    %dma_wait3A_670 = arith.constant 13 : i32
    %dma_wait3A_671 = arith.constant 13 : i32
    %dma_wait3A_672 = tpu.memref_slice %arg4[%dma_wait3A_671] : memref<32x!tpu.dma_semaphore, #tpu.memory_space<semaphore_mem>> -> memref<1x!tpu.dma_semaphore, #tpu.memory_space<semaphore_mem>>
    %dma_wait3A_673 = tpu.memref_squeeze %dma_wait3A_672 : memref<1x!tpu.dma_semaphore, #tpu.memory_space<semaphore_mem>> -> memref<!tpu.dma_semaphore, #tpu.memory_space<semaphore_mem>>
    %dma_wait3A_674 = arith.constant 0 : i32
    %dma_wait3A_675 = arith.constant 0 : i32
    %dma_wait3A_676 = tpu.memref_slice %arg3[%dma_wait3A_670, %dma_wait3A_674, %dma_wait3A_675] : memref<32x32x1024xf32, #tpu.memory_space<vmem_shared>> -> memref<1x32x1024xf32, #tpu.memory_space<vmem_shared>>
    %dma_wait3A_677 = tpu.memref_squeeze %dma_wait3A_676 : memref<1x32x1024xf32, #tpu.memory_space<vmem_shared>> -> memref<32x1024xf32, #tpu.memory_space<vmem_shared>>
    %dma_wait3A_678 = arith.constant 0 : i32
    %dma_wait3A_679 = tpu.memref_slice %arg1[%mul3A_0, %dma_wait3A_678] : memref<8192x1024xf32, #tpu.memory_space<hbm>> -> memref<32x1024xf32, #tpu.memory_space<hbm>>
    tpu.wait_dma2 semaphore(%dma_wait3A_673 : memref<!tpu.dma_semaphore, #tpu.memory_space<semaphore_mem>>) src(%dma_wait3A_679 : memref<32x1024xf32, #tpu.memory_space<hbm>>) dst(%dma_wait3A_677 : memref<32x1024xf32, #tpu.memory_space<vmem_shared>>)
    %add3A_680 = arith.constant 416 : i32
    %add3A_681 = arith.addi %mul3A_0, %add3A_680 : i32
    %dma_start3A_682 = arith.constant 13 : i32
    %dma_start3A_683 = arith.constant 0 : i32
    %dma_start3A_684 = arith.constant 13 : i32
    %dma_start3A_685 = tpu.memref_slice %arg5[%dma_start3A_684] : memref<32x!tpu.dma_semaphore, #tpu.memory_space<semaphore_mem>> -> memref<1x!tpu.dma_semaphore, #tpu.memory_space<semaphore_mem>>
    %dma_start3A_686 = tpu.memref_squeeze %dma_start3A_685 : memref<1x!tpu.dma_semaphore, #tpu.memory_space<semaphore_mem>> -> memref<!tpu.dma_semaphore, #tpu.memory_space<semaphore_mem>>
    %dma_start3A_687 = arith.constant 0 : i32
    %dma_start3A_688 = tpu.memref_slice %arg2[%dma_start3A_683, %add3A_681, %dma_start3A_687] : memref<1x4096x1024xf32, #tpu.memory_space<hbm>> -> memref<1x32x1024xf32, #tpu.memory_space<hbm>>
    %dma_start3A_689 = tpu.memref_squeeze %dma_start3A_688 : memref<1x32x1024xf32, #tpu.memory_space<hbm>> -> memref<32x1024xf32, #tpu.memory_space<hbm>>
    %dma_start3A_690 = arith.constant 0 : i32
    %dma_start3A_691 = arith.constant 0 : i32
    %dma_start3A_692 = tpu.memref_slice %arg3[%dma_start3A_682, %dma_start3A_690, %dma_start3A_691] : memref<32x32x1024xf32, #tpu.memory_space<vmem_shared>> -> memref<1x32x1024xf32, #tpu.memory_space<vmem_shared>>
    %dma_start3A_693 = tpu.memref_squeeze %dma_start3A_692 : memref<1x32x1024xf32, #tpu.memory_space<vmem_shared>> -> memref<32x1024xf32, #tpu.memory_space<vmem_shared>>
    tpu.enqueue_dma source(%dma_start3A_693 : memref<32x1024xf32, #tpu.memory_space<vmem_shared>>) target(%dma_start3A_689 : memref<32x1024xf32, #tpu.memory_space<hbm>>) target_semaphore(%dma_start3A_686 : memref<!tpu.dma_semaphore, #tpu.memory_space<semaphore_mem>>)
    %add3A_694 = arith.constant 960 : i32
    %add3A_695 = arith.addi %mul3A_0, %add3A_694 : i32
    %dma_start3A_696 = arith.constant 30 : i32
    %dma_start3A_697 = arith.constant 30 : i32
    %dma_start3A_698 = tpu.memref_slice %arg4[%dma_start3A_697] : memref<32x!tpu.dma_semaphore, #tpu.memory_space<semaphore_mem>> -> memref<1x!tpu.dma_semaphore, #tpu.memory_space<semaphore_mem>>
    %dma_start3A_699 = tpu.memref_squeeze %dma_start3A_698 : memref<1x!tpu.dma_semaphore, #tpu.memory_space<semaphore_mem>> -> memref<!tpu.dma_semaphore, #tpu.memory_space<semaphore_mem>>
    %dma_start3A_700 = arith.constant 0 : i32
    %dma_start3A_701 = arith.constant 0 : i32
    %dma_start3A_702 = tpu.memref_slice %arg3[%dma_start3A_696, %dma_start3A_700, %dma_start3A_701] : memref<32x32x1024xf32, #tpu.memory_space<vmem_shared>> -> memref<1x32x1024xf32, #tpu.memory_space<vmem_shared>>
    %dma_start3A_703 = tpu.memref_squeeze %dma_start3A_702 : memref<1x32x1024xf32, #tpu.memory_space<vmem_shared>> -> memref<32x1024xf32, #tpu.memory_space<vmem_shared>>
    %dma_start3A_704 = arith.constant 0 : i32
    %dma_start3A_705 = tpu.memref_slice %arg1[%add3A_695, %dma_start3A_704] : memref<8192x1024xf32, #tpu.memory_space<hbm>> -> memref<32x1024xf32, #tpu.memory_space<hbm>>
    tpu.enqueue_dma source(%dma_start3A_705 : memref<32x1024xf32, #tpu.memory_space<hbm>>) target(%dma_start3A_703 : memref<32x1024xf32, #tpu.memory_space<vmem_shared>>) target_semaphore(%dma_start3A_699 : memref<!tpu.dma_semaphore, #tpu.memory_space<semaphore_mem>>)
    %dma_wait3A_706 = arith.constant 14 : i32
    %dma_wait3A_707 = arith.constant 14 : i32
    %dma_wait3A_708 = tpu.memref_slice %arg4[%dma_wait3A_707] : memref<32x!tpu.dma_semaphore, #tpu.memory_space<semaphore_mem>> -> memref<1x!tpu.dma_semaphore, #tpu.memory_space<semaphore_mem>>
    %dma_wait3A_709 = tpu.memref_squeeze %dma_wait3A_708 : memref<1x!tpu.dma_semaphore, #tpu.memory_space<semaphore_mem>> -> memref<!tpu.dma_semaphore, #tpu.memory_space<semaphore_mem>>
    %dma_wait3A_710 = arith.constant 0 : i32
    %dma_wait3A_711 = arith.constant 0 : i32
    %dma_wait3A_712 = tpu.memref_slice %arg3[%dma_wait3A_706, %dma_wait3A_710, %dma_wait3A_711] : memref<32x32x1024xf32, #tpu.memory_space<vmem_shared>> -> memref<1x32x1024xf32, #tpu.memory_space<vmem_shared>>
    %dma_wait3A_713 = tpu.memref_squeeze %dma_wait3A_712 : memref<1x32x1024xf32, #tpu.memory_space<vmem_shared>> -> memref<32x1024xf32, #tpu.memory_space<vmem_shared>>
    %dma_wait3A_714 = arith.constant 0 : i32
    %dma_wait3A_715 = tpu.memref_slice %arg1[%mul3A_0, %dma_wait3A_714] : memref<8192x1024xf32, #tpu.memory_space<hbm>> -> memref<32x1024xf32, #tpu.memory_space<hbm>>
    tpu.wait_dma2 semaphore(%dma_wait3A_709 : memref<!tpu.dma_semaphore, #tpu.memory_space<semaphore_mem>>) src(%dma_wait3A_715 : memref<32x1024xf32, #tpu.memory_space<hbm>>) dst(%dma_wait3A_713 : memref<32x1024xf32, #tpu.memory_space<vmem_shared>>)
    %add3A_716 = arith.constant 448 : i32
    %add3A_717 = arith.addi %mul3A_0, %add3A_716 : i32
    %dma_start3A_718 = arith.constant 14 : i32
    %dma_start3A_719 = arith.constant 0 : i32
    %dma_start3A_720 = arith.constant 14 : i32
    %dma_start3A_721 = tpu.memref_slice %arg5[%dma_start3A_720] : memref<32x!tpu.dma_semaphore, #tpu.memory_space<semaphore_mem>> -> memref<1x!tpu.dma_semaphore, #tpu.memory_space<semaphore_mem>>
    %dma_start3A_722 = tpu.memref_squeeze %dma_start3A_721 : memref<1x!tpu.dma_semaphore, #tpu.memory_space<semaphore_mem>> -> memref<!tpu.dma_semaphore, #tpu.memory_space<semaphore_mem>>
    %dma_start3A_723 = arith.constant 0 : i32
    %dma_start3A_724 = tpu.memref_slice %arg2[%dma_start3A_719, %add3A_717, %dma_start3A_723] : memref<1x4096x1024xf32, #tpu.memory_space<hbm>> -> memref<1x32x1024xf32, #tpu.memory_space<hbm>>
    %dma_start3A_725 = tpu.memref_squeeze %dma_start3A_724 : memref<1x32x1024xf32, #tpu.memory_space<hbm>> -> memref<32x1024xf32, #tpu.memory_space<hbm>>
    %dma_start3A_726 = arith.constant 0 : i32
    %dma_start3A_727 = arith.constant 0 : i32
    %dma_start3A_728 = tpu.memref_slice %arg3[%dma_start3A_718, %dma_start3A_726, %dma_start3A_727] : memref<32x32x1024xf32, #tpu.memory_space<vmem_shared>> -> memref<1x32x1024xf32, #tpu.memory_space<vmem_shared>>
    %dma_start3A_729 = tpu.memref_squeeze %dma_start3A_728 : memref<1x32x1024xf32, #tpu.memory_space<vmem_shared>> -> memref<32x1024xf32, #tpu.memory_space<vmem_shared>>
    tpu.enqueue_dma source(%dma_start3A_729 : memref<32x1024xf32, #tpu.memory_space<vmem_shared>>) target(%dma_start3A_725 : memref<32x1024xf32, #tpu.memory_space<hbm>>) target_semaphore(%dma_start3A_722 : memref<!tpu.dma_semaphore, #tpu.memory_space<semaphore_mem>>)
    %add3A_730 = arith.constant 992 : i32
    %add3A_731 = arith.addi %mul3A_0, %add3A_730 : i32
    %dma_start3A_732 = arith.constant 31 : i32
    %dma_start3A_733 = arith.constant 31 : i32
    %dma_start3A_734 = tpu.memref_slice %arg4[%dma_start3A_733] : memref<32x!tpu.dma_semaphore, #tpu.memory_space<semaphore_mem>> -> memref<1x!tpu.dma_semaphore, #tpu.memory_space<semaphore_mem>>
    %dma_start3A_735 = tpu.memref_squeeze %dma_start3A_734 : memref<1x!tpu.dma_semaphore, #tpu.memory_space<semaphore_mem>> -> memref<!tpu.dma_semaphore, #tpu.memory_space<semaphore_mem>>
    %dma_start3A_736 = arith.constant 0 : i32
    %dma_start3A_737 = arith.constant 0 : i32
    %dma_start3A_738 = tpu.memref_slice %arg3[%dma_start3A_732, %dma_start3A_736, %dma_start3A_737] : memref<32x32x1024xf32, #tpu.memory_space<vmem_shared>> -> memref<1x32x1024xf32, #tpu.memory_space<vmem_shared>>
    %dma_start3A_739 = tpu.memref_squeeze %dma_start3A_738 : memref<1x32x1024xf32, #tpu.memory_space<vmem_shared>> -> memref<32x1024xf32, #tpu.memory_space<vmem_shared>>
    %dma_start3A_740 = arith.constant 0 : i32
    %dma_start3A_741 = tpu.memref_slice %arg1[%add3A_731, %dma_start3A_740] : memref<8192x1024xf32, #tpu.memory_space<hbm>> -> memref<32x1024xf32, #tpu.memory_space<hbm>>
    tpu.enqueue_dma source(%dma_start3A_741 : memref<32x1024xf32, #tpu.memory_space<hbm>>) target(%dma_start3A_739 : memref<32x1024xf32, #tpu.memory_space<vmem_shared>>) target_semaphore(%dma_start3A_735 : memref<!tpu.dma_semaphore, #tpu.memory_space<semaphore_mem>>)
    %dma_wait3A_742 = arith.constant 15 : i32
    %dma_wait3A_743 = arith.constant 15 : i32
    %dma_wait3A_744 = tpu.memref_slice %arg4[%dma_wait3A_743] : memref<32x!tpu.dma_semaphore, #tpu.memory_space<semaphore_mem>> -> memref<1x!tpu.dma_semaphore, #tpu.memory_space<semaphore_mem>>
    %dma_wait3A_745 = tpu.memref_squeeze %dma_wait3A_744 : memref<1x!tpu.dma_semaphore, #tpu.memory_space<semaphore_mem>> -> memref<!tpu.dma_semaphore, #tpu.memory_space<semaphore_mem>>
    %dma_wait3A_746 = arith.constant 0 : i32
    %dma_wait3A_747 = arith.constant 0 : i32
    %dma_wait3A_748 = tpu.memref_slice %arg3[%dma_wait3A_742, %dma_wait3A_746, %dma_wait3A_747] : memref<32x32x1024xf32, #tpu.memory_space<vmem_shared>> -> memref<1x32x1024xf32, #tpu.memory_space<vmem_shared>>
    %dma_wait3A_749 = tpu.memref_squeeze %dma_wait3A_748 : memref<1x32x1024xf32, #tpu.memory_space<vmem_shared>> -> memref<32x1024xf32, #tpu.memory_space<vmem_shared>>
    %dma_wait3A_750 = arith.constant 0 : i32
    %dma_wait3A_751 = tpu.memref_slice %arg1[%mul3A_0, %dma_wait3A_750] : memref<8192x1024xf32, #tpu.memory_space<hbm>> -> memref<32x1024xf32, #tpu.memory_space<hbm>>
    tpu.wait_dma2 semaphore(%dma_wait3A_745 : memref<!tpu.dma_semaphore, #tpu.memory_space<semaphore_mem>>) src(%dma_wait3A_751 : memref<32x1024xf32, #tpu.memory_space<hbm>>) dst(%dma_wait3A_749 : memref<32x1024xf32, #tpu.memory_space<vmem_shared>>)
    %add3A_752 = arith.constant 480 : i32
    %add3A_753 = arith.addi %mul3A_0, %add3A_752 : i32
    %dma_start3A_754 = arith.constant 15 : i32
    %dma_start3A_755 = arith.constant 0 : i32
    %dma_start3A_756 = arith.constant 15 : i32
    %dma_start3A_757 = tpu.memref_slice %arg5[%dma_start3A_756] : memref<32x!tpu.dma_semaphore, #tpu.memory_space<semaphore_mem>> -> memref<1x!tpu.dma_semaphore, #tpu.memory_space<semaphore_mem>>
    %dma_start3A_758 = tpu.memref_squeeze %dma_start3A_757 : memref<1x!tpu.dma_semaphore, #tpu.memory_space<semaphore_mem>> -> memref<!tpu.dma_semaphore, #tpu.memory_space<semaphore_mem>>
    %dma_start3A_759 = arith.constant 0 : i32
    %dma_start3A_760 = tpu.memref_slice %arg2[%dma_start3A_755, %add3A_753, %dma_start3A_759] : memref<1x4096x1024xf32, #tpu.memory_space<hbm>> -> memref<1x32x1024xf32, #tpu.memory_space<hbm>>
    %dma_start3A_761 = tpu.memref_squeeze %dma_start3A_760 : memref<1x32x1024xf32, #tpu.memory_space<hbm>> -> memref<32x1024xf32, #tpu.memory_space<hbm>>
    %dma_start3A_762 = arith.constant 0 : i32
    %dma_start3A_763 = arith.constant 0 : i32
    %dma_start3A_764 = tpu.memref_slice %arg3[%dma_start3A_754, %dma_start3A_762, %dma_start3A_763] : memref<32x32x1024xf32, #tpu.memory_space<vmem_shared>> -> memref<1x32x1024xf32, #tpu.memory_space<vmem_shared>>
    %dma_start3A_765 = tpu.memref_squeeze %dma_start3A_764 : memref<1x32x1024xf32, #tpu.memory_space<vmem_shared>> -> memref<32x1024xf32, #tpu.memory_space<vmem_shared>>
    tpu.enqueue_dma source(%dma_start3A_765 : memref<32x1024xf32, #tpu.memory_space<vmem_shared>>) target(%dma_start3A_761 : memref<32x1024xf32, #tpu.memory_space<hbm>>) target_semaphore(%dma_start3A_758 : memref<!tpu.dma_semaphore, #tpu.memory_space<semaphore_mem>>)
    %dma_wait3A_766 = arith.constant 0 : i32
    %dma_wait3A_767 = arith.constant 0 : i32
    %dma_wait3A_768 = arith.constant 0 : i32
    %dma_wait3A_769 = tpu.memref_slice %arg5[%dma_wait3A_768] : memref<32x!tpu.dma_semaphore, #tpu.memory_space<semaphore_mem>> -> memref<1x!tpu.dma_semaphore, #tpu.memory_space<semaphore_mem>>
    %dma_wait3A_770 = tpu.memref_squeeze %dma_wait3A_769 : memref<1x!tpu.dma_semaphore, #tpu.memory_space<semaphore_mem>> -> memref<!tpu.dma_semaphore, #tpu.memory_space<semaphore_mem>>
    %dma_wait3A_771 = arith.constant 0 : i32
    %dma_wait3A_772 = tpu.memref_slice %arg2[%dma_wait3A_767, %mul3A_0, %dma_wait3A_771] : memref<1x4096x1024xf32, #tpu.memory_space<hbm>> -> memref<1x32x1024xf32, #tpu.memory_space<hbm>>
    %dma_wait3A_773 = tpu.memref_squeeze %dma_wait3A_772 : memref<1x32x1024xf32, #tpu.memory_space<hbm>> -> memref<32x1024xf32, #tpu.memory_space<hbm>>
    %dma_wait3A_774 = arith.constant 0 : i32
    %dma_wait3A_775 = arith.constant 0 : i32
    %dma_wait3A_776 = tpu.memref_slice %arg3[%dma_wait3A_766, %dma_wait3A_774, %dma_wait3A_775] : memref<32x32x1024xf32, #tpu.memory_space<vmem_shared>> -> memref<1x32x1024xf32, #tpu.memory_space<vmem_shared>>
    %dma_wait3A_777 = tpu.memref_squeeze %dma_wait3A_776 : memref<1x32x1024xf32, #tpu.memory_space<vmem_shared>> -> memref<32x1024xf32, #tpu.memory_space<vmem_shared>>
    tpu.wait_dma2 semaphore(%dma_wait3A_770 : memref<!tpu.dma_semaphore, #tpu.memory_space<semaphore_mem>>) src(%dma_wait3A_777 : memref<32x1024xf32, #tpu.memory_space<vmem_shared>>) dst(%dma_wait3A_773 : memref<32x1024xf32, #tpu.memory_space<hbm>>)
    %add3A_778 = arith.constant 1024 : i32
    %add3A_779 = arith.addi %mul3A_0, %add3A_778 : i32
    %dma_start3A_780 = arith.constant 0 : i32
    %dma_start3A_781 = arith.constant 0 : i32
    %dma_start3A_782 = tpu.memref_slice %arg4[%dma_start3A_781] : memref<32x!tpu.dma_semaphore, #tpu.memory_space<semaphore_mem>> -> memref<1x!tpu.dma_semaphore, #tpu.memory_space<semaphore_mem>>
    %dma_start3A_783 = tpu.memref_squeeze %dma_start3A_782 : memref<1x!tpu.dma_semaphore, #tpu.memory_space<semaphore_mem>> -> memref<!tpu.dma_semaphore, #tpu.memory_space<semaphore_mem>>
    %dma_start3A_784 = arith.constant 0 : i32
    %dma_start3A_785 = arith.constant 0 : i32
    %dma_start3A_786 = tpu.memref_slice %arg3[%dma_start3A_780, %dma_start3A_784, %dma_start3A_785] : memref<32x32x1024xf32, #tpu.memory_space<vmem_shared>> -> memref<1x32x1024xf32, #tpu.memory_space<vmem_shared>>
    %dma_start3A_787 = tpu.memref_squeeze %dma_start3A_786 : memref<1x32x1024xf32, #tpu.memory_space<vmem_shared>> -> memref<32x1024xf32, #tpu.memory_space<vmem_shared>>
    %dma_start3A_788 = arith.constant 0 : i32
    %dma_start3A_789 = tpu.memref_slice %arg1[%add3A_779, %dma_start3A_788] : memref<8192x1024xf32, #tpu.memory_space<hbm>> -> memref<32x1024xf32, #tpu.memory_space<hbm>>
    tpu.enqueue_dma source(%dma_start3A_789 : memref<32x1024xf32, #tpu.memory_space<hbm>>) target(%dma_start3A_787 : memref<32x1024xf32, #tpu.memory_space<vmem_shared>>) target_semaphore(%dma_start3A_783 : memref<!tpu.dma_semaphore, #tpu.memory_space<semaphore_mem>>)
    %dma_wait3A_790 = arith.constant 16 : i32
    %dma_wait3A_791 = arith.constant 16 : i32
    %dma_wait3A_792 = tpu.memref_slice %arg4[%dma_wait3A_791] : memref<32x!tpu.dma_semaphore, #tpu.memory_space<semaphore_mem>> -> memref<1x!tpu.dma_semaphore, #tpu.memory_space<semaphore_mem>>
    %dma_wait3A_793 = tpu.memref_squeeze %dma_wait3A_792 : memref<1x!tpu.dma_semaphore, #tpu.memory_space<semaphore_mem>> -> memref<!tpu.dma_semaphore, #tpu.memory_space<semaphore_mem>>
    %dma_wait3A_794 = arith.constant 0 : i32
    %dma_wait3A_795 = arith.constant 0 : i32
    %dma_wait3A_796 = tpu.memref_slice %arg3[%dma_wait3A_790, %dma_wait3A_794, %dma_wait3A_795] : memref<32x32x1024xf32, #tpu.memory_space<vmem_shared>> -> memref<1x32x1024xf32, #tpu.memory_space<vmem_shared>>
    %dma_wait3A_797 = tpu.memref_squeeze %dma_wait3A_796 : memref<1x32x1024xf32, #tpu.memory_space<vmem_shared>> -> memref<32x1024xf32, #tpu.memory_space<vmem_shared>>
    %dma_wait3A_798 = arith.constant 0 : i32
    %dma_wait3A_799 = tpu.memref_slice %arg1[%mul3A_0, %dma_wait3A_798] : memref<8192x1024xf32, #tpu.memory_space<hbm>> -> memref<32x1024xf32, #tpu.memory_space<hbm>>
    tpu.wait_dma2 semaphore(%dma_wait3A_793 : memref<!tpu.dma_semaphore, #tpu.memory_space<semaphore_mem>>) src(%dma_wait3A_799 : memref<32x1024xf32, #tpu.memory_space<hbm>>) dst(%dma_wait3A_797 : memref<32x1024xf32, #tpu.memory_space<vmem_shared>>)
    %add3A_800 = arith.constant 512 : i32
    %add3A_801 = arith.addi %mul3A_0, %add3A_800 : i32
    %dma_start3A_802 = arith.constant 16 : i32
    %dma_start3A_803 = arith.constant 0 : i32
    %dma_start3A_804 = arith.constant 16 : i32
    %dma_start3A_805 = tpu.memref_slice %arg5[%dma_start3A_804] : memref<32x!tpu.dma_semaphore, #tpu.memory_space<semaphore_mem>> -> memref<1x!tpu.dma_semaphore, #tpu.memory_space<semaphore_mem>>
    %dma_start3A_806 = tpu.memref_squeeze %dma_start3A_805 : memref<1x!tpu.dma_semaphore, #tpu.memory_space<semaphore_mem>> -> memref<!tpu.dma_semaphore, #tpu.memory_space<semaphore_mem>>
    %dma_start3A_807 = arith.constant 0 : i32
    %dma_start3A_808 = tpu.memref_slice %arg2[%dma_start3A_803, %add3A_801, %dma_start3A_807] : memref<1x4096x1024xf32, #tpu.memory_space<hbm>> -> memref<1x32x1024xf32, #tpu.memory_space<hbm>>
    %dma_start3A_809 = tpu.memref_squeeze %dma_start3A_808 : memref<1x32x1024xf32, #tpu.memory_space<hbm>> -> memref<32x1024xf32, #tpu.memory_space<hbm>>
    %dma_start3A_810 = arith.constant 0 : i32
    %dma_start3A_811 = arith.constant 0 : i32
    %dma_start3A_812 = tpu.memref_slice %arg3[%dma_start3A_802, %dma_start3A_810, %dma_start3A_811] : memref<32x32x1024xf32, #tpu.memory_space<vmem_shared>> -> memref<1x32x1024xf32, #tpu.memory_space<vmem_shared>>
    %dma_start3A_813 = tpu.memref_squeeze %dma_start3A_812 : memref<1x32x1024xf32, #tpu.memory_space<vmem_shared>> -> memref<32x1024xf32, #tpu.memory_space<vmem_shared>>
    tpu.enqueue_dma source(%dma_start3A_813 : memref<32x1024xf32, #tpu.memory_space<vmem_shared>>) target(%dma_start3A_809 : memref<32x1024xf32, #tpu.memory_space<hbm>>) target_semaphore(%dma_start3A_806 : memref<!tpu.dma_semaphore, #tpu.memory_space<semaphore_mem>>)
    %dma_wait3A_814 = arith.constant 1 : i32
    %dma_wait3A_815 = arith.constant 0 : i32
    %dma_wait3A_816 = arith.constant 1 : i32
    %dma_wait3A_817 = tpu.memref_slice %arg5[%dma_wait3A_816] : memref<32x!tpu.dma_semaphore, #tpu.memory_space<semaphore_mem>> -> memref<1x!tpu.dma_semaphore, #tpu.memory_space<semaphore_mem>>
    %dma_wait3A_818 = tpu.memref_squeeze %dma_wait3A_817 : memref<1x!tpu.dma_semaphore, #tpu.memory_space<semaphore_mem>> -> memref<!tpu.dma_semaphore, #tpu.memory_space<semaphore_mem>>
    %dma_wait3A_819 = arith.constant 0 : i32
    %dma_wait3A_820 = tpu.memref_slice %arg2[%dma_wait3A_815, %mul3A_0, %dma_wait3A_819] : memref<1x4096x1024xf32, #tpu.memory_space<hbm>> -> memref<1x32x1024xf32, #tpu.memory_space<hbm>>
    %dma_wait3A_821 = tpu.memref_squeeze %dma_wait3A_820 : memref<1x32x1024xf32, #tpu.memory_space<hbm>> -> memref<32x1024xf32, #tpu.memory_space<hbm>>
    %dma_wait3A_822 = arith.constant 0 : i32
    %dma_wait3A_823 = arith.constant 0 : i32
    %dma_wait3A_824 = tpu.memref_slice %arg3[%dma_wait3A_814, %dma_wait3A_822, %dma_wait3A_823] : memref<32x32x1024xf32, #tpu.memory_space<vmem_shared>> -> memref<1x32x1024xf32, #tpu.memory_space<vmem_shared>>
    %dma_wait3A_825 = tpu.memref_squeeze %dma_wait3A_824 : memref<1x32x1024xf32, #tpu.memory_space<vmem_shared>> -> memref<32x1024xf32, #tpu.memory_space<vmem_shared>>
    tpu.wait_dma2 semaphore(%dma_wait3A_818 : memref<!tpu.dma_semaphore, #tpu.memory_space<semaphore_mem>>) src(%dma_wait3A_825 : memref<32x1024xf32, #tpu.memory_space<vmem_shared>>) dst(%dma_wait3A_821 : memref<32x1024xf32, #tpu.memory_space<hbm>>)
    %add3A_826 = arith.constant 1056 : i32
    %add3A_827 = arith.addi %mul3A_0, %add3A_826 : i32
    %dma_start3A_828 = arith.constant 1 : i32
    %dma_start3A_829 = arith.constant 1 : i32
    %dma_start3A_830 = tpu.memref_slice %arg4[%dma_start3A_829] : memref<32x!tpu.dma_semaphore, #tpu.memory_space<semaphore_mem>> -> memref<1x!tpu.dma_semaphore, #tpu.memory_space<semaphore_mem>>
    %dma_start3A_831 = tpu.memref_squeeze %dma_start3A_830 : memref<1x!tpu.dma_semaphore, #tpu.memory_space<semaphore_mem>> -> memref<!tpu.dma_semaphore, #tpu.memory_space<semaphore_mem>>
    %dma_start3A_832 = arith.constant 0 : i32
    %dma_start3A_833 = arith.constant 0 : i32
    %dma_start3A_834 = tpu.memref_slice %arg3[%dma_start3A_828, %dma_start3A_832, %dma_start3A_833] : memref<32x32x1024xf32, #tpu.memory_space<vmem_shared>> -> memref<1x32x1024xf32, #tpu.memory_space<vmem_shared>>
    %dma_start3A_835 = tpu.memref_squeeze %dma_start3A_834 : memref<1x32x1024xf32, #tpu.memory_space<vmem_shared>> -> memref<32x1024xf32, #tpu.memory_space<vmem_shared>>
    %dma_start3A_836 = arith.constant 0 : i32
    %dma_start3A_837 = tpu.memref_slice %arg1[%add3A_827, %dma_start3A_836] : memref<8192x1024xf32, #tpu.memory_space<hbm>> -> memref<32x1024xf32, #tpu.memory_space<hbm>>
    tpu.enqueue_dma source(%dma_start3A_837 : memref<32x1024xf32, #tpu.memory_space<hbm>>) target(%dma_start3A_835 : memref<32x1024xf32, #tpu.memory_space<vmem_shared>>) target_semaphore(%dma_start3A_831 : memref<!tpu.dma_semaphore, #tpu.memory_space<semaphore_mem>>)
    %dma_wait3A_838 = arith.constant 17 : i32
    %dma_wait3A_839 = arith.constant 17 : i32
    %dma_wait3A_840 = tpu.memref_slice %arg4[%dma_wait3A_839] : memref<32x!tpu.dma_semaphore, #tpu.memory_space<semaphore_mem>> -> memref<1x!tpu.dma_semaphore, #tpu.memory_space<semaphore_mem>>
    %dma_wait3A_841 = tpu.memref_squeeze %dma_wait3A_840 : memref<1x!tpu.dma_semaphore, #tpu.memory_space<semaphore_mem>> -> memref<!tpu.dma_semaphore, #tpu.memory_space<semaphore_mem>>
    %dma_wait3A_842 = arith.constant 0 : i32
    %dma_wait3A_843 = arith.constant 0 : i32
    %dma_wait3A_844 = tpu.memref_slice %arg3[%dma_wait3A_838, %dma_wait3A_842, %dma_wait3A_843] : memref<32x32x1024xf32, #tpu.memory_space<vmem_shared>> -> memref<1x32x1024xf32, #tpu.memory_space<vmem_shared>>
    %dma_wait3A_845 = tpu.memref_squeeze %dma_wait3A_844 : memref<1x32x1024xf32, #tpu.memory_space<vmem_shared>> -> memref<32x1024xf32, #tpu.memory_space<vmem_shared>>
    %dma_wait3A_846 = arith.constant 0 : i32
    %dma_wait3A_847 = tpu.memref_slice %arg1[%mul3A_0, %dma_wait3A_846] : memref<8192x1024xf32, #tpu.memory_space<hbm>> -> memref<32x1024xf32, #tpu.memory_space<hbm>>
    tpu.wait_dma2 semaphore(%dma_wait3A_841 : memref<!tpu.dma_semaphore, #tpu.memory_space<semaphore_mem>>) src(%dma_wait3A_847 : memref<32x1024xf32, #tpu.memory_space<hbm>>) dst(%dma_wait3A_845 : memref<32x1024xf32, #tpu.memory_space<vmem_shared>>)
    %add3A_848 = arith.constant 544 : i32
    %add3A_849 = arith.addi %mul3A_0, %add3A_848 : i32
    %dma_start3A_850 = arith.constant 17 : i32
    %dma_start3A_851 = arith.constant 0 : i32
    %dma_start3A_852 = arith.constant 17 : i32
    %dma_start3A_853 = tpu.memref_slice %arg5[%dma_start3A_852] : memref<32x!tpu.dma_semaphore, #tpu.memory_space<semaphore_mem>> -> memref<1x!tpu.dma_semaphore, #tpu.memory_space<semaphore_mem>>
    %dma_start3A_854 = tpu.memref_squeeze %dma_start3A_853 : memref<1x!tpu.dma_semaphore, #tpu.memory_space<semaphore_mem>> -> memref<!tpu.dma_semaphore, #tpu.memory_space<semaphore_mem>>
    %dma_start3A_855 = arith.constant 0 : i32
    %dma_start3A_856 = tpu.memref_slice %arg2[%dma_start3A_851, %add3A_849, %dma_start3A_855] : memref<1x4096x1024xf32, #tpu.memory_space<hbm>> -> memref<1x32x1024xf32, #tpu.memory_space<hbm>>
    %dma_start3A_857 = tpu.memref_squeeze %dma_start3A_856 : memref<1x32x1024xf32, #tpu.memory_space<hbm>> -> memref<32x1024xf32, #tpu.memory_space<hbm>>
    %dma_start3A_858 = arith.constant 0 : i32
    %dma_start3A_859 = arith.constant 0 : i32
    %dma_start3A_860 = tpu.memref_slice %arg3[%dma_start3A_850, %dma_start3A_858, %dma_start3A_859] : memref<32x32x1024xf32, #tpu.memory_space<vmem_shared>> -> memref<1x32x1024xf32, #tpu.memory_space<vmem_shared>>
    %dma_start3A_861 = tpu.memref_squeeze %dma_start3A_860 : memref<1x32x1024xf32, #tpu.memory_space<vmem_shared>> -> memref<32x1024xf32, #tpu.memory_space<vmem_shared>>
    tpu.enqueue_dma source(%dma_start3A_861 : memref<32x1024xf32, #tpu.memory_space<vmem_shared>>) target(%dma_start3A_857 : memref<32x1024xf32, #tpu.memory_space<hbm>>) target_semaphore(%dma_start3A_854 : memref<!tpu.dma_semaphore, #tpu.memory_space<semaphore_mem>>)
    %dma_wait3A_862 = arith.constant 2 : i32
    %dma_wait3A_863 = arith.constant 0 : i32
    %dma_wait3A_864 = arith.constant 2 : i32
    %dma_wait3A_865 = tpu.memref_slice %arg5[%dma_wait3A_864] : memref<32x!tpu.dma_semaphore, #tpu.memory_space<semaphore_mem>> -> memref<1x!tpu.dma_semaphore, #tpu.memory_space<semaphore_mem>>
    %dma_wait3A_866 = tpu.memref_squeeze %dma_wait3A_865 : memref<1x!tpu.dma_semaphore, #tpu.memory_space<semaphore_mem>> -> memref<!tpu.dma_semaphore, #tpu.memory_space<semaphore_mem>>
    %dma_wait3A_867 = arith.constant 0 : i32
    %dma_wait3A_868 = tpu.memref_slice %arg2[%dma_wait3A_863, %mul3A_0, %dma_wait3A_867] : memref<1x4096x1024xf32, #tpu.memory_space<hbm>> -> memref<1x32x1024xf32, #tpu.memory_space<hbm>>
    %dma_wait3A_869 = tpu.memref_squeeze %dma_wait3A_868 : memref<1x32x1024xf32, #tpu.memory_space<hbm>> -> memref<32x1024xf32, #tpu.memory_space<hbm>>
    %dma_wait3A_870 = arith.constant 0 : i32
    %dma_wait3A_871 = arith.constant 0 : i32
    %dma_wait3A_872 = tpu.memref_slice %arg3[%dma_wait3A_862, %dma_wait3A_870, %dma_wait3A_871] : memref<32x32x1024xf32, #tpu.memory_space<vmem_shared>> -> memref<1x32x1024xf32, #tpu.memory_space<vmem_shared>>
    %dma_wait3A_873 = tpu.memref_squeeze %dma_wait3A_872 : memref<1x32x1024xf32, #tpu.memory_space<vmem_shared>> -> memref<32x1024xf32, #tpu.memory_space<vmem_shared>>
    tpu.wait_dma2 semaphore(%dma_wait3A_866 : memref<!tpu.dma_semaphore, #tpu.memory_space<semaphore_mem>>) src(%dma_wait3A_873 : memref<32x1024xf32, #tpu.memory_space<vmem_shared>>) dst(%dma_wait3A_869 : memref<32x1024xf32, #tpu.memory_space<hbm>>)
    %add3A_874 = arith.constant 1088 : i32
    %add3A_875 = arith.addi %mul3A_0, %add3A_874 : i32
    %dma_start3A_876 = arith.constant 2 : i32
    %dma_start3A_877 = arith.constant 2 : i32
    %dma_start3A_878 = tpu.memref_slice %arg4[%dma_start3A_877] : memref<32x!tpu.dma_semaphore, #tpu.memory_space<semaphore_mem>> -> memref<1x!tpu.dma_semaphore, #tpu.memory_space<semaphore_mem>>
    %dma_start3A_879 = tpu.memref_squeeze %dma_start3A_878 : memref<1x!tpu.dma_semaphore, #tpu.memory_space<semaphore_mem>> -> memref<!tpu.dma_semaphore, #tpu.memory_space<semaphore_mem>>
    %dma_start3A_880 = arith.constant 0 : i32
    %dma_start3A_881 = arith.constant 0 : i32
    %dma_start3A_882 = tpu.memref_slice %arg3[%dma_start3A_876, %dma_start3A_880, %dma_start3A_881] : memref<32x32x1024xf32, #tpu.memory_space<vmem_shared>> -> memref<1x32x1024xf32, #tpu.memory_space<vmem_shared>>
    %dma_start3A_883 = tpu.memref_squeeze %dma_start3A_882 : memref<1x32x1024xf32, #tpu.memory_space<vmem_shared>> -> memref<32x1024xf32, #tpu.memory_space<vmem_shared>>
    %dma_start3A_884 = arith.constant 0 : i32
    %dma_start3A_885 = tpu.memref_slice %arg1[%add3A_875, %dma_start3A_884] : memref<8192x1024xf32, #tpu.memory_space<hbm>> -> memref<32x1024xf32, #tpu.memory_space<hbm>>
    tpu.enqueue_dma source(%dma_start3A_885 : memref<32x1024xf32, #tpu.memory_space<hbm>>) target(%dma_start3A_883 : memref<32x1024xf32, #tpu.memory_space<vmem_shared>>) target_semaphore(%dma_start3A_879 : memref<!tpu.dma_semaphore, #tpu.memory_space<semaphore_mem>>)
    %dma_wait3A_886 = arith.constant 18 : i32
    %dma_wait3A_887 = arith.constant 18 : i32
    %dma_wait3A_888 = tpu.memref_slice %arg4[%dma_wait3A_887] : memref<32x!tpu.dma_semaphore, #tpu.memory_space<semaphore_mem>> -> memref<1x!tpu.dma_semaphore, #tpu.memory_space<semaphore_mem>>
    %dma_wait3A_889 = tpu.memref_squeeze %dma_wait3A_888 : memref<1x!tpu.dma_semaphore, #tpu.memory_space<semaphore_mem>> -> memref<!tpu.dma_semaphore, #tpu.memory_space<semaphore_mem>>
    %dma_wait3A_890 = arith.constant 0 : i32
    %dma_wait3A_891 = arith.constant 0 : i32
    %dma_wait3A_892 = tpu.memref_slice %arg3[%dma_wait3A_886, %dma_wait3A_890, %dma_wait3A_891] : memref<32x32x1024xf32, #tpu.memory_space<vmem_shared>> -> memref<1x32x1024xf32, #tpu.memory_space<vmem_shared>>
    %dma_wait3A_893 = tpu.memref_squeeze %dma_wait3A_892 : memref<1x32x1024xf32, #tpu.memory_space<vmem_shared>> -> memref<32x1024xf32, #tpu.memory_space<vmem_shared>>
    %dma_wait3A_894 = arith.constant 0 : i32
    %dma_wait3A_895 = tpu.memref_slice %arg1[%mul3A_0, %dma_wait3A_894] : memref<8192x1024xf32, #tpu.memory_space<hbm>> -> memref<32x1024xf32, #tpu.memory_space<hbm>>
    tpu.wait_dma2 semaphore(%dma_wait3A_889 : memref<!tpu.dma_semaphore, #tpu.memory_space<semaphore_mem>>) src(%dma_wait3A_895 : memref<32x1024xf32, #tpu.memory_space<hbm>>) dst(%dma_wait3A_893 : memref<32x1024xf32, #tpu.memory_space<vmem_shared>>)
    %add3A_896 = arith.constant 576 : i32
    %add3A_897 = arith.addi %mul3A_0, %add3A_896 : i32
    %dma_start3A_898 = arith.constant 18 : i32
    %dma_start3A_899 = arith.constant 0 : i32
    %dma_start3A_900 = arith.constant 18 : i32
    %dma_start3A_901 = tpu.memref_slice %arg5[%dma_start3A_900] : memref<32x!tpu.dma_semaphore, #tpu.memory_space<semaphore_mem>> -> memref<1x!tpu.dma_semaphore, #tpu.memory_space<semaphore_mem>>
    %dma_start3A_902 = tpu.memref_squeeze %dma_start3A_901 : memref<1x!tpu.dma_semaphore, #tpu.memory_space<semaphore_mem>> -> memref<!tpu.dma_semaphore, #tpu.memory_space<semaphore_mem>>
    %dma_start3A_903 = arith.constant 0 : i32
    %dma_start3A_904 = tpu.memref_slice %arg2[%dma_start3A_899, %add3A_897, %dma_start3A_903] : memref<1x4096x1024xf32, #tpu.memory_space<hbm>> -> memref<1x32x1024xf32, #tpu.memory_space<hbm>>
    %dma_start3A_905 = tpu.memref_squeeze %dma_start3A_904 : memref<1x32x1024xf32, #tpu.memory_space<hbm>> -> memref<32x1024xf32, #tpu.memory_space<hbm>>
    %dma_start3A_906 = arith.constant 0 : i32
    %dma_start3A_907 = arith.constant 0 : i32
    %dma_start3A_908 = tpu.memref_slice %arg3[%dma_start3A_898, %dma_start3A_906, %dma_start3A_907] : memref<32x32x1024xf32, #tpu.memory_space<vmem_shared>> -> memref<1x32x1024xf32, #tpu.memory_space<vmem_shared>>
    %dma_start3A_909 = tpu.memref_squeeze %dma_start3A_908 : memref<1x32x1024xf32, #tpu.memory_space<vmem_shared>> -> memref<32x1024xf32, #tpu.memory_space<vmem_shared>>
    tpu.enqueue_dma source(%dma_start3A_909 : memref<32x1024xf32, #tpu.memory_space<vmem_shared>>) target(%dma_start3A_905 : memref<32x1024xf32, #tpu.memory_space<hbm>>) target_semaphore(%dma_start3A_902 : memref<!tpu.dma_semaphore, #tpu.memory_space<semaphore_mem>>)
    %dma_wait3A_910 = arith.constant 3 : i32
    %dma_wait3A_911 = arith.constant 0 : i32
    %dma_wait3A_912 = arith.constant 3 : i32
    %dma_wait3A_913 = tpu.memref_slice %arg5[%dma_wait3A_912] : memref<32x!tpu.dma_semaphore, #tpu.memory_space<semaphore_mem>> -> memref<1x!tpu.dma_semaphore, #tpu.memory_space<semaphore_mem>>
    %dma_wait3A_914 = tpu.memref_squeeze %dma_wait3A_913 : memref<1x!tpu.dma_semaphore, #tpu.memory_space<semaphore_mem>> -> memref<!tpu.dma_semaphore, #tpu.memory_space<semaphore_mem>>
    %dma_wait3A_915 = arith.constant 0 : i32
    %dma_wait3A_916 = tpu.memref_slice %arg2[%dma_wait3A_911, %mul3A_0, %dma_wait3A_915] : memref<1x4096x1024xf32, #tpu.memory_space<hbm>> -> memref<1x32x1024xf32, #tpu.memory_space<hbm>>
    %dma_wait3A_917 = tpu.memref_squeeze %dma_wait3A_916 : memref<1x32x1024xf32, #tpu.memory_space<hbm>> -> memref<32x1024xf32, #tpu.memory_space<hbm>>
    %dma_wait3A_918 = arith.constant 0 : i32
    %dma_wait3A_919 = arith.constant 0 : i32
    %dma_wait3A_920 = tpu.memref_slice %arg3[%dma_wait3A_910, %dma_wait3A_918, %dma_wait3A_919] : memref<32x32x1024xf32, #tpu.memory_space<vmem_shared>> -> memref<1x32x1024xf32, #tpu.memory_space<vmem_shared>>
    %dma_wait3A_921 = tpu.memref_squeeze %dma_wait3A_920 : memref<1x32x1024xf32, #tpu.memory_space<vmem_shared>> -> memref<32x1024xf32, #tpu.memory_space<vmem_shared>>
    tpu.wait_dma2 semaphore(%dma_wait3A_914 : memref<!tpu.dma_semaphore, #tpu.memory_space<semaphore_mem>>) src(%dma_wait3A_921 : memref<32x1024xf32, #tpu.memory_space<vmem_shared>>) dst(%dma_wait3A_917 : memref<32x1024xf32, #tpu.memory_space<hbm>>)
    %add3A_922 = arith.constant 1120 : i32
    %add3A_923 = arith.addi %mul3A_0, %add3A_922 : i32
    %dma_start3A_924 = arith.constant 3 : i32
    %dma_start3A_925 = arith.constant 3 : i32
    %dma_start3A_926 = tpu.memref_slice %arg4[%dma_start3A_925] : memref<32x!tpu.dma_semaphore, #tpu.memory_space<semaphore_mem>> -> memref<1x!tpu.dma_semaphore, #tpu.memory_space<semaphore_mem>>
    %dma_start3A_927 = tpu.memref_squeeze %dma_start3A_926 : memref<1x!tpu.dma_semaphore, #tpu.memory_space<semaphore_mem>> -> memref<!tpu.dma_semaphore, #tpu.memory_space<semaphore_mem>>
    %dma_start3A_928 = arith.constant 0 : i32
    %dma_start3A_929 = arith.constant 0 : i32
    %dma_start3A_930 = tpu.memref_slice %arg3[%dma_start3A_924, %dma_start3A_928, %dma_start3A_929] : memref<32x32x1024xf32, #tpu.memory_space<vmem_shared>> -> memref<1x32x1024xf32, #tpu.memory_space<vmem_shared>>
    %dma_start3A_931 = tpu.memref_squeeze %dma_start3A_930 : memref<1x32x1024xf32, #tpu.memory_space<vmem_shared>> -> memref<32x1024xf32, #tpu.memory_space<vmem_shared>>
    %dma_start3A_932 = arith.constant 0 : i32
    %dma_start3A_933 = tpu.memref_slice %arg1[%add3A_923, %dma_start3A_932] : memref<8192x1024xf32, #tpu.memory_space<hbm>> -> memref<32x1024xf32, #tpu.memory_space<hbm>>
    tpu.enqueue_dma source(%dma_start3A_933 : memref<32x1024xf32, #tpu.memory_space<hbm>>) target(%dma_start3A_931 : memref<32x1024xf32, #tpu.memory_space<vmem_shared>>) target_semaphore(%dma_start3A_927 : memref<!tpu.dma_semaphore, #tpu.memory_space<semaphore_mem>>)
    %dma_wait3A_934 = arith.constant 19 : i32
    %dma_wait3A_935 = arith.constant 19 : i32
    %dma_wait3A_936 = tpu.memref_slice %arg4[%dma_wait3A_935] : memref<32x!tpu.dma_semaphore, #tpu.memory_space<semaphore_mem>> -> memref<1x!tpu.dma_semaphore, #tpu.memory_space<semaphore_mem>>
    %dma_wait3A_937 = tpu.memref_squeeze %dma_wait3A_936 : memref<1x!tpu.dma_semaphore, #tpu.memory_space<semaphore_mem>> -> memref<!tpu.dma_semaphore, #tpu.memory_space<semaphore_mem>>
    %dma_wait3A_938 = arith.constant 0 : i32
    %dma_wait3A_939 = arith.constant 0 : i32
    %dma_wait3A_940 = tpu.memref_slice %arg3[%dma_wait3A_934, %dma_wait3A_938, %dma_wait3A_939] : memref<32x32x1024xf32, #tpu.memory_space<vmem_shared>> -> memref<1x32x1024xf32, #tpu.memory_space<vmem_shared>>
    %dma_wait3A_941 = tpu.memref_squeeze %dma_wait3A_940 : memref<1x32x1024xf32, #tpu.memory_space<vmem_shared>> -> memref<32x1024xf32, #tpu.memory_space<vmem_shared>>
    %dma_wait3A_942 = arith.constant 0 : i32
    %dma_wait3A_943 = tpu.memref_slice %arg1[%mul3A_0, %dma_wait3A_942] : memref<8192x1024xf32, #tpu.memory_space<hbm>> -> memref<32x1024xf32, #tpu.memory_space<hbm>>
    tpu.wait_dma2 semaphore(%dma_wait3A_937 : memref<!tpu.dma_semaphore, #tpu.memory_space<semaphore_mem>>) src(%dma_wait3A_943 : memref<32x1024xf32, #tpu.memory_space<hbm>>) dst(%dma_wait3A_941 : memref<32x1024xf32, #tpu.memory_space<vmem_shared>>)
    %add3A_944 = arith.constant 608 : i32
    %add3A_945 = arith.addi %mul3A_0, %add3A_944 : i32
    %dma_start3A_946 = arith.constant 19 : i32
    %dma_start3A_947 = arith.constant 0 : i32
    %dma_start3A_948 = arith.constant 19 : i32
    %dma_start3A_949 = tpu.memref_slice %arg5[%dma_start3A_948] : memref<32x!tpu.dma_semaphore, #tpu.memory_space<semaphore_mem>> -> memref<1x!tpu.dma_semaphore, #tpu.memory_space<semaphore_mem>>
    %dma_start3A_950 = tpu.memref_squeeze %dma_start3A_949 : memref<1x!tpu.dma_semaphore, #tpu.memory_space<semaphore_mem>> -> memref<!tpu.dma_semaphore, #tpu.memory_space<semaphore_mem>>
    %dma_start3A_951 = arith.constant 0 : i32
    %dma_start3A_952 = tpu.memref_slice %arg2[%dma_start3A_947, %add3A_945, %dma_start3A_951] : memref<1x4096x1024xf32, #tpu.memory_space<hbm>> -> memref<1x32x1024xf32, #tpu.memory_space<hbm>>
    %dma_start3A_953 = tpu.memref_squeeze %dma_start3A_952 : memref<1x32x1024xf32, #tpu.memory_space<hbm>> -> memref<32x1024xf32, #tpu.memory_space<hbm>>
    %dma_start3A_954 = arith.constant 0 : i32
    %dma_start3A_955 = arith.constant 0 : i32
    %dma_start3A_956 = tpu.memref_slice %arg3[%dma_start3A_946, %dma_start3A_954, %dma_start3A_955] : memref<32x32x1024xf32, #tpu.memory_space<vmem_shared>> -> memref<1x32x1024xf32, #tpu.memory_space<vmem_shared>>
    %dma_start3A_957 = tpu.memref_squeeze %dma_start3A_956 : memref<1x32x1024xf32, #tpu.memory_space<vmem_shared>> -> memref<32x1024xf32, #tpu.memory_space<vmem_shared>>
    tpu.enqueue_dma source(%dma_start3A_957 : memref<32x1024xf32, #tpu.memory_space<vmem_shared>>) target(%dma_start3A_953 : memref<32x1024xf32, #tpu.memory_space<hbm>>) target_semaphore(%dma_start3A_950 : memref<!tpu.dma_semaphore, #tpu.memory_space<semaphore_mem>>)
    %dma_wait3A_958 = arith.constant 4 : i32
    %dma_wait3A_959 = arith.constant 0 : i32
    %dma_wait3A_960 = arith.constant 4 : i32
    %dma_wait3A_961 = tpu.memref_slice %arg5[%dma_wait3A_960] : memref<32x!tpu.dma_semaphore, #tpu.memory_space<semaphore_mem>> -> memref<1x!tpu.dma_semaphore, #tpu.memory_space<semaphore_mem>>
    %dma_wait3A_962 = tpu.memref_squeeze %dma_wait3A_961 : memref<1x!tpu.dma_semaphore, #tpu.memory_space<semaphore_mem>> -> memref<!tpu.dma_semaphore, #tpu.memory_space<semaphore_mem>>
    %dma_wait3A_963 = arith.constant 0 : i32
    %dma_wait3A_964 = tpu.memref_slice %arg2[%dma_wait3A_959, %mul3A_0, %dma_wait3A_963] : memref<1x4096x1024xf32, #tpu.memory_space<hbm>> -> memref<1x32x1024xf32, #tpu.memory_space<hbm>>
    %dma_wait3A_965 = tpu.memref_squeeze %dma_wait3A_964 : memref<1x32x1024xf32, #tpu.memory_space<hbm>> -> memref<32x1024xf32, #tpu.memory_space<hbm>>
    %dma_wait3A_966 = arith.constant 0 : i32
    %dma_wait3A_967 = arith.constant 0 : i32
    %dma_wait3A_968 = tpu.memref_slice %arg3[%dma_wait3A_958, %dma_wait3A_966, %dma_wait3A_967] : memref<32x32x1024xf32, #tpu.memory_space<vmem_shared>> -> memref<1x32x1024xf32, #tpu.memory_space<vmem_shared>>
    %dma_wait3A_969 = tpu.memref_squeeze %dma_wait3A_968 : memref<1x32x1024xf32, #tpu.memory_space<vmem_shared>> -> memref<32x1024xf32, #tpu.memory_space<vmem_shared>>
    tpu.wait_dma2 semaphore(%dma_wait3A_962 : memref<!tpu.dma_semaphore, #tpu.memory_space<semaphore_mem>>) src(%dma_wait3A_969 : memref<32x1024xf32, #tpu.memory_space<vmem_shared>>) dst(%dma_wait3A_965 : memref<32x1024xf32, #tpu.memory_space<hbm>>)
    %add3A_970 = arith.constant 1152 : i32
    %add3A_971 = arith.addi %mul3A_0, %add3A_970 : i32
    %dma_start3A_972 = arith.constant 4 : i32
    %dma_start3A_973 = arith.constant 4 : i32
    %dma_start3A_974 = tpu.memref_slice %arg4[%dma_start3A_973] : memref<32x!tpu.dma_semaphore, #tpu.memory_space<semaphore_mem>> -> memref<1x!tpu.dma_semaphore, #tpu.memory_space<semaphore_mem>>
    %dma_start3A_975 = tpu.memref_squeeze %dma_start3A_974 : memref<1x!tpu.dma_semaphore, #tpu.memory_space<semaphore_mem>> -> memref<!tpu.dma_semaphore, #tpu.memory_space<semaphore_mem>>
    %dma_start3A_976 = arith.constant 0 : i32
    %dma_start3A_977 = arith.constant 0 : i32
    %dma_start3A_978 = tpu.memref_slice %arg3[%dma_start3A_972, %dma_start3A_976, %dma_start3A_977] : memref<32x32x1024xf32, #tpu.memory_space<vmem_shared>> -> memref<1x32x1024xf32, #tpu.memory_space<vmem_shared>>
    %dma_start3A_979 = tpu.memref_squeeze %dma_start3A_978 : memref<1x32x1024xf32, #tpu.memory_space<vmem_shared>> -> memref<32x1024xf32, #tpu.memory_space<vmem_shared>>
    %dma_start3A_980 = arith.constant 0 : i32
    %dma_start3A_981 = tpu.memref_slice %arg1[%add3A_971, %dma_start3A_980] : memref<8192x1024xf32, #tpu.memory_space<hbm>> -> memref<32x1024xf32, #tpu.memory_space<hbm>>
    tpu.enqueue_dma source(%dma_start3A_981 : memref<32x1024xf32, #tpu.memory_space<hbm>>) target(%dma_start3A_979 : memref<32x1024xf32, #tpu.memory_space<vmem_shared>>) target_semaphore(%dma_start3A_975 : memref<!tpu.dma_semaphore, #tpu.memory_space<semaphore_mem>>)
    %dma_wait3A_982 = arith.constant 20 : i32
    %dma_wait3A_983 = arith.constant 20 : i32
    %dma_wait3A_984 = tpu.memref_slice %arg4[%dma_wait3A_983] : memref<32x!tpu.dma_semaphore, #tpu.memory_space<semaphore_mem>> -> memref<1x!tpu.dma_semaphore, #tpu.memory_space<semaphore_mem>>
    %dma_wait3A_985 = tpu.memref_squeeze %dma_wait3A_984 : memref<1x!tpu.dma_semaphore, #tpu.memory_space<semaphore_mem>> -> memref<!tpu.dma_semaphore, #tpu.memory_space<semaphore_mem>>
    %dma_wait3A_986 = arith.constant 0 : i32
    %dma_wait3A_987 = arith.constant 0 : i32
    %dma_wait3A_988 = tpu.memref_slice %arg3[%dma_wait3A_982, %dma_wait3A_986, %dma_wait3A_987] : memref<32x32x1024xf32, #tpu.memory_space<vmem_shared>> -> memref<1x32x1024xf32, #tpu.memory_space<vmem_shared>>
    %dma_wait3A_989 = tpu.memref_squeeze %dma_wait3A_988 : memref<1x32x1024xf32, #tpu.memory_space<vmem_shared>> -> memref<32x1024xf32, #tpu.memory_space<vmem_shared>>
    %dma_wait3A_990 = arith.constant 0 : i32
    %dma_wait3A_991 = tpu.memref_slice %arg1[%mul3A_0, %dma_wait3A_990] : memref<8192x1024xf32, #tpu.memory_space<hbm>> -> memref<32x1024xf32, #tpu.memory_space<hbm>>
    tpu.wait_dma2 semaphore(%dma_wait3A_985 : memref<!tpu.dma_semaphore, #tpu.memory_space<semaphore_mem>>) src(%dma_wait3A_991 : memref<32x1024xf32, #tpu.memory_space<hbm>>) dst(%dma_wait3A_989 : memref<32x1024xf32, #tpu.memory_space<vmem_shared>>)
    %add3A_992 = arith.constant 640 : i32
    %add3A_993 = arith.addi %mul3A_0, %add3A_992 : i32
    %dma_start3A_994 = arith.constant 20 : i32
    %dma_start3A_995 = arith.constant 0 : i32
    %dma_start3A_996 = arith.constant 20 : i32
    %dma_start3A_997 = tpu.memref_slice %arg5[%dma_start3A_996] : memref<32x!tpu.dma_semaphore, #tpu.memory_space<semaphore_mem>> -> memref<1x!tpu.dma_semaphore, #tpu.memory_space<semaphore_mem>>
    %dma_start3A_998 = tpu.memref_squeeze %dma_start3A_997 : memref<1x!tpu.dma_semaphore, #tpu.memory_space<semaphore_mem>> -> memref<!tpu.dma_semaphore, #tpu.memory_space<semaphore_mem>>
    %dma_start3A_999 = arith.constant 0 : i32
    %dma_start3A_1000 = tpu.memref_slice %arg2[%dma_start3A_995, %add3A_993, %dma_start3A_999] : memref<1x4096x1024xf32, #tpu.memory_space<hbm>> -> memref<1x32x1024xf32, #tpu.memory_space<hbm>>
    %dma_start3A_1001 = tpu.memref_squeeze %dma_start3A_1000 : memref<1x32x1024xf32, #tpu.memory_space<hbm>> -> memref<32x1024xf32, #tpu.memory_space<hbm>>
    %dma_start3A_1002 = arith.constant 0 : i32
    %dma_start3A_1003 = arith.constant 0 : i32
    %dma_start3A_1004 = tpu.memref_slice %arg3[%dma_start3A_994, %dma_start3A_1002, %dma_start3A_1003] : memref<32x32x1024xf32, #tpu.memory_space<vmem_shared>> -> memref<1x32x1024xf32, #tpu.memory_space<vmem_shared>>
    %dma_start3A_1005 = tpu.memref_squeeze %dma_start3A_1004 : memref<1x32x1024xf32, #tpu.memory_space<vmem_shared>> -> memref<32x1024xf32, #tpu.memory_space<vmem_shared>>
    tpu.enqueue_dma source(%dma_start3A_1005 : memref<32x1024xf32, #tpu.memory_space<vmem_shared>>) target(%dma_start3A_1001 : memref<32x1024xf32, #tpu.memory_space<hbm>>) target_semaphore(%dma_start3A_998 : memref<!tpu.dma_semaphore, #tpu.memory_space<semaphore_mem>>)
    %dma_wait3A_1006 = arith.constant 5 : i32
    %dma_wait3A_1007 = arith.constant 0 : i32
    %dma_wait3A_1008 = arith.constant 5 : i32
    %dma_wait3A_1009 = tpu.memref_slice %arg5[%dma_wait3A_1008] : memref<32x!tpu.dma_semaphore, #tpu.memory_space<semaphore_mem>> -> memref<1x!tpu.dma_semaphore, #tpu.memory_space<semaphore_mem>>
    %dma_wait3A_1010 = tpu.memref_squeeze %dma_wait3A_1009 : memref<1x!tpu.dma_semaphore, #tpu.memory_space<semaphore_mem>> -> memref<!tpu.dma_semaphore, #tpu.memory_space<semaphore_mem>>
    %dma_wait3A_1011 = arith.constant 0 : i32
    %dma_wait3A_1012 = tpu.memref_slice %arg2[%dma_wait3A_1007, %mul3A_0, %dma_wait3A_1011] : memref<1x4096x1024xf32, #tpu.memory_space<hbm>> -> memref<1x32x1024xf32, #tpu.memory_space<hbm>>
    %dma_wait3A_1013 = tpu.memref_squeeze %dma_wait3A_1012 : memref<1x32x1024xf32, #tpu.memory_space<hbm>> -> memref<32x1024xf32, #tpu.memory_space<hbm>>
    %dma_wait3A_1014 = arith.constant 0 : i32
    %dma_wait3A_1015 = arith.constant 0 : i32
    %dma_wait3A_1016 = tpu.memref_slice %arg3[%dma_wait3A_1006, %dma_wait3A_1014, %dma_wait3A_1015] : memref<32x32x1024xf32, #tpu.memory_space<vmem_shared>> -> memref<1x32x1024xf32, #tpu.memory_space<vmem_shared>>
    %dma_wait3A_1017 = tpu.memref_squeeze %dma_wait3A_1016 : memref<1x32x1024xf32, #tpu.memory_space<vmem_shared>> -> memref<32x1024xf32, #tpu.memory_space<vmem_shared>>
    tpu.wait_dma2 semaphore(%dma_wait3A_1010 : memref<!tpu.dma_semaphore, #tpu.memory_space<semaphore_mem>>) src(%dma_wait3A_1017 : memref<32x1024xf32, #tpu.memory_space<vmem_shared>>) dst(%dma_wait3A_1013 : memref<32x1024xf32, #tpu.memory_space<hbm>>)
    %add3A_1018 = arith.constant 1184 : i32
    %add3A_1019 = arith.addi %mul3A_0, %add3A_1018 : i32
    %dma_start3A_1020 = arith.constant 5 : i32
    %dma_start3A_1021 = arith.constant 5 : i32
    %dma_start3A_1022 = tpu.memref_slice %arg4[%dma_start3A_1021] : memref<32x!tpu.dma_semaphore, #tpu.memory_space<semaphore_mem>> -> memref<1x!tpu.dma_semaphore, #tpu.memory_space<semaphore_mem>>
    %dma_start3A_1023 = tpu.memref_squeeze %dma_start3A_1022 : memref<1x!tpu.dma_semaphore, #tpu.memory_space<semaphore_mem>> -> memref<!tpu.dma_semaphore, #tpu.memory_space<semaphore_mem>>
    %dma_start3A_1024 = arith.constant 0 : i32
    %dma_start3A_1025 = arith.constant 0 : i32
    %dma_start3A_1026 = tpu.memref_slice %arg3[%dma_start3A_1020, %dma_start3A_1024, %dma_start3A_1025] : memref<32x32x1024xf32, #tpu.memory_space<vmem_shared>> -> memref<1x32x1024xf32, #tpu.memory_space<vmem_shared>>
    %dma_start3A_1027 = tpu.memref_squeeze %dma_start3A_1026 : memref<1x32x1024xf32, #tpu.memory_space<vmem_shared>> -> memref<32x1024xf32, #tpu.memory_space<vmem_shared>>
    %dma_start3A_1028 = arith.constant 0 : i32
    %dma_start3A_1029 = tpu.memref_slice %arg1[%add3A_1019, %dma_start3A_1028] : memref<8192x1024xf32, #tpu.memory_space<hbm>> -> memref<32x1024xf32, #tpu.memory_space<hbm>>
    tpu.enqueue_dma source(%dma_start3A_1029 : memref<32x1024xf32, #tpu.memory_space<hbm>>) target(%dma_start3A_1027 : memref<32x1024xf32, #tpu.memory_space<vmem_shared>>) target_semaphore(%dma_start3A_1023 : memref<!tpu.dma_semaphore, #tpu.memory_space<semaphore_mem>>)
    %dma_wait3A_1030 = arith.constant 21 : i32
    %dma_wait3A_1031 = arith.constant 21 : i32
    %dma_wait3A_1032 = tpu.memref_slice %arg4[%dma_wait3A_1031] : memref<32x!tpu.dma_semaphore, #tpu.memory_space<semaphore_mem>> -> memref<1x!tpu.dma_semaphore, #tpu.memory_space<semaphore_mem>>
    %dma_wait3A_1033 = tpu.memref_squeeze %dma_wait3A_1032 : memref<1x!tpu.dma_semaphore, #tpu.memory_space<semaphore_mem>> -> memref<!tpu.dma_semaphore, #tpu.memory_space<semaphore_mem>>
    %dma_wait3A_1034 = arith.constant 0 : i32
    %dma_wait3A_1035 = arith.constant 0 : i32
    %dma_wait3A_1036 = tpu.memref_slice %arg3[%dma_wait3A_1030, %dma_wait3A_1034, %dma_wait3A_1035] : memref<32x32x1024xf32, #tpu.memory_space<vmem_shared>> -> memref<1x32x1024xf32, #tpu.memory_space<vmem_shared>>
    %dma_wait3A_1037 = tpu.memref_squeeze %dma_wait3A_1036 : memref<1x32x1024xf32, #tpu.memory_space<vmem_shared>> -> memref<32x1024xf32, #tpu.memory_space<vmem_shared>>
    %dma_wait3A_1038 = arith.constant 0 : i32
    %dma_wait3A_1039 = tpu.memref_slice %arg1[%mul3A_0, %dma_wait3A_1038] : memref<8192x1024xf32, #tpu.memory_space<hbm>> -> memref<32x1024xf32, #tpu.memory_space<hbm>>
    tpu.wait_dma2 semaphore(%dma_wait3A_1033 : memref<!tpu.dma_semaphore, #tpu.memory_space<semaphore_mem>>) src(%dma_wait3A_1039 : memref<32x1024xf32, #tpu.memory_space<hbm>>) dst(%dma_wait3A_1037 : memref<32x1024xf32, #tpu.memory_space<vmem_shared>>)
    %add3A_1040 = arith.constant 672 : i32
    %add3A_1041 = arith.addi %mul3A_0, %add3A_1040 : i32
    %dma_start3A_1042 = arith.constant 21 : i32
    %dma_start3A_1043 = arith.constant 0 : i32
    %dma_start3A_1044 = arith.constant 21 : i32
    %dma_start3A_1045 = tpu.memref_slice %arg5[%dma_start3A_1044] : memref<32x!tpu.dma_semaphore, #tpu.memory_space<semaphore_mem>> -> memref<1x!tpu.dma_semaphore, #tpu.memory_space<semaphore_mem>>
    %dma_start3A_1046 = tpu.memref_squeeze %dma_start3A_1045 : memref<1x!tpu.dma_semaphore, #tpu.memory_space<semaphore_mem>> -> memref<!tpu.dma_semaphore, #tpu.memory_space<semaphore_mem>>
    %dma_start3A_1047 = arith.constant 0 : i32
    %dma_start3A_1048 = tpu.memref_slice %arg2[%dma_start3A_1043, %add3A_1041, %dma_start3A_1047] : memref<1x4096x1024xf32, #tpu.memory_space<hbm>> -> memref<1x32x1024xf32, #tpu.memory_space<hbm>>
    %dma_start3A_1049 = tpu.memref_squeeze %dma_start3A_1048 : memref<1x32x1024xf32, #tpu.memory_space<hbm>> -> memref<32x1024xf32, #tpu.memory_space<hbm>>
    %dma_start3A_1050 = arith.constant 0 : i32
    %dma_start3A_1051 = arith.constant 0 : i32
    %dma_start3A_1052 = tpu.memref_slice %arg3[%dma_start3A_1042, %dma_start3A_1050, %dma_start3A_1051] : memref<32x32x1024xf32, #tpu.memory_space<vmem_shared>> -> memref<1x32x1024xf32, #tpu.memory_space<vmem_shared>>
    %dma_start3A_1053 = tpu.memref_squeeze %dma_start3A_1052 : memref<1x32x1024xf32, #tpu.memory_space<vmem_shared>> -> memref<32x1024xf32, #tpu.memory_space<vmem_shared>>
    tpu.enqueue_dma source(%dma_start3A_1053 : memref<32x1024xf32, #tpu.memory_space<vmem_shared>>) target(%dma_start3A_1049 : memref<32x1024xf32, #tpu.memory_space<hbm>>) target_semaphore(%dma_start3A_1046 : memref<!tpu.dma_semaphore, #tpu.memory_space<semaphore_mem>>)
    %dma_wait3A_1054 = arith.constant 6 : i32
    %dma_wait3A_1055 = arith.constant 0 : i32
    %dma_wait3A_1056 = arith.constant 6 : i32
    %dma_wait3A_1057 = tpu.memref_slice %arg5[%dma_wait3A_1056] : memref<32x!tpu.dma_semaphore, #tpu.memory_space<semaphore_mem>> -> memref<1x!tpu.dma_semaphore, #tpu.memory_space<semaphore_mem>>
    %dma_wait3A_1058 = tpu.memref_squeeze %dma_wait3A_1057 : memref<1x!tpu.dma_semaphore, #tpu.memory_space<semaphore_mem>> -> memref<!tpu.dma_semaphore, #tpu.memory_space<semaphore_mem>>
    %dma_wait3A_1059 = arith.constant 0 : i32
    %dma_wait3A_1060 = tpu.memref_slice %arg2[%dma_wait3A_1055, %mul3A_0, %dma_wait3A_1059] : memref<1x4096x1024xf32, #tpu.memory_space<hbm>> -> memref<1x32x1024xf32, #tpu.memory_space<hbm>>
    %dma_wait3A_1061 = tpu.memref_squeeze %dma_wait3A_1060 : memref<1x32x1024xf32, #tpu.memory_space<hbm>> -> memref<32x1024xf32, #tpu.memory_space<hbm>>
    %dma_wait3A_1062 = arith.constant 0 : i32
    %dma_wait3A_1063 = arith.constant 0 : i32
    %dma_wait3A_1064 = tpu.memref_slice %arg3[%dma_wait3A_1054, %dma_wait3A_1062, %dma_wait3A_1063] : memref<32x32x1024xf32, #tpu.memory_space<vmem_shared>> -> memref<1x32x1024xf32, #tpu.memory_space<vmem_shared>>
    %dma_wait3A_1065 = tpu.memref_squeeze %dma_wait3A_1064 : memref<1x32x1024xf32, #tpu.memory_space<vmem_shared>> -> memref<32x1024xf32, #tpu.memory_space<vmem_shared>>
    tpu.wait_dma2 semaphore(%dma_wait3A_1058 : memref<!tpu.dma_semaphore, #tpu.memory_space<semaphore_mem>>) src(%dma_wait3A_1065 : memref<32x1024xf32, #tpu.memory_space<vmem_shared>>) dst(%dma_wait3A_1061 : memref<32x1024xf32, #tpu.memory_space<hbm>>)
    %add3A_1066 = arith.constant 1216 : i32
    %add3A_1067 = arith.addi %mul3A_0, %add3A_1066 : i32
    %dma_start3A_1068 = arith.constant 6 : i32
    %dma_start3A_1069 = arith.constant 6 : i32
    %dma_start3A_1070 = tpu.memref_slice %arg4[%dma_start3A_1069] : memref<32x!tpu.dma_semaphore, #tpu.memory_space<semaphore_mem>> -> memref<1x!tpu.dma_semaphore, #tpu.memory_space<semaphore_mem>>
    %dma_start3A_1071 = tpu.memref_squeeze %dma_start3A_1070 : memref<1x!tpu.dma_semaphore, #tpu.memory_space<semaphore_mem>> -> memref<!tpu.dma_semaphore, #tpu.memory_space<semaphore_mem>>
    %dma_start3A_1072 = arith.constant 0 : i32
    %dma_start3A_1073 = arith.constant 0 : i32
    %dma_start3A_1074 = tpu.memref_slice %arg3[%dma_start3A_1068, %dma_start3A_1072, %dma_start3A_1073] : memref<32x32x1024xf32, #tpu.memory_space<vmem_shared>> -> memref<1x32x1024xf32, #tpu.memory_space<vmem_shared>>
    %dma_start3A_1075 = tpu.memref_squeeze %dma_start3A_1074 : memref<1x32x1024xf32, #tpu.memory_space<vmem_shared>> -> memref<32x1024xf32, #tpu.memory_space<vmem_shared>>
    %dma_start3A_1076 = arith.constant 0 : i32
    %dma_start3A_1077 = tpu.memref_slice %arg1[%add3A_1067, %dma_start3A_1076] : memref<8192x1024xf32, #tpu.memory_space<hbm>> -> memref<32x1024xf32, #tpu.memory_space<hbm>>
    tpu.enqueue_dma source(%dma_start3A_1077 : memref<32x1024xf32, #tpu.memory_space<hbm>>) target(%dma_start3A_1075 : memref<32x1024xf32, #tpu.memory_space<vmem_shared>>) target_semaphore(%dma_start3A_1071 : memref<!tpu.dma_semaphore, #tpu.memory_space<semaphore_mem>>)
    %dma_wait3A_1078 = arith.constant 22 : i32
    %dma_wait3A_1079 = arith.constant 22 : i32
    %dma_wait3A_1080 = tpu.memref_slice %arg4[%dma_wait3A_1079] : memref<32x!tpu.dma_semaphore, #tpu.memory_space<semaphore_mem>> -> memref<1x!tpu.dma_semaphore, #tpu.memory_space<semaphore_mem>>
    %dma_wait3A_1081 = tpu.memref_squeeze %dma_wait3A_1080 : memref<1x!tpu.dma_semaphore, #tpu.memory_space<semaphore_mem>> -> memref<!tpu.dma_semaphore, #tpu.memory_space<semaphore_mem>>
    %dma_wait3A_1082 = arith.constant 0 : i32
    %dma_wait3A_1083 = arith.constant 0 : i32
    %dma_wait3A_1084 = tpu.memref_slice %arg3[%dma_wait3A_1078, %dma_wait3A_1082, %dma_wait3A_1083] : memref<32x32x1024xf32, #tpu.memory_space<vmem_shared>> -> memref<1x32x1024xf32, #tpu.memory_space<vmem_shared>>
    %dma_wait3A_1085 = tpu.memref_squeeze %dma_wait3A_1084 : memref<1x32x1024xf32, #tpu.memory_space<vmem_shared>> -> memref<32x1024xf32, #tpu.memory_space<vmem_shared>>
    %dma_wait3A_1086 = arith.constant 0 : i32
    %dma_wait3A_1087 = tpu.memref_slice %arg1[%mul3A_0, %dma_wait3A_1086] : memref<8192x1024xf32, #tpu.memory_space<hbm>> -> memref<32x1024xf32, #tpu.memory_space<hbm>>
    tpu.wait_dma2 semaphore(%dma_wait3A_1081 : memref<!tpu.dma_semaphore, #tpu.memory_space<semaphore_mem>>) src(%dma_wait3A_1087 : memref<32x1024xf32, #tpu.memory_space<hbm>>) dst(%dma_wait3A_1085 : memref<32x1024xf32, #tpu.memory_space<vmem_shared>>)
    %add3A_1088 = arith.constant 704 : i32
    %add3A_1089 = arith.addi %mul3A_0, %add3A_1088 : i32
    %dma_start3A_1090 = arith.constant 22 : i32
    %dma_start3A_1091 = arith.constant 0 : i32
    %dma_start3A_1092 = arith.constant 22 : i32
    %dma_start3A_1093 = tpu.memref_slice %arg5[%dma_start3A_1092] : memref<32x!tpu.dma_semaphore, #tpu.memory_space<semaphore_mem>> -> memref<1x!tpu.dma_semaphore, #tpu.memory_space<semaphore_mem>>
    %dma_start3A_1094 = tpu.memref_squeeze %dma_start3A_1093 : memref<1x!tpu.dma_semaphore, #tpu.memory_space<semaphore_mem>> -> memref<!tpu.dma_semaphore, #tpu.memory_space<semaphore_mem>>
    %dma_start3A_1095 = arith.constant 0 : i32
    %dma_start3A_1096 = tpu.memref_slice %arg2[%dma_start3A_1091, %add3A_1089, %dma_start3A_1095] : memref<1x4096x1024xf32, #tpu.memory_space<hbm>> -> memref<1x32x1024xf32, #tpu.memory_space<hbm>>
    %dma_start3A_1097 = tpu.memref_squeeze %dma_start3A_1096 : memref<1x32x1024xf32, #tpu.memory_space<hbm>> -> memref<32x1024xf32, #tpu.memory_space<hbm>>
    %dma_start3A_1098 = arith.constant 0 : i32
    %dma_start3A_1099 = arith.constant 0 : i32
    %dma_start3A_1100 = tpu.memref_slice %arg3[%dma_start3A_1090, %dma_start3A_1098, %dma_start3A_1099] : memref<32x32x1024xf32, #tpu.memory_space<vmem_shared>> -> memref<1x32x1024xf32, #tpu.memory_space<vmem_shared>>
    %dma_start3A_1101 = tpu.memref_squeeze %dma_start3A_1100 : memref<1x32x1024xf32, #tpu.memory_space<vmem_shared>> -> memref<32x1024xf32, #tpu.memory_space<vmem_shared>>
    tpu.enqueue_dma source(%dma_start3A_1101 : memref<32x1024xf32, #tpu.memory_space<vmem_shared>>) target(%dma_start3A_1097 : memref<32x1024xf32, #tpu.memory_space<hbm>>) target_semaphore(%dma_start3A_1094 : memref<!tpu.dma_semaphore, #tpu.memory_space<semaphore_mem>>)
    %dma_wait3A_1102 = arith.constant 7 : i32
    %dma_wait3A_1103 = arith.constant 0 : i32
    %dma_wait3A_1104 = arith.constant 7 : i32
    %dma_wait3A_1105 = tpu.memref_slice %arg5[%dma_wait3A_1104] : memref<32x!tpu.dma_semaphore, #tpu.memory_space<semaphore_mem>> -> memref<1x!tpu.dma_semaphore, #tpu.memory_space<semaphore_mem>>
    %dma_wait3A_1106 = tpu.memref_squeeze %dma_wait3A_1105 : memref<1x!tpu.dma_semaphore, #tpu.memory_space<semaphore_mem>> -> memref<!tpu.dma_semaphore, #tpu.memory_space<semaphore_mem>>
    %dma_wait3A_1107 = arith.constant 0 : i32
    %dma_wait3A_1108 = tpu.memref_slice %arg2[%dma_wait3A_1103, %mul3A_0, %dma_wait3A_1107] : memref<1x4096x1024xf32, #tpu.memory_space<hbm>> -> memref<1x32x1024xf32, #tpu.memory_space<hbm>>
    %dma_wait3A_1109 = tpu.memref_squeeze %dma_wait3A_1108 : memref<1x32x1024xf32, #tpu.memory_space<hbm>> -> memref<32x1024xf32, #tpu.memory_space<hbm>>
    %dma_wait3A_1110 = arith.constant 0 : i32
    %dma_wait3A_1111 = arith.constant 0 : i32
    %dma_wait3A_1112 = tpu.memref_slice %arg3[%dma_wait3A_1102, %dma_wait3A_1110, %dma_wait3A_1111] : memref<32x32x1024xf32, #tpu.memory_space<vmem_shared>> -> memref<1x32x1024xf32, #tpu.memory_space<vmem_shared>>
    %dma_wait3A_1113 = tpu.memref_squeeze %dma_wait3A_1112 : memref<1x32x1024xf32, #tpu.memory_space<vmem_shared>> -> memref<32x1024xf32, #tpu.memory_space<vmem_shared>>
    tpu.wait_dma2 semaphore(%dma_wait3A_1106 : memref<!tpu.dma_semaphore, #tpu.memory_space<semaphore_mem>>) src(%dma_wait3A_1113 : memref<32x1024xf32, #tpu.memory_space<vmem_shared>>) dst(%dma_wait3A_1109 : memref<32x1024xf32, #tpu.memory_space<hbm>>)
    %add3A_1114 = arith.constant 1248 : i32
    %add3A_1115 = arith.addi %mul3A_0, %add3A_1114 : i32
    %dma_start3A_1116 = arith.constant 7 : i32
    %dma_start3A_1117 = arith.constant 7 : i32
    %dma_start3A_1118 = tpu.memref_slice %arg4[%dma_start3A_1117] : memref<32x!tpu.dma_semaphore, #tpu.memory_space<semaphore_mem>> -> memref<1x!tpu.dma_semaphore, #tpu.memory_space<semaphore_mem>>
    %dma_start3A_1119 = tpu.memref_squeeze %dma_start3A_1118 : memref<1x!tpu.dma_semaphore, #tpu.memory_space<semaphore_mem>> -> memref<!tpu.dma_semaphore, #tpu.memory_space<semaphore_mem>>
    %dma_start3A_1120 = arith.constant 0 : i32
    %dma_start3A_1121 = arith.constant 0 : i32
    %dma_start3A_1122 = tpu.memref_slice %arg3[%dma_start3A_1116, %dma_start3A_1120, %dma_start3A_1121] : memref<32x32x1024xf32, #tpu.memory_space<vmem_shared>> -> memref<1x32x1024xf32, #tpu.memory_space<vmem_shared>>
    %dma_start3A_1123 = tpu.memref_squeeze %dma_start3A_1122 : memref<1x32x1024xf32, #tpu.memory_space<vmem_shared>> -> memref<32x1024xf32, #tpu.memory_space<vmem_shared>>
    %dma_start3A_1124 = arith.constant 0 : i32
    %dma_start3A_1125 = tpu.memref_slice %arg1[%add3A_1115, %dma_start3A_1124] : memref<8192x1024xf32, #tpu.memory_space<hbm>> -> memref<32x1024xf32, #tpu.memory_space<hbm>>
    tpu.enqueue_dma source(%dma_start3A_1125 : memref<32x1024xf32, #tpu.memory_space<hbm>>) target(%dma_start3A_1123 : memref<32x1024xf32, #tpu.memory_space<vmem_shared>>) target_semaphore(%dma_start3A_1119 : memref<!tpu.dma_semaphore, #tpu.memory_space<semaphore_mem>>)
    %dma_wait3A_1126 = arith.constant 23 : i32
    %dma_wait3A_1127 = arith.constant 23 : i32
    %dma_wait3A_1128 = tpu.memref_slice %arg4[%dma_wait3A_1127] : memref<32x!tpu.dma_semaphore, #tpu.memory_space<semaphore_mem>> -> memref<1x!tpu.dma_semaphore, #tpu.memory_space<semaphore_mem>>
    %dma_wait3A_1129 = tpu.memref_squeeze %dma_wait3A_1128 : memref<1x!tpu.dma_semaphore, #tpu.memory_space<semaphore_mem>> -> memref<!tpu.dma_semaphore, #tpu.memory_space<semaphore_mem>>
    %dma_wait3A_1130 = arith.constant 0 : i32
    %dma_wait3A_1131 = arith.constant 0 : i32
    %dma_wait3A_1132 = tpu.memref_slice %arg3[%dma_wait3A_1126, %dma_wait3A_1130, %dma_wait3A_1131] : memref<32x32x1024xf32, #tpu.memory_space<vmem_shared>> -> memref<1x32x1024xf32, #tpu.memory_space<vmem_shared>>
    %dma_wait3A_1133 = tpu.memref_squeeze %dma_wait3A_1132 : memref<1x32x1024xf32, #tpu.memory_space<vmem_shared>> -> memref<32x1024xf32, #tpu.memory_space<vmem_shared>>
    %dma_wait3A_1134 = arith.constant 0 : i32
    %dma_wait3A_1135 = tpu.memref_slice %arg1[%mul3A_0, %dma_wait3A_1134] : memref<8192x1024xf32, #tpu.memory_space<hbm>> -> memref<32x1024xf32, #tpu.memory_space<hbm>>
    tpu.wait_dma2 semaphore(%dma_wait3A_1129 : memref<!tpu.dma_semaphore, #tpu.memory_space<semaphore_mem>>) src(%dma_wait3A_1135 : memref<32x1024xf32, #tpu.memory_space<hbm>>) dst(%dma_wait3A_1133 : memref<32x1024xf32, #tpu.memory_space<vmem_shared>>)
    %add3A_1136 = arith.constant 736 : i32
    %add3A_1137 = arith.addi %mul3A_0, %add3A_1136 : i32
    %dma_start3A_1138 = arith.constant 23 : i32
    %dma_start3A_1139 = arith.constant 0 : i32
    %dma_start3A_1140 = arith.constant 23 : i32
    %dma_start3A_1141 = tpu.memref_slice %arg5[%dma_start3A_1140] : memref<32x!tpu.dma_semaphore, #tpu.memory_space<semaphore_mem>> -> memref<1x!tpu.dma_semaphore, #tpu.memory_space<semaphore_mem>>
    %dma_start3A_1142 = tpu.memref_squeeze %dma_start3A_1141 : memref<1x!tpu.dma_semaphore, #tpu.memory_space<semaphore_mem>> -> memref<!tpu.dma_semaphore, #tpu.memory_space<semaphore_mem>>
    %dma_start3A_1143 = arith.constant 0 : i32
    %dma_start3A_1144 = tpu.memref_slice %arg2[%dma_start3A_1139, %add3A_1137, %dma_start3A_1143] : memref<1x4096x1024xf32, #tpu.memory_space<hbm>> -> memref<1x32x1024xf32, #tpu.memory_space<hbm>>
    %dma_start3A_1145 = tpu.memref_squeeze %dma_start3A_1144 : memref<1x32x1024xf32, #tpu.memory_space<hbm>> -> memref<32x1024xf32, #tpu.memory_space<hbm>>
    %dma_start3A_1146 = arith.constant 0 : i32
    %dma_start3A_1147 = arith.constant 0 : i32
    %dma_start3A_1148 = tpu.memref_slice %arg3[%dma_start3A_1138, %dma_start3A_1146, %dma_start3A_1147] : memref<32x32x1024xf32, #tpu.memory_space<vmem_shared>> -> memref<1x32x1024xf32, #tpu.memory_space<vmem_shared>>
    %dma_start3A_1149 = tpu.memref_squeeze %dma_start3A_1148 : memref<1x32x1024xf32, #tpu.memory_space<vmem_shared>> -> memref<32x1024xf32, #tpu.memory_space<vmem_shared>>
    tpu.enqueue_dma source(%dma_start3A_1149 : memref<32x1024xf32, #tpu.memory_space<vmem_shared>>) target(%dma_start3A_1145 : memref<32x1024xf32, #tpu.memory_space<hbm>>) target_semaphore(%dma_start3A_1142 : memref<!tpu.dma_semaphore, #tpu.memory_space<semaphore_mem>>)
    %dma_wait3A_1150 = arith.constant 8 : i32
    %dma_wait3A_1151 = arith.constant 0 : i32
    %dma_wait3A_1152 = arith.constant 8 : i32
    %dma_wait3A_1153 = tpu.memref_slice %arg5[%dma_wait3A_1152] : memref<32x!tpu.dma_semaphore, #tpu.memory_space<semaphore_mem>> -> memref<1x!tpu.dma_semaphore, #tpu.memory_space<semaphore_mem>>
    %dma_wait3A_1154 = tpu.memref_squeeze %dma_wait3A_1153 : memref<1x!tpu.dma_semaphore, #tpu.memory_space<semaphore_mem>> -> memref<!tpu.dma_semaphore, #tpu.memory_space<semaphore_mem>>
    %dma_wait3A_1155 = arith.constant 0 : i32
    %dma_wait3A_1156 = tpu.memref_slice %arg2[%dma_wait3A_1151, %mul3A_0, %dma_wait3A_1155] : memref<1x4096x1024xf32, #tpu.memory_space<hbm>> -> memref<1x32x1024xf32, #tpu.memory_space<hbm>>
    %dma_wait3A_1157 = tpu.memref_squeeze %dma_wait3A_1156 : memref<1x32x1024xf32, #tpu.memory_space<hbm>> -> memref<32x1024xf32, #tpu.memory_space<hbm>>
    %dma_wait3A_1158 = arith.constant 0 : i32
    %dma_wait3A_1159 = arith.constant 0 : i32
    %dma_wait3A_1160 = tpu.memref_slice %arg3[%dma_wait3A_1150, %dma_wait3A_1158, %dma_wait3A_1159] : memref<32x32x1024xf32, #tpu.memory_space<vmem_shared>> -> memref<1x32x1024xf32, #tpu.memory_space<vmem_shared>>
    %dma_wait3A_1161 = tpu.memref_squeeze %dma_wait3A_1160 : memref<1x32x1024xf32, #tpu.memory_space<vmem_shared>> -> memref<32x1024xf32, #tpu.memory_space<vmem_shared>>
    tpu.wait_dma2 semaphore(%dma_wait3A_1154 : memref<!tpu.dma_semaphore, #tpu.memory_space<semaphore_mem>>) src(%dma_wait3A_1161 : memref<32x1024xf32, #tpu.memory_space<vmem_shared>>) dst(%dma_wait3A_1157 : memref<32x1024xf32, #tpu.memory_space<hbm>>)
    %add3A_1162 = arith.constant 1280 : i32
    %add3A_1163 = arith.addi %mul3A_0, %add3A_1162 : i32
    %dma_start3A_1164 = arith.constant 8 : i32
    %dma_start3A_1165 = arith.constant 8 : i32
    %dma_start3A_1166 = tpu.memref_slice %arg4[%dma_start3A_1165] : memref<32x!tpu.dma_semaphore, #tpu.memory_space<semaphore_mem>> -> memref<1x!tpu.dma_semaphore, #tpu.memory_space<semaphore_mem>>
    %dma_start3A_1167 = tpu.memref_squeeze %dma_start3A_1166 : memref<1x!tpu.dma_semaphore, #tpu.memory_space<semaphore_mem>> -> memref<!tpu.dma_semaphore, #tpu.memory_space<semaphore_mem>>
    %dma_start3A_1168 = arith.constant 0 : i32
    %dma_start3A_1169 = arith.constant 0 : i32
    %dma_start3A_1170 = tpu.memref_slice %arg3[%dma_start3A_1164, %dma_start3A_1168, %dma_start3A_1169] : memref<32x32x1024xf32, #tpu.memory_space<vmem_shared>> -> memref<1x32x1024xf32, #tpu.memory_space<vmem_shared>>
    %dma_start3A_1171 = tpu.memref_squeeze %dma_start3A_1170 : memref<1x32x1024xf32, #tpu.memory_space<vmem_shared>> -> memref<32x1024xf32, #tpu.memory_space<vmem_shared>>
    %dma_start3A_1172 = arith.constant 0 : i32
    %dma_start3A_1173 = tpu.memref_slice %arg1[%add3A_1163, %dma_start3A_1172] : memref<8192x1024xf32, #tpu.memory_space<hbm>> -> memref<32x1024xf32, #tpu.memory_space<hbm>>
    tpu.enqueue_dma source(%dma_start3A_1173 : memref<32x1024xf32, #tpu.memory_space<hbm>>) target(%dma_start3A_1171 : memref<32x1024xf32, #tpu.memory_space<vmem_shared>>) target_semaphore(%dma_start3A_1167 : memref<!tpu.dma_semaphore, #tpu.memory_space<semaphore_mem>>)
    %dma_wait3A_1174 = arith.constant 24 : i32
    %dma_wait3A_1175 = arith.constant 24 : i32
    %dma_wait3A_1176 = tpu.memref_slice %arg4[%dma_wait3A_1175] : memref<32x!tpu.dma_semaphore, #tpu.memory_space<semaphore_mem>> -> memref<1x!tpu.dma_semaphore, #tpu.memory_space<semaphore_mem>>
    %dma_wait3A_1177 = tpu.memref_squeeze %dma_wait3A_1176 : memref<1x!tpu.dma_semaphore, #tpu.memory_space<semaphore_mem>> -> memref<!tpu.dma_semaphore, #tpu.memory_space<semaphore_mem>>
    %dma_wait3A_1178 = arith.constant 0 : i32
    %dma_wait3A_1179 = arith.constant 0 : i32
    %dma_wait3A_1180 = tpu.memref_slice %arg3[%dma_wait3A_1174, %dma_wait3A_1178, %dma_wait3A_1179] : memref<32x32x1024xf32, #tpu.memory_space<vmem_shared>> -> memref<1x32x1024xf32, #tpu.memory_space<vmem_shared>>
    %dma_wait3A_1181 = tpu.memref_squeeze %dma_wait3A_1180 : memref<1x32x1024xf32, #tpu.memory_space<vmem_shared>> -> memref<32x1024xf32, #tpu.memory_space<vmem_shared>>
    %dma_wait3A_1182 = arith.constant 0 : i32
    %dma_wait3A_1183 = tpu.memref_slice %arg1[%mul3A_0, %dma_wait3A_1182] : memref<8192x1024xf32, #tpu.memory_space<hbm>> -> memref<32x1024xf32, #tpu.memory_space<hbm>>
    tpu.wait_dma2 semaphore(%dma_wait3A_1177 : memref<!tpu.dma_semaphore, #tpu.memory_space<semaphore_mem>>) src(%dma_wait3A_1183 : memref<32x1024xf32, #tpu.memory_space<hbm>>) dst(%dma_wait3A_1181 : memref<32x1024xf32, #tpu.memory_space<vmem_shared>>)
    %add3A_1184 = arith.constant 768 : i32
    %add3A_1185 = arith.addi %mul3A_0, %add3A_1184 : i32
    %dma_start3A_1186 = arith.constant 24 : i32
    %dma_start3A_1187 = arith.constant 0 : i32
    %dma_start3A_1188 = arith.constant 24 : i32
    %dma_start3A_1189 = tpu.memref_slice %arg5[%dma_start3A_1188] : memref<32x!tpu.dma_semaphore, #tpu.memory_space<semaphore_mem>> -> memref<1x!tpu.dma_semaphore, #tpu.memory_space<semaphore_mem>>
    %dma_start3A_1190 = tpu.memref_squeeze %dma_start3A_1189 : memref<1x!tpu.dma_semaphore, #tpu.memory_space<semaphore_mem>> -> memref<!tpu.dma_semaphore, #tpu.memory_space<semaphore_mem>>
    %dma_start3A_1191 = arith.constant 0 : i32
    %dma_start3A_1192 = tpu.memref_slice %arg2[%dma_start3A_1187, %add3A_1185, %dma_start3A_1191] : memref<1x4096x1024xf32, #tpu.memory_space<hbm>> -> memref<1x32x1024xf32, #tpu.memory_space<hbm>>
    %dma_start3A_1193 = tpu.memref_squeeze %dma_start3A_1192 : memref<1x32x1024xf32, #tpu.memory_space<hbm>> -> memref<32x1024xf32, #tpu.memory_space<hbm>>
    %dma_start3A_1194 = arith.constant 0 : i32
    %dma_start3A_1195 = arith.constant 0 : i32
    %dma_start3A_1196 = tpu.memref_slice %arg3[%dma_start3A_1186, %dma_start3A_1194, %dma_start3A_1195] : memref<32x32x1024xf32, #tpu.memory_space<vmem_shared>> -> memref<1x32x1024xf32, #tpu.memory_space<vmem_shared>>
    %dma_start3A_1197 = tpu.memref_squeeze %dma_start3A_1196 : memref<1x32x1024xf32, #tpu.memory_space<vmem_shared>> -> memref<32x1024xf32, #tpu.memory_space<vmem_shared>>
    tpu.enqueue_dma source(%dma_start3A_1197 : memref<32x1024xf32, #tpu.memory_space<vmem_shared>>) target(%dma_start3A_1193 : memref<32x1024xf32, #tpu.memory_space<hbm>>) target_semaphore(%dma_start3A_1190 : memref<!tpu.dma_semaphore, #tpu.memory_space<semaphore_mem>>)
    %dma_wait3A_1198 = arith.constant 9 : i32
    %dma_wait3A_1199 = arith.constant 0 : i32
    %dma_wait3A_1200 = arith.constant 9 : i32
    %dma_wait3A_1201 = tpu.memref_slice %arg5[%dma_wait3A_1200] : memref<32x!tpu.dma_semaphore, #tpu.memory_space<semaphore_mem>> -> memref<1x!tpu.dma_semaphore, #tpu.memory_space<semaphore_mem>>
    %dma_wait3A_1202 = tpu.memref_squeeze %dma_wait3A_1201 : memref<1x!tpu.dma_semaphore, #tpu.memory_space<semaphore_mem>> -> memref<!tpu.dma_semaphore, #tpu.memory_space<semaphore_mem>>
    %dma_wait3A_1203 = arith.constant 0 : i32
    %dma_wait3A_1204 = tpu.memref_slice %arg2[%dma_wait3A_1199, %mul3A_0, %dma_wait3A_1203] : memref<1x4096x1024xf32, #tpu.memory_space<hbm>> -> memref<1x32x1024xf32, #tpu.memory_space<hbm>>
    %dma_wait3A_1205 = tpu.memref_squeeze %dma_wait3A_1204 : memref<1x32x1024xf32, #tpu.memory_space<hbm>> -> memref<32x1024xf32, #tpu.memory_space<hbm>>
    %dma_wait3A_1206 = arith.constant 0 : i32
    %dma_wait3A_1207 = arith.constant 0 : i32
    %dma_wait3A_1208 = tpu.memref_slice %arg3[%dma_wait3A_1198, %dma_wait3A_1206, %dma_wait3A_1207] : memref<32x32x1024xf32, #tpu.memory_space<vmem_shared>> -> memref<1x32x1024xf32, #tpu.memory_space<vmem_shared>>
    %dma_wait3A_1209 = tpu.memref_squeeze %dma_wait3A_1208 : memref<1x32x1024xf32, #tpu.memory_space<vmem_shared>> -> memref<32x1024xf32, #tpu.memory_space<vmem_shared>>
    tpu.wait_dma2 semaphore(%dma_wait3A_1202 : memref<!tpu.dma_semaphore, #tpu.memory_space<semaphore_mem>>) src(%dma_wait3A_1209 : memref<32x1024xf32, #tpu.memory_space<vmem_shared>>) dst(%dma_wait3A_1205 : memref<32x1024xf32, #tpu.memory_space<hbm>>)
    %add3A_1210 = arith.constant 1312 : i32
    %add3A_1211 = arith.addi %mul3A_0, %add3A_1210 : i32
    %dma_start3A_1212 = arith.constant 9 : i32
    %dma_start3A_1213 = arith.constant 9 : i32
    %dma_start3A_1214 = tpu.memref_slice %arg4[%dma_start3A_1213] : memref<32x!tpu.dma_semaphore, #tpu.memory_space<semaphore_mem>> -> memref<1x!tpu.dma_semaphore, #tpu.memory_space<semaphore_mem>>
    %dma_start3A_1215 = tpu.memref_squeeze %dma_start3A_1214 : memref<1x!tpu.dma_semaphore, #tpu.memory_space<semaphore_mem>> -> memref<!tpu.dma_semaphore, #tpu.memory_space<semaphore_mem>>
    %dma_start3A_1216 = arith.constant 0 : i32
    %dma_start3A_1217 = arith.constant 0 : i32
    %dma_start3A_1218 = tpu.memref_slice %arg3[%dma_start3A_1212, %dma_start3A_1216, %dma_start3A_1217] : memref<32x32x1024xf32, #tpu.memory_space<vmem_shared>> -> memref<1x32x1024xf32, #tpu.memory_space<vmem_shared>>
    %dma_start3A_1219 = tpu.memref_squeeze %dma_start3A_1218 : memref<1x32x1024xf32, #tpu.memory_space<vmem_shared>> -> memref<32x1024xf32, #tpu.memory_space<vmem_shared>>
    %dma_start3A_1220 = arith.constant 0 : i32
    %dma_start3A_1221 = tpu.memref_slice %arg1[%add3A_1211, %dma_start3A_1220] : memref<8192x1024xf32, #tpu.memory_space<hbm>> -> memref<32x1024xf32, #tpu.memory_space<hbm>>
    tpu.enqueue_dma source(%dma_start3A_1221 : memref<32x1024xf32, #tpu.memory_space<hbm>>) target(%dma_start3A_1219 : memref<32x1024xf32, #tpu.memory_space<vmem_shared>>) target_semaphore(%dma_start3A_1215 : memref<!tpu.dma_semaphore, #tpu.memory_space<semaphore_mem>>)
    %dma_wait3A_1222 = arith.constant 25 : i32
    %dma_wait3A_1223 = arith.constant 25 : i32
    %dma_wait3A_1224 = tpu.memref_slice %arg4[%dma_wait3A_1223] : memref<32x!tpu.dma_semaphore, #tpu.memory_space<semaphore_mem>> -> memref<1x!tpu.dma_semaphore, #tpu.memory_space<semaphore_mem>>
    %dma_wait3A_1225 = tpu.memref_squeeze %dma_wait3A_1224 : memref<1x!tpu.dma_semaphore, #tpu.memory_space<semaphore_mem>> -> memref<!tpu.dma_semaphore, #tpu.memory_space<semaphore_mem>>
    %dma_wait3A_1226 = arith.constant 0 : i32
    %dma_wait3A_1227 = arith.constant 0 : i32
    %dma_wait3A_1228 = tpu.memref_slice %arg3[%dma_wait3A_1222, %dma_wait3A_1226, %dma_wait3A_1227] : memref<32x32x1024xf32, #tpu.memory_space<vmem_shared>> -> memref<1x32x1024xf32, #tpu.memory_space<vmem_shared>>
    %dma_wait3A_1229 = tpu.memref_squeeze %dma_wait3A_1228 : memref<1x32x1024xf32, #tpu.memory_space<vmem_shared>> -> memref<32x1024xf32, #tpu.memory_space<vmem_shared>>
    %dma_wait3A_1230 = arith.constant 0 : i32
    %dma_wait3A_1231 = tpu.memref_slice %arg1[%mul3A_0, %dma_wait3A_1230] : memref<8192x1024xf32, #tpu.memory_space<hbm>> -> memref<32x1024xf32, #tpu.memory_space<hbm>>
    tpu.wait_dma2 semaphore(%dma_wait3A_1225 : memref<!tpu.dma_semaphore, #tpu.memory_space<semaphore_mem>>) src(%dma_wait3A_1231 : memref<32x1024xf32, #tpu.memory_space<hbm>>) dst(%dma_wait3A_1229 : memref<32x1024xf32, #tpu.memory_space<vmem_shared>>)
    %add3A_1232 = arith.constant 800 : i32
    %add3A_1233 = arith.addi %mul3A_0, %add3A_1232 : i32
    %dma_start3A_1234 = arith.constant 25 : i32
    %dma_start3A_1235 = arith.constant 0 : i32
    %dma_start3A_1236 = arith.constant 25 : i32
    %dma_start3A_1237 = tpu.memref_slice %arg5[%dma_start3A_1236] : memref<32x!tpu.dma_semaphore, #tpu.memory_space<semaphore_mem>> -> memref<1x!tpu.dma_semaphore, #tpu.memory_space<semaphore_mem>>
    %dma_start3A_1238 = tpu.memref_squeeze %dma_start3A_1237 : memref<1x!tpu.dma_semaphore, #tpu.memory_space<semaphore_mem>> -> memref<!tpu.dma_semaphore, #tpu.memory_space<semaphore_mem>>
    %dma_start3A_1239 = arith.constant 0 : i32
    %dma_start3A_1240 = tpu.memref_slice %arg2[%dma_start3A_1235, %add3A_1233, %dma_start3A_1239] : memref<1x4096x1024xf32, #tpu.memory_space<hbm>> -> memref<1x32x1024xf32, #tpu.memory_space<hbm>>
    %dma_start3A_1241 = tpu.memref_squeeze %dma_start3A_1240 : memref<1x32x1024xf32, #tpu.memory_space<hbm>> -> memref<32x1024xf32, #tpu.memory_space<hbm>>
    %dma_start3A_1242 = arith.constant 0 : i32
    %dma_start3A_1243 = arith.constant 0 : i32
    %dma_start3A_1244 = tpu.memref_slice %arg3[%dma_start3A_1234, %dma_start3A_1242, %dma_start3A_1243] : memref<32x32x1024xf32, #tpu.memory_space<vmem_shared>> -> memref<1x32x1024xf32, #tpu.memory_space<vmem_shared>>
    %dma_start3A_1245 = tpu.memref_squeeze %dma_start3A_1244 : memref<1x32x1024xf32, #tpu.memory_space<vmem_shared>> -> memref<32x1024xf32, #tpu.memory_space<vmem_shared>>
    tpu.enqueue_dma source(%dma_start3A_1245 : memref<32x1024xf32, #tpu.memory_space<vmem_shared>>) target(%dma_start3A_1241 : memref<32x1024xf32, #tpu.memory_space<hbm>>) target_semaphore(%dma_start3A_1238 : memref<!tpu.dma_semaphore, #tpu.memory_space<semaphore_mem>>)
    %dma_wait3A_1246 = arith.constant 10 : i32
    %dma_wait3A_1247 = arith.constant 0 : i32
    %dma_wait3A_1248 = arith.constant 10 : i32
    %dma_wait3A_1249 = tpu.memref_slice %arg5[%dma_wait3A_1248] : memref<32x!tpu.dma_semaphore, #tpu.memory_space<semaphore_mem>> -> memref<1x!tpu.dma_semaphore, #tpu.memory_space<semaphore_mem>>
    %dma_wait3A_1250 = tpu.memref_squeeze %dma_wait3A_1249 : memref<1x!tpu.dma_semaphore, #tpu.memory_space<semaphore_mem>> -> memref<!tpu.dma_semaphore, #tpu.memory_space<semaphore_mem>>
    %dma_wait3A_1251 = arith.constant 0 : i32
    %dma_wait3A_1252 = tpu.memref_slice %arg2[%dma_wait3A_1247, %mul3A_0, %dma_wait3A_1251] : memref<1x4096x1024xf32, #tpu.memory_space<hbm>> -> memref<1x32x1024xf32, #tpu.memory_space<hbm>>
    %dma_wait3A_1253 = tpu.memref_squeeze %dma_wait3A_1252 : memref<1x32x1024xf32, #tpu.memory_space<hbm>> -> memref<32x1024xf32, #tpu.memory_space<hbm>>
    %dma_wait3A_1254 = arith.constant 0 : i32
    %dma_wait3A_1255 = arith.constant 0 : i32
    %dma_wait3A_1256 = tpu.memref_slice %arg3[%dma_wait3A_1246, %dma_wait3A_1254, %dma_wait3A_1255] : memref<32x32x1024xf32, #tpu.memory_space<vmem_shared>> -> memref<1x32x1024xf32, #tpu.memory_space<vmem_shared>>
    %dma_wait3A_1257 = tpu.memref_squeeze %dma_wait3A_1256 : memref<1x32x1024xf32, #tpu.memory_space<vmem_shared>> -> memref<32x1024xf32, #tpu.memory_space<vmem_shared>>
    tpu.wait_dma2 semaphore(%dma_wait3A_1250 : memref<!tpu.dma_semaphore, #tpu.memory_space<semaphore_mem>>) src(%dma_wait3A_1257 : memref<32x1024xf32, #tpu.memory_space<vmem_shared>>) dst(%dma_wait3A_1253 : memref<32x1024xf32, #tpu.memory_space<hbm>>)
    %add3A_1258 = arith.constant 1344 : i32
    %add3A_1259 = arith.addi %mul3A_0, %add3A_1258 : i32
    %dma_start3A_1260 = arith.constant 10 : i32
    %dma_start3A_1261 = arith.constant 10 : i32
    %dma_start3A_1262 = tpu.memref_slice %arg4[%dma_start3A_1261] : memref<32x!tpu.dma_semaphore, #tpu.memory_space<semaphore_mem>> -> memref<1x!tpu.dma_semaphore, #tpu.memory_space<semaphore_mem>>
    %dma_start3A_1263 = tpu.memref_squeeze %dma_start3A_1262 : memref<1x!tpu.dma_semaphore, #tpu.memory_space<semaphore_mem>> -> memref<!tpu.dma_semaphore, #tpu.memory_space<semaphore_mem>>
    %dma_start3A_1264 = arith.constant 0 : i32
    %dma_start3A_1265 = arith.constant 0 : i32
    %dma_start3A_1266 = tpu.memref_slice %arg3[%dma_start3A_1260, %dma_start3A_1264, %dma_start3A_1265] : memref<32x32x1024xf32, #tpu.memory_space<vmem_shared>> -> memref<1x32x1024xf32, #tpu.memory_space<vmem_shared>>
    %dma_start3A_1267 = tpu.memref_squeeze %dma_start3A_1266 : memref<1x32x1024xf32, #tpu.memory_space<vmem_shared>> -> memref<32x1024xf32, #tpu.memory_space<vmem_shared>>
    %dma_start3A_1268 = arith.constant 0 : i32
    %dma_start3A_1269 = tpu.memref_slice %arg1[%add3A_1259, %dma_start3A_1268] : memref<8192x1024xf32, #tpu.memory_space<hbm>> -> memref<32x1024xf32, #tpu.memory_space<hbm>>
    tpu.enqueue_dma source(%dma_start3A_1269 : memref<32x1024xf32, #tpu.memory_space<hbm>>) target(%dma_start3A_1267 : memref<32x1024xf32, #tpu.memory_space<vmem_shared>>) target_semaphore(%dma_start3A_1263 : memref<!tpu.dma_semaphore, #tpu.memory_space<semaphore_mem>>)
    %dma_wait3A_1270 = arith.constant 26 : i32
    %dma_wait3A_1271 = arith.constant 26 : i32
    %dma_wait3A_1272 = tpu.memref_slice %arg4[%dma_wait3A_1271] : memref<32x!tpu.dma_semaphore, #tpu.memory_space<semaphore_mem>> -> memref<1x!tpu.dma_semaphore, #tpu.memory_space<semaphore_mem>>
    %dma_wait3A_1273 = tpu.memref_squeeze %dma_wait3A_1272 : memref<1x!tpu.dma_semaphore, #tpu.memory_space<semaphore_mem>> -> memref<!tpu.dma_semaphore, #tpu.memory_space<semaphore_mem>>
    %dma_wait3A_1274 = arith.constant 0 : i32
    %dma_wait3A_1275 = arith.constant 0 : i32
    %dma_wait3A_1276 = tpu.memref_slice %arg3[%dma_wait3A_1270, %dma_wait3A_1274, %dma_wait3A_1275] : memref<32x32x1024xf32, #tpu.memory_space<vmem_shared>> -> memref<1x32x1024xf32, #tpu.memory_space<vmem_shared>>
    %dma_wait3A_1277 = tpu.memref_squeeze %dma_wait3A_1276 : memref<1x32x1024xf32, #tpu.memory_space<vmem_shared>> -> memref<32x1024xf32, #tpu.memory_space<vmem_shared>>
    %dma_wait3A_1278 = arith.constant 0 : i32
    %dma_wait3A_1279 = tpu.memref_slice %arg1[%mul3A_0, %dma_wait3A_1278] : memref<8192x1024xf32, #tpu.memory_space<hbm>> -> memref<32x1024xf32, #tpu.memory_space<hbm>>
    tpu.wait_dma2 semaphore(%dma_wait3A_1273 : memref<!tpu.dma_semaphore, #tpu.memory_space<semaphore_mem>>) src(%dma_wait3A_1279 : memref<32x1024xf32, #tpu.memory_space<hbm>>) dst(%dma_wait3A_1277 : memref<32x1024xf32, #tpu.memory_space<vmem_shared>>)
    %add3A_1280 = arith.constant 832 : i32
    %add3A_1281 = arith.addi %mul3A_0, %add3A_1280 : i32
    %dma_start3A_1282 = arith.constant 26 : i32
    %dma_start3A_1283 = arith.constant 0 : i32
    %dma_start3A_1284 = arith.constant 26 : i32
    %dma_start3A_1285 = tpu.memref_slice %arg5[%dma_start3A_1284] : memref<32x!tpu.dma_semaphore, #tpu.memory_space<semaphore_mem>> -> memref<1x!tpu.dma_semaphore, #tpu.memory_space<semaphore_mem>>
    %dma_start3A_1286 = tpu.memref_squeeze %dma_start3A_1285 : memref<1x!tpu.dma_semaphore, #tpu.memory_space<semaphore_mem>> -> memref<!tpu.dma_semaphore, #tpu.memory_space<semaphore_mem>>
    %dma_start3A_1287 = arith.constant 0 : i32
    %dma_start3A_1288 = tpu.memref_slice %arg2[%dma_start3A_1283, %add3A_1281, %dma_start3A_1287] : memref<1x4096x1024xf32, #tpu.memory_space<hbm>> -> memref<1x32x1024xf32, #tpu.memory_space<hbm>>
    %dma_start3A_1289 = tpu.memref_squeeze %dma_start3A_1288 : memref<1x32x1024xf32, #tpu.memory_space<hbm>> -> memref<32x1024xf32, #tpu.memory_space<hbm>>
    %dma_start3A_1290 = arith.constant 0 : i32
    %dma_start3A_1291 = arith.constant 0 : i32
    %dma_start3A_1292 = tpu.memref_slice %arg3[%dma_start3A_1282, %dma_start3A_1290, %dma_start3A_1291] : memref<32x32x1024xf32, #tpu.memory_space<vmem_shared>> -> memref<1x32x1024xf32, #tpu.memory_space<vmem_shared>>
    %dma_start3A_1293 = tpu.memref_squeeze %dma_start3A_1292 : memref<1x32x1024xf32, #tpu.memory_space<vmem_shared>> -> memref<32x1024xf32, #tpu.memory_space<vmem_shared>>
    tpu.enqueue_dma source(%dma_start3A_1293 : memref<32x1024xf32, #tpu.memory_space<vmem_shared>>) target(%dma_start3A_1289 : memref<32x1024xf32, #tpu.memory_space<hbm>>) target_semaphore(%dma_start3A_1286 : memref<!tpu.dma_semaphore, #tpu.memory_space<semaphore_mem>>)
    %dma_wait3A_1294 = arith.constant 11 : i32
    %dma_wait3A_1295 = arith.constant 0 : i32
    %dma_wait3A_1296 = arith.constant 11 : i32
    %dma_wait3A_1297 = tpu.memref_slice %arg5[%dma_wait3A_1296] : memref<32x!tpu.dma_semaphore, #tpu.memory_space<semaphore_mem>> -> memref<1x!tpu.dma_semaphore, #tpu.memory_space<semaphore_mem>>
    %dma_wait3A_1298 = tpu.memref_squeeze %dma_wait3A_1297 : memref<1x!tpu.dma_semaphore, #tpu.memory_space<semaphore_mem>> -> memref<!tpu.dma_semaphore, #tpu.memory_space<semaphore_mem>>
    %dma_wait3A_1299 = arith.constant 0 : i32
    %dma_wait3A_1300 = tpu.memref_slice %arg2[%dma_wait3A_1295, %mul3A_0, %dma_wait3A_1299] : memref<1x4096x1024xf32, #tpu.memory_space<hbm>> -> memref<1x32x1024xf32, #tpu.memory_space<hbm>>
    %dma_wait3A_1301 = tpu.memref_squeeze %dma_wait3A_1300 : memref<1x32x1024xf32, #tpu.memory_space<hbm>> -> memref<32x1024xf32, #tpu.memory_space<hbm>>
    %dma_wait3A_1302 = arith.constant 0 : i32
    %dma_wait3A_1303 = arith.constant 0 : i32
    %dma_wait3A_1304 = tpu.memref_slice %arg3[%dma_wait3A_1294, %dma_wait3A_1302, %dma_wait3A_1303] : memref<32x32x1024xf32, #tpu.memory_space<vmem_shared>> -> memref<1x32x1024xf32, #tpu.memory_space<vmem_shared>>
    %dma_wait3A_1305 = tpu.memref_squeeze %dma_wait3A_1304 : memref<1x32x1024xf32, #tpu.memory_space<vmem_shared>> -> memref<32x1024xf32, #tpu.memory_space<vmem_shared>>
    tpu.wait_dma2 semaphore(%dma_wait3A_1298 : memref<!tpu.dma_semaphore, #tpu.memory_space<semaphore_mem>>) src(%dma_wait3A_1305 : memref<32x1024xf32, #tpu.memory_space<vmem_shared>>) dst(%dma_wait3A_1301 : memref<32x1024xf32, #tpu.memory_space<hbm>>)
    %add3A_1306 = arith.constant 1376 : i32
    %add3A_1307 = arith.addi %mul3A_0, %add3A_1306 : i32
    %dma_start3A_1308 = arith.constant 11 : i32
    %dma_start3A_1309 = arith.constant 11 : i32
    %dma_start3A_1310 = tpu.memref_slice %arg4[%dma_start3A_1309] : memref<32x!tpu.dma_semaphore, #tpu.memory_space<semaphore_mem>> -> memref<1x!tpu.dma_semaphore, #tpu.memory_space<semaphore_mem>>
    %dma_start3A_1311 = tpu.memref_squeeze %dma_start3A_1310 : memref<1x!tpu.dma_semaphore, #tpu.memory_space<semaphore_mem>> -> memref<!tpu.dma_semaphore, #tpu.memory_space<semaphore_mem>>
    %dma_start3A_1312 = arith.constant 0 : i32
    %dma_start3A_1313 = arith.constant 0 : i32
    %dma_start3A_1314 = tpu.memref_slice %arg3[%dma_start3A_1308, %dma_start3A_1312, %dma_start3A_1313] : memref<32x32x1024xf32, #tpu.memory_space<vmem_shared>> -> memref<1x32x1024xf32, #tpu.memory_space<vmem_shared>>
    %dma_start3A_1315 = tpu.memref_squeeze %dma_start3A_1314 : memref<1x32x1024xf32, #tpu.memory_space<vmem_shared>> -> memref<32x1024xf32, #tpu.memory_space<vmem_shared>>
    %dma_start3A_1316 = arith.constant 0 : i32
    %dma_start3A_1317 = tpu.memref_slice %arg1[%add3A_1307, %dma_start3A_1316] : memref<8192x1024xf32, #tpu.memory_space<hbm>> -> memref<32x1024xf32, #tpu.memory_space<hbm>>
    tpu.enqueue_dma source(%dma_start3A_1317 : memref<32x1024xf32, #tpu.memory_space<hbm>>) target(%dma_start3A_1315 : memref<32x1024xf32, #tpu.memory_space<vmem_shared>>) target_semaphore(%dma_start3A_1311 : memref<!tpu.dma_semaphore, #tpu.memory_space<semaphore_mem>>)
    %dma_wait3A_1318 = arith.constant 27 : i32
    %dma_wait3A_1319 = arith.constant 27 : i32
    %dma_wait3A_1320 = tpu.memref_slice %arg4[%dma_wait3A_1319] : memref<32x!tpu.dma_semaphore, #tpu.memory_space<semaphore_mem>> -> memref<1x!tpu.dma_semaphore, #tpu.memory_space<semaphore_mem>>
    %dma_wait3A_1321 = tpu.memref_squeeze %dma_wait3A_1320 : memref<1x!tpu.dma_semaphore, #tpu.memory_space<semaphore_mem>> -> memref<!tpu.dma_semaphore, #tpu.memory_space<semaphore_mem>>
    %dma_wait3A_1322 = arith.constant 0 : i32
    %dma_wait3A_1323 = arith.constant 0 : i32
    %dma_wait3A_1324 = tpu.memref_slice %arg3[%dma_wait3A_1318, %dma_wait3A_1322, %dma_wait3A_1323] : memref<32x32x1024xf32, #tpu.memory_space<vmem_shared>> -> memref<1x32x1024xf32, #tpu.memory_space<vmem_shared>>
    %dma_wait3A_1325 = tpu.memref_squeeze %dma_wait3A_1324 : memref<1x32x1024xf32, #tpu.memory_space<vmem_shared>> -> memref<32x1024xf32, #tpu.memory_space<vmem_shared>>
    %dma_wait3A_1326 = arith.constant 0 : i32
    %dma_wait3A_1327 = tpu.memref_slice %arg1[%mul3A_0, %dma_wait3A_1326] : memref<8192x1024xf32, #tpu.memory_space<hbm>> -> memref<32x1024xf32, #tpu.memory_space<hbm>>
    tpu.wait_dma2 semaphore(%dma_wait3A_1321 : memref<!tpu.dma_semaphore, #tpu.memory_space<semaphore_mem>>) src(%dma_wait3A_1327 : memref<32x1024xf32, #tpu.memory_space<hbm>>) dst(%dma_wait3A_1325 : memref<32x1024xf32, #tpu.memory_space<vmem_shared>>)
    %add3A_1328 = arith.constant 864 : i32
    %add3A_1329 = arith.addi %mul3A_0, %add3A_1328 : i32
    %dma_start3A_1330 = arith.constant 27 : i32
    %dma_start3A_1331 = arith.constant 0 : i32
    %dma_start3A_1332 = arith.constant 27 : i32
    %dma_start3A_1333 = tpu.memref_slice %arg5[%dma_start3A_1332] : memref<32x!tpu.dma_semaphore, #tpu.memory_space<semaphore_mem>> -> memref<1x!tpu.dma_semaphore, #tpu.memory_space<semaphore_mem>>
    %dma_start3A_1334 = tpu.memref_squeeze %dma_start3A_1333 : memref<1x!tpu.dma_semaphore, #tpu.memory_space<semaphore_mem>> -> memref<!tpu.dma_semaphore, #tpu.memory_space<semaphore_mem>>
    %dma_start3A_1335 = arith.constant 0 : i32
    %dma_start3A_1336 = tpu.memref_slice %arg2[%dma_start3A_1331, %add3A_1329, %dma_start3A_1335] : memref<1x4096x1024xf32, #tpu.memory_space<hbm>> -> memref<1x32x1024xf32, #tpu.memory_space<hbm>>
    %dma_start3A_1337 = tpu.memref_squeeze %dma_start3A_1336 : memref<1x32x1024xf32, #tpu.memory_space<hbm>> -> memref<32x1024xf32, #tpu.memory_space<hbm>>
    %dma_start3A_1338 = arith.constant 0 : i32
    %dma_start3A_1339 = arith.constant 0 : i32
    %dma_start3A_1340 = tpu.memref_slice %arg3[%dma_start3A_1330, %dma_start3A_1338, %dma_start3A_1339] : memref<32x32x1024xf32, #tpu.memory_space<vmem_shared>> -> memref<1x32x1024xf32, #tpu.memory_space<vmem_shared>>
    %dma_start3A_1341 = tpu.memref_squeeze %dma_start3A_1340 : memref<1x32x1024xf32, #tpu.memory_space<vmem_shared>> -> memref<32x1024xf32, #tpu.memory_space<vmem_shared>>
    tpu.enqueue_dma source(%dma_start3A_1341 : memref<32x1024xf32, #tpu.memory_space<vmem_shared>>) target(%dma_start3A_1337 : memref<32x1024xf32, #tpu.memory_space<hbm>>) target_semaphore(%dma_start3A_1334 : memref<!tpu.dma_semaphore, #tpu.memory_space<semaphore_mem>>)
    %dma_wait3A_1342 = arith.constant 12 : i32
    %dma_wait3A_1343 = arith.constant 0 : i32
    %dma_wait3A_1344 = arith.constant 12 : i32
    %dma_wait3A_1345 = tpu.memref_slice %arg5[%dma_wait3A_1344] : memref<32x!tpu.dma_semaphore, #tpu.memory_space<semaphore_mem>> -> memref<1x!tpu.dma_semaphore, #tpu.memory_space<semaphore_mem>>
    %dma_wait3A_1346 = tpu.memref_squeeze %dma_wait3A_1345 : memref<1x!tpu.dma_semaphore, #tpu.memory_space<semaphore_mem>> -> memref<!tpu.dma_semaphore, #tpu.memory_space<semaphore_mem>>
    %dma_wait3A_1347 = arith.constant 0 : i32
    %dma_wait3A_1348 = tpu.memref_slice %arg2[%dma_wait3A_1343, %mul3A_0, %dma_wait3A_1347] : memref<1x4096x1024xf32, #tpu.memory_space<hbm>> -> memref<1x32x1024xf32, #tpu.memory_space<hbm>>
    %dma_wait3A_1349 = tpu.memref_squeeze %dma_wait3A_1348 : memref<1x32x1024xf32, #tpu.memory_space<hbm>> -> memref<32x1024xf32, #tpu.memory_space<hbm>>
    %dma_wait3A_1350 = arith.constant 0 : i32
    %dma_wait3A_1351 = arith.constant 0 : i32
    %dma_wait3A_1352 = tpu.memref_slice %arg3[%dma_wait3A_1342, %dma_wait3A_1350, %dma_wait3A_1351] : memref<32x32x1024xf32, #tpu.memory_space<vmem_shared>> -> memref<1x32x1024xf32, #tpu.memory_space<vmem_shared>>
    %dma_wait3A_1353 = tpu.memref_squeeze %dma_wait3A_1352 : memref<1x32x1024xf32, #tpu.memory_space<vmem_shared>> -> memref<32x1024xf32, #tpu.memory_space<vmem_shared>>
    tpu.wait_dma2 semaphore(%dma_wait3A_1346 : memref<!tpu.dma_semaphore, #tpu.memory_space<semaphore_mem>>) src(%dma_wait3A_1353 : memref<32x1024xf32, #tpu.memory_space<vmem_shared>>) dst(%dma_wait3A_1349 : memref<32x1024xf32, #tpu.memory_space<hbm>>)
    %add3A_1354 = arith.constant 1408 : i32
    %add3A_1355 = arith.addi %mul3A_0, %add3A_1354 : i32
    %dma_start3A_1356 = arith.constant 12 : i32
    %dma_start3A_1357 = arith.constant 12 : i32
    %dma_start3A_1358 = tpu.memref_slice %arg4[%dma_start3A_1357] : memref<32x!tpu.dma_semaphore, #tpu.memory_space<semaphore_mem>> -> memref<1x!tpu.dma_semaphore, #tpu.memory_space<semaphore_mem>>
    %dma_start3A_1359 = tpu.memref_squeeze %dma_start3A_1358 : memref<1x!tpu.dma_semaphore, #tpu.memory_space<semaphore_mem>> -> memref<!tpu.dma_semaphore, #tpu.memory_space<semaphore_mem>>
    %dma_start3A_1360 = arith.constant 0 : i32
    %dma_start3A_1361 = arith.constant 0 : i32
    %dma_start3A_1362 = tpu.memref_slice %arg3[%dma_start3A_1356, %dma_start3A_1360, %dma_start3A_1361] : memref<32x32x1024xf32, #tpu.memory_space<vmem_shared>> -> memref<1x32x1024xf32, #tpu.memory_space<vmem_shared>>
    %dma_start3A_1363 = tpu.memref_squeeze %dma_start3A_1362 : memref<1x32x1024xf32, #tpu.memory_space<vmem_shared>> -> memref<32x1024xf32, #tpu.memory_space<vmem_shared>>
    %dma_start3A_1364 = arith.constant 0 : i32
    %dma_start3A_1365 = tpu.memref_slice %arg1[%add3A_1355, %dma_start3A_1364] : memref<8192x1024xf32, #tpu.memory_space<hbm>> -> memref<32x1024xf32, #tpu.memory_space<hbm>>
    tpu.enqueue_dma source(%dma_start3A_1365 : memref<32x1024xf32, #tpu.memory_space<hbm>>) target(%dma_start3A_1363 : memref<32x1024xf32, #tpu.memory_space<vmem_shared>>) target_semaphore(%dma_start3A_1359 : memref<!tpu.dma_semaphore, #tpu.memory_space<semaphore_mem>>)
    %dma_wait3A_1366 = arith.constant 28 : i32
    %dma_wait3A_1367 = arith.constant 28 : i32
    %dma_wait3A_1368 = tpu.memref_slice %arg4[%dma_wait3A_1367] : memref<32x!tpu.dma_semaphore, #tpu.memory_space<semaphore_mem>> -> memref<1x!tpu.dma_semaphore, #tpu.memory_space<semaphore_mem>>
    %dma_wait3A_1369 = tpu.memref_squeeze %dma_wait3A_1368 : memref<1x!tpu.dma_semaphore, #tpu.memory_space<semaphore_mem>> -> memref<!tpu.dma_semaphore, #tpu.memory_space<semaphore_mem>>
    %dma_wait3A_1370 = arith.constant 0 : i32
    %dma_wait3A_1371 = arith.constant 0 : i32
    %dma_wait3A_1372 = tpu.memref_slice %arg3[%dma_wait3A_1366, %dma_wait3A_1370, %dma_wait3A_1371] : memref<32x32x1024xf32, #tpu.memory_space<vmem_shared>> -> memref<1x32x1024xf32, #tpu.memory_space<vmem_shared>>
    %dma_wait3A_1373 = tpu.memref_squeeze %dma_wait3A_1372 : memref<1x32x1024xf32, #tpu.memory_space<vmem_shared>> -> memref<32x1024xf32, #tpu.memory_space<vmem_shared>>
    %dma_wait3A_1374 = arith.constant 0 : i32
    %dma_wait3A_1375 = tpu.memref_slice %arg1[%mul3A_0, %dma_wait3A_1374] : memref<8192x1024xf32, #tpu.memory_space<hbm>> -> memref<32x1024xf32, #tpu.memory_space<hbm>>
    tpu.wait_dma2 semaphore(%dma_wait3A_1369 : memref<!tpu.dma_semaphore, #tpu.memory_space<semaphore_mem>>) src(%dma_wait3A_1375 : memref<32x1024xf32, #tpu.memory_space<hbm>>) dst(%dma_wait3A_1373 : memref<32x1024xf32, #tpu.memory_space<vmem_shared>>)
    %add3A_1376 = arith.constant 896 : i32
    %add3A_1377 = arith.addi %mul3A_0, %add3A_1376 : i32
    %dma_start3A_1378 = arith.constant 28 : i32
    %dma_start3A_1379 = arith.constant 0 : i32
    %dma_start3A_1380 = arith.constant 28 : i32
    %dma_start3A_1381 = tpu.memref_slice %arg5[%dma_start3A_1380] : memref<32x!tpu.dma_semaphore, #tpu.memory_space<semaphore_mem>> -> memref<1x!tpu.dma_semaphore, #tpu.memory_space<semaphore_mem>>
    %dma_start3A_1382 = tpu.memref_squeeze %dma_start3A_1381 : memref<1x!tpu.dma_semaphore, #tpu.memory_space<semaphore_mem>> -> memref<!tpu.dma_semaphore, #tpu.memory_space<semaphore_mem>>
    %dma_start3A_1383 = arith.constant 0 : i32
    %dma_start3A_1384 = tpu.memref_slice %arg2[%dma_start3A_1379, %add3A_1377, %dma_start3A_1383] : memref<1x4096x1024xf32, #tpu.memory_space<hbm>> -> memref<1x32x1024xf32, #tpu.memory_space<hbm>>
    %dma_start3A_1385 = tpu.memref_squeeze %dma_start3A_1384 : memref<1x32x1024xf32, #tpu.memory_space<hbm>> -> memref<32x1024xf32, #tpu.memory_space<hbm>>
    %dma_start3A_1386 = arith.constant 0 : i32
    %dma_start3A_1387 = arith.constant 0 : i32
    %dma_start3A_1388 = tpu.memref_slice %arg3[%dma_start3A_1378, %dma_start3A_1386, %dma_start3A_1387] : memref<32x32x1024xf32, #tpu.memory_space<vmem_shared>> -> memref<1x32x1024xf32, #tpu.memory_space<vmem_shared>>
    %dma_start3A_1389 = tpu.memref_squeeze %dma_start3A_1388 : memref<1x32x1024xf32, #tpu.memory_space<vmem_shared>> -> memref<32x1024xf32, #tpu.memory_space<vmem_shared>>
    tpu.enqueue_dma source(%dma_start3A_1389 : memref<32x1024xf32, #tpu.memory_space<vmem_shared>>) target(%dma_start3A_1385 : memref<32x1024xf32, #tpu.memory_space<hbm>>) target_semaphore(%dma_start3A_1382 : memref<!tpu.dma_semaphore, #tpu.memory_space<semaphore_mem>>)
    %dma_wait3A_1390 = arith.constant 13 : i32
    %dma_wait3A_1391 = arith.constant 0 : i32
    %dma_wait3A_1392 = arith.constant 13 : i32
    %dma_wait3A_1393 = tpu.memref_slice %arg5[%dma_wait3A_1392] : memref<32x!tpu.dma_semaphore, #tpu.memory_space<semaphore_mem>> -> memref<1x!tpu.dma_semaphore, #tpu.memory_space<semaphore_mem>>
    %dma_wait3A_1394 = tpu.memref_squeeze %dma_wait3A_1393 : memref<1x!tpu.dma_semaphore, #tpu.memory_space<semaphore_mem>> -> memref<!tpu.dma_semaphore, #tpu.memory_space<semaphore_mem>>
    %dma_wait3A_1395 = arith.constant 0 : i32
    %dma_wait3A_1396 = tpu.memref_slice %arg2[%dma_wait3A_1391, %mul3A_0, %dma_wait3A_1395] : memref<1x4096x1024xf32, #tpu.memory_space<hbm>> -> memref<1x32x1024xf32, #tpu.memory_space<hbm>>
    %dma_wait3A_1397 = tpu.memref_squeeze %dma_wait3A_1396 : memref<1x32x1024xf32, #tpu.memory_space<hbm>> -> memref<32x1024xf32, #tpu.memory_space<hbm>>
    %dma_wait3A_1398 = arith.constant 0 : i32
    %dma_wait3A_1399 = arith.constant 0 : i32
    %dma_wait3A_1400 = tpu.memref_slice %arg3[%dma_wait3A_1390, %dma_wait3A_1398, %dma_wait3A_1399] : memref<32x32x1024xf32, #tpu.memory_space<vmem_shared>> -> memref<1x32x1024xf32, #tpu.memory_space<vmem_shared>>
    %dma_wait3A_1401 = tpu.memref_squeeze %dma_wait3A_1400 : memref<1x32x1024xf32, #tpu.memory_space<vmem_shared>> -> memref<32x1024xf32, #tpu.memory_space<vmem_shared>>
    tpu.wait_dma2 semaphore(%dma_wait3A_1394 : memref<!tpu.dma_semaphore, #tpu.memory_space<semaphore_mem>>) src(%dma_wait3A_1401 : memref<32x1024xf32, #tpu.memory_space<vmem_shared>>) dst(%dma_wait3A_1397 : memref<32x1024xf32, #tpu.memory_space<hbm>>)
    %add3A_1402 = arith.constant 1440 : i32
    %add3A_1403 = arith.addi %mul3A_0, %add3A_1402 : i32
    %dma_start3A_1404 = arith.constant 13 : i32
    %dma_start3A_1405 = arith.constant 13 : i32
    %dma_start3A_1406 = tpu.memref_slice %arg4[%dma_start3A_1405] : memref<32x!tpu.dma_semaphore, #tpu.memory_space<semaphore_mem>> -> memref<1x!tpu.dma_semaphore, #tpu.memory_space<semaphore_mem>>
    %dma_start3A_1407 = tpu.memref_squeeze %dma_start3A_1406 : memref<1x!tpu.dma_semaphore, #tpu.memory_space<semaphore_mem>> -> memref<!tpu.dma_semaphore, #tpu.memory_space<semaphore_mem>>
    %dma_start3A_1408 = arith.constant 0 : i32
    %dma_start3A_1409 = arith.constant 0 : i32
    %dma_start3A_1410 = tpu.memref_slice %arg3[%dma_start3A_1404, %dma_start3A_1408, %dma_start3A_1409] : memref<32x32x1024xf32, #tpu.memory_space<vmem_shared>> -> memref<1x32x1024xf32, #tpu.memory_space<vmem_shared>>
    %dma_start3A_1411 = tpu.memref_squeeze %dma_start3A_1410 : memref<1x32x1024xf32, #tpu.memory_space<vmem_shared>> -> memref<32x1024xf32, #tpu.memory_space<vmem_shared>>
    %dma_start3A_1412 = arith.constant 0 : i32
    %dma_start3A_1413 = tpu.memref_slice %arg1[%add3A_1403, %dma_start3A_1412] : memref<8192x1024xf32, #tpu.memory_space<hbm>> -> memref<32x1024xf32, #tpu.memory_space<hbm>>
    tpu.enqueue_dma source(%dma_start3A_1413 : memref<32x1024xf32, #tpu.memory_space<hbm>>) target(%dma_start3A_1411 : memref<32x1024xf32, #tpu.memory_space<vmem_shared>>) target_semaphore(%dma_start3A_1407 : memref<!tpu.dma_semaphore, #tpu.memory_space<semaphore_mem>>)
    %dma_wait3A_1414 = arith.constant 29 : i32
    %dma_wait3A_1415 = arith.constant 29 : i32
    %dma_wait3A_1416 = tpu.memref_slice %arg4[%dma_wait3A_1415] : memref<32x!tpu.dma_semaphore, #tpu.memory_space<semaphore_mem>> -> memref<1x!tpu.dma_semaphore, #tpu.memory_space<semaphore_mem>>
    %dma_wait3A_1417 = tpu.memref_squeeze %dma_wait3A_1416 : memref<1x!tpu.dma_semaphore, #tpu.memory_space<semaphore_mem>> -> memref<!tpu.dma_semaphore, #tpu.memory_space<semaphore_mem>>
    %dma_wait3A_1418 = arith.constant 0 : i32
    %dma_wait3A_1419 = arith.constant 0 : i32
    %dma_wait3A_1420 = tpu.memref_slice %arg3[%dma_wait3A_1414, %dma_wait3A_1418, %dma_wait3A_1419] : memref<32x32x1024xf32, #tpu.memory_space<vmem_shared>> -> memref<1x32x1024xf32, #tpu.memory_space<vmem_shared>>
    %dma_wait3A_1421 = tpu.memref_squeeze %dma_wait3A_1420 : memref<1x32x1024xf32, #tpu.memory_space<vmem_shared>> -> memref<32x1024xf32, #tpu.memory_space<vmem_shared>>
    %dma_wait3A_1422 = arith.constant 0 : i32
    %dma_wait3A_1423 = tpu.memref_slice %arg1[%mul3A_0, %dma_wait3A_1422] : memref<8192x1024xf32, #tpu.memory_space<hbm>> -> memref<32x1024xf32, #tpu.memory_space<hbm>>
    tpu.wait_dma2 semaphore(%dma_wait3A_1417 : memref<!tpu.dma_semaphore, #tpu.memory_space<semaphore_mem>>) src(%dma_wait3A_1423 : memref<32x1024xf32, #tpu.memory_space<hbm>>) dst(%dma_wait3A_1421 : memref<32x1024xf32, #tpu.memory_space<vmem_shared>>)
    %add3A_1424 = arith.constant 928 : i32
    %add3A_1425 = arith.addi %mul3A_0, %add3A_1424 : i32
    %dma_start3A_1426 = arith.constant 29 : i32
    %dma_start3A_1427 = arith.constant 0 : i32
    %dma_start3A_1428 = arith.constant 29 : i32
    %dma_start3A_1429 = tpu.memref_slice %arg5[%dma_start3A_1428] : memref<32x!tpu.dma_semaphore, #tpu.memory_space<semaphore_mem>> -> memref<1x!tpu.dma_semaphore, #tpu.memory_space<semaphore_mem>>
    %dma_start3A_1430 = tpu.memref_squeeze %dma_start3A_1429 : memref<1x!tpu.dma_semaphore, #tpu.memory_space<semaphore_mem>> -> memref<!tpu.dma_semaphore, #tpu.memory_space<semaphore_mem>>
    %dma_start3A_1431 = arith.constant 0 : i32
    %dma_start3A_1432 = tpu.memref_slice %arg2[%dma_start3A_1427, %add3A_1425, %dma_start3A_1431] : memref<1x4096x1024xf32, #tpu.memory_space<hbm>> -> memref<1x32x1024xf32, #tpu.memory_space<hbm>>
    %dma_start3A_1433 = tpu.memref_squeeze %dma_start3A_1432 : memref<1x32x1024xf32, #tpu.memory_space<hbm>> -> memref<32x1024xf32, #tpu.memory_space<hbm>>
    %dma_start3A_1434 = arith.constant 0 : i32
    %dma_start3A_1435 = arith.constant 0 : i32
    %dma_start3A_1436 = tpu.memref_slice %arg3[%dma_start3A_1426, %dma_start3A_1434, %dma_start3A_1435] : memref<32x32x1024xf32, #tpu.memory_space<vmem_shared>> -> memref<1x32x1024xf32, #tpu.memory_space<vmem_shared>>
    %dma_start3A_1437 = tpu.memref_squeeze %dma_start3A_1436 : memref<1x32x1024xf32, #tpu.memory_space<vmem_shared>> -> memref<32x1024xf32, #tpu.memory_space<vmem_shared>>
    tpu.enqueue_dma source(%dma_start3A_1437 : memref<32x1024xf32, #tpu.memory_space<vmem_shared>>) target(%dma_start3A_1433 : memref<32x1024xf32, #tpu.memory_space<hbm>>) target_semaphore(%dma_start3A_1430 : memref<!tpu.dma_semaphore, #tpu.memory_space<semaphore_mem>>)
    %dma_wait3A_1438 = arith.constant 14 : i32
    %dma_wait3A_1439 = arith.constant 0 : i32
    %dma_wait3A_1440 = arith.constant 14 : i32
    %dma_wait3A_1441 = tpu.memref_slice %arg5[%dma_wait3A_1440] : memref<32x!tpu.dma_semaphore, #tpu.memory_space<semaphore_mem>> -> memref<1x!tpu.dma_semaphore, #tpu.memory_space<semaphore_mem>>
    %dma_wait3A_1442 = tpu.memref_squeeze %dma_wait3A_1441 : memref<1x!tpu.dma_semaphore, #tpu.memory_space<semaphore_mem>> -> memref<!tpu.dma_semaphore, #tpu.memory_space<semaphore_mem>>
    %dma_wait3A_1443 = arith.constant 0 : i32
    %dma_wait3A_1444 = tpu.memref_slice %arg2[%dma_wait3A_1439, %mul3A_0, %dma_wait3A_1443] : memref<1x4096x1024xf32, #tpu.memory_space<hbm>> -> memref<1x32x1024xf32, #tpu.memory_space<hbm>>
    %dma_wait3A_1445 = tpu.memref_squeeze %dma_wait3A_1444 : memref<1x32x1024xf32, #tpu.memory_space<hbm>> -> memref<32x1024xf32, #tpu.memory_space<hbm>>
    %dma_wait3A_1446 = arith.constant 0 : i32
    %dma_wait3A_1447 = arith.constant 0 : i32
    %dma_wait3A_1448 = tpu.memref_slice %arg3[%dma_wait3A_1438, %dma_wait3A_1446, %dma_wait3A_1447] : memref<32x32x1024xf32, #tpu.memory_space<vmem_shared>> -> memref<1x32x1024xf32, #tpu.memory_space<vmem_shared>>
    %dma_wait3A_1449 = tpu.memref_squeeze %dma_wait3A_1448 : memref<1x32x1024xf32, #tpu.memory_space<vmem_shared>> -> memref<32x1024xf32, #tpu.memory_space<vmem_shared>>
    tpu.wait_dma2 semaphore(%dma_wait3A_1442 : memref<!tpu.dma_semaphore, #tpu.memory_space<semaphore_mem>>) src(%dma_wait3A_1449 : memref<32x1024xf32, #tpu.memory_space<vmem_shared>>) dst(%dma_wait3A_1445 : memref<32x1024xf32, #tpu.memory_space<hbm>>)
    %add3A_1450 = arith.constant 1472 : i32
    %add3A_1451 = arith.addi %mul3A_0, %add3A_1450 : i32
    %dma_start3A_1452 = arith.constant 14 : i32
    %dma_start3A_1453 = arith.constant 14 : i32
    %dma_start3A_1454 = tpu.memref_slice %arg4[%dma_start3A_1453] : memref<32x!tpu.dma_semaphore, #tpu.memory_space<semaphore_mem>> -> memref<1x!tpu.dma_semaphore, #tpu.memory_space<semaphore_mem>>
    %dma_start3A_1455 = tpu.memref_squeeze %dma_start3A_1454 : memref<1x!tpu.dma_semaphore, #tpu.memory_space<semaphore_mem>> -> memref<!tpu.dma_semaphore, #tpu.memory_space<semaphore_mem>>
    %dma_start3A_1456 = arith.constant 0 : i32
    %dma_start3A_1457 = arith.constant 0 : i32
    %dma_start3A_1458 = tpu.memref_slice %arg3[%dma_start3A_1452, %dma_start3A_1456, %dma_start3A_1457] : memref<32x32x1024xf32, #tpu.memory_space<vmem_shared>> -> memref<1x32x1024xf32, #tpu.memory_space<vmem_shared>>
    %dma_start3A_1459 = tpu.memref_squeeze %dma_start3A_1458 : memref<1x32x1024xf32, #tpu.memory_space<vmem_shared>> -> memref<32x1024xf32, #tpu.memory_space<vmem_shared>>
    %dma_start3A_1460 = arith.constant 0 : i32
    %dma_start3A_1461 = tpu.memref_slice %arg1[%add3A_1451, %dma_start3A_1460] : memref<8192x1024xf32, #tpu.memory_space<hbm>> -> memref<32x1024xf32, #tpu.memory_space<hbm>>
    tpu.enqueue_dma source(%dma_start3A_1461 : memref<32x1024xf32, #tpu.memory_space<hbm>>) target(%dma_start3A_1459 : memref<32x1024xf32, #tpu.memory_space<vmem_shared>>) target_semaphore(%dma_start3A_1455 : memref<!tpu.dma_semaphore, #tpu.memory_space<semaphore_mem>>)
    %dma_wait3A_1462 = arith.constant 30 : i32
    %dma_wait3A_1463 = arith.constant 30 : i32
    %dma_wait3A_1464 = tpu.memref_slice %arg4[%dma_wait3A_1463] : memref<32x!tpu.dma_semaphore, #tpu.memory_space<semaphore_mem>> -> memref<1x!tpu.dma_semaphore, #tpu.memory_space<semaphore_mem>>
    %dma_wait3A_1465 = tpu.memref_squeeze %dma_wait3A_1464 : memref<1x!tpu.dma_semaphore, #tpu.memory_space<semaphore_mem>> -> memref<!tpu.dma_semaphore, #tpu.memory_space<semaphore_mem>>
    %dma_wait3A_1466 = arith.constant 0 : i32
    %dma_wait3A_1467 = arith.constant 0 : i32
    %dma_wait3A_1468 = tpu.memref_slice %arg3[%dma_wait3A_1462, %dma_wait3A_1466, %dma_wait3A_1467] : memref<32x32x1024xf32, #tpu.memory_space<vmem_shared>> -> memref<1x32x1024xf32, #tpu.memory_space<vmem_shared>>
    %dma_wait3A_1469 = tpu.memref_squeeze %dma_wait3A_1468 : memref<1x32x1024xf32, #tpu.memory_space<vmem_shared>> -> memref<32x1024xf32, #tpu.memory_space<vmem_shared>>
    %dma_wait3A_1470 = arith.constant 0 : i32
    %dma_wait3A_1471 = tpu.memref_slice %arg1[%mul3A_0, %dma_wait3A_1470] : memref<8192x1024xf32, #tpu.memory_space<hbm>> -> memref<32x1024xf32, #tpu.memory_space<hbm>>
    tpu.wait_dma2 semaphore(%dma_wait3A_1465 : memref<!tpu.dma_semaphore, #tpu.memory_space<semaphore_mem>>) src(%dma_wait3A_1471 : memref<32x1024xf32, #tpu.memory_space<hbm>>) dst(%dma_wait3A_1469 : memref<32x1024xf32, #tpu.memory_space<vmem_shared>>)
    %add3A_1472 = arith.constant 960 : i32
    %add3A_1473 = arith.addi %mul3A_0, %add3A_1472 : i32
    %dma_start3A_1474 = arith.constant 30 : i32
    %dma_start3A_1475 = arith.constant 0 : i32
    %dma_start3A_1476 = arith.constant 30 : i32
    %dma_start3A_1477 = tpu.memref_slice %arg5[%dma_start3A_1476] : memref<32x!tpu.dma_semaphore, #tpu.memory_space<semaphore_mem>> -> memref<1x!tpu.dma_semaphore, #tpu.memory_space<semaphore_mem>>
    %dma_start3A_1478 = tpu.memref_squeeze %dma_start3A_1477 : memref<1x!tpu.dma_semaphore, #tpu.memory_space<semaphore_mem>> -> memref<!tpu.dma_semaphore, #tpu.memory_space<semaphore_mem>>
    %dma_start3A_1479 = arith.constant 0 : i32
    %dma_start3A_1480 = tpu.memref_slice %arg2[%dma_start3A_1475, %add3A_1473, %dma_start3A_1479] : memref<1x4096x1024xf32, #tpu.memory_space<hbm>> -> memref<1x32x1024xf32, #tpu.memory_space<hbm>>
    %dma_start3A_1481 = tpu.memref_squeeze %dma_start3A_1480 : memref<1x32x1024xf32, #tpu.memory_space<hbm>> -> memref<32x1024xf32, #tpu.memory_space<hbm>>
    %dma_start3A_1482 = arith.constant 0 : i32
    %dma_start3A_1483 = arith.constant 0 : i32
    %dma_start3A_1484 = tpu.memref_slice %arg3[%dma_start3A_1474, %dma_start3A_1482, %dma_start3A_1483] : memref<32x32x1024xf32, #tpu.memory_space<vmem_shared>> -> memref<1x32x1024xf32, #tpu.memory_space<vmem_shared>>
    %dma_start3A_1485 = tpu.memref_squeeze %dma_start3A_1484 : memref<1x32x1024xf32, #tpu.memory_space<vmem_shared>> -> memref<32x1024xf32, #tpu.memory_space<vmem_shared>>
    tpu.enqueue_dma source(%dma_start3A_1485 : memref<32x1024xf32, #tpu.memory_space<vmem_shared>>) target(%dma_start3A_1481 : memref<32x1024xf32, #tpu.memory_space<hbm>>) target_semaphore(%dma_start3A_1478 : memref<!tpu.dma_semaphore, #tpu.memory_space<semaphore_mem>>)
    %dma_wait3A_1486 = arith.constant 15 : i32
    %dma_wait3A_1487 = arith.constant 0 : i32
    %dma_wait3A_1488 = arith.constant 15 : i32
    %dma_wait3A_1489 = tpu.memref_slice %arg5[%dma_wait3A_1488] : memref<32x!tpu.dma_semaphore, #tpu.memory_space<semaphore_mem>> -> memref<1x!tpu.dma_semaphore, #tpu.memory_space<semaphore_mem>>
    %dma_wait3A_1490 = tpu.memref_squeeze %dma_wait3A_1489 : memref<1x!tpu.dma_semaphore, #tpu.memory_space<semaphore_mem>> -> memref<!tpu.dma_semaphore, #tpu.memory_space<semaphore_mem>>
    %dma_wait3A_1491 = arith.constant 0 : i32
    %dma_wait3A_1492 = tpu.memref_slice %arg2[%dma_wait3A_1487, %mul3A_0, %dma_wait3A_1491] : memref<1x4096x1024xf32, #tpu.memory_space<hbm>> -> memref<1x32x1024xf32, #tpu.memory_space<hbm>>
    %dma_wait3A_1493 = tpu.memref_squeeze %dma_wait3A_1492 : memref<1x32x1024xf32, #tpu.memory_space<hbm>> -> memref<32x1024xf32, #tpu.memory_space<hbm>>
    %dma_wait3A_1494 = arith.constant 0 : i32
    %dma_wait3A_1495 = arith.constant 0 : i32
    %dma_wait3A_1496 = tpu.memref_slice %arg3[%dma_wait3A_1486, %dma_wait3A_1494, %dma_wait3A_1495] : memref<32x32x1024xf32, #tpu.memory_space<vmem_shared>> -> memref<1x32x1024xf32, #tpu.memory_space<vmem_shared>>
    %dma_wait3A_1497 = tpu.memref_squeeze %dma_wait3A_1496 : memref<1x32x1024xf32, #tpu.memory_space<vmem_shared>> -> memref<32x1024xf32, #tpu.memory_space<vmem_shared>>
    tpu.wait_dma2 semaphore(%dma_wait3A_1490 : memref<!tpu.dma_semaphore, #tpu.memory_space<semaphore_mem>>) src(%dma_wait3A_1497 : memref<32x1024xf32, #tpu.memory_space<vmem_shared>>) dst(%dma_wait3A_1493 : memref<32x1024xf32, #tpu.memory_space<hbm>>)
    %add3A_1498 = arith.constant 1504 : i32
    %add3A_1499 = arith.addi %mul3A_0, %add3A_1498 : i32
    %dma_start3A_1500 = arith.constant 15 : i32
    %dma_start3A_1501 = arith.constant 15 : i32
    %dma_start3A_1502 = tpu.memref_slice %arg4[%dma_start3A_1501] : memref<32x!tpu.dma_semaphore, #tpu.memory_space<semaphore_mem>> -> memref<1x!tpu.dma_semaphore, #tpu.memory_space<semaphore_mem>>
    %dma_start3A_1503 = tpu.memref_squeeze %dma_start3A_1502 : memref<1x!tpu.dma_semaphore, #tpu.memory_space<semaphore_mem>> -> memref<!tpu.dma_semaphore, #tpu.memory_space<semaphore_mem>>
    %dma_start3A_1504 = arith.constant 0 : i32
    %dma_start3A_1505 = arith.constant 0 : i32
    %dma_start3A_1506 = tpu.memref_slice %arg3[%dma_start3A_1500, %dma_start3A_1504, %dma_start3A_1505] : memref<32x32x1024xf32, #tpu.memory_space<vmem_shared>> -> memref<1x32x1024xf32, #tpu.memory_space<vmem_shared>>
    %dma_start3A_1507 = tpu.memref_squeeze %dma_start3A_1506 : memref<1x32x1024xf32, #tpu.memory_space<vmem_shared>> -> memref<32x1024xf32, #tpu.memory_space<vmem_shared>>
    %dma_start3A_1508 = arith.constant 0 : i32
    %dma_start3A_1509 = tpu.memref_slice %arg1[%add3A_1499, %dma_start3A_1508] : memref<8192x1024xf32, #tpu.memory_space<hbm>> -> memref<32x1024xf32, #tpu.memory_space<hbm>>
    tpu.enqueue_dma source(%dma_start3A_1509 : memref<32x1024xf32, #tpu.memory_space<hbm>>) target(%dma_start3A_1507 : memref<32x1024xf32, #tpu.memory_space<vmem_shared>>) target_semaphore(%dma_start3A_1503 : memref<!tpu.dma_semaphore, #tpu.memory_space<semaphore_mem>>)
    %dma_wait3A_1510 = arith.constant 31 : i32
    %dma_wait3A_1511 = arith.constant 31 : i32
    %dma_wait3A_1512 = tpu.memref_slice %arg4[%dma_wait3A_1511] : memref<32x!tpu.dma_semaphore, #tpu.memory_space<semaphore_mem>> -> memref<1x!tpu.dma_semaphore, #tpu.memory_space<semaphore_mem>>
    %dma_wait3A_1513 = tpu.memref_squeeze %dma_wait3A_1512 : memref<1x!tpu.dma_semaphore, #tpu.memory_space<semaphore_mem>> -> memref<!tpu.dma_semaphore, #tpu.memory_space<semaphore_mem>>
    %dma_wait3A_1514 = arith.constant 0 : i32
    %dma_wait3A_1515 = arith.constant 0 : i32
    %dma_wait3A_1516 = tpu.memref_slice %arg3[%dma_wait3A_1510, %dma_wait3A_1514, %dma_wait3A_1515] : memref<32x32x1024xf32, #tpu.memory_space<vmem_shared>> -> memref<1x32x1024xf32, #tpu.memory_space<vmem_shared>>
    %dma_wait3A_1517 = tpu.memref_squeeze %dma_wait3A_1516 : memref<1x32x1024xf32, #tpu.memory_space<vmem_shared>> -> memref<32x1024xf32, #tpu.memory_space<vmem_shared>>
    %dma_wait3A_1518 = arith.constant 0 : i32
    %dma_wait3A_1519 = tpu.memref_slice %arg1[%mul3A_0, %dma_wait3A_1518] : memref<8192x1024xf32, #tpu.memory_space<hbm>> -> memref<32x1024xf32, #tpu.memory_space<hbm>>
    tpu.wait_dma2 semaphore(%dma_wait3A_1513 : memref<!tpu.dma_semaphore, #tpu.memory_space<semaphore_mem>>) src(%dma_wait3A_1519 : memref<32x1024xf32, #tpu.memory_space<hbm>>) dst(%dma_wait3A_1517 : memref<32x1024xf32, #tpu.memory_space<vmem_shared>>)
    %add3A_1520 = arith.constant 992 : i32
    %add3A_1521 = arith.addi %mul3A_0, %add3A_1520 : i32
    %dma_start3A_1522 = arith.constant 31 : i32
    %dma_start3A_1523 = arith.constant 0 : i32
    %dma_start3A_1524 = arith.constant 31 : i32
    %dma_start3A_1525 = tpu.memref_slice %arg5[%dma_start3A_1524] : memref<32x!tpu.dma_semaphore, #tpu.memory_space<semaphore_mem>> -> memref<1x!tpu.dma_semaphore, #tpu.memory_space<semaphore_mem>>
    %dma_start3A_1526 = tpu.memref_squeeze %dma_start3A_1525 : memref<1x!tpu.dma_semaphore, #tpu.memory_space<semaphore_mem>> -> memref<!tpu.dma_semaphore, #tpu.memory_space<semaphore_mem>>
    %dma_start3A_1527 = arith.constant 0 : i32
    %dma_start3A_1528 = tpu.memref_slice %arg2[%dma_start3A_1523, %add3A_1521, %dma_start3A_1527] : memref<1x4096x1024xf32, #tpu.memory_space<hbm>> -> memref<1x32x1024xf32, #tpu.memory_space<hbm>>
    %dma_start3A_1529 = tpu.memref_squeeze %dma_start3A_1528 : memref<1x32x1024xf32, #tpu.memory_space<hbm>> -> memref<32x1024xf32, #tpu.memory_space<hbm>>
    %dma_start3A_1530 = arith.constant 0 : i32
    %dma_start3A_1531 = arith.constant 0 : i32
    %dma_start3A_1532 = tpu.memref_slice %arg3[%dma_start3A_1522, %dma_start3A_1530, %dma_start3A_1531] : memref<32x32x1024xf32, #tpu.memory_space<vmem_shared>> -> memref<1x32x1024xf32, #tpu.memory_space<vmem_shared>>
    %dma_start3A_1533 = tpu.memref_squeeze %dma_start3A_1532 : memref<1x32x1024xf32, #tpu.memory_space<vmem_shared>> -> memref<32x1024xf32, #tpu.memory_space<vmem_shared>>
    tpu.enqueue_dma source(%dma_start3A_1533 : memref<32x1024xf32, #tpu.memory_space<vmem_shared>>) target(%dma_start3A_1529 : memref<32x1024xf32, #tpu.memory_space<hbm>>) target_semaphore(%dma_start3A_1526 : memref<!tpu.dma_semaphore, #tpu.memory_space<semaphore_mem>>)
    %dma_wait3A_1534 = arith.constant 16 : i32
    %dma_wait3A_1535 = arith.constant 0 : i32
    %dma_wait3A_1536 = arith.constant 16 : i32
    %dma_wait3A_1537 = tpu.memref_slice %arg5[%dma_wait3A_1536] : memref<32x!tpu.dma_semaphore, #tpu.memory_space<semaphore_mem>> -> memref<1x!tpu.dma_semaphore, #tpu.memory_space<semaphore_mem>>
    %dma_wait3A_1538 = tpu.memref_squeeze %dma_wait3A_1537 : memref<1x!tpu.dma_semaphore, #tpu.memory_space<semaphore_mem>> -> memref<!tpu.dma_semaphore, #tpu.memory_space<semaphore_mem>>
    %dma_wait3A_1539 = arith.constant 0 : i32
    %dma_wait3A_1540 = tpu.memref_slice %arg2[%dma_wait3A_1535, %mul3A_0, %dma_wait3A_1539] : memref<1x4096x1024xf32, #tpu.memory_space<hbm>> -> memref<1x32x1024xf32, #tpu.memory_space<hbm>>
    %dma_wait3A_1541 = tpu.memref_squeeze %dma_wait3A_1540 : memref<1x32x1024xf32, #tpu.memory_space<hbm>> -> memref<32x1024xf32, #tpu.memory_space<hbm>>
    %dma_wait3A_1542 = arith.constant 0 : i32
    %dma_wait3A_1543 = arith.constant 0 : i32
    %dma_wait3A_1544 = tpu.memref_slice %arg3[%dma_wait3A_1534, %dma_wait3A_1542, %dma_wait3A_1543] : memref<32x32x1024xf32, #tpu.memory_space<vmem_shared>> -> memref<1x32x1024xf32, #tpu.memory_space<vmem_shared>>
    %dma_wait3A_1545 = tpu.memref_squeeze %dma_wait3A_1544 : memref<1x32x1024xf32, #tpu.memory_space<vmem_shared>> -> memref<32x1024xf32, #tpu.memory_space<vmem_shared>>
    tpu.wait_dma2 semaphore(%dma_wait3A_1538 : memref<!tpu.dma_semaphore, #tpu.memory_space<semaphore_mem>>) src(%dma_wait3A_1545 : memref<32x1024xf32, #tpu.memory_space<vmem_shared>>) dst(%dma_wait3A_1541 : memref<32x1024xf32, #tpu.memory_space<hbm>>)
    %add3A_1546 = arith.constant 1536 : i32
    %add3A_1547 = arith.addi %mul3A_0, %add3A_1546 : i32
    %dma_start3A_1548 = arith.constant 16 : i32
    %dma_start3A_1549 = arith.constant 16 : i32
    %dma_start3A_1550 = tpu.memref_slice %arg4[%dma_start3A_1549] : memref<32x!tpu.dma_semaphore, #tpu.memory_space<semaphore_mem>> -> memref<1x!tpu.dma_semaphore, #tpu.memory_space<semaphore_mem>>
    %dma_start3A_1551 = tpu.memref_squeeze %dma_start3A_1550 : memref<1x!tpu.dma_semaphore, #tpu.memory_space<semaphore_mem>> -> memref<!tpu.dma_semaphore, #tpu.memory_space<semaphore_mem>>
    %dma_start3A_1552 = arith.constant 0 : i32
    %dma_start3A_1553 = arith.constant 0 : i32
    %dma_start3A_1554 = tpu.memref_slice %arg3[%dma_start3A_1548, %dma_start3A_1552, %dma_start3A_1553] : memref<32x32x1024xf32, #tpu.memory_space<vmem_shared>> -> memref<1x32x1024xf32, #tpu.memory_space<vmem_shared>>
    %dma_start3A_1555 = tpu.memref_squeeze %dma_start3A_1554 : memref<1x32x1024xf32, #tpu.memory_space<vmem_shared>> -> memref<32x1024xf32, #tpu.memory_space<vmem_shared>>
    %dma_start3A_1556 = arith.constant 0 : i32
    %dma_start3A_1557 = tpu.memref_slice %arg1[%add3A_1547, %dma_start3A_1556] : memref<8192x1024xf32, #tpu.memory_space<hbm>> -> memref<32x1024xf32, #tpu.memory_space<hbm>>
    tpu.enqueue_dma source(%dma_start3A_1557 : memref<32x1024xf32, #tpu.memory_space<hbm>>) target(%dma_start3A_1555 : memref<32x1024xf32, #tpu.memory_space<vmem_shared>>) target_semaphore(%dma_start3A_1551 : memref<!tpu.dma_semaphore, #tpu.memory_space<semaphore_mem>>)
    %dma_wait3A_1558 = arith.constant 0 : i32
    %dma_wait3A_1559 = arith.constant 0 : i32
    %dma_wait3A_1560 = tpu.memref_slice %arg4[%dma_wait3A_1559] : memref<32x!tpu.dma_semaphore, #tpu.memory_space<semaphore_mem>> -> memref<1x!tpu.dma_semaphore, #tpu.memory_space<semaphore_mem>>
    %dma_wait3A_1561 = tpu.memref_squeeze %dma_wait3A_1560 : memref<1x!tpu.dma_semaphore, #tpu.memory_space<semaphore_mem>> -> memref<!tpu.dma_semaphore, #tpu.memory_space<semaphore_mem>>
    %dma_wait3A_1562 = arith.constant 0 : i32
    %dma_wait3A_1563 = arith.constant 0 : i32
    %dma_wait3A_1564 = tpu.memref_slice %arg3[%dma_wait3A_1558, %dma_wait3A_1562, %dma_wait3A_1563] : memref<32x32x1024xf32, #tpu.memory_space<vmem_shared>> -> memref<1x32x1024xf32, #tpu.memory_space<vmem_shared>>
    %dma_wait3A_1565 = tpu.memref_squeeze %dma_wait3A_1564 : memref<1x32x1024xf32, #tpu.memory_space<vmem_shared>> -> memref<32x1024xf32, #tpu.memory_space<vmem_shared>>
    %dma_wait3A_1566 = arith.constant 0 : i32
    %dma_wait3A_1567 = tpu.memref_slice %arg1[%mul3A_0, %dma_wait3A_1566] : memref<8192x1024xf32, #tpu.memory_space<hbm>> -> memref<32x1024xf32, #tpu.memory_space<hbm>>
    tpu.wait_dma2 semaphore(%dma_wait3A_1561 : memref<!tpu.dma_semaphore, #tpu.memory_space<semaphore_mem>>) src(%dma_wait3A_1567 : memref<32x1024xf32, #tpu.memory_space<hbm>>) dst(%dma_wait3A_1565 : memref<32x1024xf32, #tpu.memory_space<vmem_shared>>)
    %add3A_1568 = arith.constant 1024 : i32
    %add3A_1569 = arith.addi %mul3A_0, %add3A_1568 : i32
    %dma_start3A_1570 = arith.constant 0 : i32
    %dma_start3A_1571 = arith.constant 0 : i32
    %dma_start3A_1572 = arith.constant 0 : i32
    %dma_start3A_1573 = tpu.memref_slice %arg5[%dma_start3A_1572] : memref<32x!tpu.dma_semaphore, #tpu.memory_space<semaphore_mem>> -> memref<1x!tpu.dma_semaphore, #tpu.memory_space<semaphore_mem>>
    %dma_start3A_1574 = tpu.memref_squeeze %dma_start3A_1573 : memref<1x!tpu.dma_semaphore, #tpu.memory_space<semaphore_mem>> -> memref<!tpu.dma_semaphore, #tpu.memory_space<semaphore_mem>>
    %dma_start3A_1575 = arith.constant 0 : i32
    %dma_start3A_1576 = tpu.memref_slice %arg2[%dma_start3A_1571, %add3A_1569, %dma_start3A_1575] : memref<1x4096x1024xf32, #tpu.memory_space<hbm>> -> memref<1x32x1024xf32, #tpu.memory_space<hbm>>
    %dma_start3A_1577 = tpu.memref_squeeze %dma_start3A_1576 : memref<1x32x1024xf32, #tpu.memory_space<hbm>> -> memref<32x1024xf32, #tpu.memory_space<hbm>>
    %dma_start3A_1578 = arith.constant 0 : i32
    %dma_start3A_1579 = arith.constant 0 : i32
    %dma_start3A_1580 = tpu.memref_slice %arg3[%dma_start3A_1570, %dma_start3A_1578, %dma_start3A_1579] : memref<32x32x1024xf32, #tpu.memory_space<vmem_shared>> -> memref<1x32x1024xf32, #tpu.memory_space<vmem_shared>>
    %dma_start3A_1581 = tpu.memref_squeeze %dma_start3A_1580 : memref<1x32x1024xf32, #tpu.memory_space<vmem_shared>> -> memref<32x1024xf32, #tpu.memory_space<vmem_shared>>
    tpu.enqueue_dma source(%dma_start3A_1581 : memref<32x1024xf32, #tpu.memory_space<vmem_shared>>) target(%dma_start3A_1577 : memref<32x1024xf32, #tpu.memory_space<hbm>>) target_semaphore(%dma_start3A_1574 : memref<!tpu.dma_semaphore, #tpu.memory_space<semaphore_mem>>)
    %dma_wait3A_1582 = arith.constant 17 : i32
    %dma_wait3A_1583 = arith.constant 0 : i32
    %dma_wait3A_1584 = arith.constant 17 : i32
    %dma_wait3A_1585 = tpu.memref_slice %arg5[%dma_wait3A_1584] : memref<32x!tpu.dma_semaphore, #tpu.memory_space<semaphore_mem>> -> memref<1x!tpu.dma_semaphore, #tpu.memory_space<semaphore_mem>>
    %dma_wait3A_1586 = tpu.memref_squeeze %dma_wait3A_1585 : memref<1x!tpu.dma_semaphore, #tpu.memory_space<semaphore_mem>> -> memref<!tpu.dma_semaphore, #tpu.memory_space<semaphore_mem>>
    %dma_wait3A_1587 = arith.constant 0 : i32
    %dma_wait3A_1588 = tpu.memref_slice %arg2[%dma_wait3A_1583, %mul3A_0, %dma_wait3A_1587] : memref<1x4096x1024xf32, #tpu.memory_space<hbm>> -> memref<1x32x1024xf32, #tpu.memory_space<hbm>>
    %dma_wait3A_1589 = tpu.memref_squeeze %dma_wait3A_1588 : memref<1x32x1024xf32, #tpu.memory_space<hbm>> -> memref<32x1024xf32, #tpu.memory_space<hbm>>
    %dma_wait3A_1590 = arith.constant 0 : i32
    %dma_wait3A_1591 = arith.constant 0 : i32
    %dma_wait3A_1592 = tpu.memref_slice %arg3[%dma_wait3A_1582, %dma_wait3A_1590, %dma_wait3A_1591] : memref<32x32x1024xf32, #tpu.memory_space<vmem_shared>> -> memref<1x32x1024xf32, #tpu.memory_space<vmem_shared>>
    %dma_wait3A_1593 = tpu.memref_squeeze %dma_wait3A_1592 : memref<1x32x1024xf32, #tpu.memory_space<vmem_shared>> -> memref<32x1024xf32, #tpu.memory_space<vmem_shared>>
    tpu.wait_dma2 semaphore(%dma_wait3A_1586 : memref<!tpu.dma_semaphore, #tpu.memory_space<semaphore_mem>>) src(%dma_wait3A_1593 : memref<32x1024xf32, #tpu.memory_space<vmem_shared>>) dst(%dma_wait3A_1589 : memref<32x1024xf32, #tpu.memory_space<hbm>>)
    %add3A_1594 = arith.constant 1568 : i32
    %add3A_1595 = arith.addi %mul3A_0, %add3A_1594 : i32
    %dma_start3A_1596 = arith.constant 17 : i32
    %dma_start3A_1597 = arith.constant 17 : i32
    %dma_start3A_1598 = tpu.memref_slice %arg4[%dma_start3A_1597] : memref<32x!tpu.dma_semaphore, #tpu.memory_space<semaphore_mem>> -> memref<1x!tpu.dma_semaphore, #tpu.memory_space<semaphore_mem>>
    %dma_start3A_1599 = tpu.memref_squeeze %dma_start3A_1598 : memref<1x!tpu.dma_semaphore, #tpu.memory_space<semaphore_mem>> -> memref<!tpu.dma_semaphore, #tpu.memory_space<semaphore_mem>>
    %dma_start3A_1600 = arith.constant 0 : i32
    %dma_start3A_1601 = arith.constant 0 : i32
    %dma_start3A_1602 = tpu.memref_slice %arg3[%dma_start3A_1596, %dma_start3A_1600, %dma_start3A_1601] : memref<32x32x1024xf32, #tpu.memory_space<vmem_shared>> -> memref<1x32x1024xf32, #tpu.memory_space<vmem_shared>>
    %dma_start3A_1603 = tpu.memref_squeeze %dma_start3A_1602 : memref<1x32x1024xf32, #tpu.memory_space<vmem_shared>> -> memref<32x1024xf32, #tpu.memory_space<vmem_shared>>
    %dma_start3A_1604 = arith.constant 0 : i32
    %dma_start3A_1605 = tpu.memref_slice %arg1[%add3A_1595, %dma_start3A_1604] : memref<8192x1024xf32, #tpu.memory_space<hbm>> -> memref<32x1024xf32, #tpu.memory_space<hbm>>
    tpu.enqueue_dma source(%dma_start3A_1605 : memref<32x1024xf32, #tpu.memory_space<hbm>>) target(%dma_start3A_1603 : memref<32x1024xf32, #tpu.memory_space<vmem_shared>>) target_semaphore(%dma_start3A_1599 : memref<!tpu.dma_semaphore, #tpu.memory_space<semaphore_mem>>)
    %dma_wait3A_1606 = arith.constant 1 : i32
    %dma_wait3A_1607 = arith.constant 1 : i32
    %dma_wait3A_1608 = tpu.memref_slice %arg4[%dma_wait3A_1607] : memref<32x!tpu.dma_semaphore, #tpu.memory_space<semaphore_mem>> -> memref<1x!tpu.dma_semaphore, #tpu.memory_space<semaphore_mem>>
    %dma_wait3A_1609 = tpu.memref_squeeze %dma_wait3A_1608 : memref<1x!tpu.dma_semaphore, #tpu.memory_space<semaphore_mem>> -> memref<!tpu.dma_semaphore, #tpu.memory_space<semaphore_mem>>
    %dma_wait3A_1610 = arith.constant 0 : i32
    %dma_wait3A_1611 = arith.constant 0 : i32
    %dma_wait3A_1612 = tpu.memref_slice %arg3[%dma_wait3A_1606, %dma_wait3A_1610, %dma_wait3A_1611] : memref<32x32x1024xf32, #tpu.memory_space<vmem_shared>> -> memref<1x32x1024xf32, #tpu.memory_space<vmem_shared>>
    %dma_wait3A_1613 = tpu.memref_squeeze %dma_wait3A_1612 : memref<1x32x1024xf32, #tpu.memory_space<vmem_shared>> -> memref<32x1024xf32, #tpu.memory_space<vmem_shared>>
    %dma_wait3A_1614 = arith.constant 0 : i32
    %dma_wait3A_1615 = tpu.memref_slice %arg1[%mul3A_0, %dma_wait3A_1614] : memref<8192x1024xf32, #tpu.memory_space<hbm>> -> memref<32x1024xf32, #tpu.memory_space<hbm>>
    tpu.wait_dma2 semaphore(%dma_wait3A_1609 : memref<!tpu.dma_semaphore, #tpu.memory_space<semaphore_mem>>) src(%dma_wait3A_1615 : memref<32x1024xf32, #tpu.memory_space<hbm>>) dst(%dma_wait3A_1613 : memref<32x1024xf32, #tpu.memory_space<vmem_shared>>)
    %add3A_1616 = arith.constant 1056 : i32
    %add3A_1617 = arith.addi %mul3A_0, %add3A_1616 : i32
    %dma_start3A_1618 = arith.constant 1 : i32
    %dma_start3A_1619 = arith.constant 0 : i32
    %dma_start3A_1620 = arith.constant 1 : i32
    %dma_start3A_1621 = tpu.memref_slice %arg5[%dma_start3A_1620] : memref<32x!tpu.dma_semaphore, #tpu.memory_space<semaphore_mem>> -> memref<1x!tpu.dma_semaphore, #tpu.memory_space<semaphore_mem>>
    %dma_start3A_1622 = tpu.memref_squeeze %dma_start3A_1621 : memref<1x!tpu.dma_semaphore, #tpu.memory_space<semaphore_mem>> -> memref<!tpu.dma_semaphore, #tpu.memory_space<semaphore_mem>>
    %dma_start3A_1623 = arith.constant 0 : i32
    %dma_start3A_1624 = tpu.memref_slice %arg2[%dma_start3A_1619, %add3A_1617, %dma_start3A_1623] : memref<1x4096x1024xf32, #tpu.memory_space<hbm>> -> memref<1x32x1024xf32, #tpu.memory_space<hbm>>
    %dma_start3A_1625 = tpu.memref_squeeze %dma_start3A_1624 : memref<1x32x1024xf32, #tpu.memory_space<hbm>> -> memref<32x1024xf32, #tpu.memory_space<hbm>>
    %dma_start3A_1626 = arith.constant 0 : i32
    %dma_start3A_1627 = arith.constant 0 : i32
    %dma_start3A_1628 = tpu.memref_slice %arg3[%dma_start3A_1618, %dma_start3A_1626, %dma_start3A_1627] : memref<32x32x1024xf32, #tpu.memory_space<vmem_shared>> -> memref<1x32x1024xf32, #tpu.memory_space<vmem_shared>>
    %dma_start3A_1629 = tpu.memref_squeeze %dma_start3A_1628 : memref<1x32x1024xf32, #tpu.memory_space<vmem_shared>> -> memref<32x1024xf32, #tpu.memory_space<vmem_shared>>
    tpu.enqueue_dma source(%dma_start3A_1629 : memref<32x1024xf32, #tpu.memory_space<vmem_shared>>) target(%dma_start3A_1625 : memref<32x1024xf32, #tpu.memory_space<hbm>>) target_semaphore(%dma_start3A_1622 : memref<!tpu.dma_semaphore, #tpu.memory_space<semaphore_mem>>)
    %dma_wait3A_1630 = arith.constant 18 : i32
    %dma_wait3A_1631 = arith.constant 0 : i32
    %dma_wait3A_1632 = arith.constant 18 : i32
    %dma_wait3A_1633 = tpu.memref_slice %arg5[%dma_wait3A_1632] : memref<32x!tpu.dma_semaphore, #tpu.memory_space<semaphore_mem>> -> memref<1x!tpu.dma_semaphore, #tpu.memory_space<semaphore_mem>>
    %dma_wait3A_1634 = tpu.memref_squeeze %dma_wait3A_1633 : memref<1x!tpu.dma_semaphore, #tpu.memory_space<semaphore_mem>> -> memref<!tpu.dma_semaphore, #tpu.memory_space<semaphore_mem>>
    %dma_wait3A_1635 = arith.constant 0 : i32
    %dma_wait3A_1636 = tpu.memref_slice %arg2[%dma_wait3A_1631, %mul3A_0, %dma_wait3A_1635] : memref<1x4096x1024xf32, #tpu.memory_space<hbm>> -> memref<1x32x1024xf32, #tpu.memory_space<hbm>>
    %dma_wait3A_1637 = tpu.memref_squeeze %dma_wait3A_1636 : memref<1x32x1024xf32, #tpu.memory_space<hbm>> -> memref<32x1024xf32, #tpu.memory_space<hbm>>
    %dma_wait3A_1638 = arith.constant 0 : i32
    %dma_wait3A_1639 = arith.constant 0 : i32
    %dma_wait3A_1640 = tpu.memref_slice %arg3[%dma_wait3A_1630, %dma_wait3A_1638, %dma_wait3A_1639] : memref<32x32x1024xf32, #tpu.memory_space<vmem_shared>> -> memref<1x32x1024xf32, #tpu.memory_space<vmem_shared>>
    %dma_wait3A_1641 = tpu.memref_squeeze %dma_wait3A_1640 : memref<1x32x1024xf32, #tpu.memory_space<vmem_shared>> -> memref<32x1024xf32, #tpu.memory_space<vmem_shared>>
    tpu.wait_dma2 semaphore(%dma_wait3A_1634 : memref<!tpu.dma_semaphore, #tpu.memory_space<semaphore_mem>>) src(%dma_wait3A_1641 : memref<32x1024xf32, #tpu.memory_space<vmem_shared>>) dst(%dma_wait3A_1637 : memref<32x1024xf32, #tpu.memory_space<hbm>>)
    %add3A_1642 = arith.constant 1600 : i32
    %add3A_1643 = arith.addi %mul3A_0, %add3A_1642 : i32
    %dma_start3A_1644 = arith.constant 18 : i32
    %dma_start3A_1645 = arith.constant 18 : i32
    %dma_start3A_1646 = tpu.memref_slice %arg4[%dma_start3A_1645] : memref<32x!tpu.dma_semaphore, #tpu.memory_space<semaphore_mem>> -> memref<1x!tpu.dma_semaphore, #tpu.memory_space<semaphore_mem>>
    %dma_start3A_1647 = tpu.memref_squeeze %dma_start3A_1646 : memref<1x!tpu.dma_semaphore, #tpu.memory_space<semaphore_mem>> -> memref<!tpu.dma_semaphore, #tpu.memory_space<semaphore_mem>>
    %dma_start3A_1648 = arith.constant 0 : i32
    %dma_start3A_1649 = arith.constant 0 : i32
    %dma_start3A_1650 = tpu.memref_slice %arg3[%dma_start3A_1644, %dma_start3A_1648, %dma_start3A_1649] : memref<32x32x1024xf32, #tpu.memory_space<vmem_shared>> -> memref<1x32x1024xf32, #tpu.memory_space<vmem_shared>>
    %dma_start3A_1651 = tpu.memref_squeeze %dma_start3A_1650 : memref<1x32x1024xf32, #tpu.memory_space<vmem_shared>> -> memref<32x1024xf32, #tpu.memory_space<vmem_shared>>
    %dma_start3A_1652 = arith.constant 0 : i32
    %dma_start3A_1653 = tpu.memref_slice %arg1[%add3A_1643, %dma_start3A_1652] : memref<8192x1024xf32, #tpu.memory_space<hbm>> -> memref<32x1024xf32, #tpu.memory_space<hbm>>
    tpu.enqueue_dma source(%dma_start3A_1653 : memref<32x1024xf32, #tpu.memory_space<hbm>>) target(%dma_start3A_1651 : memref<32x1024xf32, #tpu.memory_space<vmem_shared>>) target_semaphore(%dma_start3A_1647 : memref<!tpu.dma_semaphore, #tpu.memory_space<semaphore_mem>>)
    %dma_wait3A_1654 = arith.constant 2 : i32
    %dma_wait3A_1655 = arith.constant 2 : i32
    %dma_wait3A_1656 = tpu.memref_slice %arg4[%dma_wait3A_1655] : memref<32x!tpu.dma_semaphore, #tpu.memory_space<semaphore_mem>> -> memref<1x!tpu.dma_semaphore, #tpu.memory_space<semaphore_mem>>
    %dma_wait3A_1657 = tpu.memref_squeeze %dma_wait3A_1656 : memref<1x!tpu.dma_semaphore, #tpu.memory_space<semaphore_mem>> -> memref<!tpu.dma_semaphore, #tpu.memory_space<semaphore_mem>>
    %dma_wait3A_1658 = arith.constant 0 : i32
    %dma_wait3A_1659 = arith.constant 0 : i32
    %dma_wait3A_1660 = tpu.memref_slice %arg3[%dma_wait3A_1654, %dma_wait3A_1658, %dma_wait3A_1659] : memref<32x32x1024xf32, #tpu.memory_space<vmem_shared>> -> memref<1x32x1024xf32, #tpu.memory_space<vmem_shared>>
    %dma_wait3A_1661 = tpu.memref_squeeze %dma_wait3A_1660 : memref<1x32x1024xf32, #tpu.memory_space<vmem_shared>> -> memref<32x1024xf32, #tpu.memory_space<vmem_shared>>
    %dma_wait3A_1662 = arith.constant 0 : i32
    %dma_wait3A_1663 = tpu.memref_slice %arg1[%mul3A_0, %dma_wait3A_1662] : memref<8192x1024xf32, #tpu.memory_space<hbm>> -> memref<32x1024xf32, #tpu.memory_space<hbm>>
    tpu.wait_dma2 semaphore(%dma_wait3A_1657 : memref<!tpu.dma_semaphore, #tpu.memory_space<semaphore_mem>>) src(%dma_wait3A_1663 : memref<32x1024xf32, #tpu.memory_space<hbm>>) dst(%dma_wait3A_1661 : memref<32x1024xf32, #tpu.memory_space<vmem_shared>>)
    %add3A_1664 = arith.constant 1088 : i32
    %add3A_1665 = arith.addi %mul3A_0, %add3A_1664 : i32
    %dma_start3A_1666 = arith.constant 2 : i32
    %dma_start3A_1667 = arith.constant 0 : i32
    %dma_start3A_1668 = arith.constant 2 : i32
    %dma_start3A_1669 = tpu.memref_slice %arg5[%dma_start3A_1668] : memref<32x!tpu.dma_semaphore, #tpu.memory_space<semaphore_mem>> -> memref<1x!tpu.dma_semaphore, #tpu.memory_space<semaphore_mem>>
    %dma_start3A_1670 = tpu.memref_squeeze %dma_start3A_1669 : memref<1x!tpu.dma_semaphore, #tpu.memory_space<semaphore_mem>> -> memref<!tpu.dma_semaphore, #tpu.memory_space<semaphore_mem>>
    %dma_start3A_1671 = arith.constant 0 : i32
    %dma_start3A_1672 = tpu.memref_slice %arg2[%dma_start3A_1667, %add3A_1665, %dma_start3A_1671] : memref<1x4096x1024xf32, #tpu.memory_space<hbm>> -> memref<1x32x1024xf32, #tpu.memory_space<hbm>>
    %dma_start3A_1673 = tpu.memref_squeeze %dma_start3A_1672 : memref<1x32x1024xf32, #tpu.memory_space<hbm>> -> memref<32x1024xf32, #tpu.memory_space<hbm>>
    %dma_start3A_1674 = arith.constant 0 : i32
    %dma_start3A_1675 = arith.constant 0 : i32
    %dma_start3A_1676 = tpu.memref_slice %arg3[%dma_start3A_1666, %dma_start3A_1674, %dma_start3A_1675] : memref<32x32x1024xf32, #tpu.memory_space<vmem_shared>> -> memref<1x32x1024xf32, #tpu.memory_space<vmem_shared>>
    %dma_start3A_1677 = tpu.memref_squeeze %dma_start3A_1676 : memref<1x32x1024xf32, #tpu.memory_space<vmem_shared>> -> memref<32x1024xf32, #tpu.memory_space<vmem_shared>>
    tpu.enqueue_dma source(%dma_start3A_1677 : memref<32x1024xf32, #tpu.memory_space<vmem_shared>>) target(%dma_start3A_1673 : memref<32x1024xf32, #tpu.memory_space<hbm>>) target_semaphore(%dma_start3A_1670 : memref<!tpu.dma_semaphore, #tpu.memory_space<semaphore_mem>>)
    %dma_wait3A_1678 = arith.constant 19 : i32
    %dma_wait3A_1679 = arith.constant 0 : i32
    %dma_wait3A_1680 = arith.constant 19 : i32
    %dma_wait3A_1681 = tpu.memref_slice %arg5[%dma_wait3A_1680] : memref<32x!tpu.dma_semaphore, #tpu.memory_space<semaphore_mem>> -> memref<1x!tpu.dma_semaphore, #tpu.memory_space<semaphore_mem>>
    %dma_wait3A_1682 = tpu.memref_squeeze %dma_wait3A_1681 : memref<1x!tpu.dma_semaphore, #tpu.memory_space<semaphore_mem>> -> memref<!tpu.dma_semaphore, #tpu.memory_space<semaphore_mem>>
    %dma_wait3A_1683 = arith.constant 0 : i32
    %dma_wait3A_1684 = tpu.memref_slice %arg2[%dma_wait3A_1679, %mul3A_0, %dma_wait3A_1683] : memref<1x4096x1024xf32, #tpu.memory_space<hbm>> -> memref<1x32x1024xf32, #tpu.memory_space<hbm>>
    %dma_wait3A_1685 = tpu.memref_squeeze %dma_wait3A_1684 : memref<1x32x1024xf32, #tpu.memory_space<hbm>> -> memref<32x1024xf32, #tpu.memory_space<hbm>>
    %dma_wait3A_1686 = arith.constant 0 : i32
    %dma_wait3A_1687 = arith.constant 0 : i32
    %dma_wait3A_1688 = tpu.memref_slice %arg3[%dma_wait3A_1678, %dma_wait3A_1686, %dma_wait3A_1687] : memref<32x32x1024xf32, #tpu.memory_space<vmem_shared>> -> memref<1x32x1024xf32, #tpu.memory_space<vmem_shared>>
    %dma_wait3A_1689 = tpu.memref_squeeze %dma_wait3A_1688 : memref<1x32x1024xf32, #tpu.memory_space<vmem_shared>> -> memref<32x1024xf32, #tpu.memory_space<vmem_shared>>
    tpu.wait_dma2 semaphore(%dma_wait3A_1682 : memref<!tpu.dma_semaphore, #tpu.memory_space<semaphore_mem>>) src(%dma_wait3A_1689 : memref<32x1024xf32, #tpu.memory_space<vmem_shared>>) dst(%dma_wait3A_1685 : memref<32x1024xf32, #tpu.memory_space<hbm>>)
    %add3A_1690 = arith.constant 1632 : i32
    %add3A_1691 = arith.addi %mul3A_0, %add3A_1690 : i32
    %dma_start3A_1692 = arith.constant 19 : i32
    %dma_start3A_1693 = arith.constant 19 : i32
    %dma_start3A_1694 = tpu.memref_slice %arg4[%dma_start3A_1693] : memref<32x!tpu.dma_semaphore, #tpu.memory_space<semaphore_mem>> -> memref<1x!tpu.dma_semaphore, #tpu.memory_space<semaphore_mem>>
    %dma_start3A_1695 = tpu.memref_squeeze %dma_start3A_1694 : memref<1x!tpu.dma_semaphore, #tpu.memory_space<semaphore_mem>> -> memref<!tpu.dma_semaphore, #tpu.memory_space<semaphore_mem>>
    %dma_start3A_1696 = arith.constant 0 : i32
    %dma_start3A_1697 = arith.constant 0 : i32
    %dma_start3A_1698 = tpu.memref_slice %arg3[%dma_start3A_1692, %dma_start3A_1696, %dma_start3A_1697] : memref<32x32x1024xf32, #tpu.memory_space<vmem_shared>> -> memref<1x32x1024xf32, #tpu.memory_space<vmem_shared>>
    %dma_start3A_1699 = tpu.memref_squeeze %dma_start3A_1698 : memref<1x32x1024xf32, #tpu.memory_space<vmem_shared>> -> memref<32x1024xf32, #tpu.memory_space<vmem_shared>>
    %dma_start3A_1700 = arith.constant 0 : i32
    %dma_start3A_1701 = tpu.memref_slice %arg1[%add3A_1691, %dma_start3A_1700] : memref<8192x1024xf32, #tpu.memory_space<hbm>> -> memref<32x1024xf32, #tpu.memory_space<hbm>>
    tpu.enqueue_dma source(%dma_start3A_1701 : memref<32x1024xf32, #tpu.memory_space<hbm>>) target(%dma_start3A_1699 : memref<32x1024xf32, #tpu.memory_space<vmem_shared>>) target_semaphore(%dma_start3A_1695 : memref<!tpu.dma_semaphore, #tpu.memory_space<semaphore_mem>>)
    %dma_wait3A_1702 = arith.constant 3 : i32
    %dma_wait3A_1703 = arith.constant 3 : i32
    %dma_wait3A_1704 = tpu.memref_slice %arg4[%dma_wait3A_1703] : memref<32x!tpu.dma_semaphore, #tpu.memory_space<semaphore_mem>> -> memref<1x!tpu.dma_semaphore, #tpu.memory_space<semaphore_mem>>
    %dma_wait3A_1705 = tpu.memref_squeeze %dma_wait3A_1704 : memref<1x!tpu.dma_semaphore, #tpu.memory_space<semaphore_mem>> -> memref<!tpu.dma_semaphore, #tpu.memory_space<semaphore_mem>>
    %dma_wait3A_1706 = arith.constant 0 : i32
    %dma_wait3A_1707 = arith.constant 0 : i32
    %dma_wait3A_1708 = tpu.memref_slice %arg3[%dma_wait3A_1702, %dma_wait3A_1706, %dma_wait3A_1707] : memref<32x32x1024xf32, #tpu.memory_space<vmem_shared>> -> memref<1x32x1024xf32, #tpu.memory_space<vmem_shared>>
    %dma_wait3A_1709 = tpu.memref_squeeze %dma_wait3A_1708 : memref<1x32x1024xf32, #tpu.memory_space<vmem_shared>> -> memref<32x1024xf32, #tpu.memory_space<vmem_shared>>
    %dma_wait3A_1710 = arith.constant 0 : i32
    %dma_wait3A_1711 = tpu.memref_slice %arg1[%mul3A_0, %dma_wait3A_1710] : memref<8192x1024xf32, #tpu.memory_space<hbm>> -> memref<32x1024xf32, #tpu.memory_space<hbm>>
    tpu.wait_dma2 semaphore(%dma_wait3A_1705 : memref<!tpu.dma_semaphore, #tpu.memory_space<semaphore_mem>>) src(%dma_wait3A_1711 : memref<32x1024xf32, #tpu.memory_space<hbm>>) dst(%dma_wait3A_1709 : memref<32x1024xf32, #tpu.memory_space<vmem_shared>>)
    %add3A_1712 = arith.constant 1120 : i32
    %add3A_1713 = arith.addi %mul3A_0, %add3A_1712 : i32
    %dma_start3A_1714 = arith.constant 3 : i32
    %dma_start3A_1715 = arith.constant 0 : i32
    %dma_start3A_1716 = arith.constant 3 : i32
    %dma_start3A_1717 = tpu.memref_slice %arg5[%dma_start3A_1716] : memref<32x!tpu.dma_semaphore, #tpu.memory_space<semaphore_mem>> -> memref<1x!tpu.dma_semaphore, #tpu.memory_space<semaphore_mem>>
    %dma_start3A_1718 = tpu.memref_squeeze %dma_start3A_1717 : memref<1x!tpu.dma_semaphore, #tpu.memory_space<semaphore_mem>> -> memref<!tpu.dma_semaphore, #tpu.memory_space<semaphore_mem>>
    %dma_start3A_1719 = arith.constant 0 : i32
    %dma_start3A_1720 = tpu.memref_slice %arg2[%dma_start3A_1715, %add3A_1713, %dma_start3A_1719] : memref<1x4096x1024xf32, #tpu.memory_space<hbm>> -> memref<1x32x1024xf32, #tpu.memory_space<hbm>>
    %dma_start3A_1721 = tpu.memref_squeeze %dma_start3A_1720 : memref<1x32x1024xf32, #tpu.memory_space<hbm>> -> memref<32x1024xf32, #tpu.memory_space<hbm>>
    %dma_start3A_1722 = arith.constant 0 : i32
    %dma_start3A_1723 = arith.constant 0 : i32
    %dma_start3A_1724 = tpu.memref_slice %arg3[%dma_start3A_1714, %dma_start3A_1722, %dma_start3A_1723] : memref<32x32x1024xf32, #tpu.memory_space<vmem_shared>> -> memref<1x32x1024xf32, #tpu.memory_space<vmem_shared>>
    %dma_start3A_1725 = tpu.memref_squeeze %dma_start3A_1724 : memref<1x32x1024xf32, #tpu.memory_space<vmem_shared>> -> memref<32x1024xf32, #tpu.memory_space<vmem_shared>>
    tpu.enqueue_dma source(%dma_start3A_1725 : memref<32x1024xf32, #tpu.memory_space<vmem_shared>>) target(%dma_start3A_1721 : memref<32x1024xf32, #tpu.memory_space<hbm>>) target_semaphore(%dma_start3A_1718 : memref<!tpu.dma_semaphore, #tpu.memory_space<semaphore_mem>>)
    %dma_wait3A_1726 = arith.constant 20 : i32
    %dma_wait3A_1727 = arith.constant 0 : i32
    %dma_wait3A_1728 = arith.constant 20 : i32
    %dma_wait3A_1729 = tpu.memref_slice %arg5[%dma_wait3A_1728] : memref<32x!tpu.dma_semaphore, #tpu.memory_space<semaphore_mem>> -> memref<1x!tpu.dma_semaphore, #tpu.memory_space<semaphore_mem>>
    %dma_wait3A_1730 = tpu.memref_squeeze %dma_wait3A_1729 : memref<1x!tpu.dma_semaphore, #tpu.memory_space<semaphore_mem>> -> memref<!tpu.dma_semaphore, #tpu.memory_space<semaphore_mem>>
    %dma_wait3A_1731 = arith.constant 0 : i32
    %dma_wait3A_1732 = tpu.memref_slice %arg2[%dma_wait3A_1727, %mul3A_0, %dma_wait3A_1731] : memref<1x4096x1024xf32, #tpu.memory_space<hbm>> -> memref<1x32x1024xf32, #tpu.memory_space<hbm>>
    %dma_wait3A_1733 = tpu.memref_squeeze %dma_wait3A_1732 : memref<1x32x1024xf32, #tpu.memory_space<hbm>> -> memref<32x1024xf32, #tpu.memory_space<hbm>>
    %dma_wait3A_1734 = arith.constant 0 : i32
    %dma_wait3A_1735 = arith.constant 0 : i32
    %dma_wait3A_1736 = tpu.memref_slice %arg3[%dma_wait3A_1726, %dma_wait3A_1734, %dma_wait3A_1735] : memref<32x32x1024xf32, #tpu.memory_space<vmem_shared>> -> memref<1x32x1024xf32, #tpu.memory_space<vmem_shared>>
    %dma_wait3A_1737 = tpu.memref_squeeze %dma_wait3A_1736 : memref<1x32x1024xf32, #tpu.memory_space<vmem_shared>> -> memref<32x1024xf32, #tpu.memory_space<vmem_shared>>
    tpu.wait_dma2 semaphore(%dma_wait3A_1730 : memref<!tpu.dma_semaphore, #tpu.memory_space<semaphore_mem>>) src(%dma_wait3A_1737 : memref<32x1024xf32, #tpu.memory_space<vmem_shared>>) dst(%dma_wait3A_1733 : memref<32x1024xf32, #tpu.memory_space<hbm>>)
    %add3A_1738 = arith.constant 1664 : i32
    %add3A_1739 = arith.addi %mul3A_0, %add3A_1738 : i32
    %dma_start3A_1740 = arith.constant 20 : i32
    %dma_start3A_1741 = arith.constant 20 : i32
    %dma_start3A_1742 = tpu.memref_slice %arg4[%dma_start3A_1741] : memref<32x!tpu.dma_semaphore, #tpu.memory_space<semaphore_mem>> -> memref<1x!tpu.dma_semaphore, #tpu.memory_space<semaphore_mem>>
    %dma_start3A_1743 = tpu.memref_squeeze %dma_start3A_1742 : memref<1x!tpu.dma_semaphore, #tpu.memory_space<semaphore_mem>> -> memref<!tpu.dma_semaphore, #tpu.memory_space<semaphore_mem>>
    %dma_start3A_1744 = arith.constant 0 : i32
    %dma_start3A_1745 = arith.constant 0 : i32
    %dma_start3A_1746 = tpu.memref_slice %arg3[%dma_start3A_1740, %dma_start3A_1744, %dma_start3A_1745] : memref<32x32x1024xf32, #tpu.memory_space<vmem_shared>> -> memref<1x32x1024xf32, #tpu.memory_space<vmem_shared>>
    %dma_start3A_1747 = tpu.memref_squeeze %dma_start3A_1746 : memref<1x32x1024xf32, #tpu.memory_space<vmem_shared>> -> memref<32x1024xf32, #tpu.memory_space<vmem_shared>>
    %dma_start3A_1748 = arith.constant 0 : i32
    %dma_start3A_1749 = tpu.memref_slice %arg1[%add3A_1739, %dma_start3A_1748] : memref<8192x1024xf32, #tpu.memory_space<hbm>> -> memref<32x1024xf32, #tpu.memory_space<hbm>>
    tpu.enqueue_dma source(%dma_start3A_1749 : memref<32x1024xf32, #tpu.memory_space<hbm>>) target(%dma_start3A_1747 : memref<32x1024xf32, #tpu.memory_space<vmem_shared>>) target_semaphore(%dma_start3A_1743 : memref<!tpu.dma_semaphore, #tpu.memory_space<semaphore_mem>>)
    %dma_wait3A_1750 = arith.constant 4 : i32
    %dma_wait3A_1751 = arith.constant 4 : i32
    %dma_wait3A_1752 = tpu.memref_slice %arg4[%dma_wait3A_1751] : memref<32x!tpu.dma_semaphore, #tpu.memory_space<semaphore_mem>> -> memref<1x!tpu.dma_semaphore, #tpu.memory_space<semaphore_mem>>
    %dma_wait3A_1753 = tpu.memref_squeeze %dma_wait3A_1752 : memref<1x!tpu.dma_semaphore, #tpu.memory_space<semaphore_mem>> -> memref<!tpu.dma_semaphore, #tpu.memory_space<semaphore_mem>>
    %dma_wait3A_1754 = arith.constant 0 : i32
    %dma_wait3A_1755 = arith.constant 0 : i32
    %dma_wait3A_1756 = tpu.memref_slice %arg3[%dma_wait3A_1750, %dma_wait3A_1754, %dma_wait3A_1755] : memref<32x32x1024xf32, #tpu.memory_space<vmem_shared>> -> memref<1x32x1024xf32, #tpu.memory_space<vmem_shared>>
    %dma_wait3A_1757 = tpu.memref_squeeze %dma_wait3A_1756 : memref<1x32x1024xf32, #tpu.memory_space<vmem_shared>> -> memref<32x1024xf32, #tpu.memory_space<vmem_shared>>
    %dma_wait3A_1758 = arith.constant 0 : i32
    %dma_wait3A_1759 = tpu.memref_slice %arg1[%mul3A_0, %dma_wait3A_1758] : memref<8192x1024xf32, #tpu.memory_space<hbm>> -> memref<32x1024xf32, #tpu.memory_space<hbm>>
    tpu.wait_dma2 semaphore(%dma_wait3A_1753 : memref<!tpu.dma_semaphore, #tpu.memory_space<semaphore_mem>>) src(%dma_wait3A_1759 : memref<32x1024xf32, #tpu.memory_space<hbm>>) dst(%dma_wait3A_1757 : memref<32x1024xf32, #tpu.memory_space<vmem_shared>>)
    %add3A_1760 = arith.constant 1152 : i32
    %add3A_1761 = arith.addi %mul3A_0, %add3A_1760 : i32
    %dma_start3A_1762 = arith.constant 4 : i32
    %dma_start3A_1763 = arith.constant 0 : i32
    %dma_start3A_1764 = arith.constant 4 : i32
    %dma_start3A_1765 = tpu.memref_slice %arg5[%dma_start3A_1764] : memref<32x!tpu.dma_semaphore, #tpu.memory_space<semaphore_mem>> -> memref<1x!tpu.dma_semaphore, #tpu.memory_space<semaphore_mem>>
    %dma_start3A_1766 = tpu.memref_squeeze %dma_start3A_1765 : memref<1x!tpu.dma_semaphore, #tpu.memory_space<semaphore_mem>> -> memref<!tpu.dma_semaphore, #tpu.memory_space<semaphore_mem>>
    %dma_start3A_1767 = arith.constant 0 : i32
    %dma_start3A_1768 = tpu.memref_slice %arg2[%dma_start3A_1763, %add3A_1761, %dma_start3A_1767] : memref<1x4096x1024xf32, #tpu.memory_space<hbm>> -> memref<1x32x1024xf32, #tpu.memory_space<hbm>>
    %dma_start3A_1769 = tpu.memref_squeeze %dma_start3A_1768 : memref<1x32x1024xf32, #tpu.memory_space<hbm>> -> memref<32x1024xf32, #tpu.memory_space<hbm>>
    %dma_start3A_1770 = arith.constant 0 : i32
    %dma_start3A_1771 = arith.constant 0 : i32
    %dma_start3A_1772 = tpu.memref_slice %arg3[%dma_start3A_1762, %dma_start3A_1770, %dma_start3A_1771] : memref<32x32x1024xf32, #tpu.memory_space<vmem_shared>> -> memref<1x32x1024xf32, #tpu.memory_space<vmem_shared>>
    %dma_start3A_1773 = tpu.memref_squeeze %dma_start3A_1772 : memref<1x32x1024xf32, #tpu.memory_space<vmem_shared>> -> memref<32x1024xf32, #tpu.memory_space<vmem_shared>>
    tpu.enqueue_dma source(%dma_start3A_1773 : memref<32x1024xf32, #tpu.memory_space<vmem_shared>>) target(%dma_start3A_1769 : memref<32x1024xf32, #tpu.memory_space<hbm>>) target_semaphore(%dma_start3A_1766 : memref<!tpu.dma_semaphore, #tpu.memory_space<semaphore_mem>>)
    %dma_wait3A_1774 = arith.constant 21 : i32
    %dma_wait3A_1775 = arith.constant 0 : i32
    %dma_wait3A_1776 = arith.constant 21 : i32
    %dma_wait3A_1777 = tpu.memref_slice %arg5[%dma_wait3A_1776] : memref<32x!tpu.dma_semaphore, #tpu.memory_space<semaphore_mem>> -> memref<1x!tpu.dma_semaphore, #tpu.memory_space<semaphore_mem>>
    %dma_wait3A_1778 = tpu.memref_squeeze %dma_wait3A_1777 : memref<1x!tpu.dma_semaphore, #tpu.memory_space<semaphore_mem>> -> memref<!tpu.dma_semaphore, #tpu.memory_space<semaphore_mem>>
    %dma_wait3A_1779 = arith.constant 0 : i32
    %dma_wait3A_1780 = tpu.memref_slice %arg2[%dma_wait3A_1775, %mul3A_0, %dma_wait3A_1779] : memref<1x4096x1024xf32, #tpu.memory_space<hbm>> -> memref<1x32x1024xf32, #tpu.memory_space<hbm>>
    %dma_wait3A_1781 = tpu.memref_squeeze %dma_wait3A_1780 : memref<1x32x1024xf32, #tpu.memory_space<hbm>> -> memref<32x1024xf32, #tpu.memory_space<hbm>>
    %dma_wait3A_1782 = arith.constant 0 : i32
    %dma_wait3A_1783 = arith.constant 0 : i32
    %dma_wait3A_1784 = tpu.memref_slice %arg3[%dma_wait3A_1774, %dma_wait3A_1782, %dma_wait3A_1783] : memref<32x32x1024xf32, #tpu.memory_space<vmem_shared>> -> memref<1x32x1024xf32, #tpu.memory_space<vmem_shared>>
    %dma_wait3A_1785 = tpu.memref_squeeze %dma_wait3A_1784 : memref<1x32x1024xf32, #tpu.memory_space<vmem_shared>> -> memref<32x1024xf32, #tpu.memory_space<vmem_shared>>
    tpu.wait_dma2 semaphore(%dma_wait3A_1778 : memref<!tpu.dma_semaphore, #tpu.memory_space<semaphore_mem>>) src(%dma_wait3A_1785 : memref<32x1024xf32, #tpu.memory_space<vmem_shared>>) dst(%dma_wait3A_1781 : memref<32x1024xf32, #tpu.memory_space<hbm>>)
    %add3A_1786 = arith.constant 1696 : i32
    %add3A_1787 = arith.addi %mul3A_0, %add3A_1786 : i32
    %dma_start3A_1788 = arith.constant 21 : i32
    %dma_start3A_1789 = arith.constant 21 : i32
    %dma_start3A_1790 = tpu.memref_slice %arg4[%dma_start3A_1789] : memref<32x!tpu.dma_semaphore, #tpu.memory_space<semaphore_mem>> -> memref<1x!tpu.dma_semaphore, #tpu.memory_space<semaphore_mem>>
    %dma_start3A_1791 = tpu.memref_squeeze %dma_start3A_1790 : memref<1x!tpu.dma_semaphore, #tpu.memory_space<semaphore_mem>> -> memref<!tpu.dma_semaphore, #tpu.memory_space<semaphore_mem>>
    %dma_start3A_1792 = arith.constant 0 : i32
    %dma_start3A_1793 = arith.constant 0 : i32
    %dma_start3A_1794 = tpu.memref_slice %arg3[%dma_start3A_1788, %dma_start3A_1792, %dma_start3A_1793] : memref<32x32x1024xf32, #tpu.memory_space<vmem_shared>> -> memref<1x32x1024xf32, #tpu.memory_space<vmem_shared>>
    %dma_start3A_1795 = tpu.memref_squeeze %dma_start3A_1794 : memref<1x32x1024xf32, #tpu.memory_space<vmem_shared>> -> memref<32x1024xf32, #tpu.memory_space<vmem_shared>>
    %dma_start3A_1796 = arith.constant 0 : i32
    %dma_start3A_1797 = tpu.memref_slice %arg1[%add3A_1787, %dma_start3A_1796] : memref<8192x1024xf32, #tpu.memory_space<hbm>> -> memref<32x1024xf32, #tpu.memory_space<hbm>>
    tpu.enqueue_dma source(%dma_start3A_1797 : memref<32x1024xf32, #tpu.memory_space<hbm>>) target(%dma_start3A_1795 : memref<32x1024xf32, #tpu.memory_space<vmem_shared>>) target_semaphore(%dma_start3A_1791 : memref<!tpu.dma_semaphore, #tpu.memory_space<semaphore_mem>>)
    %dma_wait3A_1798 = arith.constant 5 : i32
    %dma_wait3A_1799 = arith.constant 5 : i32
    %dma_wait3A_1800 = tpu.memref_slice %arg4[%dma_wait3A_1799] : memref<32x!tpu.dma_semaphore, #tpu.memory_space<semaphore_mem>> -> memref<1x!tpu.dma_semaphore, #tpu.memory_space<semaphore_mem>>
    %dma_wait3A_1801 = tpu.memref_squeeze %dma_wait3A_1800 : memref<1x!tpu.dma_semaphore, #tpu.memory_space<semaphore_mem>> -> memref<!tpu.dma_semaphore, #tpu.memory_space<semaphore_mem>>
    %dma_wait3A_1802 = arith.constant 0 : i32
    %dma_wait3A_1803 = arith.constant 0 : i32
    %dma_wait3A_1804 = tpu.memref_slice %arg3[%dma_wait3A_1798, %dma_wait3A_1802, %dma_wait3A_1803] : memref<32x32x1024xf32, #tpu.memory_space<vmem_shared>> -> memref<1x32x1024xf32, #tpu.memory_space<vmem_shared>>
    %dma_wait3A_1805 = tpu.memref_squeeze %dma_wait3A_1804 : memref<1x32x1024xf32, #tpu.memory_space<vmem_shared>> -> memref<32x1024xf32, #tpu.memory_space<vmem_shared>>
    %dma_wait3A_1806 = arith.constant 0 : i32
    %dma_wait3A_1807 = tpu.memref_slice %arg1[%mul3A_0, %dma_wait3A_1806] : memref<8192x1024xf32, #tpu.memory_space<hbm>> -> memref<32x1024xf32, #tpu.memory_space<hbm>>
    tpu.wait_dma2 semaphore(%dma_wait3A_1801 : memref<!tpu.dma_semaphore, #tpu.memory_space<semaphore_mem>>) src(%dma_wait3A_1807 : memref<32x1024xf32, #tpu.memory_space<hbm>>) dst(%dma_wait3A_1805 : memref<32x1024xf32, #tpu.memory_space<vmem_shared>>)
    %add3A_1808 = arith.constant 1184 : i32
    %add3A_1809 = arith.addi %mul3A_0, %add3A_1808 : i32
    %dma_start3A_1810 = arith.constant 5 : i32
    %dma_start3A_1811 = arith.constant 0 : i32
    %dma_start3A_1812 = arith.constant 5 : i32
    %dma_start3A_1813 = tpu.memref_slice %arg5[%dma_start3A_1812] : memref<32x!tpu.dma_semaphore, #tpu.memory_space<semaphore_mem>> -> memref<1x!tpu.dma_semaphore, #tpu.memory_space<semaphore_mem>>
    %dma_start3A_1814 = tpu.memref_squeeze %dma_start3A_1813 : memref<1x!tpu.dma_semaphore, #tpu.memory_space<semaphore_mem>> -> memref<!tpu.dma_semaphore, #tpu.memory_space<semaphore_mem>>
    %dma_start3A_1815 = arith.constant 0 : i32
    %dma_start3A_1816 = tpu.memref_slice %arg2[%dma_start3A_1811, %add3A_1809, %dma_start3A_1815] : memref<1x4096x1024xf32, #tpu.memory_space<hbm>> -> memref<1x32x1024xf32, #tpu.memory_space<hbm>>
    %dma_start3A_1817 = tpu.memref_squeeze %dma_start3A_1816 : memref<1x32x1024xf32, #tpu.memory_space<hbm>> -> memref<32x1024xf32, #tpu.memory_space<hbm>>
    %dma_start3A_1818 = arith.constant 0 : i32
    %dma_start3A_1819 = arith.constant 0 : i32
    %dma_start3A_1820 = tpu.memref_slice %arg3[%dma_start3A_1810, %dma_start3A_1818, %dma_start3A_1819] : memref<32x32x1024xf32, #tpu.memory_space<vmem_shared>> -> memref<1x32x1024xf32, #tpu.memory_space<vmem_shared>>
    %dma_start3A_1821 = tpu.memref_squeeze %dma_start3A_1820 : memref<1x32x1024xf32, #tpu.memory_space<vmem_shared>> -> memref<32x1024xf32, #tpu.memory_space<vmem_shared>>
    tpu.enqueue_dma source(%dma_start3A_1821 : memref<32x1024xf32, #tpu.memory_space<vmem_shared>>) target(%dma_start3A_1817 : memref<32x1024xf32, #tpu.memory_space<hbm>>) target_semaphore(%dma_start3A_1814 : memref<!tpu.dma_semaphore, #tpu.memory_space<semaphore_mem>>)
    %dma_wait3A_1822 = arith.constant 22 : i32
    %dma_wait3A_1823 = arith.constant 0 : i32
    %dma_wait3A_1824 = arith.constant 22 : i32
    %dma_wait3A_1825 = tpu.memref_slice %arg5[%dma_wait3A_1824] : memref<32x!tpu.dma_semaphore, #tpu.memory_space<semaphore_mem>> -> memref<1x!tpu.dma_semaphore, #tpu.memory_space<semaphore_mem>>
    %dma_wait3A_1826 = tpu.memref_squeeze %dma_wait3A_1825 : memref<1x!tpu.dma_semaphore, #tpu.memory_space<semaphore_mem>> -> memref<!tpu.dma_semaphore, #tpu.memory_space<semaphore_mem>>
    %dma_wait3A_1827 = arith.constant 0 : i32
    %dma_wait3A_1828 = tpu.memref_slice %arg2[%dma_wait3A_1823, %mul3A_0, %dma_wait3A_1827] : memref<1x4096x1024xf32, #tpu.memory_space<hbm>> -> memref<1x32x1024xf32, #tpu.memory_space<hbm>>
    %dma_wait3A_1829 = tpu.memref_squeeze %dma_wait3A_1828 : memref<1x32x1024xf32, #tpu.memory_space<hbm>> -> memref<32x1024xf32, #tpu.memory_space<hbm>>
    %dma_wait3A_1830 = arith.constant 0 : i32
    %dma_wait3A_1831 = arith.constant 0 : i32
    %dma_wait3A_1832 = tpu.memref_slice %arg3[%dma_wait3A_1822, %dma_wait3A_1830, %dma_wait3A_1831] : memref<32x32x1024xf32, #tpu.memory_space<vmem_shared>> -> memref<1x32x1024xf32, #tpu.memory_space<vmem_shared>>
    %dma_wait3A_1833 = tpu.memref_squeeze %dma_wait3A_1832 : memref<1x32x1024xf32, #tpu.memory_space<vmem_shared>> -> memref<32x1024xf32, #tpu.memory_space<vmem_shared>>
    tpu.wait_dma2 semaphore(%dma_wait3A_1826 : memref<!tpu.dma_semaphore, #tpu.memory_space<semaphore_mem>>) src(%dma_wait3A_1833 : memref<32x1024xf32, #tpu.memory_space<vmem_shared>>) dst(%dma_wait3A_1829 : memref<32x1024xf32, #tpu.memory_space<hbm>>)
    %add3A_1834 = arith.constant 1728 : i32
    %add3A_1835 = arith.addi %mul3A_0, %add3A_1834 : i32
    %dma_start3A_1836 = arith.constant 22 : i32
    %dma_start3A_1837 = arith.constant 22 : i32
    %dma_start3A_1838 = tpu.memref_slice %arg4[%dma_start3A_1837] : memref<32x!tpu.dma_semaphore, #tpu.memory_space<semaphore_mem>> -> memref<1x!tpu.dma_semaphore, #tpu.memory_space<semaphore_mem>>
    %dma_start3A_1839 = tpu.memref_squeeze %dma_start3A_1838 : memref<1x!tpu.dma_semaphore, #tpu.memory_space<semaphore_mem>> -> memref<!tpu.dma_semaphore, #tpu.memory_space<semaphore_mem>>
    %dma_start3A_1840 = arith.constant 0 : i32
    %dma_start3A_1841 = arith.constant 0 : i32
    %dma_start3A_1842 = tpu.memref_slice %arg3[%dma_start3A_1836, %dma_start3A_1840, %dma_start3A_1841] : memref<32x32x1024xf32, #tpu.memory_space<vmem_shared>> -> memref<1x32x1024xf32, #tpu.memory_space<vmem_shared>>
    %dma_start3A_1843 = tpu.memref_squeeze %dma_start3A_1842 : memref<1x32x1024xf32, #tpu.memory_space<vmem_shared>> -> memref<32x1024xf32, #tpu.memory_space<vmem_shared>>
    %dma_start3A_1844 = arith.constant 0 : i32
    %dma_start3A_1845 = tpu.memref_slice %arg1[%add3A_1835, %dma_start3A_1844] : memref<8192x1024xf32, #tpu.memory_space<hbm>> -> memref<32x1024xf32, #tpu.memory_space<hbm>>
    tpu.enqueue_dma source(%dma_start3A_1845 : memref<32x1024xf32, #tpu.memory_space<hbm>>) target(%dma_start3A_1843 : memref<32x1024xf32, #tpu.memory_space<vmem_shared>>) target_semaphore(%dma_start3A_1839 : memref<!tpu.dma_semaphore, #tpu.memory_space<semaphore_mem>>)
    %dma_wait3A_1846 = arith.constant 6 : i32
    %dma_wait3A_1847 = arith.constant 6 : i32
    %dma_wait3A_1848 = tpu.memref_slice %arg4[%dma_wait3A_1847] : memref<32x!tpu.dma_semaphore, #tpu.memory_space<semaphore_mem>> -> memref<1x!tpu.dma_semaphore, #tpu.memory_space<semaphore_mem>>
    %dma_wait3A_1849 = tpu.memref_squeeze %dma_wait3A_1848 : memref<1x!tpu.dma_semaphore, #tpu.memory_space<semaphore_mem>> -> memref<!tpu.dma_semaphore, #tpu.memory_space<semaphore_mem>>
    %dma_wait3A_1850 = arith.constant 0 : i32
    %dma_wait3A_1851 = arith.constant 0 : i32
    %dma_wait3A_1852 = tpu.memref_slice %arg3[%dma_wait3A_1846, %dma_wait3A_1850, %dma_wait3A_1851] : memref<32x32x1024xf32, #tpu.memory_space<vmem_shared>> -> memref<1x32x1024xf32, #tpu.memory_space<vmem_shared>>
    %dma_wait3A_1853 = tpu.memref_squeeze %dma_wait3A_1852 : memref<1x32x1024xf32, #tpu.memory_space<vmem_shared>> -> memref<32x1024xf32, #tpu.memory_space<vmem_shared>>
    %dma_wait3A_1854 = arith.constant 0 : i32
    %dma_wait3A_1855 = tpu.memref_slice %arg1[%mul3A_0, %dma_wait3A_1854] : memref<8192x1024xf32, #tpu.memory_space<hbm>> -> memref<32x1024xf32, #tpu.memory_space<hbm>>
    tpu.wait_dma2 semaphore(%dma_wait3A_1849 : memref<!tpu.dma_semaphore, #tpu.memory_space<semaphore_mem>>) src(%dma_wait3A_1855 : memref<32x1024xf32, #tpu.memory_space<hbm>>) dst(%dma_wait3A_1853 : memref<32x1024xf32, #tpu.memory_space<vmem_shared>>)
    %add3A_1856 = arith.constant 1216 : i32
    %add3A_1857 = arith.addi %mul3A_0, %add3A_1856 : i32
    %dma_start3A_1858 = arith.constant 6 : i32
    %dma_start3A_1859 = arith.constant 0 : i32
    %dma_start3A_1860 = arith.constant 6 : i32
    %dma_start3A_1861 = tpu.memref_slice %arg5[%dma_start3A_1860] : memref<32x!tpu.dma_semaphore, #tpu.memory_space<semaphore_mem>> -> memref<1x!tpu.dma_semaphore, #tpu.memory_space<semaphore_mem>>
    %dma_start3A_1862 = tpu.memref_squeeze %dma_start3A_1861 : memref<1x!tpu.dma_semaphore, #tpu.memory_space<semaphore_mem>> -> memref<!tpu.dma_semaphore, #tpu.memory_space<semaphore_mem>>
    %dma_start3A_1863 = arith.constant 0 : i32
    %dma_start3A_1864 = tpu.memref_slice %arg2[%dma_start3A_1859, %add3A_1857, %dma_start3A_1863] : memref<1x4096x1024xf32, #tpu.memory_space<hbm>> -> memref<1x32x1024xf32, #tpu.memory_space<hbm>>
    %dma_start3A_1865 = tpu.memref_squeeze %dma_start3A_1864 : memref<1x32x1024xf32, #tpu.memory_space<hbm>> -> memref<32x1024xf32, #tpu.memory_space<hbm>>
    %dma_start3A_1866 = arith.constant 0 : i32
    %dma_start3A_1867 = arith.constant 0 : i32
    %dma_start3A_1868 = tpu.memref_slice %arg3[%dma_start3A_1858, %dma_start3A_1866, %dma_start3A_1867] : memref<32x32x1024xf32, #tpu.memory_space<vmem_shared>> -> memref<1x32x1024xf32, #tpu.memory_space<vmem_shared>>
    %dma_start3A_1869 = tpu.memref_squeeze %dma_start3A_1868 : memref<1x32x1024xf32, #tpu.memory_space<vmem_shared>> -> memref<32x1024xf32, #tpu.memory_space<vmem_shared>>
    tpu.enqueue_dma source(%dma_start3A_1869 : memref<32x1024xf32, #tpu.memory_space<vmem_shared>>) target(%dma_start3A_1865 : memref<32x1024xf32, #tpu.memory_space<hbm>>) target_semaphore(%dma_start3A_1862 : memref<!tpu.dma_semaphore, #tpu.memory_space<semaphore_mem>>)
    %dma_wait3A_1870 = arith.constant 23 : i32
    %dma_wait3A_1871 = arith.constant 0 : i32
    %dma_wait3A_1872 = arith.constant 23 : i32
    %dma_wait3A_1873 = tpu.memref_slice %arg5[%dma_wait3A_1872] : memref<32x!tpu.dma_semaphore, #tpu.memory_space<semaphore_mem>> -> memref<1x!tpu.dma_semaphore, #tpu.memory_space<semaphore_mem>>
    %dma_wait3A_1874 = tpu.memref_squeeze %dma_wait3A_1873 : memref<1x!tpu.dma_semaphore, #tpu.memory_space<semaphore_mem>> -> memref<!tpu.dma_semaphore, #tpu.memory_space<semaphore_mem>>
    %dma_wait3A_1875 = arith.constant 0 : i32
    %dma_wait3A_1876 = tpu.memref_slice %arg2[%dma_wait3A_1871, %mul3A_0, %dma_wait3A_1875] : memref<1x4096x1024xf32, #tpu.memory_space<hbm>> -> memref<1x32x1024xf32, #tpu.memory_space<hbm>>
    %dma_wait3A_1877 = tpu.memref_squeeze %dma_wait3A_1876 : memref<1x32x1024xf32, #tpu.memory_space<hbm>> -> memref<32x1024xf32, #tpu.memory_space<hbm>>
    %dma_wait3A_1878 = arith.constant 0 : i32
    %dma_wait3A_1879 = arith.constant 0 : i32
    %dma_wait3A_1880 = tpu.memref_slice %arg3[%dma_wait3A_1870, %dma_wait3A_1878, %dma_wait3A_1879] : memref<32x32x1024xf32, #tpu.memory_space<vmem_shared>> -> memref<1x32x1024xf32, #tpu.memory_space<vmem_shared>>
    %dma_wait3A_1881 = tpu.memref_squeeze %dma_wait3A_1880 : memref<1x32x1024xf32, #tpu.memory_space<vmem_shared>> -> memref<32x1024xf32, #tpu.memory_space<vmem_shared>>
    tpu.wait_dma2 semaphore(%dma_wait3A_1874 : memref<!tpu.dma_semaphore, #tpu.memory_space<semaphore_mem>>) src(%dma_wait3A_1881 : memref<32x1024xf32, #tpu.memory_space<vmem_shared>>) dst(%dma_wait3A_1877 : memref<32x1024xf32, #tpu.memory_space<hbm>>)
    %add3A_1882 = arith.constant 1760 : i32
    %add3A_1883 = arith.addi %mul3A_0, %add3A_1882 : i32
    %dma_start3A_1884 = arith.constant 23 : i32
    %dma_start3A_1885 = arith.constant 23 : i32
    %dma_start3A_1886 = tpu.memref_slice %arg4[%dma_start3A_1885] : memref<32x!tpu.dma_semaphore, #tpu.memory_space<semaphore_mem>> -> memref<1x!tpu.dma_semaphore, #tpu.memory_space<semaphore_mem>>
    %dma_start3A_1887 = tpu.memref_squeeze %dma_start3A_1886 : memref<1x!tpu.dma_semaphore, #tpu.memory_space<semaphore_mem>> -> memref<!tpu.dma_semaphore, #tpu.memory_space<semaphore_mem>>
    %dma_start3A_1888 = arith.constant 0 : i32
    %dma_start3A_1889 = arith.constant 0 : i32
    %dma_start3A_1890 = tpu.memref_slice %arg3[%dma_start3A_1884, %dma_start3A_1888, %dma_start3A_1889] : memref<32x32x1024xf32, #tpu.memory_space<vmem_shared>> -> memref<1x32x1024xf32, #tpu.memory_space<vmem_shared>>
    %dma_start3A_1891 = tpu.memref_squeeze %dma_start3A_1890 : memref<1x32x1024xf32, #tpu.memory_space<vmem_shared>> -> memref<32x1024xf32, #tpu.memory_space<vmem_shared>>
    %dma_start3A_1892 = arith.constant 0 : i32
    %dma_start3A_1893 = tpu.memref_slice %arg1[%add3A_1883, %dma_start3A_1892] : memref<8192x1024xf32, #tpu.memory_space<hbm>> -> memref<32x1024xf32, #tpu.memory_space<hbm>>
    tpu.enqueue_dma source(%dma_start3A_1893 : memref<32x1024xf32, #tpu.memory_space<hbm>>) target(%dma_start3A_1891 : memref<32x1024xf32, #tpu.memory_space<vmem_shared>>) target_semaphore(%dma_start3A_1887 : memref<!tpu.dma_semaphore, #tpu.memory_space<semaphore_mem>>)
    %dma_wait3A_1894 = arith.constant 7 : i32
    %dma_wait3A_1895 = arith.constant 7 : i32
    %dma_wait3A_1896 = tpu.memref_slice %arg4[%dma_wait3A_1895] : memref<32x!tpu.dma_semaphore, #tpu.memory_space<semaphore_mem>> -> memref<1x!tpu.dma_semaphore, #tpu.memory_space<semaphore_mem>>
    %dma_wait3A_1897 = tpu.memref_squeeze %dma_wait3A_1896 : memref<1x!tpu.dma_semaphore, #tpu.memory_space<semaphore_mem>> -> memref<!tpu.dma_semaphore, #tpu.memory_space<semaphore_mem>>
    %dma_wait3A_1898 = arith.constant 0 : i32
    %dma_wait3A_1899 = arith.constant 0 : i32
    %dma_wait3A_1900 = tpu.memref_slice %arg3[%dma_wait3A_1894, %dma_wait3A_1898, %dma_wait3A_1899] : memref<32x32x1024xf32, #tpu.memory_space<vmem_shared>> -> memref<1x32x1024xf32, #tpu.memory_space<vmem_shared>>
    %dma_wait3A_1901 = tpu.memref_squeeze %dma_wait3A_1900 : memref<1x32x1024xf32, #tpu.memory_space<vmem_shared>> -> memref<32x1024xf32, #tpu.memory_space<vmem_shared>>
    %dma_wait3A_1902 = arith.constant 0 : i32
    %dma_wait3A_1903 = tpu.memref_slice %arg1[%mul3A_0, %dma_wait3A_1902] : memref<8192x1024xf32, #tpu.memory_space<hbm>> -> memref<32x1024xf32, #tpu.memory_space<hbm>>
    tpu.wait_dma2 semaphore(%dma_wait3A_1897 : memref<!tpu.dma_semaphore, #tpu.memory_space<semaphore_mem>>) src(%dma_wait3A_1903 : memref<32x1024xf32, #tpu.memory_space<hbm>>) dst(%dma_wait3A_1901 : memref<32x1024xf32, #tpu.memory_space<vmem_shared>>)
    %add3A_1904 = arith.constant 1248 : i32
    %add3A_1905 = arith.addi %mul3A_0, %add3A_1904 : i32
    %dma_start3A_1906 = arith.constant 7 : i32
    %dma_start3A_1907 = arith.constant 0 : i32
    %dma_start3A_1908 = arith.constant 7 : i32
    %dma_start3A_1909 = tpu.memref_slice %arg5[%dma_start3A_1908] : memref<32x!tpu.dma_semaphore, #tpu.memory_space<semaphore_mem>> -> memref<1x!tpu.dma_semaphore, #tpu.memory_space<semaphore_mem>>
    %dma_start3A_1910 = tpu.memref_squeeze %dma_start3A_1909 : memref<1x!tpu.dma_semaphore, #tpu.memory_space<semaphore_mem>> -> memref<!tpu.dma_semaphore, #tpu.memory_space<semaphore_mem>>
    %dma_start3A_1911 = arith.constant 0 : i32
    %dma_start3A_1912 = tpu.memref_slice %arg2[%dma_start3A_1907, %add3A_1905, %dma_start3A_1911] : memref<1x4096x1024xf32, #tpu.memory_space<hbm>> -> memref<1x32x1024xf32, #tpu.memory_space<hbm>>
    %dma_start3A_1913 = tpu.memref_squeeze %dma_start3A_1912 : memref<1x32x1024xf32, #tpu.memory_space<hbm>> -> memref<32x1024xf32, #tpu.memory_space<hbm>>
    %dma_start3A_1914 = arith.constant 0 : i32
    %dma_start3A_1915 = arith.constant 0 : i32
    %dma_start3A_1916 = tpu.memref_slice %arg3[%dma_start3A_1906, %dma_start3A_1914, %dma_start3A_1915] : memref<32x32x1024xf32, #tpu.memory_space<vmem_shared>> -> memref<1x32x1024xf32, #tpu.memory_space<vmem_shared>>
    %dma_start3A_1917 = tpu.memref_squeeze %dma_start3A_1916 : memref<1x32x1024xf32, #tpu.memory_space<vmem_shared>> -> memref<32x1024xf32, #tpu.memory_space<vmem_shared>>
    tpu.enqueue_dma source(%dma_start3A_1917 : memref<32x1024xf32, #tpu.memory_space<vmem_shared>>) target(%dma_start3A_1913 : memref<32x1024xf32, #tpu.memory_space<hbm>>) target_semaphore(%dma_start3A_1910 : memref<!tpu.dma_semaphore, #tpu.memory_space<semaphore_mem>>)
    %dma_wait3A_1918 = arith.constant 24 : i32
    %dma_wait3A_1919 = arith.constant 0 : i32
    %dma_wait3A_1920 = arith.constant 24 : i32
    %dma_wait3A_1921 = tpu.memref_slice %arg5[%dma_wait3A_1920] : memref<32x!tpu.dma_semaphore, #tpu.memory_space<semaphore_mem>> -> memref<1x!tpu.dma_semaphore, #tpu.memory_space<semaphore_mem>>
    %dma_wait3A_1922 = tpu.memref_squeeze %dma_wait3A_1921 : memref<1x!tpu.dma_semaphore, #tpu.memory_space<semaphore_mem>> -> memref<!tpu.dma_semaphore, #tpu.memory_space<semaphore_mem>>
    %dma_wait3A_1923 = arith.constant 0 : i32
    %dma_wait3A_1924 = tpu.memref_slice %arg2[%dma_wait3A_1919, %mul3A_0, %dma_wait3A_1923] : memref<1x4096x1024xf32, #tpu.memory_space<hbm>> -> memref<1x32x1024xf32, #tpu.memory_space<hbm>>
    %dma_wait3A_1925 = tpu.memref_squeeze %dma_wait3A_1924 : memref<1x32x1024xf32, #tpu.memory_space<hbm>> -> memref<32x1024xf32, #tpu.memory_space<hbm>>
    %dma_wait3A_1926 = arith.constant 0 : i32
    %dma_wait3A_1927 = arith.constant 0 : i32
    %dma_wait3A_1928 = tpu.memref_slice %arg3[%dma_wait3A_1918, %dma_wait3A_1926, %dma_wait3A_1927] : memref<32x32x1024xf32, #tpu.memory_space<vmem_shared>> -> memref<1x32x1024xf32, #tpu.memory_space<vmem_shared>>
    %dma_wait3A_1929 = tpu.memref_squeeze %dma_wait3A_1928 : memref<1x32x1024xf32, #tpu.memory_space<vmem_shared>> -> memref<32x1024xf32, #tpu.memory_space<vmem_shared>>
    tpu.wait_dma2 semaphore(%dma_wait3A_1922 : memref<!tpu.dma_semaphore, #tpu.memory_space<semaphore_mem>>) src(%dma_wait3A_1929 : memref<32x1024xf32, #tpu.memory_space<vmem_shared>>) dst(%dma_wait3A_1925 : memref<32x1024xf32, #tpu.memory_space<hbm>>)
    %add3A_1930 = arith.constant 1792 : i32
    %add3A_1931 = arith.addi %mul3A_0, %add3A_1930 : i32
    %dma_start3A_1932 = arith.constant 24 : i32
    %dma_start3A_1933 = arith.constant 24 : i32
    %dma_start3A_1934 = tpu.memref_slice %arg4[%dma_start3A_1933] : memref<32x!tpu.dma_semaphore, #tpu.memory_space<semaphore_mem>> -> memref<1x!tpu.dma_semaphore, #tpu.memory_space<semaphore_mem>>
    %dma_start3A_1935 = tpu.memref_squeeze %dma_start3A_1934 : memref<1x!tpu.dma_semaphore, #tpu.memory_space<semaphore_mem>> -> memref<!tpu.dma_semaphore, #tpu.memory_space<semaphore_mem>>
    %dma_start3A_1936 = arith.constant 0 : i32
    %dma_start3A_1937 = arith.constant 0 : i32
    %dma_start3A_1938 = tpu.memref_slice %arg3[%dma_start3A_1932, %dma_start3A_1936, %dma_start3A_1937] : memref<32x32x1024xf32, #tpu.memory_space<vmem_shared>> -> memref<1x32x1024xf32, #tpu.memory_space<vmem_shared>>
    %dma_start3A_1939 = tpu.memref_squeeze %dma_start3A_1938 : memref<1x32x1024xf32, #tpu.memory_space<vmem_shared>> -> memref<32x1024xf32, #tpu.memory_space<vmem_shared>>
    %dma_start3A_1940 = arith.constant 0 : i32
    %dma_start3A_1941 = tpu.memref_slice %arg1[%add3A_1931, %dma_start3A_1940] : memref<8192x1024xf32, #tpu.memory_space<hbm>> -> memref<32x1024xf32, #tpu.memory_space<hbm>>
    tpu.enqueue_dma source(%dma_start3A_1941 : memref<32x1024xf32, #tpu.memory_space<hbm>>) target(%dma_start3A_1939 : memref<32x1024xf32, #tpu.memory_space<vmem_shared>>) target_semaphore(%dma_start3A_1935 : memref<!tpu.dma_semaphore, #tpu.memory_space<semaphore_mem>>)
    %dma_wait3A_1942 = arith.constant 8 : i32
    %dma_wait3A_1943 = arith.constant 8 : i32
    %dma_wait3A_1944 = tpu.memref_slice %arg4[%dma_wait3A_1943] : memref<32x!tpu.dma_semaphore, #tpu.memory_space<semaphore_mem>> -> memref<1x!tpu.dma_semaphore, #tpu.memory_space<semaphore_mem>>
    %dma_wait3A_1945 = tpu.memref_squeeze %dma_wait3A_1944 : memref<1x!tpu.dma_semaphore, #tpu.memory_space<semaphore_mem>> -> memref<!tpu.dma_semaphore, #tpu.memory_space<semaphore_mem>>
    %dma_wait3A_1946 = arith.constant 0 : i32
    %dma_wait3A_1947 = arith.constant 0 : i32
    %dma_wait3A_1948 = tpu.memref_slice %arg3[%dma_wait3A_1942, %dma_wait3A_1946, %dma_wait3A_1947] : memref<32x32x1024xf32, #tpu.memory_space<vmem_shared>> -> memref<1x32x1024xf32, #tpu.memory_space<vmem_shared>>
    %dma_wait3A_1949 = tpu.memref_squeeze %dma_wait3A_1948 : memref<1x32x1024xf32, #tpu.memory_space<vmem_shared>> -> memref<32x1024xf32, #tpu.memory_space<vmem_shared>>
    %dma_wait3A_1950 = arith.constant 0 : i32
    %dma_wait3A_1951 = tpu.memref_slice %arg1[%mul3A_0, %dma_wait3A_1950] : memref<8192x1024xf32, #tpu.memory_space<hbm>> -> memref<32x1024xf32, #tpu.memory_space<hbm>>
    tpu.wait_dma2 semaphore(%dma_wait3A_1945 : memref<!tpu.dma_semaphore, #tpu.memory_space<semaphore_mem>>) src(%dma_wait3A_1951 : memref<32x1024xf32, #tpu.memory_space<hbm>>) dst(%dma_wait3A_1949 : memref<32x1024xf32, #tpu.memory_space<vmem_shared>>)
    %add3A_1952 = arith.constant 1280 : i32
    %add3A_1953 = arith.addi %mul3A_0, %add3A_1952 : i32
    %dma_start3A_1954 = arith.constant 8 : i32
    %dma_start3A_1955 = arith.constant 0 : i32
    %dma_start3A_1956 = arith.constant 8 : i32
    %dma_start3A_1957 = tpu.memref_slice %arg5[%dma_start3A_1956] : memref<32x!tpu.dma_semaphore, #tpu.memory_space<semaphore_mem>> -> memref<1x!tpu.dma_semaphore, #tpu.memory_space<semaphore_mem>>
    %dma_start3A_1958 = tpu.memref_squeeze %dma_start3A_1957 : memref<1x!tpu.dma_semaphore, #tpu.memory_space<semaphore_mem>> -> memref<!tpu.dma_semaphore, #tpu.memory_space<semaphore_mem>>
    %dma_start3A_1959 = arith.constant 0 : i32
    %dma_start3A_1960 = tpu.memref_slice %arg2[%dma_start3A_1955, %add3A_1953, %dma_start3A_1959] : memref<1x4096x1024xf32, #tpu.memory_space<hbm>> -> memref<1x32x1024xf32, #tpu.memory_space<hbm>>
    %dma_start3A_1961 = tpu.memref_squeeze %dma_start3A_1960 : memref<1x32x1024xf32, #tpu.memory_space<hbm>> -> memref<32x1024xf32, #tpu.memory_space<hbm>>
    %dma_start3A_1962 = arith.constant 0 : i32
    %dma_start3A_1963 = arith.constant 0 : i32
    %dma_start3A_1964 = tpu.memref_slice %arg3[%dma_start3A_1954, %dma_start3A_1962, %dma_start3A_1963] : memref<32x32x1024xf32, #tpu.memory_space<vmem_shared>> -> memref<1x32x1024xf32, #tpu.memory_space<vmem_shared>>
    %dma_start3A_1965 = tpu.memref_squeeze %dma_start3A_1964 : memref<1x32x1024xf32, #tpu.memory_space<vmem_shared>> -> memref<32x1024xf32, #tpu.memory_space<vmem_shared>>
    tpu.enqueue_dma source(%dma_start3A_1965 : memref<32x1024xf32, #tpu.memory_space<vmem_shared>>) target(%dma_start3A_1961 : memref<32x1024xf32, #tpu.memory_space<hbm>>) target_semaphore(%dma_start3A_1958 : memref<!tpu.dma_semaphore, #tpu.memory_space<semaphore_mem>>)
    %dma_wait3A_1966 = arith.constant 25 : i32
    %dma_wait3A_1967 = arith.constant 0 : i32
    %dma_wait3A_1968 = arith.constant 25 : i32
    %dma_wait3A_1969 = tpu.memref_slice %arg5[%dma_wait3A_1968] : memref<32x!tpu.dma_semaphore, #tpu.memory_space<semaphore_mem>> -> memref<1x!tpu.dma_semaphore, #tpu.memory_space<semaphore_mem>>
    %dma_wait3A_1970 = tpu.memref_squeeze %dma_wait3A_1969 : memref<1x!tpu.dma_semaphore, #tpu.memory_space<semaphore_mem>> -> memref<!tpu.dma_semaphore, #tpu.memory_space<semaphore_mem>>
    %dma_wait3A_1971 = arith.constant 0 : i32
    %dma_wait3A_1972 = tpu.memref_slice %arg2[%dma_wait3A_1967, %mul3A_0, %dma_wait3A_1971] : memref<1x4096x1024xf32, #tpu.memory_space<hbm>> -> memref<1x32x1024xf32, #tpu.memory_space<hbm>>
    %dma_wait3A_1973 = tpu.memref_squeeze %dma_wait3A_1972 : memref<1x32x1024xf32, #tpu.memory_space<hbm>> -> memref<32x1024xf32, #tpu.memory_space<hbm>>
    %dma_wait3A_1974 = arith.constant 0 : i32
    %dma_wait3A_1975 = arith.constant 0 : i32
    %dma_wait3A_1976 = tpu.memref_slice %arg3[%dma_wait3A_1966, %dma_wait3A_1974, %dma_wait3A_1975] : memref<32x32x1024xf32, #tpu.memory_space<vmem_shared>> -> memref<1x32x1024xf32, #tpu.memory_space<vmem_shared>>
    %dma_wait3A_1977 = tpu.memref_squeeze %dma_wait3A_1976 : memref<1x32x1024xf32, #tpu.memory_space<vmem_shared>> -> memref<32x1024xf32, #tpu.memory_space<vmem_shared>>
    tpu.wait_dma2 semaphore(%dma_wait3A_1970 : memref<!tpu.dma_semaphore, #tpu.memory_space<semaphore_mem>>) src(%dma_wait3A_1977 : memref<32x1024xf32, #tpu.memory_space<vmem_shared>>) dst(%dma_wait3A_1973 : memref<32x1024xf32, #tpu.memory_space<hbm>>)
    %add3A_1978 = arith.constant 1824 : i32
    %add3A_1979 = arith.addi %mul3A_0, %add3A_1978 : i32
    %dma_start3A_1980 = arith.constant 25 : i32
    %dma_start3A_1981 = arith.constant 25 : i32
    %dma_start3A_1982 = tpu.memref_slice %arg4[%dma_start3A_1981] : memref<32x!tpu.dma_semaphore, #tpu.memory_space<semaphore_mem>> -> memref<1x!tpu.dma_semaphore, #tpu.memory_space<semaphore_mem>>
    %dma_start3A_1983 = tpu.memref_squeeze %dma_start3A_1982 : memref<1x!tpu.dma_semaphore, #tpu.memory_space<semaphore_mem>> -> memref<!tpu.dma_semaphore, #tpu.memory_space<semaphore_mem>>
    %dma_start3A_1984 = arith.constant 0 : i32
    %dma_start3A_1985 = arith.constant 0 : i32
    %dma_start3A_1986 = tpu.memref_slice %arg3[%dma_start3A_1980, %dma_start3A_1984, %dma_start3A_1985] : memref<32x32x1024xf32, #tpu.memory_space<vmem_shared>> -> memref<1x32x1024xf32, #tpu.memory_space<vmem_shared>>
    %dma_start3A_1987 = tpu.memref_squeeze %dma_start3A_1986 : memref<1x32x1024xf32, #tpu.memory_space<vmem_shared>> -> memref<32x1024xf32, #tpu.memory_space<vmem_shared>>
    %dma_start3A_1988 = arith.constant 0 : i32
    %dma_start3A_1989 = tpu.memref_slice %arg1[%add3A_1979, %dma_start3A_1988] : memref<8192x1024xf32, #tpu.memory_space<hbm>> -> memref<32x1024xf32, #tpu.memory_space<hbm>>
    tpu.enqueue_dma source(%dma_start3A_1989 : memref<32x1024xf32, #tpu.memory_space<hbm>>) target(%dma_start3A_1987 : memref<32x1024xf32, #tpu.memory_space<vmem_shared>>) target_semaphore(%dma_start3A_1983 : memref<!tpu.dma_semaphore, #tpu.memory_space<semaphore_mem>>)
    %dma_wait3A_1990 = arith.constant 9 : i32
    %dma_wait3A_1991 = arith.constant 9 : i32
    %dma_wait3A_1992 = tpu.memref_slice %arg4[%dma_wait3A_1991] : memref<32x!tpu.dma_semaphore, #tpu.memory_space<semaphore_mem>> -> memref<1x!tpu.dma_semaphore, #tpu.memory_space<semaphore_mem>>
    %dma_wait3A_1993 = tpu.memref_squeeze %dma_wait3A_1992 : memref<1x!tpu.dma_semaphore, #tpu.memory_space<semaphore_mem>> -> memref<!tpu.dma_semaphore, #tpu.memory_space<semaphore_mem>>
    %dma_wait3A_1994 = arith.constant 0 : i32
    %dma_wait3A_1995 = arith.constant 0 : i32
    %dma_wait3A_1996 = tpu.memref_slice %arg3[%dma_wait3A_1990, %dma_wait3A_1994, %dma_wait3A_1995] : memref<32x32x1024xf32, #tpu.memory_space<vmem_shared>> -> memref<1x32x1024xf32, #tpu.memory_space<vmem_shared>>
    %dma_wait3A_1997 = tpu.memref_squeeze %dma_wait3A_1996 : memref<1x32x1024xf32, #tpu.memory_space<vmem_shared>> -> memref<32x1024xf32, #tpu.memory_space<vmem_shared>>
    %dma_wait3A_1998 = arith.constant 0 : i32
    %dma_wait3A_1999 = tpu.memref_slice %arg1[%mul3A_0, %dma_wait3A_1998] : memref<8192x1024xf32, #tpu.memory_space<hbm>> -> memref<32x1024xf32, #tpu.memory_space<hbm>>
    tpu.wait_dma2 semaphore(%dma_wait3A_1993 : memref<!tpu.dma_semaphore, #tpu.memory_space<semaphore_mem>>) src(%dma_wait3A_1999 : memref<32x1024xf32, #tpu.memory_space<hbm>>) dst(%dma_wait3A_1997 : memref<32x1024xf32, #tpu.memory_space<vmem_shared>>)
    %add3A_2000 = arith.constant 1312 : i32
    %add3A_2001 = arith.addi %mul3A_0, %add3A_2000 : i32
    %dma_start3A_2002 = arith.constant 9 : i32
    %dma_start3A_2003 = arith.constant 0 : i32
    %dma_start3A_2004 = arith.constant 9 : i32
    %dma_start3A_2005 = tpu.memref_slice %arg5[%dma_start3A_2004] : memref<32x!tpu.dma_semaphore, #tpu.memory_space<semaphore_mem>> -> memref<1x!tpu.dma_semaphore, #tpu.memory_space<semaphore_mem>>
    %dma_start3A_2006 = tpu.memref_squeeze %dma_start3A_2005 : memref<1x!tpu.dma_semaphore, #tpu.memory_space<semaphore_mem>> -> memref<!tpu.dma_semaphore, #tpu.memory_space<semaphore_mem>>
    %dma_start3A_2007 = arith.constant 0 : i32
    %dma_start3A_2008 = tpu.memref_slice %arg2[%dma_start3A_2003, %add3A_2001, %dma_start3A_2007] : memref<1x4096x1024xf32, #tpu.memory_space<hbm>> -> memref<1x32x1024xf32, #tpu.memory_space<hbm>>
    %dma_start3A_2009 = tpu.memref_squeeze %dma_start3A_2008 : memref<1x32x1024xf32, #tpu.memory_space<hbm>> -> memref<32x1024xf32, #tpu.memory_space<hbm>>
    %dma_start3A_2010 = arith.constant 0 : i32
    %dma_start3A_2011 = arith.constant 0 : i32
    %dma_start3A_2012 = tpu.memref_slice %arg3[%dma_start3A_2002, %dma_start3A_2010, %dma_start3A_2011] : memref<32x32x1024xf32, #tpu.memory_space<vmem_shared>> -> memref<1x32x1024xf32, #tpu.memory_space<vmem_shared>>
    %dma_start3A_2013 = tpu.memref_squeeze %dma_start3A_2012 : memref<1x32x1024xf32, #tpu.memory_space<vmem_shared>> -> memref<32x1024xf32, #tpu.memory_space<vmem_shared>>
    tpu.enqueue_dma source(%dma_start3A_2013 : memref<32x1024xf32, #tpu.memory_space<vmem_shared>>) target(%dma_start3A_2009 : memref<32x1024xf32, #tpu.memory_space<hbm>>) target_semaphore(%dma_start3A_2006 : memref<!tpu.dma_semaphore, #tpu.memory_space<semaphore_mem>>)
    %dma_wait3A_2014 = arith.constant 26 : i32
    %dma_wait3A_2015 = arith.constant 0 : i32
    %dma_wait3A_2016 = arith.constant 26 : i32
    %dma_wait3A_2017 = tpu.memref_slice %arg5[%dma_wait3A_2016] : memref<32x!tpu.dma_semaphore, #tpu.memory_space<semaphore_mem>> -> memref<1x!tpu.dma_semaphore, #tpu.memory_space<semaphore_mem>>
    %dma_wait3A_2018 = tpu.memref_squeeze %dma_wait3A_2017 : memref<1x!tpu.dma_semaphore, #tpu.memory_space<semaphore_mem>> -> memref<!tpu.dma_semaphore, #tpu.memory_space<semaphore_mem>>
    %dma_wait3A_2019 = arith.constant 0 : i32
    %dma_wait3A_2020 = tpu.memref_slice %arg2[%dma_wait3A_2015, %mul3A_0, %dma_wait3A_2019] : memref<1x4096x1024xf32, #tpu.memory_space<hbm>> -> memref<1x32x1024xf32, #tpu.memory_space<hbm>>
    %dma_wait3A_2021 = tpu.memref_squeeze %dma_wait3A_2020 : memref<1x32x1024xf32, #tpu.memory_space<hbm>> -> memref<32x1024xf32, #tpu.memory_space<hbm>>
    %dma_wait3A_2022 = arith.constant 0 : i32
    %dma_wait3A_2023 = arith.constant 0 : i32
    %dma_wait3A_2024 = tpu.memref_slice %arg3[%dma_wait3A_2014, %dma_wait3A_2022, %dma_wait3A_2023] : memref<32x32x1024xf32, #tpu.memory_space<vmem_shared>> -> memref<1x32x1024xf32, #tpu.memory_space<vmem_shared>>
    %dma_wait3A_2025 = tpu.memref_squeeze %dma_wait3A_2024 : memref<1x32x1024xf32, #tpu.memory_space<vmem_shared>> -> memref<32x1024xf32, #tpu.memory_space<vmem_shared>>
    tpu.wait_dma2 semaphore(%dma_wait3A_2018 : memref<!tpu.dma_semaphore, #tpu.memory_space<semaphore_mem>>) src(%dma_wait3A_2025 : memref<32x1024xf32, #tpu.memory_space<vmem_shared>>) dst(%dma_wait3A_2021 : memref<32x1024xf32, #tpu.memory_space<hbm>>)
    %add3A_2026 = arith.constant 1856 : i32
    %add3A_2027 = arith.addi %mul3A_0, %add3A_2026 : i32
    %dma_start3A_2028 = arith.constant 26 : i32
    %dma_start3A_2029 = arith.constant 26 : i32
    %dma_start3A_2030 = tpu.memref_slice %arg4[%dma_start3A_2029] : memref<32x!tpu.dma_semaphore, #tpu.memory_space<semaphore_mem>> -> memref<1x!tpu.dma_semaphore, #tpu.memory_space<semaphore_mem>>
    %dma_start3A_2031 = tpu.memref_squeeze %dma_start3A_2030 : memref<1x!tpu.dma_semaphore, #tpu.memory_space<semaphore_mem>> -> memref<!tpu.dma_semaphore, #tpu.memory_space<semaphore_mem>>
    %dma_start3A_2032 = arith.constant 0 : i32
    %dma_start3A_2033 = arith.constant 0 : i32
    %dma_start3A_2034 = tpu.memref_slice %arg3[%dma_start3A_2028, %dma_start3A_2032, %dma_start3A_2033] : memref<32x32x1024xf32, #tpu.memory_space<vmem_shared>> -> memref<1x32x1024xf32, #tpu.memory_space<vmem_shared>>
    %dma_start3A_2035 = tpu.memref_squeeze %dma_start3A_2034 : memref<1x32x1024xf32, #tpu.memory_space<vmem_shared>> -> memref<32x1024xf32, #tpu.memory_space<vmem_shared>>
    %dma_start3A_2036 = arith.constant 0 : i32
    %dma_start3A_2037 = tpu.memref_slice %arg1[%add3A_2027, %dma_start3A_2036] : memref<8192x1024xf32, #tpu.memory_space<hbm>> -> memref<32x1024xf32, #tpu.memory_space<hbm>>
    tpu.enqueue_dma source(%dma_start3A_2037 : memref<32x1024xf32, #tpu.memory_space<hbm>>) target(%dma_start3A_2035 : memref<32x1024xf32, #tpu.memory_space<vmem_shared>>) target_semaphore(%dma_start3A_2031 : memref<!tpu.dma_semaphore, #tpu.memory_space<semaphore_mem>>)
    %dma_wait3A_2038 = arith.constant 10 : i32
    %dma_wait3A_2039 = arith.constant 10 : i32
    %dma_wait3A_2040 = tpu.memref_slice %arg4[%dma_wait3A_2039] : memref<32x!tpu.dma_semaphore, #tpu.memory_space<semaphore_mem>> -> memref<1x!tpu.dma_semaphore, #tpu.memory_space<semaphore_mem>>
    %dma_wait3A_2041 = tpu.memref_squeeze %dma_wait3A_2040 : memref<1x!tpu.dma_semaphore, #tpu.memory_space<semaphore_mem>> -> memref<!tpu.dma_semaphore, #tpu.memory_space<semaphore_mem>>
    %dma_wait3A_2042 = arith.constant 0 : i32
    %dma_wait3A_2043 = arith.constant 0 : i32
    %dma_wait3A_2044 = tpu.memref_slice %arg3[%dma_wait3A_2038, %dma_wait3A_2042, %dma_wait3A_2043] : memref<32x32x1024xf32, #tpu.memory_space<vmem_shared>> -> memref<1x32x1024xf32, #tpu.memory_space<vmem_shared>>
    %dma_wait3A_2045 = tpu.memref_squeeze %dma_wait3A_2044 : memref<1x32x1024xf32, #tpu.memory_space<vmem_shared>> -> memref<32x1024xf32, #tpu.memory_space<vmem_shared>>
    %dma_wait3A_2046 = arith.constant 0 : i32
    %dma_wait3A_2047 = tpu.memref_slice %arg1[%mul3A_0, %dma_wait3A_2046] : memref<8192x1024xf32, #tpu.memory_space<hbm>> -> memref<32x1024xf32, #tpu.memory_space<hbm>>
    tpu.wait_dma2 semaphore(%dma_wait3A_2041 : memref<!tpu.dma_semaphore, #tpu.memory_space<semaphore_mem>>) src(%dma_wait3A_2047 : memref<32x1024xf32, #tpu.memory_space<hbm>>) dst(%dma_wait3A_2045 : memref<32x1024xf32, #tpu.memory_space<vmem_shared>>)
    %add3A_2048 = arith.constant 1344 : i32
    %add3A_2049 = arith.addi %mul3A_0, %add3A_2048 : i32
    %dma_start3A_2050 = arith.constant 10 : i32
    %dma_start3A_2051 = arith.constant 0 : i32
    %dma_start3A_2052 = arith.constant 10 : i32
    %dma_start3A_2053 = tpu.memref_slice %arg5[%dma_start3A_2052] : memref<32x!tpu.dma_semaphore, #tpu.memory_space<semaphore_mem>> -> memref<1x!tpu.dma_semaphore, #tpu.memory_space<semaphore_mem>>
    %dma_start3A_2054 = tpu.memref_squeeze %dma_start3A_2053 : memref<1x!tpu.dma_semaphore, #tpu.memory_space<semaphore_mem>> -> memref<!tpu.dma_semaphore, #tpu.memory_space<semaphore_mem>>
    %dma_start3A_2055 = arith.constant 0 : i32
    %dma_start3A_2056 = tpu.memref_slice %arg2[%dma_start3A_2051, %add3A_2049, %dma_start3A_2055] : memref<1x4096x1024xf32, #tpu.memory_space<hbm>> -> memref<1x32x1024xf32, #tpu.memory_space<hbm>>
    %dma_start3A_2057 = tpu.memref_squeeze %dma_start3A_2056 : memref<1x32x1024xf32, #tpu.memory_space<hbm>> -> memref<32x1024xf32, #tpu.memory_space<hbm>>
    %dma_start3A_2058 = arith.constant 0 : i32
    %dma_start3A_2059 = arith.constant 0 : i32
    %dma_start3A_2060 = tpu.memref_slice %arg3[%dma_start3A_2050, %dma_start3A_2058, %dma_start3A_2059] : memref<32x32x1024xf32, #tpu.memory_space<vmem_shared>> -> memref<1x32x1024xf32, #tpu.memory_space<vmem_shared>>
    %dma_start3A_2061 = tpu.memref_squeeze %dma_start3A_2060 : memref<1x32x1024xf32, #tpu.memory_space<vmem_shared>> -> memref<32x1024xf32, #tpu.memory_space<vmem_shared>>
    tpu.enqueue_dma source(%dma_start3A_2061 : memref<32x1024xf32, #tpu.memory_space<vmem_shared>>) target(%dma_start3A_2057 : memref<32x1024xf32, #tpu.memory_space<hbm>>) target_semaphore(%dma_start3A_2054 : memref<!tpu.dma_semaphore, #tpu.memory_space<semaphore_mem>>)
    %dma_wait3A_2062 = arith.constant 27 : i32
    %dma_wait3A_2063 = arith.constant 0 : i32
    %dma_wait3A_2064 = arith.constant 27 : i32
    %dma_wait3A_2065 = tpu.memref_slice %arg5[%dma_wait3A_2064] : memref<32x!tpu.dma_semaphore, #tpu.memory_space<semaphore_mem>> -> memref<1x!tpu.dma_semaphore, #tpu.memory_space<semaphore_mem>>
    %dma_wait3A_2066 = tpu.memref_squeeze %dma_wait3A_2065 : memref<1x!tpu.dma_semaphore, #tpu.memory_space<semaphore_mem>> -> memref<!tpu.dma_semaphore, #tpu.memory_space<semaphore_mem>>
    %dma_wait3A_2067 = arith.constant 0 : i32
    %dma_wait3A_2068 = tpu.memref_slice %arg2[%dma_wait3A_2063, %mul3A_0, %dma_wait3A_2067] : memref<1x4096x1024xf32, #tpu.memory_space<hbm>> -> memref<1x32x1024xf32, #tpu.memory_space<hbm>>
    %dma_wait3A_2069 = tpu.memref_squeeze %dma_wait3A_2068 : memref<1x32x1024xf32, #tpu.memory_space<hbm>> -> memref<32x1024xf32, #tpu.memory_space<hbm>>
    %dma_wait3A_2070 = arith.constant 0 : i32
    %dma_wait3A_2071 = arith.constant 0 : i32
    %dma_wait3A_2072 = tpu.memref_slice %arg3[%dma_wait3A_2062, %dma_wait3A_2070, %dma_wait3A_2071] : memref<32x32x1024xf32, #tpu.memory_space<vmem_shared>> -> memref<1x32x1024xf32, #tpu.memory_space<vmem_shared>>
    %dma_wait3A_2073 = tpu.memref_squeeze %dma_wait3A_2072 : memref<1x32x1024xf32, #tpu.memory_space<vmem_shared>> -> memref<32x1024xf32, #tpu.memory_space<vmem_shared>>
    tpu.wait_dma2 semaphore(%dma_wait3A_2066 : memref<!tpu.dma_semaphore, #tpu.memory_space<semaphore_mem>>) src(%dma_wait3A_2073 : memref<32x1024xf32, #tpu.memory_space<vmem_shared>>) dst(%dma_wait3A_2069 : memref<32x1024xf32, #tpu.memory_space<hbm>>)
    %add3A_2074 = arith.constant 1888 : i32
    %add3A_2075 = arith.addi %mul3A_0, %add3A_2074 : i32
    %dma_start3A_2076 = arith.constant 27 : i32
    %dma_start3A_2077 = arith.constant 27 : i32
    %dma_start3A_2078 = tpu.memref_slice %arg4[%dma_start3A_2077] : memref<32x!tpu.dma_semaphore, #tpu.memory_space<semaphore_mem>> -> memref<1x!tpu.dma_semaphore, #tpu.memory_space<semaphore_mem>>
    %dma_start3A_2079 = tpu.memref_squeeze %dma_start3A_2078 : memref<1x!tpu.dma_semaphore, #tpu.memory_space<semaphore_mem>> -> memref<!tpu.dma_semaphore, #tpu.memory_space<semaphore_mem>>
    %dma_start3A_2080 = arith.constant 0 : i32
    %dma_start3A_2081 = arith.constant 0 : i32
    %dma_start3A_2082 = tpu.memref_slice %arg3[%dma_start3A_2076, %dma_start3A_2080, %dma_start3A_2081] : memref<32x32x1024xf32, #tpu.memory_space<vmem_shared>> -> memref<1x32x1024xf32, #tpu.memory_space<vmem_shared>>
    %dma_start3A_2083 = tpu.memref_squeeze %dma_start3A_2082 : memref<1x32x1024xf32, #tpu.memory_space<vmem_shared>> -> memref<32x1024xf32, #tpu.memory_space<vmem_shared>>
    %dma_start3A_2084 = arith.constant 0 : i32
    %dma_start3A_2085 = tpu.memref_slice %arg1[%add3A_2075, %dma_start3A_2084] : memref<8192x1024xf32, #tpu.memory_space<hbm>> -> memref<32x1024xf32, #tpu.memory_space<hbm>>
    tpu.enqueue_dma source(%dma_start3A_2085 : memref<32x1024xf32, #tpu.memory_space<hbm>>) target(%dma_start3A_2083 : memref<32x1024xf32, #tpu.memory_space<vmem_shared>>) target_semaphore(%dma_start3A_2079 : memref<!tpu.dma_semaphore, #tpu.memory_space<semaphore_mem>>)
    %dma_wait3A_2086 = arith.constant 11 : i32
    %dma_wait3A_2087 = arith.constant 11 : i32
    %dma_wait3A_2088 = tpu.memref_slice %arg4[%dma_wait3A_2087] : memref<32x!tpu.dma_semaphore, #tpu.memory_space<semaphore_mem>> -> memref<1x!tpu.dma_semaphore, #tpu.memory_space<semaphore_mem>>
    %dma_wait3A_2089 = tpu.memref_squeeze %dma_wait3A_2088 : memref<1x!tpu.dma_semaphore, #tpu.memory_space<semaphore_mem>> -> memref<!tpu.dma_semaphore, #tpu.memory_space<semaphore_mem>>
    %dma_wait3A_2090 = arith.constant 0 : i32
    %dma_wait3A_2091 = arith.constant 0 : i32
    %dma_wait3A_2092 = tpu.memref_slice %arg3[%dma_wait3A_2086, %dma_wait3A_2090, %dma_wait3A_2091] : memref<32x32x1024xf32, #tpu.memory_space<vmem_shared>> -> memref<1x32x1024xf32, #tpu.memory_space<vmem_shared>>
    %dma_wait3A_2093 = tpu.memref_squeeze %dma_wait3A_2092 : memref<1x32x1024xf32, #tpu.memory_space<vmem_shared>> -> memref<32x1024xf32, #tpu.memory_space<vmem_shared>>
    %dma_wait3A_2094 = arith.constant 0 : i32
    %dma_wait3A_2095 = tpu.memref_slice %arg1[%mul3A_0, %dma_wait3A_2094] : memref<8192x1024xf32, #tpu.memory_space<hbm>> -> memref<32x1024xf32, #tpu.memory_space<hbm>>
    tpu.wait_dma2 semaphore(%dma_wait3A_2089 : memref<!tpu.dma_semaphore, #tpu.memory_space<semaphore_mem>>) src(%dma_wait3A_2095 : memref<32x1024xf32, #tpu.memory_space<hbm>>) dst(%dma_wait3A_2093 : memref<32x1024xf32, #tpu.memory_space<vmem_shared>>)
    %add3A_2096 = arith.constant 1376 : i32
    %add3A_2097 = arith.addi %mul3A_0, %add3A_2096 : i32
    %dma_start3A_2098 = arith.constant 11 : i32
    %dma_start3A_2099 = arith.constant 0 : i32
    %dma_start3A_2100 = arith.constant 11 : i32
    %dma_start3A_2101 = tpu.memref_slice %arg5[%dma_start3A_2100] : memref<32x!tpu.dma_semaphore, #tpu.memory_space<semaphore_mem>> -> memref<1x!tpu.dma_semaphore, #tpu.memory_space<semaphore_mem>>
    %dma_start3A_2102 = tpu.memref_squeeze %dma_start3A_2101 : memref<1x!tpu.dma_semaphore, #tpu.memory_space<semaphore_mem>> -> memref<!tpu.dma_semaphore, #tpu.memory_space<semaphore_mem>>
    %dma_start3A_2103 = arith.constant 0 : i32
    %dma_start3A_2104 = tpu.memref_slice %arg2[%dma_start3A_2099, %add3A_2097, %dma_start3A_2103] : memref<1x4096x1024xf32, #tpu.memory_space<hbm>> -> memref<1x32x1024xf32, #tpu.memory_space<hbm>>
    %dma_start3A_2105 = tpu.memref_squeeze %dma_start3A_2104 : memref<1x32x1024xf32, #tpu.memory_space<hbm>> -> memref<32x1024xf32, #tpu.memory_space<hbm>>
    %dma_start3A_2106 = arith.constant 0 : i32
    %dma_start3A_2107 = arith.constant 0 : i32
    %dma_start3A_2108 = tpu.memref_slice %arg3[%dma_start3A_2098, %dma_start3A_2106, %dma_start3A_2107] : memref<32x32x1024xf32, #tpu.memory_space<vmem_shared>> -> memref<1x32x1024xf32, #tpu.memory_space<vmem_shared>>
    %dma_start3A_2109 = tpu.memref_squeeze %dma_start3A_2108 : memref<1x32x1024xf32, #tpu.memory_space<vmem_shared>> -> memref<32x1024xf32, #tpu.memory_space<vmem_shared>>
    tpu.enqueue_dma source(%dma_start3A_2109 : memref<32x1024xf32, #tpu.memory_space<vmem_shared>>) target(%dma_start3A_2105 : memref<32x1024xf32, #tpu.memory_space<hbm>>) target_semaphore(%dma_start3A_2102 : memref<!tpu.dma_semaphore, #tpu.memory_space<semaphore_mem>>)
    %dma_wait3A_2110 = arith.constant 28 : i32
    %dma_wait3A_2111 = arith.constant 0 : i32
    %dma_wait3A_2112 = arith.constant 28 : i32
    %dma_wait3A_2113 = tpu.memref_slice %arg5[%dma_wait3A_2112] : memref<32x!tpu.dma_semaphore, #tpu.memory_space<semaphore_mem>> -> memref<1x!tpu.dma_semaphore, #tpu.memory_space<semaphore_mem>>
    %dma_wait3A_2114 = tpu.memref_squeeze %dma_wait3A_2113 : memref<1x!tpu.dma_semaphore, #tpu.memory_space<semaphore_mem>> -> memref<!tpu.dma_semaphore, #tpu.memory_space<semaphore_mem>>
    %dma_wait3A_2115 = arith.constant 0 : i32
    %dma_wait3A_2116 = tpu.memref_slice %arg2[%dma_wait3A_2111, %mul3A_0, %dma_wait3A_2115] : memref<1x4096x1024xf32, #tpu.memory_space<hbm>> -> memref<1x32x1024xf32, #tpu.memory_space<hbm>>
    %dma_wait3A_2117 = tpu.memref_squeeze %dma_wait3A_2116 : memref<1x32x1024xf32, #tpu.memory_space<hbm>> -> memref<32x1024xf32, #tpu.memory_space<hbm>>
    %dma_wait3A_2118 = arith.constant 0 : i32
    %dma_wait3A_2119 = arith.constant 0 : i32
    %dma_wait3A_2120 = tpu.memref_slice %arg3[%dma_wait3A_2110, %dma_wait3A_2118, %dma_wait3A_2119] : memref<32x32x1024xf32, #tpu.memory_space<vmem_shared>> -> memref<1x32x1024xf32, #tpu.memory_space<vmem_shared>>
    %dma_wait3A_2121 = tpu.memref_squeeze %dma_wait3A_2120 : memref<1x32x1024xf32, #tpu.memory_space<vmem_shared>> -> memref<32x1024xf32, #tpu.memory_space<vmem_shared>>
    tpu.wait_dma2 semaphore(%dma_wait3A_2114 : memref<!tpu.dma_semaphore, #tpu.memory_space<semaphore_mem>>) src(%dma_wait3A_2121 : memref<32x1024xf32, #tpu.memory_space<vmem_shared>>) dst(%dma_wait3A_2117 : memref<32x1024xf32, #tpu.memory_space<hbm>>)
    %add3A_2122 = arith.constant 1920 : i32
    %add3A_2123 = arith.addi %mul3A_0, %add3A_2122 : i32
    %dma_start3A_2124 = arith.constant 28 : i32
    %dma_start3A_2125 = arith.constant 28 : i32
    %dma_start3A_2126 = tpu.memref_slice %arg4[%dma_start3A_2125] : memref<32x!tpu.dma_semaphore, #tpu.memory_space<semaphore_mem>> -> memref<1x!tpu.dma_semaphore, #tpu.memory_space<semaphore_mem>>
    %dma_start3A_2127 = tpu.memref_squeeze %dma_start3A_2126 : memref<1x!tpu.dma_semaphore, #tpu.memory_space<semaphore_mem>> -> memref<!tpu.dma_semaphore, #tpu.memory_space<semaphore_mem>>
    %dma_start3A_2128 = arith.constant 0 : i32
    %dma_start3A_2129 = arith.constant 0 : i32
    %dma_start3A_2130 = tpu.memref_slice %arg3[%dma_start3A_2124, %dma_start3A_2128, %dma_start3A_2129] : memref<32x32x1024xf32, #tpu.memory_space<vmem_shared>> -> memref<1x32x1024xf32, #tpu.memory_space<vmem_shared>>
    %dma_start3A_2131 = tpu.memref_squeeze %dma_start3A_2130 : memref<1x32x1024xf32, #tpu.memory_space<vmem_shared>> -> memref<32x1024xf32, #tpu.memory_space<vmem_shared>>
    %dma_start3A_2132 = arith.constant 0 : i32
    %dma_start3A_2133 = tpu.memref_slice %arg1[%add3A_2123, %dma_start3A_2132] : memref<8192x1024xf32, #tpu.memory_space<hbm>> -> memref<32x1024xf32, #tpu.memory_space<hbm>>
    tpu.enqueue_dma source(%dma_start3A_2133 : memref<32x1024xf32, #tpu.memory_space<hbm>>) target(%dma_start3A_2131 : memref<32x1024xf32, #tpu.memory_space<vmem_shared>>) target_semaphore(%dma_start3A_2127 : memref<!tpu.dma_semaphore, #tpu.memory_space<semaphore_mem>>)
    %dma_wait3A_2134 = arith.constant 12 : i32
    %dma_wait3A_2135 = arith.constant 12 : i32
    %dma_wait3A_2136 = tpu.memref_slice %arg4[%dma_wait3A_2135] : memref<32x!tpu.dma_semaphore, #tpu.memory_space<semaphore_mem>> -> memref<1x!tpu.dma_semaphore, #tpu.memory_space<semaphore_mem>>
    %dma_wait3A_2137 = tpu.memref_squeeze %dma_wait3A_2136 : memref<1x!tpu.dma_semaphore, #tpu.memory_space<semaphore_mem>> -> memref<!tpu.dma_semaphore, #tpu.memory_space<semaphore_mem>>
    %dma_wait3A_2138 = arith.constant 0 : i32
    %dma_wait3A_2139 = arith.constant 0 : i32
    %dma_wait3A_2140 = tpu.memref_slice %arg3[%dma_wait3A_2134, %dma_wait3A_2138, %dma_wait3A_2139] : memref<32x32x1024xf32, #tpu.memory_space<vmem_shared>> -> memref<1x32x1024xf32, #tpu.memory_space<vmem_shared>>
    %dma_wait3A_2141 = tpu.memref_squeeze %dma_wait3A_2140 : memref<1x32x1024xf32, #tpu.memory_space<vmem_shared>> -> memref<32x1024xf32, #tpu.memory_space<vmem_shared>>
    %dma_wait3A_2142 = arith.constant 0 : i32
    %dma_wait3A_2143 = tpu.memref_slice %arg1[%mul3A_0, %dma_wait3A_2142] : memref<8192x1024xf32, #tpu.memory_space<hbm>> -> memref<32x1024xf32, #tpu.memory_space<hbm>>
    tpu.wait_dma2 semaphore(%dma_wait3A_2137 : memref<!tpu.dma_semaphore, #tpu.memory_space<semaphore_mem>>) src(%dma_wait3A_2143 : memref<32x1024xf32, #tpu.memory_space<hbm>>) dst(%dma_wait3A_2141 : memref<32x1024xf32, #tpu.memory_space<vmem_shared>>)
    %add3A_2144 = arith.constant 1408 : i32
    %add3A_2145 = arith.addi %mul3A_0, %add3A_2144 : i32
    %dma_start3A_2146 = arith.constant 12 : i32
    %dma_start3A_2147 = arith.constant 0 : i32
    %dma_start3A_2148 = arith.constant 12 : i32
    %dma_start3A_2149 = tpu.memref_slice %arg5[%dma_start3A_2148] : memref<32x!tpu.dma_semaphore, #tpu.memory_space<semaphore_mem>> -> memref<1x!tpu.dma_semaphore, #tpu.memory_space<semaphore_mem>>
    %dma_start3A_2150 = tpu.memref_squeeze %dma_start3A_2149 : memref<1x!tpu.dma_semaphore, #tpu.memory_space<semaphore_mem>> -> memref<!tpu.dma_semaphore, #tpu.memory_space<semaphore_mem>>
    %dma_start3A_2151 = arith.constant 0 : i32
    %dma_start3A_2152 = tpu.memref_slice %arg2[%dma_start3A_2147, %add3A_2145, %dma_start3A_2151] : memref<1x4096x1024xf32, #tpu.memory_space<hbm>> -> memref<1x32x1024xf32, #tpu.memory_space<hbm>>
    %dma_start3A_2153 = tpu.memref_squeeze %dma_start3A_2152 : memref<1x32x1024xf32, #tpu.memory_space<hbm>> -> memref<32x1024xf32, #tpu.memory_space<hbm>>
    %dma_start3A_2154 = arith.constant 0 : i32
    %dma_start3A_2155 = arith.constant 0 : i32
    %dma_start3A_2156 = tpu.memref_slice %arg3[%dma_start3A_2146, %dma_start3A_2154, %dma_start3A_2155] : memref<32x32x1024xf32, #tpu.memory_space<vmem_shared>> -> memref<1x32x1024xf32, #tpu.memory_space<vmem_shared>>
    %dma_start3A_2157 = tpu.memref_squeeze %dma_start3A_2156 : memref<1x32x1024xf32, #tpu.memory_space<vmem_shared>> -> memref<32x1024xf32, #tpu.memory_space<vmem_shared>>
    tpu.enqueue_dma source(%dma_start3A_2157 : memref<32x1024xf32, #tpu.memory_space<vmem_shared>>) target(%dma_start3A_2153 : memref<32x1024xf32, #tpu.memory_space<hbm>>) target_semaphore(%dma_start3A_2150 : memref<!tpu.dma_semaphore, #tpu.memory_space<semaphore_mem>>)
    %dma_wait3A_2158 = arith.constant 29 : i32
    %dma_wait3A_2159 = arith.constant 0 : i32
    %dma_wait3A_2160 = arith.constant 29 : i32
    %dma_wait3A_2161 = tpu.memref_slice %arg5[%dma_wait3A_2160] : memref<32x!tpu.dma_semaphore, #tpu.memory_space<semaphore_mem>> -> memref<1x!tpu.dma_semaphore, #tpu.memory_space<semaphore_mem>>
    %dma_wait3A_2162 = tpu.memref_squeeze %dma_wait3A_2161 : memref<1x!tpu.dma_semaphore, #tpu.memory_space<semaphore_mem>> -> memref<!tpu.dma_semaphore, #tpu.memory_space<semaphore_mem>>
    %dma_wait3A_2163 = arith.constant 0 : i32
    %dma_wait3A_2164 = tpu.memref_slice %arg2[%dma_wait3A_2159, %mul3A_0, %dma_wait3A_2163] : memref<1x4096x1024xf32, #tpu.memory_space<hbm>> -> memref<1x32x1024xf32, #tpu.memory_space<hbm>>
    %dma_wait3A_2165 = tpu.memref_squeeze %dma_wait3A_2164 : memref<1x32x1024xf32, #tpu.memory_space<hbm>> -> memref<32x1024xf32, #tpu.memory_space<hbm>>
    %dma_wait3A_2166 = arith.constant 0 : i32
    %dma_wait3A_2167 = arith.constant 0 : i32
    %dma_wait3A_2168 = tpu.memref_slice %arg3[%dma_wait3A_2158, %dma_wait3A_2166, %dma_wait3A_2167] : memref<32x32x1024xf32, #tpu.memory_space<vmem_shared>> -> memref<1x32x1024xf32, #tpu.memory_space<vmem_shared>>
    %dma_wait3A_2169 = tpu.memref_squeeze %dma_wait3A_2168 : memref<1x32x1024xf32, #tpu.memory_space<vmem_shared>> -> memref<32x1024xf32, #tpu.memory_space<vmem_shared>>
    tpu.wait_dma2 semaphore(%dma_wait3A_2162 : memref<!tpu.dma_semaphore, #tpu.memory_space<semaphore_mem>>) src(%dma_wait3A_2169 : memref<32x1024xf32, #tpu.memory_space<vmem_shared>>) dst(%dma_wait3A_2165 : memref<32x1024xf32, #tpu.memory_space<hbm>>)
    %add3A_2170 = arith.constant 1952 : i32
    %add3A_2171 = arith.addi %mul3A_0, %add3A_2170 : i32
    %dma_start3A_2172 = arith.constant 29 : i32
    %dma_start3A_2173 = arith.constant 29 : i32
    %dma_start3A_2174 = tpu.memref_slice %arg4[%dma_start3A_2173] : memref<32x!tpu.dma_semaphore, #tpu.memory_space<semaphore_mem>> -> memref<1x!tpu.dma_semaphore, #tpu.memory_space<semaphore_mem>>
    %dma_start3A_2175 = tpu.memref_squeeze %dma_start3A_2174 : memref<1x!tpu.dma_semaphore, #tpu.memory_space<semaphore_mem>> -> memref<!tpu.dma_semaphore, #tpu.memory_space<semaphore_mem>>
    %dma_start3A_2176 = arith.constant 0 : i32
    %dma_start3A_2177 = arith.constant 0 : i32
    %dma_start3A_2178 = tpu.memref_slice %arg3[%dma_start3A_2172, %dma_start3A_2176, %dma_start3A_2177] : memref<32x32x1024xf32, #tpu.memory_space<vmem_shared>> -> memref<1x32x1024xf32, #tpu.memory_space<vmem_shared>>
    %dma_start3A_2179 = tpu.memref_squeeze %dma_start3A_2178 : memref<1x32x1024xf32, #tpu.memory_space<vmem_shared>> -> memref<32x1024xf32, #tpu.memory_space<vmem_shared>>
    %dma_start3A_2180 = arith.constant 0 : i32
    %dma_start3A_2181 = tpu.memref_slice %arg1[%add3A_2171, %dma_start3A_2180] : memref<8192x1024xf32, #tpu.memory_space<hbm>> -> memref<32x1024xf32, #tpu.memory_space<hbm>>
    tpu.enqueue_dma source(%dma_start3A_2181 : memref<32x1024xf32, #tpu.memory_space<hbm>>) target(%dma_start3A_2179 : memref<32x1024xf32, #tpu.memory_space<vmem_shared>>) target_semaphore(%dma_start3A_2175 : memref<!tpu.dma_semaphore, #tpu.memory_space<semaphore_mem>>)
    %dma_wait3A_2182 = arith.constant 13 : i32
    %dma_wait3A_2183 = arith.constant 13 : i32
    %dma_wait3A_2184 = tpu.memref_slice %arg4[%dma_wait3A_2183] : memref<32x!tpu.dma_semaphore, #tpu.memory_space<semaphore_mem>> -> memref<1x!tpu.dma_semaphore, #tpu.memory_space<semaphore_mem>>
    %dma_wait3A_2185 = tpu.memref_squeeze %dma_wait3A_2184 : memref<1x!tpu.dma_semaphore, #tpu.memory_space<semaphore_mem>> -> memref<!tpu.dma_semaphore, #tpu.memory_space<semaphore_mem>>
    %dma_wait3A_2186 = arith.constant 0 : i32
    %dma_wait3A_2187 = arith.constant 0 : i32
    %dma_wait3A_2188 = tpu.memref_slice %arg3[%dma_wait3A_2182, %dma_wait3A_2186, %dma_wait3A_2187] : memref<32x32x1024xf32, #tpu.memory_space<vmem_shared>> -> memref<1x32x1024xf32, #tpu.memory_space<vmem_shared>>
    %dma_wait3A_2189 = tpu.memref_squeeze %dma_wait3A_2188 : memref<1x32x1024xf32, #tpu.memory_space<vmem_shared>> -> memref<32x1024xf32, #tpu.memory_space<vmem_shared>>
    %dma_wait3A_2190 = arith.constant 0 : i32
    %dma_wait3A_2191 = tpu.memref_slice %arg1[%mul3A_0, %dma_wait3A_2190] : memref<8192x1024xf32, #tpu.memory_space<hbm>> -> memref<32x1024xf32, #tpu.memory_space<hbm>>
    tpu.wait_dma2 semaphore(%dma_wait3A_2185 : memref<!tpu.dma_semaphore, #tpu.memory_space<semaphore_mem>>) src(%dma_wait3A_2191 : memref<32x1024xf32, #tpu.memory_space<hbm>>) dst(%dma_wait3A_2189 : memref<32x1024xf32, #tpu.memory_space<vmem_shared>>)
    %add3A_2192 = arith.constant 1440 : i32
    %add3A_2193 = arith.addi %mul3A_0, %add3A_2192 : i32
    %dma_start3A_2194 = arith.constant 13 : i32
    %dma_start3A_2195 = arith.constant 0 : i32
    %dma_start3A_2196 = arith.constant 13 : i32
    %dma_start3A_2197 = tpu.memref_slice %arg5[%dma_start3A_2196] : memref<32x!tpu.dma_semaphore, #tpu.memory_space<semaphore_mem>> -> memref<1x!tpu.dma_semaphore, #tpu.memory_space<semaphore_mem>>
    %dma_start3A_2198 = tpu.memref_squeeze %dma_start3A_2197 : memref<1x!tpu.dma_semaphore, #tpu.memory_space<semaphore_mem>> -> memref<!tpu.dma_semaphore, #tpu.memory_space<semaphore_mem>>
    %dma_start3A_2199 = arith.constant 0 : i32
    %dma_start3A_2200 = tpu.memref_slice %arg2[%dma_start3A_2195, %add3A_2193, %dma_start3A_2199] : memref<1x4096x1024xf32, #tpu.memory_space<hbm>> -> memref<1x32x1024xf32, #tpu.memory_space<hbm>>
    %dma_start3A_2201 = tpu.memref_squeeze %dma_start3A_2200 : memref<1x32x1024xf32, #tpu.memory_space<hbm>> -> memref<32x1024xf32, #tpu.memory_space<hbm>>
    %dma_start3A_2202 = arith.constant 0 : i32
    %dma_start3A_2203 = arith.constant 0 : i32
    %dma_start3A_2204 = tpu.memref_slice %arg3[%dma_start3A_2194, %dma_start3A_2202, %dma_start3A_2203] : memref<32x32x1024xf32, #tpu.memory_space<vmem_shared>> -> memref<1x32x1024xf32, #tpu.memory_space<vmem_shared>>
    %dma_start3A_2205 = tpu.memref_squeeze %dma_start3A_2204 : memref<1x32x1024xf32, #tpu.memory_space<vmem_shared>> -> memref<32x1024xf32, #tpu.memory_space<vmem_shared>>
    tpu.enqueue_dma source(%dma_start3A_2205 : memref<32x1024xf32, #tpu.memory_space<vmem_shared>>) target(%dma_start3A_2201 : memref<32x1024xf32, #tpu.memory_space<hbm>>) target_semaphore(%dma_start3A_2198 : memref<!tpu.dma_semaphore, #tpu.memory_space<semaphore_mem>>)
    %dma_wait3A_2206 = arith.constant 30 : i32
    %dma_wait3A_2207 = arith.constant 0 : i32
    %dma_wait3A_2208 = arith.constant 30 : i32
    %dma_wait3A_2209 = tpu.memref_slice %arg5[%dma_wait3A_2208] : memref<32x!tpu.dma_semaphore, #tpu.memory_space<semaphore_mem>> -> memref<1x!tpu.dma_semaphore, #tpu.memory_space<semaphore_mem>>
    %dma_wait3A_2210 = tpu.memref_squeeze %dma_wait3A_2209 : memref<1x!tpu.dma_semaphore, #tpu.memory_space<semaphore_mem>> -> memref<!tpu.dma_semaphore, #tpu.memory_space<semaphore_mem>>
    %dma_wait3A_2211 = arith.constant 0 : i32
    %dma_wait3A_2212 = tpu.memref_slice %arg2[%dma_wait3A_2207, %mul3A_0, %dma_wait3A_2211] : memref<1x4096x1024xf32, #tpu.memory_space<hbm>> -> memref<1x32x1024xf32, #tpu.memory_space<hbm>>
    %dma_wait3A_2213 = tpu.memref_squeeze %dma_wait3A_2212 : memref<1x32x1024xf32, #tpu.memory_space<hbm>> -> memref<32x1024xf32, #tpu.memory_space<hbm>>
    %dma_wait3A_2214 = arith.constant 0 : i32
    %dma_wait3A_2215 = arith.constant 0 : i32
    %dma_wait3A_2216 = tpu.memref_slice %arg3[%dma_wait3A_2206, %dma_wait3A_2214, %dma_wait3A_2215] : memref<32x32x1024xf32, #tpu.memory_space<vmem_shared>> -> memref<1x32x1024xf32, #tpu.memory_space<vmem_shared>>
    %dma_wait3A_2217 = tpu.memref_squeeze %dma_wait3A_2216 : memref<1x32x1024xf32, #tpu.memory_space<vmem_shared>> -> memref<32x1024xf32, #tpu.memory_space<vmem_shared>>
    tpu.wait_dma2 semaphore(%dma_wait3A_2210 : memref<!tpu.dma_semaphore, #tpu.memory_space<semaphore_mem>>) src(%dma_wait3A_2217 : memref<32x1024xf32, #tpu.memory_space<vmem_shared>>) dst(%dma_wait3A_2213 : memref<32x1024xf32, #tpu.memory_space<hbm>>)
    %add3A_2218 = arith.constant 1984 : i32
    %add3A_2219 = arith.addi %mul3A_0, %add3A_2218 : i32
    %dma_start3A_2220 = arith.constant 30 : i32
    %dma_start3A_2221 = arith.constant 30 : i32
    %dma_start3A_2222 = tpu.memref_slice %arg4[%dma_start3A_2221] : memref<32x!tpu.dma_semaphore, #tpu.memory_space<semaphore_mem>> -> memref<1x!tpu.dma_semaphore, #tpu.memory_space<semaphore_mem>>
    %dma_start3A_2223 = tpu.memref_squeeze %dma_start3A_2222 : memref<1x!tpu.dma_semaphore, #tpu.memory_space<semaphore_mem>> -> memref<!tpu.dma_semaphore, #tpu.memory_space<semaphore_mem>>
    %dma_start3A_2224 = arith.constant 0 : i32
    %dma_start3A_2225 = arith.constant 0 : i32
    %dma_start3A_2226 = tpu.memref_slice %arg3[%dma_start3A_2220, %dma_start3A_2224, %dma_start3A_2225] : memref<32x32x1024xf32, #tpu.memory_space<vmem_shared>> -> memref<1x32x1024xf32, #tpu.memory_space<vmem_shared>>
    %dma_start3A_2227 = tpu.memref_squeeze %dma_start3A_2226 : memref<1x32x1024xf32, #tpu.memory_space<vmem_shared>> -> memref<32x1024xf32, #tpu.memory_space<vmem_shared>>
    %dma_start3A_2228 = arith.constant 0 : i32
    %dma_start3A_2229 = tpu.memref_slice %arg1[%add3A_2219, %dma_start3A_2228] : memref<8192x1024xf32, #tpu.memory_space<hbm>> -> memref<32x1024xf32, #tpu.memory_space<hbm>>
    tpu.enqueue_dma source(%dma_start3A_2229 : memref<32x1024xf32, #tpu.memory_space<hbm>>) target(%dma_start3A_2227 : memref<32x1024xf32, #tpu.memory_space<vmem_shared>>) target_semaphore(%dma_start3A_2223 : memref<!tpu.dma_semaphore, #tpu.memory_space<semaphore_mem>>)
    %dma_wait3A_2230 = arith.constant 14 : i32
    %dma_wait3A_2231 = arith.constant 14 : i32
    %dma_wait3A_2232 = tpu.memref_slice %arg4[%dma_wait3A_2231] : memref<32x!tpu.dma_semaphore, #tpu.memory_space<semaphore_mem>> -> memref<1x!tpu.dma_semaphore, #tpu.memory_space<semaphore_mem>>
    %dma_wait3A_2233 = tpu.memref_squeeze %dma_wait3A_2232 : memref<1x!tpu.dma_semaphore, #tpu.memory_space<semaphore_mem>> -> memref<!tpu.dma_semaphore, #tpu.memory_space<semaphore_mem>>
    %dma_wait3A_2234 = arith.constant 0 : i32
    %dma_wait3A_2235 = arith.constant 0 : i32
    %dma_wait3A_2236 = tpu.memref_slice %arg3[%dma_wait3A_2230, %dma_wait3A_2234, %dma_wait3A_2235] : memref<32x32x1024xf32, #tpu.memory_space<vmem_shared>> -> memref<1x32x1024xf32, #tpu.memory_space<vmem_shared>>
    %dma_wait3A_2237 = tpu.memref_squeeze %dma_wait3A_2236 : memref<1x32x1024xf32, #tpu.memory_space<vmem_shared>> -> memref<32x1024xf32, #tpu.memory_space<vmem_shared>>
    %dma_wait3A_2238 = arith.constant 0 : i32
    %dma_wait3A_2239 = tpu.memref_slice %arg1[%mul3A_0, %dma_wait3A_2238] : memref<8192x1024xf32, #tpu.memory_space<hbm>> -> memref<32x1024xf32, #tpu.memory_space<hbm>>
    tpu.wait_dma2 semaphore(%dma_wait3A_2233 : memref<!tpu.dma_semaphore, #tpu.memory_space<semaphore_mem>>) src(%dma_wait3A_2239 : memref<32x1024xf32, #tpu.memory_space<hbm>>) dst(%dma_wait3A_2237 : memref<32x1024xf32, #tpu.memory_space<vmem_shared>>)
    %add3A_2240 = arith.constant 1472 : i32
    %add3A_2241 = arith.addi %mul3A_0, %add3A_2240 : i32
    %dma_start3A_2242 = arith.constant 14 : i32
    %dma_start3A_2243 = arith.constant 0 : i32
    %dma_start3A_2244 = arith.constant 14 : i32
    %dma_start3A_2245 = tpu.memref_slice %arg5[%dma_start3A_2244] : memref<32x!tpu.dma_semaphore, #tpu.memory_space<semaphore_mem>> -> memref<1x!tpu.dma_semaphore, #tpu.memory_space<semaphore_mem>>
    %dma_start3A_2246 = tpu.memref_squeeze %dma_start3A_2245 : memref<1x!tpu.dma_semaphore, #tpu.memory_space<semaphore_mem>> -> memref<!tpu.dma_semaphore, #tpu.memory_space<semaphore_mem>>
    %dma_start3A_2247 = arith.constant 0 : i32
    %dma_start3A_2248 = tpu.memref_slice %arg2[%dma_start3A_2243, %add3A_2241, %dma_start3A_2247] : memref<1x4096x1024xf32, #tpu.memory_space<hbm>> -> memref<1x32x1024xf32, #tpu.memory_space<hbm>>
    %dma_start3A_2249 = tpu.memref_squeeze %dma_start3A_2248 : memref<1x32x1024xf32, #tpu.memory_space<hbm>> -> memref<32x1024xf32, #tpu.memory_space<hbm>>
    %dma_start3A_2250 = arith.constant 0 : i32
    %dma_start3A_2251 = arith.constant 0 : i32
    %dma_start3A_2252 = tpu.memref_slice %arg3[%dma_start3A_2242, %dma_start3A_2250, %dma_start3A_2251] : memref<32x32x1024xf32, #tpu.memory_space<vmem_shared>> -> memref<1x32x1024xf32, #tpu.memory_space<vmem_shared>>
    %dma_start3A_2253 = tpu.memref_squeeze %dma_start3A_2252 : memref<1x32x1024xf32, #tpu.memory_space<vmem_shared>> -> memref<32x1024xf32, #tpu.memory_space<vmem_shared>>
    tpu.enqueue_dma source(%dma_start3A_2253 : memref<32x1024xf32, #tpu.memory_space<vmem_shared>>) target(%dma_start3A_2249 : memref<32x1024xf32, #tpu.memory_space<hbm>>) target_semaphore(%dma_start3A_2246 : memref<!tpu.dma_semaphore, #tpu.memory_space<semaphore_mem>>)
    %dma_wait3A_2254 = arith.constant 31 : i32
    %dma_wait3A_2255 = arith.constant 0 : i32
    %dma_wait3A_2256 = arith.constant 31 : i32
    %dma_wait3A_2257 = tpu.memref_slice %arg5[%dma_wait3A_2256] : memref<32x!tpu.dma_semaphore, #tpu.memory_space<semaphore_mem>> -> memref<1x!tpu.dma_semaphore, #tpu.memory_space<semaphore_mem>>
    %dma_wait3A_2258 = tpu.memref_squeeze %dma_wait3A_2257 : memref<1x!tpu.dma_semaphore, #tpu.memory_space<semaphore_mem>> -> memref<!tpu.dma_semaphore, #tpu.memory_space<semaphore_mem>>
    %dma_wait3A_2259 = arith.constant 0 : i32
    %dma_wait3A_2260 = tpu.memref_slice %arg2[%dma_wait3A_2255, %mul3A_0, %dma_wait3A_2259] : memref<1x4096x1024xf32, #tpu.memory_space<hbm>> -> memref<1x32x1024xf32, #tpu.memory_space<hbm>>
    %dma_wait3A_2261 = tpu.memref_squeeze %dma_wait3A_2260 : memref<1x32x1024xf32, #tpu.memory_space<hbm>> -> memref<32x1024xf32, #tpu.memory_space<hbm>>
    %dma_wait3A_2262 = arith.constant 0 : i32
    %dma_wait3A_2263 = arith.constant 0 : i32
    %dma_wait3A_2264 = tpu.memref_slice %arg3[%dma_wait3A_2254, %dma_wait3A_2262, %dma_wait3A_2263] : memref<32x32x1024xf32, #tpu.memory_space<vmem_shared>> -> memref<1x32x1024xf32, #tpu.memory_space<vmem_shared>>
    %dma_wait3A_2265 = tpu.memref_squeeze %dma_wait3A_2264 : memref<1x32x1024xf32, #tpu.memory_space<vmem_shared>> -> memref<32x1024xf32, #tpu.memory_space<vmem_shared>>
    tpu.wait_dma2 semaphore(%dma_wait3A_2258 : memref<!tpu.dma_semaphore, #tpu.memory_space<semaphore_mem>>) src(%dma_wait3A_2265 : memref<32x1024xf32, #tpu.memory_space<vmem_shared>>) dst(%dma_wait3A_2261 : memref<32x1024xf32, #tpu.memory_space<hbm>>)
    %add3A_2266 = arith.constant 2016 : i32
    %add3A_2267 = arith.addi %mul3A_0, %add3A_2266 : i32
    %dma_start3A_2268 = arith.constant 31 : i32
    %dma_start3A_2269 = arith.constant 31 : i32
    %dma_start3A_2270 = tpu.memref_slice %arg4[%dma_start3A_2269] : memref<32x!tpu.dma_semaphore, #tpu.memory_space<semaphore_mem>> -> memref<1x!tpu.dma_semaphore, #tpu.memory_space<semaphore_mem>>
    %dma_start3A_2271 = tpu.memref_squeeze %dma_start3A_2270 : memref<1x!tpu.dma_semaphore, #tpu.memory_space<semaphore_mem>> -> memref<!tpu.dma_semaphore, #tpu.memory_space<semaphore_mem>>
    %dma_start3A_2272 = arith.constant 0 : i32
    %dma_start3A_2273 = arith.constant 0 : i32
    %dma_start3A_2274 = tpu.memref_slice %arg3[%dma_start3A_2268, %dma_start3A_2272, %dma_start3A_2273] : memref<32x32x1024xf32, #tpu.memory_space<vmem_shared>> -> memref<1x32x1024xf32, #tpu.memory_space<vmem_shared>>
    %dma_start3A_2275 = tpu.memref_squeeze %dma_start3A_2274 : memref<1x32x1024xf32, #tpu.memory_space<vmem_shared>> -> memref<32x1024xf32, #tpu.memory_space<vmem_shared>>
    %dma_start3A_2276 = arith.constant 0 : i32
    %dma_start3A_2277 = tpu.memref_slice %arg1[%add3A_2267, %dma_start3A_2276] : memref<8192x1024xf32, #tpu.memory_space<hbm>> -> memref<32x1024xf32, #tpu.memory_space<hbm>>
    tpu.enqueue_dma source(%dma_start3A_2277 : memref<32x1024xf32, #tpu.memory_space<hbm>>) target(%dma_start3A_2275 : memref<32x1024xf32, #tpu.memory_space<vmem_shared>>) target_semaphore(%dma_start3A_2271 : memref<!tpu.dma_semaphore, #tpu.memory_space<semaphore_mem>>)
    %dma_wait3A_2278 = arith.constant 15 : i32
    %dma_wait3A_2279 = arith.constant 15 : i32
    %dma_wait3A_2280 = tpu.memref_slice %arg4[%dma_wait3A_2279] : memref<32x!tpu.dma_semaphore, #tpu.memory_space<semaphore_mem>> -> memref<1x!tpu.dma_semaphore, #tpu.memory_space<semaphore_mem>>
    %dma_wait3A_2281 = tpu.memref_squeeze %dma_wait3A_2280 : memref<1x!tpu.dma_semaphore, #tpu.memory_space<semaphore_mem>> -> memref<!tpu.dma_semaphore, #tpu.memory_space<semaphore_mem>>
    %dma_wait3A_2282 = arith.constant 0 : i32
    %dma_wait3A_2283 = arith.constant 0 : i32
    %dma_wait3A_2284 = tpu.memref_slice %arg3[%dma_wait3A_2278, %dma_wait3A_2282, %dma_wait3A_2283] : memref<32x32x1024xf32, #tpu.memory_space<vmem_shared>> -> memref<1x32x1024xf32, #tpu.memory_space<vmem_shared>>
    %dma_wait3A_2285 = tpu.memref_squeeze %dma_wait3A_2284 : memref<1x32x1024xf32, #tpu.memory_space<vmem_shared>> -> memref<32x1024xf32, #tpu.memory_space<vmem_shared>>
    %dma_wait3A_2286 = arith.constant 0 : i32
    %dma_wait3A_2287 = tpu.memref_slice %arg1[%mul3A_0, %dma_wait3A_2286] : memref<8192x1024xf32, #tpu.memory_space<hbm>> -> memref<32x1024xf32, #tpu.memory_space<hbm>>
    tpu.wait_dma2 semaphore(%dma_wait3A_2281 : memref<!tpu.dma_semaphore, #tpu.memory_space<semaphore_mem>>) src(%dma_wait3A_2287 : memref<32x1024xf32, #tpu.memory_space<hbm>>) dst(%dma_wait3A_2285 : memref<32x1024xf32, #tpu.memory_space<vmem_shared>>)
    %add3A_2288 = arith.constant 1504 : i32
    %add3A_2289 = arith.addi %mul3A_0, %add3A_2288 : i32
    %dma_start3A_2290 = arith.constant 15 : i32
    %dma_start3A_2291 = arith.constant 0 : i32
    %dma_start3A_2292 = arith.constant 15 : i32
    %dma_start3A_2293 = tpu.memref_slice %arg5[%dma_start3A_2292] : memref<32x!tpu.dma_semaphore, #tpu.memory_space<semaphore_mem>> -> memref<1x!tpu.dma_semaphore, #tpu.memory_space<semaphore_mem>>
    %dma_start3A_2294 = tpu.memref_squeeze %dma_start3A_2293 : memref<1x!tpu.dma_semaphore, #tpu.memory_space<semaphore_mem>> -> memref<!tpu.dma_semaphore, #tpu.memory_space<semaphore_mem>>
    %dma_start3A_2295 = arith.constant 0 : i32
    %dma_start3A_2296 = tpu.memref_slice %arg2[%dma_start3A_2291, %add3A_2289, %dma_start3A_2295] : memref<1x4096x1024xf32, #tpu.memory_space<hbm>> -> memref<1x32x1024xf32, #tpu.memory_space<hbm>>
    %dma_start3A_2297 = tpu.memref_squeeze %dma_start3A_2296 : memref<1x32x1024xf32, #tpu.memory_space<hbm>> -> memref<32x1024xf32, #tpu.memory_space<hbm>>
    %dma_start3A_2298 = arith.constant 0 : i32
    %dma_start3A_2299 = arith.constant 0 : i32
    %dma_start3A_2300 = tpu.memref_slice %arg3[%dma_start3A_2290, %dma_start3A_2298, %dma_start3A_2299] : memref<32x32x1024xf32, #tpu.memory_space<vmem_shared>> -> memref<1x32x1024xf32, #tpu.memory_space<vmem_shared>>
    %dma_start3A_2301 = tpu.memref_squeeze %dma_start3A_2300 : memref<1x32x1024xf32, #tpu.memory_space<vmem_shared>> -> memref<32x1024xf32, #tpu.memory_space<vmem_shared>>
    tpu.enqueue_dma source(%dma_start3A_2301 : memref<32x1024xf32, #tpu.memory_space<vmem_shared>>) target(%dma_start3A_2297 : memref<32x1024xf32, #tpu.memory_space<hbm>>) target_semaphore(%dma_start3A_2294 : memref<!tpu.dma_semaphore, #tpu.memory_space<semaphore_mem>>)
    %dma_wait3A_2302 = arith.constant 0 : i32
    %dma_wait3A_2303 = arith.constant 0 : i32
    %dma_wait3A_2304 = arith.constant 0 : i32
    %dma_wait3A_2305 = tpu.memref_slice %arg5[%dma_wait3A_2304] : memref<32x!tpu.dma_semaphore, #tpu.memory_space<semaphore_mem>> -> memref<1x!tpu.dma_semaphore, #tpu.memory_space<semaphore_mem>>
    %dma_wait3A_2306 = tpu.memref_squeeze %dma_wait3A_2305 : memref<1x!tpu.dma_semaphore, #tpu.memory_space<semaphore_mem>> -> memref<!tpu.dma_semaphore, #tpu.memory_space<semaphore_mem>>
    %dma_wait3A_2307 = arith.constant 0 : i32
    %dma_wait3A_2308 = tpu.memref_slice %arg2[%dma_wait3A_2303, %mul3A_0, %dma_wait3A_2307] : memref<1x4096x1024xf32, #tpu.memory_space<hbm>> -> memref<1x32x1024xf32, #tpu.memory_space<hbm>>
    %dma_wait3A_2309 = tpu.memref_squeeze %dma_wait3A_2308 : memref<1x32x1024xf32, #tpu.memory_space<hbm>> -> memref<32x1024xf32, #tpu.memory_space<hbm>>
    %dma_wait3A_2310 = arith.constant 0 : i32
    %dma_wait3A_2311 = arith.constant 0 : i32
    %dma_wait3A_2312 = tpu.memref_slice %arg3[%dma_wait3A_2302, %dma_wait3A_2310, %dma_wait3A_2311] : memref<32x32x1024xf32, #tpu.memory_space<vmem_shared>> -> memref<1x32x1024xf32, #tpu.memory_space<vmem_shared>>
    %dma_wait3A_2313 = tpu.memref_squeeze %dma_wait3A_2312 : memref<1x32x1024xf32, #tpu.memory_space<vmem_shared>> -> memref<32x1024xf32, #tpu.memory_space<vmem_shared>>
    tpu.wait_dma2 semaphore(%dma_wait3A_2306 : memref<!tpu.dma_semaphore, #tpu.memory_space<semaphore_mem>>) src(%dma_wait3A_2313 : memref<32x1024xf32, #tpu.memory_space<vmem_shared>>) dst(%dma_wait3A_2309 : memref<32x1024xf32, #tpu.memory_space<hbm>>)
    %dma_wait3A_2314 = arith.constant 16 : i32
    %dma_wait3A_2315 = arith.constant 16 : i32
    %dma_wait3A_2316 = tpu.memref_slice %arg4[%dma_wait3A_2315] : memref<32x!tpu.dma_semaphore, #tpu.memory_space<semaphore_mem>> -> memref<1x!tpu.dma_semaphore, #tpu.memory_space<semaphore_mem>>
    %dma_wait3A_2317 = tpu.memref_squeeze %dma_wait3A_2316 : memref<1x!tpu.dma_semaphore, #tpu.memory_space<semaphore_mem>> -> memref<!tpu.dma_semaphore, #tpu.memory_space<semaphore_mem>>
    %dma_wait3A_2318 = arith.constant 0 : i32
    %dma_wait3A_2319 = arith.constant 0 : i32
    %dma_wait3A_2320 = tpu.memref_slice %arg3[%dma_wait3A_2314, %dma_wait3A_2318, %dma_wait3A_2319] : memref<32x32x1024xf32, #tpu.memory_space<vmem_shared>> -> memref<1x32x1024xf32, #tpu.memory_space<vmem_shared>>
    %dma_wait3A_2321 = tpu.memref_squeeze %dma_wait3A_2320 : memref<1x32x1024xf32, #tpu.memory_space<vmem_shared>> -> memref<32x1024xf32, #tpu.memory_space<vmem_shared>>
    %dma_wait3A_2322 = arith.constant 0 : i32
    %dma_wait3A_2323 = tpu.memref_slice %arg1[%mul3A_0, %dma_wait3A_2322] : memref<8192x1024xf32, #tpu.memory_space<hbm>> -> memref<32x1024xf32, #tpu.memory_space<hbm>>
    tpu.wait_dma2 semaphore(%dma_wait3A_2317 : memref<!tpu.dma_semaphore, #tpu.memory_space<semaphore_mem>>) src(%dma_wait3A_2323 : memref<32x1024xf32, #tpu.memory_space<hbm>>) dst(%dma_wait3A_2321 : memref<32x1024xf32, #tpu.memory_space<vmem_shared>>)
    %add3A_2324 = arith.constant 1536 : i32
    %add3A_2325 = arith.addi %mul3A_0, %add3A_2324 : i32
    %dma_start3A_2326 = arith.constant 16 : i32
    %dma_start3A_2327 = arith.constant 0 : i32
    %dma_start3A_2328 = arith.constant 16 : i32
    %dma_start3A_2329 = tpu.memref_slice %arg5[%dma_start3A_2328] : memref<32x!tpu.dma_semaphore, #tpu.memory_space<semaphore_mem>> -> memref<1x!tpu.dma_semaphore, #tpu.memory_space<semaphore_mem>>
    %dma_start3A_2330 = tpu.memref_squeeze %dma_start3A_2329 : memref<1x!tpu.dma_semaphore, #tpu.memory_space<semaphore_mem>> -> memref<!tpu.dma_semaphore, #tpu.memory_space<semaphore_mem>>
    %dma_start3A_2331 = arith.constant 0 : i32
    %dma_start3A_2332 = tpu.memref_slice %arg2[%dma_start3A_2327, %add3A_2325, %dma_start3A_2331] : memref<1x4096x1024xf32, #tpu.memory_space<hbm>> -> memref<1x32x1024xf32, #tpu.memory_space<hbm>>
    %dma_start3A_2333 = tpu.memref_squeeze %dma_start3A_2332 : memref<1x32x1024xf32, #tpu.memory_space<hbm>> -> memref<32x1024xf32, #tpu.memory_space<hbm>>
    %dma_start3A_2334 = arith.constant 0 : i32
    %dma_start3A_2335 = arith.constant 0 : i32
    %dma_start3A_2336 = tpu.memref_slice %arg3[%dma_start3A_2326, %dma_start3A_2334, %dma_start3A_2335] : memref<32x32x1024xf32, #tpu.memory_space<vmem_shared>> -> memref<1x32x1024xf32, #tpu.memory_space<vmem_shared>>
    %dma_start3A_2337 = tpu.memref_squeeze %dma_start3A_2336 : memref<1x32x1024xf32, #tpu.memory_space<vmem_shared>> -> memref<32x1024xf32, #tpu.memory_space<vmem_shared>>
    tpu.enqueue_dma source(%dma_start3A_2337 : memref<32x1024xf32, #tpu.memory_space<vmem_shared>>) target(%dma_start3A_2333 : memref<32x1024xf32, #tpu.memory_space<hbm>>) target_semaphore(%dma_start3A_2330 : memref<!tpu.dma_semaphore, #tpu.memory_space<semaphore_mem>>)
    %dma_wait3A_2338 = arith.constant 1 : i32
    %dma_wait3A_2339 = arith.constant 0 : i32
    %dma_wait3A_2340 = arith.constant 1 : i32
    %dma_wait3A_2341 = tpu.memref_slice %arg5[%dma_wait3A_2340] : memref<32x!tpu.dma_semaphore, #tpu.memory_space<semaphore_mem>> -> memref<1x!tpu.dma_semaphore, #tpu.memory_space<semaphore_mem>>
    %dma_wait3A_2342 = tpu.memref_squeeze %dma_wait3A_2341 : memref<1x!tpu.dma_semaphore, #tpu.memory_space<semaphore_mem>> -> memref<!tpu.dma_semaphore, #tpu.memory_space<semaphore_mem>>
    %dma_wait3A_2343 = arith.constant 0 : i32
    %dma_wait3A_2344 = tpu.memref_slice %arg2[%dma_wait3A_2339, %mul3A_0, %dma_wait3A_2343] : memref<1x4096x1024xf32, #tpu.memory_space<hbm>> -> memref<1x32x1024xf32, #tpu.memory_space<hbm>>
    %dma_wait3A_2345 = tpu.memref_squeeze %dma_wait3A_2344 : memref<1x32x1024xf32, #tpu.memory_space<hbm>> -> memref<32x1024xf32, #tpu.memory_space<hbm>>
    %dma_wait3A_2346 = arith.constant 0 : i32
    %dma_wait3A_2347 = arith.constant 0 : i32
    %dma_wait3A_2348 = tpu.memref_slice %arg3[%dma_wait3A_2338, %dma_wait3A_2346, %dma_wait3A_2347] : memref<32x32x1024xf32, #tpu.memory_space<vmem_shared>> -> memref<1x32x1024xf32, #tpu.memory_space<vmem_shared>>
    %dma_wait3A_2349 = tpu.memref_squeeze %dma_wait3A_2348 : memref<1x32x1024xf32, #tpu.memory_space<vmem_shared>> -> memref<32x1024xf32, #tpu.memory_space<vmem_shared>>
    tpu.wait_dma2 semaphore(%dma_wait3A_2342 : memref<!tpu.dma_semaphore, #tpu.memory_space<semaphore_mem>>) src(%dma_wait3A_2349 : memref<32x1024xf32, #tpu.memory_space<vmem_shared>>) dst(%dma_wait3A_2345 : memref<32x1024xf32, #tpu.memory_space<hbm>>)
    %dma_wait3A_2350 = arith.constant 17 : i32
    %dma_wait3A_2351 = arith.constant 17 : i32
    %dma_wait3A_2352 = tpu.memref_slice %arg4[%dma_wait3A_2351] : memref<32x!tpu.dma_semaphore, #tpu.memory_space<semaphore_mem>> -> memref<1x!tpu.dma_semaphore, #tpu.memory_space<semaphore_mem>>
    %dma_wait3A_2353 = tpu.memref_squeeze %dma_wait3A_2352 : memref<1x!tpu.dma_semaphore, #tpu.memory_space<semaphore_mem>> -> memref<!tpu.dma_semaphore, #tpu.memory_space<semaphore_mem>>
    %dma_wait3A_2354 = arith.constant 0 : i32
    %dma_wait3A_2355 = arith.constant 0 : i32
    %dma_wait3A_2356 = tpu.memref_slice %arg3[%dma_wait3A_2350, %dma_wait3A_2354, %dma_wait3A_2355] : memref<32x32x1024xf32, #tpu.memory_space<vmem_shared>> -> memref<1x32x1024xf32, #tpu.memory_space<vmem_shared>>
    %dma_wait3A_2357 = tpu.memref_squeeze %dma_wait3A_2356 : memref<1x32x1024xf32, #tpu.memory_space<vmem_shared>> -> memref<32x1024xf32, #tpu.memory_space<vmem_shared>>
    %dma_wait3A_2358 = arith.constant 0 : i32
    %dma_wait3A_2359 = tpu.memref_slice %arg1[%mul3A_0, %dma_wait3A_2358] : memref<8192x1024xf32, #tpu.memory_space<hbm>> -> memref<32x1024xf32, #tpu.memory_space<hbm>>
    tpu.wait_dma2 semaphore(%dma_wait3A_2353 : memref<!tpu.dma_semaphore, #tpu.memory_space<semaphore_mem>>) src(%dma_wait3A_2359 : memref<32x1024xf32, #tpu.memory_space<hbm>>) dst(%dma_wait3A_2357 : memref<32x1024xf32, #tpu.memory_space<vmem_shared>>)
    %add3A_2360 = arith.constant 1568 : i32
    %add3A_2361 = arith.addi %mul3A_0, %add3A_2360 : i32
    %dma_start3A_2362 = arith.constant 17 : i32
    %dma_start3A_2363 = arith.constant 0 : i32
    %dma_start3A_2364 = arith.constant 17 : i32
    %dma_start3A_2365 = tpu.memref_slice %arg5[%dma_start3A_2364] : memref<32x!tpu.dma_semaphore, #tpu.memory_space<semaphore_mem>> -> memref<1x!tpu.dma_semaphore, #tpu.memory_space<semaphore_mem>>
    %dma_start3A_2366 = tpu.memref_squeeze %dma_start3A_2365 : memref<1x!tpu.dma_semaphore, #tpu.memory_space<semaphore_mem>> -> memref<!tpu.dma_semaphore, #tpu.memory_space<semaphore_mem>>
    %dma_start3A_2367 = arith.constant 0 : i32
    %dma_start3A_2368 = tpu.memref_slice %arg2[%dma_start3A_2363, %add3A_2361, %dma_start3A_2367] : memref<1x4096x1024xf32, #tpu.memory_space<hbm>> -> memref<1x32x1024xf32, #tpu.memory_space<hbm>>
    %dma_start3A_2369 = tpu.memref_squeeze %dma_start3A_2368 : memref<1x32x1024xf32, #tpu.memory_space<hbm>> -> memref<32x1024xf32, #tpu.memory_space<hbm>>
    %dma_start3A_2370 = arith.constant 0 : i32
    %dma_start3A_2371 = arith.constant 0 : i32
    %dma_start3A_2372 = tpu.memref_slice %arg3[%dma_start3A_2362, %dma_start3A_2370, %dma_start3A_2371] : memref<32x32x1024xf32, #tpu.memory_space<vmem_shared>> -> memref<1x32x1024xf32, #tpu.memory_space<vmem_shared>>
    %dma_start3A_2373 = tpu.memref_squeeze %dma_start3A_2372 : memref<1x32x1024xf32, #tpu.memory_space<vmem_shared>> -> memref<32x1024xf32, #tpu.memory_space<vmem_shared>>
    tpu.enqueue_dma source(%dma_start3A_2373 : memref<32x1024xf32, #tpu.memory_space<vmem_shared>>) target(%dma_start3A_2369 : memref<32x1024xf32, #tpu.memory_space<hbm>>) target_semaphore(%dma_start3A_2366 : memref<!tpu.dma_semaphore, #tpu.memory_space<semaphore_mem>>)
    %dma_wait3A_2374 = arith.constant 2 : i32
    %dma_wait3A_2375 = arith.constant 0 : i32
    %dma_wait3A_2376 = arith.constant 2 : i32
    %dma_wait3A_2377 = tpu.memref_slice %arg5[%dma_wait3A_2376] : memref<32x!tpu.dma_semaphore, #tpu.memory_space<semaphore_mem>> -> memref<1x!tpu.dma_semaphore, #tpu.memory_space<semaphore_mem>>
    %dma_wait3A_2378 = tpu.memref_squeeze %dma_wait3A_2377 : memref<1x!tpu.dma_semaphore, #tpu.memory_space<semaphore_mem>> -> memref<!tpu.dma_semaphore, #tpu.memory_space<semaphore_mem>>
    %dma_wait3A_2379 = arith.constant 0 : i32
    %dma_wait3A_2380 = tpu.memref_slice %arg2[%dma_wait3A_2375, %mul3A_0, %dma_wait3A_2379] : memref<1x4096x1024xf32, #tpu.memory_space<hbm>> -> memref<1x32x1024xf32, #tpu.memory_space<hbm>>
    %dma_wait3A_2381 = tpu.memref_squeeze %dma_wait3A_2380 : memref<1x32x1024xf32, #tpu.memory_space<hbm>> -> memref<32x1024xf32, #tpu.memory_space<hbm>>
    %dma_wait3A_2382 = arith.constant 0 : i32
    %dma_wait3A_2383 = arith.constant 0 : i32
    %dma_wait3A_2384 = tpu.memref_slice %arg3[%dma_wait3A_2374, %dma_wait3A_2382, %dma_wait3A_2383] : memref<32x32x1024xf32, #tpu.memory_space<vmem_shared>> -> memref<1x32x1024xf32, #tpu.memory_space<vmem_shared>>
    %dma_wait3A_2385 = tpu.memref_squeeze %dma_wait3A_2384 : memref<1x32x1024xf32, #tpu.memory_space<vmem_shared>> -> memref<32x1024xf32, #tpu.memory_space<vmem_shared>>
    tpu.wait_dma2 semaphore(%dma_wait3A_2378 : memref<!tpu.dma_semaphore, #tpu.memory_space<semaphore_mem>>) src(%dma_wait3A_2385 : memref<32x1024xf32, #tpu.memory_space<vmem_shared>>) dst(%dma_wait3A_2381 : memref<32x1024xf32, #tpu.memory_space<hbm>>)
    %dma_wait3A_2386 = arith.constant 18 : i32
    %dma_wait3A_2387 = arith.constant 18 : i32
    %dma_wait3A_2388 = tpu.memref_slice %arg4[%dma_wait3A_2387] : memref<32x!tpu.dma_semaphore, #tpu.memory_space<semaphore_mem>> -> memref<1x!tpu.dma_semaphore, #tpu.memory_space<semaphore_mem>>
    %dma_wait3A_2389 = tpu.memref_squeeze %dma_wait3A_2388 : memref<1x!tpu.dma_semaphore, #tpu.memory_space<semaphore_mem>> -> memref<!tpu.dma_semaphore, #tpu.memory_space<semaphore_mem>>
    %dma_wait3A_2390 = arith.constant 0 : i32
    %dma_wait3A_2391 = arith.constant 0 : i32
    %dma_wait3A_2392 = tpu.memref_slice %arg3[%dma_wait3A_2386, %dma_wait3A_2390, %dma_wait3A_2391] : memref<32x32x1024xf32, #tpu.memory_space<vmem_shared>> -> memref<1x32x1024xf32, #tpu.memory_space<vmem_shared>>
    %dma_wait3A_2393 = tpu.memref_squeeze %dma_wait3A_2392 : memref<1x32x1024xf32, #tpu.memory_space<vmem_shared>> -> memref<32x1024xf32, #tpu.memory_space<vmem_shared>>
    %dma_wait3A_2394 = arith.constant 0 : i32
    %dma_wait3A_2395 = tpu.memref_slice %arg1[%mul3A_0, %dma_wait3A_2394] : memref<8192x1024xf32, #tpu.memory_space<hbm>> -> memref<32x1024xf32, #tpu.memory_space<hbm>>
    tpu.wait_dma2 semaphore(%dma_wait3A_2389 : memref<!tpu.dma_semaphore, #tpu.memory_space<semaphore_mem>>) src(%dma_wait3A_2395 : memref<32x1024xf32, #tpu.memory_space<hbm>>) dst(%dma_wait3A_2393 : memref<32x1024xf32, #tpu.memory_space<vmem_shared>>)
    %add3A_2396 = arith.constant 1600 : i32
    %add3A_2397 = arith.addi %mul3A_0, %add3A_2396 : i32
    %dma_start3A_2398 = arith.constant 18 : i32
    %dma_start3A_2399 = arith.constant 0 : i32
    %dma_start3A_2400 = arith.constant 18 : i32
    %dma_start3A_2401 = tpu.memref_slice %arg5[%dma_start3A_2400] : memref<32x!tpu.dma_semaphore, #tpu.memory_space<semaphore_mem>> -> memref<1x!tpu.dma_semaphore, #tpu.memory_space<semaphore_mem>>
    %dma_start3A_2402 = tpu.memref_squeeze %dma_start3A_2401 : memref<1x!tpu.dma_semaphore, #tpu.memory_space<semaphore_mem>> -> memref<!tpu.dma_semaphore, #tpu.memory_space<semaphore_mem>>
    %dma_start3A_2403 = arith.constant 0 : i32
    %dma_start3A_2404 = tpu.memref_slice %arg2[%dma_start3A_2399, %add3A_2397, %dma_start3A_2403] : memref<1x4096x1024xf32, #tpu.memory_space<hbm>> -> memref<1x32x1024xf32, #tpu.memory_space<hbm>>
    %dma_start3A_2405 = tpu.memref_squeeze %dma_start3A_2404 : memref<1x32x1024xf32, #tpu.memory_space<hbm>> -> memref<32x1024xf32, #tpu.memory_space<hbm>>
    %dma_start3A_2406 = arith.constant 0 : i32
    %dma_start3A_2407 = arith.constant 0 : i32
    %dma_start3A_2408 = tpu.memref_slice %arg3[%dma_start3A_2398, %dma_start3A_2406, %dma_start3A_2407] : memref<32x32x1024xf32, #tpu.memory_space<vmem_shared>> -> memref<1x32x1024xf32, #tpu.memory_space<vmem_shared>>
    %dma_start3A_2409 = tpu.memref_squeeze %dma_start3A_2408 : memref<1x32x1024xf32, #tpu.memory_space<vmem_shared>> -> memref<32x1024xf32, #tpu.memory_space<vmem_shared>>
    tpu.enqueue_dma source(%dma_start3A_2409 : memref<32x1024xf32, #tpu.memory_space<vmem_shared>>) target(%dma_start3A_2405 : memref<32x1024xf32, #tpu.memory_space<hbm>>) target_semaphore(%dma_start3A_2402 : memref<!tpu.dma_semaphore, #tpu.memory_space<semaphore_mem>>)
    %dma_wait3A_2410 = arith.constant 3 : i32
    %dma_wait3A_2411 = arith.constant 0 : i32
    %dma_wait3A_2412 = arith.constant 3 : i32
    %dma_wait3A_2413 = tpu.memref_slice %arg5[%dma_wait3A_2412] : memref<32x!tpu.dma_semaphore, #tpu.memory_space<semaphore_mem>> -> memref<1x!tpu.dma_semaphore, #tpu.memory_space<semaphore_mem>>
    %dma_wait3A_2414 = tpu.memref_squeeze %dma_wait3A_2413 : memref<1x!tpu.dma_semaphore, #tpu.memory_space<semaphore_mem>> -> memref<!tpu.dma_semaphore, #tpu.memory_space<semaphore_mem>>
    %dma_wait3A_2415 = arith.constant 0 : i32
    %dma_wait3A_2416 = tpu.memref_slice %arg2[%dma_wait3A_2411, %mul3A_0, %dma_wait3A_2415] : memref<1x4096x1024xf32, #tpu.memory_space<hbm>> -> memref<1x32x1024xf32, #tpu.memory_space<hbm>>
    %dma_wait3A_2417 = tpu.memref_squeeze %dma_wait3A_2416 : memref<1x32x1024xf32, #tpu.memory_space<hbm>> -> memref<32x1024xf32, #tpu.memory_space<hbm>>
    %dma_wait3A_2418 = arith.constant 0 : i32
    %dma_wait3A_2419 = arith.constant 0 : i32
    %dma_wait3A_2420 = tpu.memref_slice %arg3[%dma_wait3A_2410, %dma_wait3A_2418, %dma_wait3A_2419] : memref<32x32x1024xf32, #tpu.memory_space<vmem_shared>> -> memref<1x32x1024xf32, #tpu.memory_space<vmem_shared>>
    %dma_wait3A_2421 = tpu.memref_squeeze %dma_wait3A_2420 : memref<1x32x1024xf32, #tpu.memory_space<vmem_shared>> -> memref<32x1024xf32, #tpu.memory_space<vmem_shared>>
    tpu.wait_dma2 semaphore(%dma_wait3A_2414 : memref<!tpu.dma_semaphore, #tpu.memory_space<semaphore_mem>>) src(%dma_wait3A_2421 : memref<32x1024xf32, #tpu.memory_space<vmem_shared>>) dst(%dma_wait3A_2417 : memref<32x1024xf32, #tpu.memory_space<hbm>>)
    %dma_wait3A_2422 = arith.constant 19 : i32
    %dma_wait3A_2423 = arith.constant 19 : i32
    %dma_wait3A_2424 = tpu.memref_slice %arg4[%dma_wait3A_2423] : memref<32x!tpu.dma_semaphore, #tpu.memory_space<semaphore_mem>> -> memref<1x!tpu.dma_semaphore, #tpu.memory_space<semaphore_mem>>
    %dma_wait3A_2425 = tpu.memref_squeeze %dma_wait3A_2424 : memref<1x!tpu.dma_semaphore, #tpu.memory_space<semaphore_mem>> -> memref<!tpu.dma_semaphore, #tpu.memory_space<semaphore_mem>>
    %dma_wait3A_2426 = arith.constant 0 : i32
    %dma_wait3A_2427 = arith.constant 0 : i32
    %dma_wait3A_2428 = tpu.memref_slice %arg3[%dma_wait3A_2422, %dma_wait3A_2426, %dma_wait3A_2427] : memref<32x32x1024xf32, #tpu.memory_space<vmem_shared>> -> memref<1x32x1024xf32, #tpu.memory_space<vmem_shared>>
    %dma_wait3A_2429 = tpu.memref_squeeze %dma_wait3A_2428 : memref<1x32x1024xf32, #tpu.memory_space<vmem_shared>> -> memref<32x1024xf32, #tpu.memory_space<vmem_shared>>
    %dma_wait3A_2430 = arith.constant 0 : i32
    %dma_wait3A_2431 = tpu.memref_slice %arg1[%mul3A_0, %dma_wait3A_2430] : memref<8192x1024xf32, #tpu.memory_space<hbm>> -> memref<32x1024xf32, #tpu.memory_space<hbm>>
    tpu.wait_dma2 semaphore(%dma_wait3A_2425 : memref<!tpu.dma_semaphore, #tpu.memory_space<semaphore_mem>>) src(%dma_wait3A_2431 : memref<32x1024xf32, #tpu.memory_space<hbm>>) dst(%dma_wait3A_2429 : memref<32x1024xf32, #tpu.memory_space<vmem_shared>>)
    %add3A_2432 = arith.constant 1632 : i32
    %add3A_2433 = arith.addi %mul3A_0, %add3A_2432 : i32
    %dma_start3A_2434 = arith.constant 19 : i32
    %dma_start3A_2435 = arith.constant 0 : i32
    %dma_start3A_2436 = arith.constant 19 : i32
    %dma_start3A_2437 = tpu.memref_slice %arg5[%dma_start3A_2436] : memref<32x!tpu.dma_semaphore, #tpu.memory_space<semaphore_mem>> -> memref<1x!tpu.dma_semaphore, #tpu.memory_space<semaphore_mem>>
    %dma_start3A_2438 = tpu.memref_squeeze %dma_start3A_2437 : memref<1x!tpu.dma_semaphore, #tpu.memory_space<semaphore_mem>> -> memref<!tpu.dma_semaphore, #tpu.memory_space<semaphore_mem>>
    %dma_start3A_2439 = arith.constant 0 : i32
    %dma_start3A_2440 = tpu.memref_slice %arg2[%dma_start3A_2435, %add3A_2433, %dma_start3A_2439] : memref<1x4096x1024xf32, #tpu.memory_space<hbm>> -> memref<1x32x1024xf32, #tpu.memory_space<hbm>>
    %dma_start3A_2441 = tpu.memref_squeeze %dma_start3A_2440 : memref<1x32x1024xf32, #tpu.memory_space<hbm>> -> memref<32x1024xf32, #tpu.memory_space<hbm>>
    %dma_start3A_2442 = arith.constant 0 : i32
    %dma_start3A_2443 = arith.constant 0 : i32
    %dma_start3A_2444 = tpu.memref_slice %arg3[%dma_start3A_2434, %dma_start3A_2442, %dma_start3A_2443] : memref<32x32x1024xf32, #tpu.memory_space<vmem_shared>> -> memref<1x32x1024xf32, #tpu.memory_space<vmem_shared>>
    %dma_start3A_2445 = tpu.memref_squeeze %dma_start3A_2444 : memref<1x32x1024xf32, #tpu.memory_space<vmem_shared>> -> memref<32x1024xf32, #tpu.memory_space<vmem_shared>>
    tpu.enqueue_dma source(%dma_start3A_2445 : memref<32x1024xf32, #tpu.memory_space<vmem_shared>>) target(%dma_start3A_2441 : memref<32x1024xf32, #tpu.memory_space<hbm>>) target_semaphore(%dma_start3A_2438 : memref<!tpu.dma_semaphore, #tpu.memory_space<semaphore_mem>>)
    %dma_wait3A_2446 = arith.constant 4 : i32
    %dma_wait3A_2447 = arith.constant 0 : i32
    %dma_wait3A_2448 = arith.constant 4 : i32
    %dma_wait3A_2449 = tpu.memref_slice %arg5[%dma_wait3A_2448] : memref<32x!tpu.dma_semaphore, #tpu.memory_space<semaphore_mem>> -> memref<1x!tpu.dma_semaphore, #tpu.memory_space<semaphore_mem>>
    %dma_wait3A_2450 = tpu.memref_squeeze %dma_wait3A_2449 : memref<1x!tpu.dma_semaphore, #tpu.memory_space<semaphore_mem>> -> memref<!tpu.dma_semaphore, #tpu.memory_space<semaphore_mem>>
    %dma_wait3A_2451 = arith.constant 0 : i32
    %dma_wait3A_2452 = tpu.memref_slice %arg2[%dma_wait3A_2447, %mul3A_0, %dma_wait3A_2451] : memref<1x4096x1024xf32, #tpu.memory_space<hbm>> -> memref<1x32x1024xf32, #tpu.memory_space<hbm>>
    %dma_wait3A_2453 = tpu.memref_squeeze %dma_wait3A_2452 : memref<1x32x1024xf32, #tpu.memory_space<hbm>> -> memref<32x1024xf32, #tpu.memory_space<hbm>>
    %dma_wait3A_2454 = arith.constant 0 : i32
    %dma_wait3A_2455 = arith.constant 0 : i32
    %dma_wait3A_2456 = tpu.memref_slice %arg3[%dma_wait3A_2446, %dma_wait3A_2454, %dma_wait3A_2455] : memref<32x32x1024xf32, #tpu.memory_space<vmem_shared>> -> memref<1x32x1024xf32, #tpu.memory_space<vmem_shared>>
    %dma_wait3A_2457 = tpu.memref_squeeze %dma_wait3A_2456 : memref<1x32x1024xf32, #tpu.memory_space<vmem_shared>> -> memref<32x1024xf32, #tpu.memory_space<vmem_shared>>
    tpu.wait_dma2 semaphore(%dma_wait3A_2450 : memref<!tpu.dma_semaphore, #tpu.memory_space<semaphore_mem>>) src(%dma_wait3A_2457 : memref<32x1024xf32, #tpu.memory_space<vmem_shared>>) dst(%dma_wait3A_2453 : memref<32x1024xf32, #tpu.memory_space<hbm>>)
    %dma_wait3A_2458 = arith.constant 20 : i32
    %dma_wait3A_2459 = arith.constant 20 : i32
    %dma_wait3A_2460 = tpu.memref_slice %arg4[%dma_wait3A_2459] : memref<32x!tpu.dma_semaphore, #tpu.memory_space<semaphore_mem>> -> memref<1x!tpu.dma_semaphore, #tpu.memory_space<semaphore_mem>>
    %dma_wait3A_2461 = tpu.memref_squeeze %dma_wait3A_2460 : memref<1x!tpu.dma_semaphore, #tpu.memory_space<semaphore_mem>> -> memref<!tpu.dma_semaphore, #tpu.memory_space<semaphore_mem>>
    %dma_wait3A_2462 = arith.constant 0 : i32
    %dma_wait3A_2463 = arith.constant 0 : i32
    %dma_wait3A_2464 = tpu.memref_slice %arg3[%dma_wait3A_2458, %dma_wait3A_2462, %dma_wait3A_2463] : memref<32x32x1024xf32, #tpu.memory_space<vmem_shared>> -> memref<1x32x1024xf32, #tpu.memory_space<vmem_shared>>
    %dma_wait3A_2465 = tpu.memref_squeeze %dma_wait3A_2464 : memref<1x32x1024xf32, #tpu.memory_space<vmem_shared>> -> memref<32x1024xf32, #tpu.memory_space<vmem_shared>>
    %dma_wait3A_2466 = arith.constant 0 : i32
    %dma_wait3A_2467 = tpu.memref_slice %arg1[%mul3A_0, %dma_wait3A_2466] : memref<8192x1024xf32, #tpu.memory_space<hbm>> -> memref<32x1024xf32, #tpu.memory_space<hbm>>
    tpu.wait_dma2 semaphore(%dma_wait3A_2461 : memref<!tpu.dma_semaphore, #tpu.memory_space<semaphore_mem>>) src(%dma_wait3A_2467 : memref<32x1024xf32, #tpu.memory_space<hbm>>) dst(%dma_wait3A_2465 : memref<32x1024xf32, #tpu.memory_space<vmem_shared>>)
    %add3A_2468 = arith.constant 1664 : i32
    %add3A_2469 = arith.addi %mul3A_0, %add3A_2468 : i32
    %dma_start3A_2470 = arith.constant 20 : i32
    %dma_start3A_2471 = arith.constant 0 : i32
    %dma_start3A_2472 = arith.constant 20 : i32
    %dma_start3A_2473 = tpu.memref_slice %arg5[%dma_start3A_2472] : memref<32x!tpu.dma_semaphore, #tpu.memory_space<semaphore_mem>> -> memref<1x!tpu.dma_semaphore, #tpu.memory_space<semaphore_mem>>
    %dma_start3A_2474 = tpu.memref_squeeze %dma_start3A_2473 : memref<1x!tpu.dma_semaphore, #tpu.memory_space<semaphore_mem>> -> memref<!tpu.dma_semaphore, #tpu.memory_space<semaphore_mem>>
    %dma_start3A_2475 = arith.constant 0 : i32
    %dma_start3A_2476 = tpu.memref_slice %arg2[%dma_start3A_2471, %add3A_2469, %dma_start3A_2475] : memref<1x4096x1024xf32, #tpu.memory_space<hbm>> -> memref<1x32x1024xf32, #tpu.memory_space<hbm>>
    %dma_start3A_2477 = tpu.memref_squeeze %dma_start3A_2476 : memref<1x32x1024xf32, #tpu.memory_space<hbm>> -> memref<32x1024xf32, #tpu.memory_space<hbm>>
    %dma_start3A_2478 = arith.constant 0 : i32
    %dma_start3A_2479 = arith.constant 0 : i32
    %dma_start3A_2480 = tpu.memref_slice %arg3[%dma_start3A_2470, %dma_start3A_2478, %dma_start3A_2479] : memref<32x32x1024xf32, #tpu.memory_space<vmem_shared>> -> memref<1x32x1024xf32, #tpu.memory_space<vmem_shared>>
    %dma_start3A_2481 = tpu.memref_squeeze %dma_start3A_2480 : memref<1x32x1024xf32, #tpu.memory_space<vmem_shared>> -> memref<32x1024xf32, #tpu.memory_space<vmem_shared>>
    tpu.enqueue_dma source(%dma_start3A_2481 : memref<32x1024xf32, #tpu.memory_space<vmem_shared>>) target(%dma_start3A_2477 : memref<32x1024xf32, #tpu.memory_space<hbm>>) target_semaphore(%dma_start3A_2474 : memref<!tpu.dma_semaphore, #tpu.memory_space<semaphore_mem>>)
    %dma_wait3A_2482 = arith.constant 5 : i32
    %dma_wait3A_2483 = arith.constant 0 : i32
    %dma_wait3A_2484 = arith.constant 5 : i32
    %dma_wait3A_2485 = tpu.memref_slice %arg5[%dma_wait3A_2484] : memref<32x!tpu.dma_semaphore, #tpu.memory_space<semaphore_mem>> -> memref<1x!tpu.dma_semaphore, #tpu.memory_space<semaphore_mem>>
    %dma_wait3A_2486 = tpu.memref_squeeze %dma_wait3A_2485 : memref<1x!tpu.dma_semaphore, #tpu.memory_space<semaphore_mem>> -> memref<!tpu.dma_semaphore, #tpu.memory_space<semaphore_mem>>
    %dma_wait3A_2487 = arith.constant 0 : i32
    %dma_wait3A_2488 = tpu.memref_slice %arg2[%dma_wait3A_2483, %mul3A_0, %dma_wait3A_2487] : memref<1x4096x1024xf32, #tpu.memory_space<hbm>> -> memref<1x32x1024xf32, #tpu.memory_space<hbm>>
    %dma_wait3A_2489 = tpu.memref_squeeze %dma_wait3A_2488 : memref<1x32x1024xf32, #tpu.memory_space<hbm>> -> memref<32x1024xf32, #tpu.memory_space<hbm>>
    %dma_wait3A_2490 = arith.constant 0 : i32
    %dma_wait3A_2491 = arith.constant 0 : i32
    %dma_wait3A_2492 = tpu.memref_slice %arg3[%dma_wait3A_2482, %dma_wait3A_2490, %dma_wait3A_2491] : memref<32x32x1024xf32, #tpu.memory_space<vmem_shared>> -> memref<1x32x1024xf32, #tpu.memory_space<vmem_shared>>
    %dma_wait3A_2493 = tpu.memref_squeeze %dma_wait3A_2492 : memref<1x32x1024xf32, #tpu.memory_space<vmem_shared>> -> memref<32x1024xf32, #tpu.memory_space<vmem_shared>>
    tpu.wait_dma2 semaphore(%dma_wait3A_2486 : memref<!tpu.dma_semaphore, #tpu.memory_space<semaphore_mem>>) src(%dma_wait3A_2493 : memref<32x1024xf32, #tpu.memory_space<vmem_shared>>) dst(%dma_wait3A_2489 : memref<32x1024xf32, #tpu.memory_space<hbm>>)
    %dma_wait3A_2494 = arith.constant 21 : i32
    %dma_wait3A_2495 = arith.constant 21 : i32
    %dma_wait3A_2496 = tpu.memref_slice %arg4[%dma_wait3A_2495] : memref<32x!tpu.dma_semaphore, #tpu.memory_space<semaphore_mem>> -> memref<1x!tpu.dma_semaphore, #tpu.memory_space<semaphore_mem>>
    %dma_wait3A_2497 = tpu.memref_squeeze %dma_wait3A_2496 : memref<1x!tpu.dma_semaphore, #tpu.memory_space<semaphore_mem>> -> memref<!tpu.dma_semaphore, #tpu.memory_space<semaphore_mem>>
    %dma_wait3A_2498 = arith.constant 0 : i32
    %dma_wait3A_2499 = arith.constant 0 : i32
    %dma_wait3A_2500 = tpu.memref_slice %arg3[%dma_wait3A_2494, %dma_wait3A_2498, %dma_wait3A_2499] : memref<32x32x1024xf32, #tpu.memory_space<vmem_shared>> -> memref<1x32x1024xf32, #tpu.memory_space<vmem_shared>>
    %dma_wait3A_2501 = tpu.memref_squeeze %dma_wait3A_2500 : memref<1x32x1024xf32, #tpu.memory_space<vmem_shared>> -> memref<32x1024xf32, #tpu.memory_space<vmem_shared>>
    %dma_wait3A_2502 = arith.constant 0 : i32
    %dma_wait3A_2503 = tpu.memref_slice %arg1[%mul3A_0, %dma_wait3A_2502] : memref<8192x1024xf32, #tpu.memory_space<hbm>> -> memref<32x1024xf32, #tpu.memory_space<hbm>>
    tpu.wait_dma2 semaphore(%dma_wait3A_2497 : memref<!tpu.dma_semaphore, #tpu.memory_space<semaphore_mem>>) src(%dma_wait3A_2503 : memref<32x1024xf32, #tpu.memory_space<hbm>>) dst(%dma_wait3A_2501 : memref<32x1024xf32, #tpu.memory_space<vmem_shared>>)
    %add3A_2504 = arith.constant 1696 : i32
    %add3A_2505 = arith.addi %mul3A_0, %add3A_2504 : i32
    %dma_start3A_2506 = arith.constant 21 : i32
    %dma_start3A_2507 = arith.constant 0 : i32
    %dma_start3A_2508 = arith.constant 21 : i32
    %dma_start3A_2509 = tpu.memref_slice %arg5[%dma_start3A_2508] : memref<32x!tpu.dma_semaphore, #tpu.memory_space<semaphore_mem>> -> memref<1x!tpu.dma_semaphore, #tpu.memory_space<semaphore_mem>>
    %dma_start3A_2510 = tpu.memref_squeeze %dma_start3A_2509 : memref<1x!tpu.dma_semaphore, #tpu.memory_space<semaphore_mem>> -> memref<!tpu.dma_semaphore, #tpu.memory_space<semaphore_mem>>
    %dma_start3A_2511 = arith.constant 0 : i32
    %dma_start3A_2512 = tpu.memref_slice %arg2[%dma_start3A_2507, %add3A_2505, %dma_start3A_2511] : memref<1x4096x1024xf32, #tpu.memory_space<hbm>> -> memref<1x32x1024xf32, #tpu.memory_space<hbm>>
    %dma_start3A_2513 = tpu.memref_squeeze %dma_start3A_2512 : memref<1x32x1024xf32, #tpu.memory_space<hbm>> -> memref<32x1024xf32, #tpu.memory_space<hbm>>
    %dma_start3A_2514 = arith.constant 0 : i32
    %dma_start3A_2515 = arith.constant 0 : i32
    %dma_start3A_2516 = tpu.memref_slice %arg3[%dma_start3A_2506, %dma_start3A_2514, %dma_start3A_2515] : memref<32x32x1024xf32, #tpu.memory_space<vmem_shared>> -> memref<1x32x1024xf32, #tpu.memory_space<vmem_shared>>
    %dma_start3A_2517 = tpu.memref_squeeze %dma_start3A_2516 : memref<1x32x1024xf32, #tpu.memory_space<vmem_shared>> -> memref<32x1024xf32, #tpu.memory_space<vmem_shared>>
    tpu.enqueue_dma source(%dma_start3A_2517 : memref<32x1024xf32, #tpu.memory_space<vmem_shared>>) target(%dma_start3A_2513 : memref<32x1024xf32, #tpu.memory_space<hbm>>) target_semaphore(%dma_start3A_2510 : memref<!tpu.dma_semaphore, #tpu.memory_space<semaphore_mem>>)
    %dma_wait3A_2518 = arith.constant 6 : i32
    %dma_wait3A_2519 = arith.constant 0 : i32
    %dma_wait3A_2520 = arith.constant 6 : i32
    %dma_wait3A_2521 = tpu.memref_slice %arg5[%dma_wait3A_2520] : memref<32x!tpu.dma_semaphore, #tpu.memory_space<semaphore_mem>> -> memref<1x!tpu.dma_semaphore, #tpu.memory_space<semaphore_mem>>
    %dma_wait3A_2522 = tpu.memref_squeeze %dma_wait3A_2521 : memref<1x!tpu.dma_semaphore, #tpu.memory_space<semaphore_mem>> -> memref<!tpu.dma_semaphore, #tpu.memory_space<semaphore_mem>>
    %dma_wait3A_2523 = arith.constant 0 : i32
    %dma_wait3A_2524 = tpu.memref_slice %arg2[%dma_wait3A_2519, %mul3A_0, %dma_wait3A_2523] : memref<1x4096x1024xf32, #tpu.memory_space<hbm>> -> memref<1x32x1024xf32, #tpu.memory_space<hbm>>
    %dma_wait3A_2525 = tpu.memref_squeeze %dma_wait3A_2524 : memref<1x32x1024xf32, #tpu.memory_space<hbm>> -> memref<32x1024xf32, #tpu.memory_space<hbm>>
    %dma_wait3A_2526 = arith.constant 0 : i32
    %dma_wait3A_2527 = arith.constant 0 : i32
    %dma_wait3A_2528 = tpu.memref_slice %arg3[%dma_wait3A_2518, %dma_wait3A_2526, %dma_wait3A_2527] : memref<32x32x1024xf32, #tpu.memory_space<vmem_shared>> -> memref<1x32x1024xf32, #tpu.memory_space<vmem_shared>>
    %dma_wait3A_2529 = tpu.memref_squeeze %dma_wait3A_2528 : memref<1x32x1024xf32, #tpu.memory_space<vmem_shared>> -> memref<32x1024xf32, #tpu.memory_space<vmem_shared>>
    tpu.wait_dma2 semaphore(%dma_wait3A_2522 : memref<!tpu.dma_semaphore, #tpu.memory_space<semaphore_mem>>) src(%dma_wait3A_2529 : memref<32x1024xf32, #tpu.memory_space<vmem_shared>>) dst(%dma_wait3A_2525 : memref<32x1024xf32, #tpu.memory_space<hbm>>)
    %dma_wait3A_2530 = arith.constant 22 : i32
    %dma_wait3A_2531 = arith.constant 22 : i32
    %dma_wait3A_2532 = tpu.memref_slice %arg4[%dma_wait3A_2531] : memref<32x!tpu.dma_semaphore, #tpu.memory_space<semaphore_mem>> -> memref<1x!tpu.dma_semaphore, #tpu.memory_space<semaphore_mem>>
    %dma_wait3A_2533 = tpu.memref_squeeze %dma_wait3A_2532 : memref<1x!tpu.dma_semaphore, #tpu.memory_space<semaphore_mem>> -> memref<!tpu.dma_semaphore, #tpu.memory_space<semaphore_mem>>
    %dma_wait3A_2534 = arith.constant 0 : i32
    %dma_wait3A_2535 = arith.constant 0 : i32
    %dma_wait3A_2536 = tpu.memref_slice %arg3[%dma_wait3A_2530, %dma_wait3A_2534, %dma_wait3A_2535] : memref<32x32x1024xf32, #tpu.memory_space<vmem_shared>> -> memref<1x32x1024xf32, #tpu.memory_space<vmem_shared>>
    %dma_wait3A_2537 = tpu.memref_squeeze %dma_wait3A_2536 : memref<1x32x1024xf32, #tpu.memory_space<vmem_shared>> -> memref<32x1024xf32, #tpu.memory_space<vmem_shared>>
    %dma_wait3A_2538 = arith.constant 0 : i32
    %dma_wait3A_2539 = tpu.memref_slice %arg1[%mul3A_0, %dma_wait3A_2538] : memref<8192x1024xf32, #tpu.memory_space<hbm>> -> memref<32x1024xf32, #tpu.memory_space<hbm>>
    tpu.wait_dma2 semaphore(%dma_wait3A_2533 : memref<!tpu.dma_semaphore, #tpu.memory_space<semaphore_mem>>) src(%dma_wait3A_2539 : memref<32x1024xf32, #tpu.memory_space<hbm>>) dst(%dma_wait3A_2537 : memref<32x1024xf32, #tpu.memory_space<vmem_shared>>)
    %add3A_2540 = arith.constant 1728 : i32
    %add3A_2541 = arith.addi %mul3A_0, %add3A_2540 : i32
    %dma_start3A_2542 = arith.constant 22 : i32
    %dma_start3A_2543 = arith.constant 0 : i32
    %dma_start3A_2544 = arith.constant 22 : i32
    %dma_start3A_2545 = tpu.memref_slice %arg5[%dma_start3A_2544] : memref<32x!tpu.dma_semaphore, #tpu.memory_space<semaphore_mem>> -> memref<1x!tpu.dma_semaphore, #tpu.memory_space<semaphore_mem>>
    %dma_start3A_2546 = tpu.memref_squeeze %dma_start3A_2545 : memref<1x!tpu.dma_semaphore, #tpu.memory_space<semaphore_mem>> -> memref<!tpu.dma_semaphore, #tpu.memory_space<semaphore_mem>>
    %dma_start3A_2547 = arith.constant 0 : i32
    %dma_start3A_2548 = tpu.memref_slice %arg2[%dma_start3A_2543, %add3A_2541, %dma_start3A_2547] : memref<1x4096x1024xf32, #tpu.memory_space<hbm>> -> memref<1x32x1024xf32, #tpu.memory_space<hbm>>
    %dma_start3A_2549 = tpu.memref_squeeze %dma_start3A_2548 : memref<1x32x1024xf32, #tpu.memory_space<hbm>> -> memref<32x1024xf32, #tpu.memory_space<hbm>>
    %dma_start3A_2550 = arith.constant 0 : i32
    %dma_start3A_2551 = arith.constant 0 : i32
    %dma_start3A_2552 = tpu.memref_slice %arg3[%dma_start3A_2542, %dma_start3A_2550, %dma_start3A_2551] : memref<32x32x1024xf32, #tpu.memory_space<vmem_shared>> -> memref<1x32x1024xf32, #tpu.memory_space<vmem_shared>>
    %dma_start3A_2553 = tpu.memref_squeeze %dma_start3A_2552 : memref<1x32x1024xf32, #tpu.memory_space<vmem_shared>> -> memref<32x1024xf32, #tpu.memory_space<vmem_shared>>
    tpu.enqueue_dma source(%dma_start3A_2553 : memref<32x1024xf32, #tpu.memory_space<vmem_shared>>) target(%dma_start3A_2549 : memref<32x1024xf32, #tpu.memory_space<hbm>>) target_semaphore(%dma_start3A_2546 : memref<!tpu.dma_semaphore, #tpu.memory_space<semaphore_mem>>)
    %dma_wait3A_2554 = arith.constant 7 : i32
    %dma_wait3A_2555 = arith.constant 0 : i32
    %dma_wait3A_2556 = arith.constant 7 : i32
    %dma_wait3A_2557 = tpu.memref_slice %arg5[%dma_wait3A_2556] : memref<32x!tpu.dma_semaphore, #tpu.memory_space<semaphore_mem>> -> memref<1x!tpu.dma_semaphore, #tpu.memory_space<semaphore_mem>>
    %dma_wait3A_2558 = tpu.memref_squeeze %dma_wait3A_2557 : memref<1x!tpu.dma_semaphore, #tpu.memory_space<semaphore_mem>> -> memref<!tpu.dma_semaphore, #tpu.memory_space<semaphore_mem>>
    %dma_wait3A_2559 = arith.constant 0 : i32
    %dma_wait3A_2560 = tpu.memref_slice %arg2[%dma_wait3A_2555, %mul3A_0, %dma_wait3A_2559] : memref<1x4096x1024xf32, #tpu.memory_space<hbm>> -> memref<1x32x1024xf32, #tpu.memory_space<hbm>>
    %dma_wait3A_2561 = tpu.memref_squeeze %dma_wait3A_2560 : memref<1x32x1024xf32, #tpu.memory_space<hbm>> -> memref<32x1024xf32, #tpu.memory_space<hbm>>
    %dma_wait3A_2562 = arith.constant 0 : i32
    %dma_wait3A_2563 = arith.constant 0 : i32
    %dma_wait3A_2564 = tpu.memref_slice %arg3[%dma_wait3A_2554, %dma_wait3A_2562, %dma_wait3A_2563] : memref<32x32x1024xf32, #tpu.memory_space<vmem_shared>> -> memref<1x32x1024xf32, #tpu.memory_space<vmem_shared>>
    %dma_wait3A_2565 = tpu.memref_squeeze %dma_wait3A_2564 : memref<1x32x1024xf32, #tpu.memory_space<vmem_shared>> -> memref<32x1024xf32, #tpu.memory_space<vmem_shared>>
    tpu.wait_dma2 semaphore(%dma_wait3A_2558 : memref<!tpu.dma_semaphore, #tpu.memory_space<semaphore_mem>>) src(%dma_wait3A_2565 : memref<32x1024xf32, #tpu.memory_space<vmem_shared>>) dst(%dma_wait3A_2561 : memref<32x1024xf32, #tpu.memory_space<hbm>>)
    %dma_wait3A_2566 = arith.constant 23 : i32
    %dma_wait3A_2567 = arith.constant 23 : i32
    %dma_wait3A_2568 = tpu.memref_slice %arg4[%dma_wait3A_2567] : memref<32x!tpu.dma_semaphore, #tpu.memory_space<semaphore_mem>> -> memref<1x!tpu.dma_semaphore, #tpu.memory_space<semaphore_mem>>
    %dma_wait3A_2569 = tpu.memref_squeeze %dma_wait3A_2568 : memref<1x!tpu.dma_semaphore, #tpu.memory_space<semaphore_mem>> -> memref<!tpu.dma_semaphore, #tpu.memory_space<semaphore_mem>>
    %dma_wait3A_2570 = arith.constant 0 : i32
    %dma_wait3A_2571 = arith.constant 0 : i32
    %dma_wait3A_2572 = tpu.memref_slice %arg3[%dma_wait3A_2566, %dma_wait3A_2570, %dma_wait3A_2571] : memref<32x32x1024xf32, #tpu.memory_space<vmem_shared>> -> memref<1x32x1024xf32, #tpu.memory_space<vmem_shared>>
    %dma_wait3A_2573 = tpu.memref_squeeze %dma_wait3A_2572 : memref<1x32x1024xf32, #tpu.memory_space<vmem_shared>> -> memref<32x1024xf32, #tpu.memory_space<vmem_shared>>
    %dma_wait3A_2574 = arith.constant 0 : i32
    %dma_wait3A_2575 = tpu.memref_slice %arg1[%mul3A_0, %dma_wait3A_2574] : memref<8192x1024xf32, #tpu.memory_space<hbm>> -> memref<32x1024xf32, #tpu.memory_space<hbm>>
    tpu.wait_dma2 semaphore(%dma_wait3A_2569 : memref<!tpu.dma_semaphore, #tpu.memory_space<semaphore_mem>>) src(%dma_wait3A_2575 : memref<32x1024xf32, #tpu.memory_space<hbm>>) dst(%dma_wait3A_2573 : memref<32x1024xf32, #tpu.memory_space<vmem_shared>>)
    %add3A_2576 = arith.constant 1760 : i32
    %add3A_2577 = arith.addi %mul3A_0, %add3A_2576 : i32
    %dma_start3A_2578 = arith.constant 23 : i32
    %dma_start3A_2579 = arith.constant 0 : i32
    %dma_start3A_2580 = arith.constant 23 : i32
    %dma_start3A_2581 = tpu.memref_slice %arg5[%dma_start3A_2580] : memref<32x!tpu.dma_semaphore, #tpu.memory_space<semaphore_mem>> -> memref<1x!tpu.dma_semaphore, #tpu.memory_space<semaphore_mem>>
    %dma_start3A_2582 = tpu.memref_squeeze %dma_start3A_2581 : memref<1x!tpu.dma_semaphore, #tpu.memory_space<semaphore_mem>> -> memref<!tpu.dma_semaphore, #tpu.memory_space<semaphore_mem>>
    %dma_start3A_2583 = arith.constant 0 : i32
    %dma_start3A_2584 = tpu.memref_slice %arg2[%dma_start3A_2579, %add3A_2577, %dma_start3A_2583] : memref<1x4096x1024xf32, #tpu.memory_space<hbm>> -> memref<1x32x1024xf32, #tpu.memory_space<hbm>>
    %dma_start3A_2585 = tpu.memref_squeeze %dma_start3A_2584 : memref<1x32x1024xf32, #tpu.memory_space<hbm>> -> memref<32x1024xf32, #tpu.memory_space<hbm>>
    %dma_start3A_2586 = arith.constant 0 : i32
    %dma_start3A_2587 = arith.constant 0 : i32
    %dma_start3A_2588 = tpu.memref_slice %arg3[%dma_start3A_2578, %dma_start3A_2586, %dma_start3A_2587] : memref<32x32x1024xf32, #tpu.memory_space<vmem_shared>> -> memref<1x32x1024xf32, #tpu.memory_space<vmem_shared>>
    %dma_start3A_2589 = tpu.memref_squeeze %dma_start3A_2588 : memref<1x32x1024xf32, #tpu.memory_space<vmem_shared>> -> memref<32x1024xf32, #tpu.memory_space<vmem_shared>>
    tpu.enqueue_dma source(%dma_start3A_2589 : memref<32x1024xf32, #tpu.memory_space<vmem_shared>>) target(%dma_start3A_2585 : memref<32x1024xf32, #tpu.memory_space<hbm>>) target_semaphore(%dma_start3A_2582 : memref<!tpu.dma_semaphore, #tpu.memory_space<semaphore_mem>>)
    %dma_wait3A_2590 = arith.constant 8 : i32
    %dma_wait3A_2591 = arith.constant 0 : i32
    %dma_wait3A_2592 = arith.constant 8 : i32
    %dma_wait3A_2593 = tpu.memref_slice %arg5[%dma_wait3A_2592] : memref<32x!tpu.dma_semaphore, #tpu.memory_space<semaphore_mem>> -> memref<1x!tpu.dma_semaphore, #tpu.memory_space<semaphore_mem>>
    %dma_wait3A_2594 = tpu.memref_squeeze %dma_wait3A_2593 : memref<1x!tpu.dma_semaphore, #tpu.memory_space<semaphore_mem>> -> memref<!tpu.dma_semaphore, #tpu.memory_space<semaphore_mem>>
    %dma_wait3A_2595 = arith.constant 0 : i32
    %dma_wait3A_2596 = tpu.memref_slice %arg2[%dma_wait3A_2591, %mul3A_0, %dma_wait3A_2595] : memref<1x4096x1024xf32, #tpu.memory_space<hbm>> -> memref<1x32x1024xf32, #tpu.memory_space<hbm>>
    %dma_wait3A_2597 = tpu.memref_squeeze %dma_wait3A_2596 : memref<1x32x1024xf32, #tpu.memory_space<hbm>> -> memref<32x1024xf32, #tpu.memory_space<hbm>>
    %dma_wait3A_2598 = arith.constant 0 : i32
    %dma_wait3A_2599 = arith.constant 0 : i32
    %dma_wait3A_2600 = tpu.memref_slice %arg3[%dma_wait3A_2590, %dma_wait3A_2598, %dma_wait3A_2599] : memref<32x32x1024xf32, #tpu.memory_space<vmem_shared>> -> memref<1x32x1024xf32, #tpu.memory_space<vmem_shared>>
    %dma_wait3A_2601 = tpu.memref_squeeze %dma_wait3A_2600 : memref<1x32x1024xf32, #tpu.memory_space<vmem_shared>> -> memref<32x1024xf32, #tpu.memory_space<vmem_shared>>
    tpu.wait_dma2 semaphore(%dma_wait3A_2594 : memref<!tpu.dma_semaphore, #tpu.memory_space<semaphore_mem>>) src(%dma_wait3A_2601 : memref<32x1024xf32, #tpu.memory_space<vmem_shared>>) dst(%dma_wait3A_2597 : memref<32x1024xf32, #tpu.memory_space<hbm>>)
    %dma_wait3A_2602 = arith.constant 24 : i32
    %dma_wait3A_2603 = arith.constant 24 : i32
    %dma_wait3A_2604 = tpu.memref_slice %arg4[%dma_wait3A_2603] : memref<32x!tpu.dma_semaphore, #tpu.memory_space<semaphore_mem>> -> memref<1x!tpu.dma_semaphore, #tpu.memory_space<semaphore_mem>>
    %dma_wait3A_2605 = tpu.memref_squeeze %dma_wait3A_2604 : memref<1x!tpu.dma_semaphore, #tpu.memory_space<semaphore_mem>> -> memref<!tpu.dma_semaphore, #tpu.memory_space<semaphore_mem>>
    %dma_wait3A_2606 = arith.constant 0 : i32
    %dma_wait3A_2607 = arith.constant 0 : i32
    %dma_wait3A_2608 = tpu.memref_slice %arg3[%dma_wait3A_2602, %dma_wait3A_2606, %dma_wait3A_2607] : memref<32x32x1024xf32, #tpu.memory_space<vmem_shared>> -> memref<1x32x1024xf32, #tpu.memory_space<vmem_shared>>
    %dma_wait3A_2609 = tpu.memref_squeeze %dma_wait3A_2608 : memref<1x32x1024xf32, #tpu.memory_space<vmem_shared>> -> memref<32x1024xf32, #tpu.memory_space<vmem_shared>>
    %dma_wait3A_2610 = arith.constant 0 : i32
    %dma_wait3A_2611 = tpu.memref_slice %arg1[%mul3A_0, %dma_wait3A_2610] : memref<8192x1024xf32, #tpu.memory_space<hbm>> -> memref<32x1024xf32, #tpu.memory_space<hbm>>
    tpu.wait_dma2 semaphore(%dma_wait3A_2605 : memref<!tpu.dma_semaphore, #tpu.memory_space<semaphore_mem>>) src(%dma_wait3A_2611 : memref<32x1024xf32, #tpu.memory_space<hbm>>) dst(%dma_wait3A_2609 : memref<32x1024xf32, #tpu.memory_space<vmem_shared>>)
    %add3A_2612 = arith.constant 1792 : i32
    %add3A_2613 = arith.addi %mul3A_0, %add3A_2612 : i32
    %dma_start3A_2614 = arith.constant 24 : i32
    %dma_start3A_2615 = arith.constant 0 : i32
    %dma_start3A_2616 = arith.constant 24 : i32
    %dma_start3A_2617 = tpu.memref_slice %arg5[%dma_start3A_2616] : memref<32x!tpu.dma_semaphore, #tpu.memory_space<semaphore_mem>> -> memref<1x!tpu.dma_semaphore, #tpu.memory_space<semaphore_mem>>
    %dma_start3A_2618 = tpu.memref_squeeze %dma_start3A_2617 : memref<1x!tpu.dma_semaphore, #tpu.memory_space<semaphore_mem>> -> memref<!tpu.dma_semaphore, #tpu.memory_space<semaphore_mem>>
    %dma_start3A_2619 = arith.constant 0 : i32
    %dma_start3A_2620 = tpu.memref_slice %arg2[%dma_start3A_2615, %add3A_2613, %dma_start3A_2619] : memref<1x4096x1024xf32, #tpu.memory_space<hbm>> -> memref<1x32x1024xf32, #tpu.memory_space<hbm>>
    %dma_start3A_2621 = tpu.memref_squeeze %dma_start3A_2620 : memref<1x32x1024xf32, #tpu.memory_space<hbm>> -> memref<32x1024xf32, #tpu.memory_space<hbm>>
    %dma_start3A_2622 = arith.constant 0 : i32
    %dma_start3A_2623 = arith.constant 0 : i32
    %dma_start3A_2624 = tpu.memref_slice %arg3[%dma_start3A_2614, %dma_start3A_2622, %dma_start3A_2623] : memref<32x32x1024xf32, #tpu.memory_space<vmem_shared>> -> memref<1x32x1024xf32, #tpu.memory_space<vmem_shared>>
    %dma_start3A_2625 = tpu.memref_squeeze %dma_start3A_2624 : memref<1x32x1024xf32, #tpu.memory_space<vmem_shared>> -> memref<32x1024xf32, #tpu.memory_space<vmem_shared>>
    tpu.enqueue_dma source(%dma_start3A_2625 : memref<32x1024xf32, #tpu.memory_space<vmem_shared>>) target(%dma_start3A_2621 : memref<32x1024xf32, #tpu.memory_space<hbm>>) target_semaphore(%dma_start3A_2618 : memref<!tpu.dma_semaphore, #tpu.memory_space<semaphore_mem>>)
    %dma_wait3A_2626 = arith.constant 9 : i32
    %dma_wait3A_2627 = arith.constant 0 : i32
    %dma_wait3A_2628 = arith.constant 9 : i32
    %dma_wait3A_2629 = tpu.memref_slice %arg5[%dma_wait3A_2628] : memref<32x!tpu.dma_semaphore, #tpu.memory_space<semaphore_mem>> -> memref<1x!tpu.dma_semaphore, #tpu.memory_space<semaphore_mem>>
    %dma_wait3A_2630 = tpu.memref_squeeze %dma_wait3A_2629 : memref<1x!tpu.dma_semaphore, #tpu.memory_space<semaphore_mem>> -> memref<!tpu.dma_semaphore, #tpu.memory_space<semaphore_mem>>
    %dma_wait3A_2631 = arith.constant 0 : i32
    %dma_wait3A_2632 = tpu.memref_slice %arg2[%dma_wait3A_2627, %mul3A_0, %dma_wait3A_2631] : memref<1x4096x1024xf32, #tpu.memory_space<hbm>> -> memref<1x32x1024xf32, #tpu.memory_space<hbm>>
    %dma_wait3A_2633 = tpu.memref_squeeze %dma_wait3A_2632 : memref<1x32x1024xf32, #tpu.memory_space<hbm>> -> memref<32x1024xf32, #tpu.memory_space<hbm>>
    %dma_wait3A_2634 = arith.constant 0 : i32
    %dma_wait3A_2635 = arith.constant 0 : i32
    %dma_wait3A_2636 = tpu.memref_slice %arg3[%dma_wait3A_2626, %dma_wait3A_2634, %dma_wait3A_2635] : memref<32x32x1024xf32, #tpu.memory_space<vmem_shared>> -> memref<1x32x1024xf32, #tpu.memory_space<vmem_shared>>
    %dma_wait3A_2637 = tpu.memref_squeeze %dma_wait3A_2636 : memref<1x32x1024xf32, #tpu.memory_space<vmem_shared>> -> memref<32x1024xf32, #tpu.memory_space<vmem_shared>>
    tpu.wait_dma2 semaphore(%dma_wait3A_2630 : memref<!tpu.dma_semaphore, #tpu.memory_space<semaphore_mem>>) src(%dma_wait3A_2637 : memref<32x1024xf32, #tpu.memory_space<vmem_shared>>) dst(%dma_wait3A_2633 : memref<32x1024xf32, #tpu.memory_space<hbm>>)
    %dma_wait3A_2638 = arith.constant 25 : i32
    %dma_wait3A_2639 = arith.constant 25 : i32
    %dma_wait3A_2640 = tpu.memref_slice %arg4[%dma_wait3A_2639] : memref<32x!tpu.dma_semaphore, #tpu.memory_space<semaphore_mem>> -> memref<1x!tpu.dma_semaphore, #tpu.memory_space<semaphore_mem>>
    %dma_wait3A_2641 = tpu.memref_squeeze %dma_wait3A_2640 : memref<1x!tpu.dma_semaphore, #tpu.memory_space<semaphore_mem>> -> memref<!tpu.dma_semaphore, #tpu.memory_space<semaphore_mem>>
    %dma_wait3A_2642 = arith.constant 0 : i32
    %dma_wait3A_2643 = arith.constant 0 : i32
    %dma_wait3A_2644 = tpu.memref_slice %arg3[%dma_wait3A_2638, %dma_wait3A_2642, %dma_wait3A_2643] : memref<32x32x1024xf32, #tpu.memory_space<vmem_shared>> -> memref<1x32x1024xf32, #tpu.memory_space<vmem_shared>>
    %dma_wait3A_2645 = tpu.memref_squeeze %dma_wait3A_2644 : memref<1x32x1024xf32, #tpu.memory_space<vmem_shared>> -> memref<32x1024xf32, #tpu.memory_space<vmem_shared>>
    %dma_wait3A_2646 = arith.constant 0 : i32
    %dma_wait3A_2647 = tpu.memref_slice %arg1[%mul3A_0, %dma_wait3A_2646] : memref<8192x1024xf32, #tpu.memory_space<hbm>> -> memref<32x1024xf32, #tpu.memory_space<hbm>>
    tpu.wait_dma2 semaphore(%dma_wait3A_2641 : memref<!tpu.dma_semaphore, #tpu.memory_space<semaphore_mem>>) src(%dma_wait3A_2647 : memref<32x1024xf32, #tpu.memory_space<hbm>>) dst(%dma_wait3A_2645 : memref<32x1024xf32, #tpu.memory_space<vmem_shared>>)
    %add3A_2648 = arith.constant 1824 : i32
    %add3A_2649 = arith.addi %mul3A_0, %add3A_2648 : i32
    %dma_start3A_2650 = arith.constant 25 : i32
    %dma_start3A_2651 = arith.constant 0 : i32
    %dma_start3A_2652 = arith.constant 25 : i32
    %dma_start3A_2653 = tpu.memref_slice %arg5[%dma_start3A_2652] : memref<32x!tpu.dma_semaphore, #tpu.memory_space<semaphore_mem>> -> memref<1x!tpu.dma_semaphore, #tpu.memory_space<semaphore_mem>>
    %dma_start3A_2654 = tpu.memref_squeeze %dma_start3A_2653 : memref<1x!tpu.dma_semaphore, #tpu.memory_space<semaphore_mem>> -> memref<!tpu.dma_semaphore, #tpu.memory_space<semaphore_mem>>
    %dma_start3A_2655 = arith.constant 0 : i32
    %dma_start3A_2656 = tpu.memref_slice %arg2[%dma_start3A_2651, %add3A_2649, %dma_start3A_2655] : memref<1x4096x1024xf32, #tpu.memory_space<hbm>> -> memref<1x32x1024xf32, #tpu.memory_space<hbm>>
    %dma_start3A_2657 = tpu.memref_squeeze %dma_start3A_2656 : memref<1x32x1024xf32, #tpu.memory_space<hbm>> -> memref<32x1024xf32, #tpu.memory_space<hbm>>
    %dma_start3A_2658 = arith.constant 0 : i32
    %dma_start3A_2659 = arith.constant 0 : i32
    %dma_start3A_2660 = tpu.memref_slice %arg3[%dma_start3A_2650, %dma_start3A_2658, %dma_start3A_2659] : memref<32x32x1024xf32, #tpu.memory_space<vmem_shared>> -> memref<1x32x1024xf32, #tpu.memory_space<vmem_shared>>
    %dma_start3A_2661 = tpu.memref_squeeze %dma_start3A_2660 : memref<1x32x1024xf32, #tpu.memory_space<vmem_shared>> -> memref<32x1024xf32, #tpu.memory_space<vmem_shared>>
    tpu.enqueue_dma source(%dma_start3A_2661 : memref<32x1024xf32, #tpu.memory_space<vmem_shared>>) target(%dma_start3A_2657 : memref<32x1024xf32, #tpu.memory_space<hbm>>) target_semaphore(%dma_start3A_2654 : memref<!tpu.dma_semaphore, #tpu.memory_space<semaphore_mem>>)
    %dma_wait3A_2662 = arith.constant 10 : i32
    %dma_wait3A_2663 = arith.constant 0 : i32
    %dma_wait3A_2664 = arith.constant 10 : i32
    %dma_wait3A_2665 = tpu.memref_slice %arg5[%dma_wait3A_2664] : memref<32x!tpu.dma_semaphore, #tpu.memory_space<semaphore_mem>> -> memref<1x!tpu.dma_semaphore, #tpu.memory_space<semaphore_mem>>
    %dma_wait3A_2666 = tpu.memref_squeeze %dma_wait3A_2665 : memref<1x!tpu.dma_semaphore, #tpu.memory_space<semaphore_mem>> -> memref<!tpu.dma_semaphore, #tpu.memory_space<semaphore_mem>>
    %dma_wait3A_2667 = arith.constant 0 : i32
    %dma_wait3A_2668 = tpu.memref_slice %arg2[%dma_wait3A_2663, %mul3A_0, %dma_wait3A_2667] : memref<1x4096x1024xf32, #tpu.memory_space<hbm>> -> memref<1x32x1024xf32, #tpu.memory_space<hbm>>
    %dma_wait3A_2669 = tpu.memref_squeeze %dma_wait3A_2668 : memref<1x32x1024xf32, #tpu.memory_space<hbm>> -> memref<32x1024xf32, #tpu.memory_space<hbm>>
    %dma_wait3A_2670 = arith.constant 0 : i32
    %dma_wait3A_2671 = arith.constant 0 : i32
    %dma_wait3A_2672 = tpu.memref_slice %arg3[%dma_wait3A_2662, %dma_wait3A_2670, %dma_wait3A_2671] : memref<32x32x1024xf32, #tpu.memory_space<vmem_shared>> -> memref<1x32x1024xf32, #tpu.memory_space<vmem_shared>>
    %dma_wait3A_2673 = tpu.memref_squeeze %dma_wait3A_2672 : memref<1x32x1024xf32, #tpu.memory_space<vmem_shared>> -> memref<32x1024xf32, #tpu.memory_space<vmem_shared>>
    tpu.wait_dma2 semaphore(%dma_wait3A_2666 : memref<!tpu.dma_semaphore, #tpu.memory_space<semaphore_mem>>) src(%dma_wait3A_2673 : memref<32x1024xf32, #tpu.memory_space<vmem_shared>>) dst(%dma_wait3A_2669 : memref<32x1024xf32, #tpu.memory_space<hbm>>)
    %dma_wait3A_2674 = arith.constant 26 : i32
    %dma_wait3A_2675 = arith.constant 26 : i32
    %dma_wait3A_2676 = tpu.memref_slice %arg4[%dma_wait3A_2675] : memref<32x!tpu.dma_semaphore, #tpu.memory_space<semaphore_mem>> -> memref<1x!tpu.dma_semaphore, #tpu.memory_space<semaphore_mem>>
    %dma_wait3A_2677 = tpu.memref_squeeze %dma_wait3A_2676 : memref<1x!tpu.dma_semaphore, #tpu.memory_space<semaphore_mem>> -> memref<!tpu.dma_semaphore, #tpu.memory_space<semaphore_mem>>
    %dma_wait3A_2678 = arith.constant 0 : i32
    %dma_wait3A_2679 = arith.constant 0 : i32
    %dma_wait3A_2680 = tpu.memref_slice %arg3[%dma_wait3A_2674, %dma_wait3A_2678, %dma_wait3A_2679] : memref<32x32x1024xf32, #tpu.memory_space<vmem_shared>> -> memref<1x32x1024xf32, #tpu.memory_space<vmem_shared>>
    %dma_wait3A_2681 = tpu.memref_squeeze %dma_wait3A_2680 : memref<1x32x1024xf32, #tpu.memory_space<vmem_shared>> -> memref<32x1024xf32, #tpu.memory_space<vmem_shared>>
    %dma_wait3A_2682 = arith.constant 0 : i32
    %dma_wait3A_2683 = tpu.memref_slice %arg1[%mul3A_0, %dma_wait3A_2682] : memref<8192x1024xf32, #tpu.memory_space<hbm>> -> memref<32x1024xf32, #tpu.memory_space<hbm>>
    tpu.wait_dma2 semaphore(%dma_wait3A_2677 : memref<!tpu.dma_semaphore, #tpu.memory_space<semaphore_mem>>) src(%dma_wait3A_2683 : memref<32x1024xf32, #tpu.memory_space<hbm>>) dst(%dma_wait3A_2681 : memref<32x1024xf32, #tpu.memory_space<vmem_shared>>)
    %add3A_2684 = arith.constant 1856 : i32
    %add3A_2685 = arith.addi %mul3A_0, %add3A_2684 : i32
    %dma_start3A_2686 = arith.constant 26 : i32
    %dma_start3A_2687 = arith.constant 0 : i32
    %dma_start3A_2688 = arith.constant 26 : i32
    %dma_start3A_2689 = tpu.memref_slice %arg5[%dma_start3A_2688] : memref<32x!tpu.dma_semaphore, #tpu.memory_space<semaphore_mem>> -> memref<1x!tpu.dma_semaphore, #tpu.memory_space<semaphore_mem>>
    %dma_start3A_2690 = tpu.memref_squeeze %dma_start3A_2689 : memref<1x!tpu.dma_semaphore, #tpu.memory_space<semaphore_mem>> -> memref<!tpu.dma_semaphore, #tpu.memory_space<semaphore_mem>>
    %dma_start3A_2691 = arith.constant 0 : i32
    %dma_start3A_2692 = tpu.memref_slice %arg2[%dma_start3A_2687, %add3A_2685, %dma_start3A_2691] : memref<1x4096x1024xf32, #tpu.memory_space<hbm>> -> memref<1x32x1024xf32, #tpu.memory_space<hbm>>
    %dma_start3A_2693 = tpu.memref_squeeze %dma_start3A_2692 : memref<1x32x1024xf32, #tpu.memory_space<hbm>> -> memref<32x1024xf32, #tpu.memory_space<hbm>>
    %dma_start3A_2694 = arith.constant 0 : i32
    %dma_start3A_2695 = arith.constant 0 : i32
    %dma_start3A_2696 = tpu.memref_slice %arg3[%dma_start3A_2686, %dma_start3A_2694, %dma_start3A_2695] : memref<32x32x1024xf32, #tpu.memory_space<vmem_shared>> -> memref<1x32x1024xf32, #tpu.memory_space<vmem_shared>>
    %dma_start3A_2697 = tpu.memref_squeeze %dma_start3A_2696 : memref<1x32x1024xf32, #tpu.memory_space<vmem_shared>> -> memref<32x1024xf32, #tpu.memory_space<vmem_shared>>
    tpu.enqueue_dma source(%dma_start3A_2697 : memref<32x1024xf32, #tpu.memory_space<vmem_shared>>) target(%dma_start3A_2693 : memref<32x1024xf32, #tpu.memory_space<hbm>>) target_semaphore(%dma_start3A_2690 : memref<!tpu.dma_semaphore, #tpu.memory_space<semaphore_mem>>)
    %dma_wait3A_2698 = arith.constant 11 : i32
    %dma_wait3A_2699 = arith.constant 0 : i32
    %dma_wait3A_2700 = arith.constant 11 : i32
    %dma_wait3A_2701 = tpu.memref_slice %arg5[%dma_wait3A_2700] : memref<32x!tpu.dma_semaphore, #tpu.memory_space<semaphore_mem>> -> memref<1x!tpu.dma_semaphore, #tpu.memory_space<semaphore_mem>>
    %dma_wait3A_2702 = tpu.memref_squeeze %dma_wait3A_2701 : memref<1x!tpu.dma_semaphore, #tpu.memory_space<semaphore_mem>> -> memref<!tpu.dma_semaphore, #tpu.memory_space<semaphore_mem>>
    %dma_wait3A_2703 = arith.constant 0 : i32
    %dma_wait3A_2704 = tpu.memref_slice %arg2[%dma_wait3A_2699, %mul3A_0, %dma_wait3A_2703] : memref<1x4096x1024xf32, #tpu.memory_space<hbm>> -> memref<1x32x1024xf32, #tpu.memory_space<hbm>>
    %dma_wait3A_2705 = tpu.memref_squeeze %dma_wait3A_2704 : memref<1x32x1024xf32, #tpu.memory_space<hbm>> -> memref<32x1024xf32, #tpu.memory_space<hbm>>
    %dma_wait3A_2706 = arith.constant 0 : i32
    %dma_wait3A_2707 = arith.constant 0 : i32
    %dma_wait3A_2708 = tpu.memref_slice %arg3[%dma_wait3A_2698, %dma_wait3A_2706, %dma_wait3A_2707] : memref<32x32x1024xf32, #tpu.memory_space<vmem_shared>> -> memref<1x32x1024xf32, #tpu.memory_space<vmem_shared>>
    %dma_wait3A_2709 = tpu.memref_squeeze %dma_wait3A_2708 : memref<1x32x1024xf32, #tpu.memory_space<vmem_shared>> -> memref<32x1024xf32, #tpu.memory_space<vmem_shared>>
    tpu.wait_dma2 semaphore(%dma_wait3A_2702 : memref<!tpu.dma_semaphore, #tpu.memory_space<semaphore_mem>>) src(%dma_wait3A_2709 : memref<32x1024xf32, #tpu.memory_space<vmem_shared>>) dst(%dma_wait3A_2705 : memref<32x1024xf32, #tpu.memory_space<hbm>>)
    %dma_wait3A_2710 = arith.constant 27 : i32
    %dma_wait3A_2711 = arith.constant 27 : i32
    %dma_wait3A_2712 = tpu.memref_slice %arg4[%dma_wait3A_2711] : memref<32x!tpu.dma_semaphore, #tpu.memory_space<semaphore_mem>> -> memref<1x!tpu.dma_semaphore, #tpu.memory_space<semaphore_mem>>
    %dma_wait3A_2713 = tpu.memref_squeeze %dma_wait3A_2712 : memref<1x!tpu.dma_semaphore, #tpu.memory_space<semaphore_mem>> -> memref<!tpu.dma_semaphore, #tpu.memory_space<semaphore_mem>>
    %dma_wait3A_2714 = arith.constant 0 : i32
    %dma_wait3A_2715 = arith.constant 0 : i32
    %dma_wait3A_2716 = tpu.memref_slice %arg3[%dma_wait3A_2710, %dma_wait3A_2714, %dma_wait3A_2715] : memref<32x32x1024xf32, #tpu.memory_space<vmem_shared>> -> memref<1x32x1024xf32, #tpu.memory_space<vmem_shared>>
    %dma_wait3A_2717 = tpu.memref_squeeze %dma_wait3A_2716 : memref<1x32x1024xf32, #tpu.memory_space<vmem_shared>> -> memref<32x1024xf32, #tpu.memory_space<vmem_shared>>
    %dma_wait3A_2718 = arith.constant 0 : i32
    %dma_wait3A_2719 = tpu.memref_slice %arg1[%mul3A_0, %dma_wait3A_2718] : memref<8192x1024xf32, #tpu.memory_space<hbm>> -> memref<32x1024xf32, #tpu.memory_space<hbm>>
    tpu.wait_dma2 semaphore(%dma_wait3A_2713 : memref<!tpu.dma_semaphore, #tpu.memory_space<semaphore_mem>>) src(%dma_wait3A_2719 : memref<32x1024xf32, #tpu.memory_space<hbm>>) dst(%dma_wait3A_2717 : memref<32x1024xf32, #tpu.memory_space<vmem_shared>>)
    %add3A_2720 = arith.constant 1888 : i32
    %add3A_2721 = arith.addi %mul3A_0, %add3A_2720 : i32
    %dma_start3A_2722 = arith.constant 27 : i32
    %dma_start3A_2723 = arith.constant 0 : i32
    %dma_start3A_2724 = arith.constant 27 : i32
    %dma_start3A_2725 = tpu.memref_slice %arg5[%dma_start3A_2724] : memref<32x!tpu.dma_semaphore, #tpu.memory_space<semaphore_mem>> -> memref<1x!tpu.dma_semaphore, #tpu.memory_space<semaphore_mem>>
    %dma_start3A_2726 = tpu.memref_squeeze %dma_start3A_2725 : memref<1x!tpu.dma_semaphore, #tpu.memory_space<semaphore_mem>> -> memref<!tpu.dma_semaphore, #tpu.memory_space<semaphore_mem>>
    %dma_start3A_2727 = arith.constant 0 : i32
    %dma_start3A_2728 = tpu.memref_slice %arg2[%dma_start3A_2723, %add3A_2721, %dma_start3A_2727] : memref<1x4096x1024xf32, #tpu.memory_space<hbm>> -> memref<1x32x1024xf32, #tpu.memory_space<hbm>>
    %dma_start3A_2729 = tpu.memref_squeeze %dma_start3A_2728 : memref<1x32x1024xf32, #tpu.memory_space<hbm>> -> memref<32x1024xf32, #tpu.memory_space<hbm>>
    %dma_start3A_2730 = arith.constant 0 : i32
    %dma_start3A_2731 = arith.constant 0 : i32
    %dma_start3A_2732 = tpu.memref_slice %arg3[%dma_start3A_2722, %dma_start3A_2730, %dma_start3A_2731] : memref<32x32x1024xf32, #tpu.memory_space<vmem_shared>> -> memref<1x32x1024xf32, #tpu.memory_space<vmem_shared>>
    %dma_start3A_2733 = tpu.memref_squeeze %dma_start3A_2732 : memref<1x32x1024xf32, #tpu.memory_space<vmem_shared>> -> memref<32x1024xf32, #tpu.memory_space<vmem_shared>>
    tpu.enqueue_dma source(%dma_start3A_2733 : memref<32x1024xf32, #tpu.memory_space<vmem_shared>>) target(%dma_start3A_2729 : memref<32x1024xf32, #tpu.memory_space<hbm>>) target_semaphore(%dma_start3A_2726 : memref<!tpu.dma_semaphore, #tpu.memory_space<semaphore_mem>>)
    %dma_wait3A_2734 = arith.constant 12 : i32
    %dma_wait3A_2735 = arith.constant 0 : i32
    %dma_wait3A_2736 = arith.constant 12 : i32
    %dma_wait3A_2737 = tpu.memref_slice %arg5[%dma_wait3A_2736] : memref<32x!tpu.dma_semaphore, #tpu.memory_space<semaphore_mem>> -> memref<1x!tpu.dma_semaphore, #tpu.memory_space<semaphore_mem>>
    %dma_wait3A_2738 = tpu.memref_squeeze %dma_wait3A_2737 : memref<1x!tpu.dma_semaphore, #tpu.memory_space<semaphore_mem>> -> memref<!tpu.dma_semaphore, #tpu.memory_space<semaphore_mem>>
    %dma_wait3A_2739 = arith.constant 0 : i32
    %dma_wait3A_2740 = tpu.memref_slice %arg2[%dma_wait3A_2735, %mul3A_0, %dma_wait3A_2739] : memref<1x4096x1024xf32, #tpu.memory_space<hbm>> -> memref<1x32x1024xf32, #tpu.memory_space<hbm>>
    %dma_wait3A_2741 = tpu.memref_squeeze %dma_wait3A_2740 : memref<1x32x1024xf32, #tpu.memory_space<hbm>> -> memref<32x1024xf32, #tpu.memory_space<hbm>>
    %dma_wait3A_2742 = arith.constant 0 : i32
    %dma_wait3A_2743 = arith.constant 0 : i32
    %dma_wait3A_2744 = tpu.memref_slice %arg3[%dma_wait3A_2734, %dma_wait3A_2742, %dma_wait3A_2743] : memref<32x32x1024xf32, #tpu.memory_space<vmem_shared>> -> memref<1x32x1024xf32, #tpu.memory_space<vmem_shared>>
    %dma_wait3A_2745 = tpu.memref_squeeze %dma_wait3A_2744 : memref<1x32x1024xf32, #tpu.memory_space<vmem_shared>> -> memref<32x1024xf32, #tpu.memory_space<vmem_shared>>
    tpu.wait_dma2 semaphore(%dma_wait3A_2738 : memref<!tpu.dma_semaphore, #tpu.memory_space<semaphore_mem>>) src(%dma_wait3A_2745 : memref<32x1024xf32, #tpu.memory_space<vmem_shared>>) dst(%dma_wait3A_2741 : memref<32x1024xf32, #tpu.memory_space<hbm>>)
    %dma_wait3A_2746 = arith.constant 28 : i32
    %dma_wait3A_2747 = arith.constant 28 : i32
    %dma_wait3A_2748 = tpu.memref_slice %arg4[%dma_wait3A_2747] : memref<32x!tpu.dma_semaphore, #tpu.memory_space<semaphore_mem>> -> memref<1x!tpu.dma_semaphore, #tpu.memory_space<semaphore_mem>>
    %dma_wait3A_2749 = tpu.memref_squeeze %dma_wait3A_2748 : memref<1x!tpu.dma_semaphore, #tpu.memory_space<semaphore_mem>> -> memref<!tpu.dma_semaphore, #tpu.memory_space<semaphore_mem>>
    %dma_wait3A_2750 = arith.constant 0 : i32
    %dma_wait3A_2751 = arith.constant 0 : i32
    %dma_wait3A_2752 = tpu.memref_slice %arg3[%dma_wait3A_2746, %dma_wait3A_2750, %dma_wait3A_2751] : memref<32x32x1024xf32, #tpu.memory_space<vmem_shared>> -> memref<1x32x1024xf32, #tpu.memory_space<vmem_shared>>
    %dma_wait3A_2753 = tpu.memref_squeeze %dma_wait3A_2752 : memref<1x32x1024xf32, #tpu.memory_space<vmem_shared>> -> memref<32x1024xf32, #tpu.memory_space<vmem_shared>>
    %dma_wait3A_2754 = arith.constant 0 : i32
    %dma_wait3A_2755 = tpu.memref_slice %arg1[%mul3A_0, %dma_wait3A_2754] : memref<8192x1024xf32, #tpu.memory_space<hbm>> -> memref<32x1024xf32, #tpu.memory_space<hbm>>
    tpu.wait_dma2 semaphore(%dma_wait3A_2749 : memref<!tpu.dma_semaphore, #tpu.memory_space<semaphore_mem>>) src(%dma_wait3A_2755 : memref<32x1024xf32, #tpu.memory_space<hbm>>) dst(%dma_wait3A_2753 : memref<32x1024xf32, #tpu.memory_space<vmem_shared>>)
    %add3A_2756 = arith.constant 1920 : i32
    %add3A_2757 = arith.addi %mul3A_0, %add3A_2756 : i32
    %dma_start3A_2758 = arith.constant 28 : i32
    %dma_start3A_2759 = arith.constant 0 : i32
    %dma_start3A_2760 = arith.constant 28 : i32
    %dma_start3A_2761 = tpu.memref_slice %arg5[%dma_start3A_2760] : memref<32x!tpu.dma_semaphore, #tpu.memory_space<semaphore_mem>> -> memref<1x!tpu.dma_semaphore, #tpu.memory_space<semaphore_mem>>
    %dma_start3A_2762 = tpu.memref_squeeze %dma_start3A_2761 : memref<1x!tpu.dma_semaphore, #tpu.memory_space<semaphore_mem>> -> memref<!tpu.dma_semaphore, #tpu.memory_space<semaphore_mem>>
    %dma_start3A_2763 = arith.constant 0 : i32
    %dma_start3A_2764 = tpu.memref_slice %arg2[%dma_start3A_2759, %add3A_2757, %dma_start3A_2763] : memref<1x4096x1024xf32, #tpu.memory_space<hbm>> -> memref<1x32x1024xf32, #tpu.memory_space<hbm>>
    %dma_start3A_2765 = tpu.memref_squeeze %dma_start3A_2764 : memref<1x32x1024xf32, #tpu.memory_space<hbm>> -> memref<32x1024xf32, #tpu.memory_space<hbm>>
    %dma_start3A_2766 = arith.constant 0 : i32
    %dma_start3A_2767 = arith.constant 0 : i32
    %dma_start3A_2768 = tpu.memref_slice %arg3[%dma_start3A_2758, %dma_start3A_2766, %dma_start3A_2767] : memref<32x32x1024xf32, #tpu.memory_space<vmem_shared>> -> memref<1x32x1024xf32, #tpu.memory_space<vmem_shared>>
    %dma_start3A_2769 = tpu.memref_squeeze %dma_start3A_2768 : memref<1x32x1024xf32, #tpu.memory_space<vmem_shared>> -> memref<32x1024xf32, #tpu.memory_space<vmem_shared>>
    tpu.enqueue_dma source(%dma_start3A_2769 : memref<32x1024xf32, #tpu.memory_space<vmem_shared>>) target(%dma_start3A_2765 : memref<32x1024xf32, #tpu.memory_space<hbm>>) target_semaphore(%dma_start3A_2762 : memref<!tpu.dma_semaphore, #tpu.memory_space<semaphore_mem>>)
    %dma_wait3A_2770 = arith.constant 13 : i32
    %dma_wait3A_2771 = arith.constant 0 : i32
    %dma_wait3A_2772 = arith.constant 13 : i32
    %dma_wait3A_2773 = tpu.memref_slice %arg5[%dma_wait3A_2772] : memref<32x!tpu.dma_semaphore, #tpu.memory_space<semaphore_mem>> -> memref<1x!tpu.dma_semaphore, #tpu.memory_space<semaphore_mem>>
    %dma_wait3A_2774 = tpu.memref_squeeze %dma_wait3A_2773 : memref<1x!tpu.dma_semaphore, #tpu.memory_space<semaphore_mem>> -> memref<!tpu.dma_semaphore, #tpu.memory_space<semaphore_mem>>
    %dma_wait3A_2775 = arith.constant 0 : i32
    %dma_wait3A_2776 = tpu.memref_slice %arg2[%dma_wait3A_2771, %mul3A_0, %dma_wait3A_2775] : memref<1x4096x1024xf32, #tpu.memory_space<hbm>> -> memref<1x32x1024xf32, #tpu.memory_space<hbm>>
    %dma_wait3A_2777 = tpu.memref_squeeze %dma_wait3A_2776 : memref<1x32x1024xf32, #tpu.memory_space<hbm>> -> memref<32x1024xf32, #tpu.memory_space<hbm>>
    %dma_wait3A_2778 = arith.constant 0 : i32
    %dma_wait3A_2779 = arith.constant 0 : i32
    %dma_wait3A_2780 = tpu.memref_slice %arg3[%dma_wait3A_2770, %dma_wait3A_2778, %dma_wait3A_2779] : memref<32x32x1024xf32, #tpu.memory_space<vmem_shared>> -> memref<1x32x1024xf32, #tpu.memory_space<vmem_shared>>
    %dma_wait3A_2781 = tpu.memref_squeeze %dma_wait3A_2780 : memref<1x32x1024xf32, #tpu.memory_space<vmem_shared>> -> memref<32x1024xf32, #tpu.memory_space<vmem_shared>>
    tpu.wait_dma2 semaphore(%dma_wait3A_2774 : memref<!tpu.dma_semaphore, #tpu.memory_space<semaphore_mem>>) src(%dma_wait3A_2781 : memref<32x1024xf32, #tpu.memory_space<vmem_shared>>) dst(%dma_wait3A_2777 : memref<32x1024xf32, #tpu.memory_space<hbm>>)
    %dma_wait3A_2782 = arith.constant 29 : i32
    %dma_wait3A_2783 = arith.constant 29 : i32
    %dma_wait3A_2784 = tpu.memref_slice %arg4[%dma_wait3A_2783] : memref<32x!tpu.dma_semaphore, #tpu.memory_space<semaphore_mem>> -> memref<1x!tpu.dma_semaphore, #tpu.memory_space<semaphore_mem>>
    %dma_wait3A_2785 = tpu.memref_squeeze %dma_wait3A_2784 : memref<1x!tpu.dma_semaphore, #tpu.memory_space<semaphore_mem>> -> memref<!tpu.dma_semaphore, #tpu.memory_space<semaphore_mem>>
    %dma_wait3A_2786 = arith.constant 0 : i32
    %dma_wait3A_2787 = arith.constant 0 : i32
    %dma_wait3A_2788 = tpu.memref_slice %arg3[%dma_wait3A_2782, %dma_wait3A_2786, %dma_wait3A_2787] : memref<32x32x1024xf32, #tpu.memory_space<vmem_shared>> -> memref<1x32x1024xf32, #tpu.memory_space<vmem_shared>>
    %dma_wait3A_2789 = tpu.memref_squeeze %dma_wait3A_2788 : memref<1x32x1024xf32, #tpu.memory_space<vmem_shared>> -> memref<32x1024xf32, #tpu.memory_space<vmem_shared>>
    %dma_wait3A_2790 = arith.constant 0 : i32
    %dma_wait3A_2791 = tpu.memref_slice %arg1[%mul3A_0, %dma_wait3A_2790] : memref<8192x1024xf32, #tpu.memory_space<hbm>> -> memref<32x1024xf32, #tpu.memory_space<hbm>>
    tpu.wait_dma2 semaphore(%dma_wait3A_2785 : memref<!tpu.dma_semaphore, #tpu.memory_space<semaphore_mem>>) src(%dma_wait3A_2791 : memref<32x1024xf32, #tpu.memory_space<hbm>>) dst(%dma_wait3A_2789 : memref<32x1024xf32, #tpu.memory_space<vmem_shared>>)
    %add3A_2792 = arith.constant 1952 : i32
    %add3A_2793 = arith.addi %mul3A_0, %add3A_2792 : i32
    %dma_start3A_2794 = arith.constant 29 : i32
    %dma_start3A_2795 = arith.constant 0 : i32
    %dma_start3A_2796 = arith.constant 29 : i32
    %dma_start3A_2797 = tpu.memref_slice %arg5[%dma_start3A_2796] : memref<32x!tpu.dma_semaphore, #tpu.memory_space<semaphore_mem>> -> memref<1x!tpu.dma_semaphore, #tpu.memory_space<semaphore_mem>>
    %dma_start3A_2798 = tpu.memref_squeeze %dma_start3A_2797 : memref<1x!tpu.dma_semaphore, #tpu.memory_space<semaphore_mem>> -> memref<!tpu.dma_semaphore, #tpu.memory_space<semaphore_mem>>
    %dma_start3A_2799 = arith.constant 0 : i32
    %dma_start3A_2800 = tpu.memref_slice %arg2[%dma_start3A_2795, %add3A_2793, %dma_start3A_2799] : memref<1x4096x1024xf32, #tpu.memory_space<hbm>> -> memref<1x32x1024xf32, #tpu.memory_space<hbm>>
    %dma_start3A_2801 = tpu.memref_squeeze %dma_start3A_2800 : memref<1x32x1024xf32, #tpu.memory_space<hbm>> -> memref<32x1024xf32, #tpu.memory_space<hbm>>
    %dma_start3A_2802 = arith.constant 0 : i32
    %dma_start3A_2803 = arith.constant 0 : i32
    %dma_start3A_2804 = tpu.memref_slice %arg3[%dma_start3A_2794, %dma_start3A_2802, %dma_start3A_2803] : memref<32x32x1024xf32, #tpu.memory_space<vmem_shared>> -> memref<1x32x1024xf32, #tpu.memory_space<vmem_shared>>
    %dma_start3A_2805 = tpu.memref_squeeze %dma_start3A_2804 : memref<1x32x1024xf32, #tpu.memory_space<vmem_shared>> -> memref<32x1024xf32, #tpu.memory_space<vmem_shared>>
    tpu.enqueue_dma source(%dma_start3A_2805 : memref<32x1024xf32, #tpu.memory_space<vmem_shared>>) target(%dma_start3A_2801 : memref<32x1024xf32, #tpu.memory_space<hbm>>) target_semaphore(%dma_start3A_2798 : memref<!tpu.dma_semaphore, #tpu.memory_space<semaphore_mem>>)
    %dma_wait3A_2806 = arith.constant 14 : i32
    %dma_wait3A_2807 = arith.constant 0 : i32
    %dma_wait3A_2808 = arith.constant 14 : i32
    %dma_wait3A_2809 = tpu.memref_slice %arg5[%dma_wait3A_2808] : memref<32x!tpu.dma_semaphore, #tpu.memory_space<semaphore_mem>> -> memref<1x!tpu.dma_semaphore, #tpu.memory_space<semaphore_mem>>
    %dma_wait3A_2810 = tpu.memref_squeeze %dma_wait3A_2809 : memref<1x!tpu.dma_semaphore, #tpu.memory_space<semaphore_mem>> -> memref<!tpu.dma_semaphore, #tpu.memory_space<semaphore_mem>>
    %dma_wait3A_2811 = arith.constant 0 : i32
    %dma_wait3A_2812 = tpu.memref_slice %arg2[%dma_wait3A_2807, %mul3A_0, %dma_wait3A_2811] : memref<1x4096x1024xf32, #tpu.memory_space<hbm>> -> memref<1x32x1024xf32, #tpu.memory_space<hbm>>
    %dma_wait3A_2813 = tpu.memref_squeeze %dma_wait3A_2812 : memref<1x32x1024xf32, #tpu.memory_space<hbm>> -> memref<32x1024xf32, #tpu.memory_space<hbm>>
    %dma_wait3A_2814 = arith.constant 0 : i32
    %dma_wait3A_2815 = arith.constant 0 : i32
    %dma_wait3A_2816 = tpu.memref_slice %arg3[%dma_wait3A_2806, %dma_wait3A_2814, %dma_wait3A_2815] : memref<32x32x1024xf32, #tpu.memory_space<vmem_shared>> -> memref<1x32x1024xf32, #tpu.memory_space<vmem_shared>>
    %dma_wait3A_2817 = tpu.memref_squeeze %dma_wait3A_2816 : memref<1x32x1024xf32, #tpu.memory_space<vmem_shared>> -> memref<32x1024xf32, #tpu.memory_space<vmem_shared>>
    tpu.wait_dma2 semaphore(%dma_wait3A_2810 : memref<!tpu.dma_semaphore, #tpu.memory_space<semaphore_mem>>) src(%dma_wait3A_2817 : memref<32x1024xf32, #tpu.memory_space<vmem_shared>>) dst(%dma_wait3A_2813 : memref<32x1024xf32, #tpu.memory_space<hbm>>)
    %dma_wait3A_2818 = arith.constant 30 : i32
    %dma_wait3A_2819 = arith.constant 30 : i32
    %dma_wait3A_2820 = tpu.memref_slice %arg4[%dma_wait3A_2819] : memref<32x!tpu.dma_semaphore, #tpu.memory_space<semaphore_mem>> -> memref<1x!tpu.dma_semaphore, #tpu.memory_space<semaphore_mem>>
    %dma_wait3A_2821 = tpu.memref_squeeze %dma_wait3A_2820 : memref<1x!tpu.dma_semaphore, #tpu.memory_space<semaphore_mem>> -> memref<!tpu.dma_semaphore, #tpu.memory_space<semaphore_mem>>
    %dma_wait3A_2822 = arith.constant 0 : i32
    %dma_wait3A_2823 = arith.constant 0 : i32
    %dma_wait3A_2824 = tpu.memref_slice %arg3[%dma_wait3A_2818, %dma_wait3A_2822, %dma_wait3A_2823] : memref<32x32x1024xf32, #tpu.memory_space<vmem_shared>> -> memref<1x32x1024xf32, #tpu.memory_space<vmem_shared>>
    %dma_wait3A_2825 = tpu.memref_squeeze %dma_wait3A_2824 : memref<1x32x1024xf32, #tpu.memory_space<vmem_shared>> -> memref<32x1024xf32, #tpu.memory_space<vmem_shared>>
    %dma_wait3A_2826 = arith.constant 0 : i32
    %dma_wait3A_2827 = tpu.memref_slice %arg1[%mul3A_0, %dma_wait3A_2826] : memref<8192x1024xf32, #tpu.memory_space<hbm>> -> memref<32x1024xf32, #tpu.memory_space<hbm>>
    tpu.wait_dma2 semaphore(%dma_wait3A_2821 : memref<!tpu.dma_semaphore, #tpu.memory_space<semaphore_mem>>) src(%dma_wait3A_2827 : memref<32x1024xf32, #tpu.memory_space<hbm>>) dst(%dma_wait3A_2825 : memref<32x1024xf32, #tpu.memory_space<vmem_shared>>)
    %add3A_2828 = arith.constant 1984 : i32
    %add3A_2829 = arith.addi %mul3A_0, %add3A_2828 : i32
    %dma_start3A_2830 = arith.constant 30 : i32
    %dma_start3A_2831 = arith.constant 0 : i32
    %dma_start3A_2832 = arith.constant 30 : i32
    %dma_start3A_2833 = tpu.memref_slice %arg5[%dma_start3A_2832] : memref<32x!tpu.dma_semaphore, #tpu.memory_space<semaphore_mem>> -> memref<1x!tpu.dma_semaphore, #tpu.memory_space<semaphore_mem>>
    %dma_start3A_2834 = tpu.memref_squeeze %dma_start3A_2833 : memref<1x!tpu.dma_semaphore, #tpu.memory_space<semaphore_mem>> -> memref<!tpu.dma_semaphore, #tpu.memory_space<semaphore_mem>>
    %dma_start3A_2835 = arith.constant 0 : i32
    %dma_start3A_2836 = tpu.memref_slice %arg2[%dma_start3A_2831, %add3A_2829, %dma_start3A_2835] : memref<1x4096x1024xf32, #tpu.memory_space<hbm>> -> memref<1x32x1024xf32, #tpu.memory_space<hbm>>
    %dma_start3A_2837 = tpu.memref_squeeze %dma_start3A_2836 : memref<1x32x1024xf32, #tpu.memory_space<hbm>> -> memref<32x1024xf32, #tpu.memory_space<hbm>>
    %dma_start3A_2838 = arith.constant 0 : i32
    %dma_start3A_2839 = arith.constant 0 : i32
    %dma_start3A_2840 = tpu.memref_slice %arg3[%dma_start3A_2830, %dma_start3A_2838, %dma_start3A_2839] : memref<32x32x1024xf32, #tpu.memory_space<vmem_shared>> -> memref<1x32x1024xf32, #tpu.memory_space<vmem_shared>>
    %dma_start3A_2841 = tpu.memref_squeeze %dma_start3A_2840 : memref<1x32x1024xf32, #tpu.memory_space<vmem_shared>> -> memref<32x1024xf32, #tpu.memory_space<vmem_shared>>
    tpu.enqueue_dma source(%dma_start3A_2841 : memref<32x1024xf32, #tpu.memory_space<vmem_shared>>) target(%dma_start3A_2837 : memref<32x1024xf32, #tpu.memory_space<hbm>>) target_semaphore(%dma_start3A_2834 : memref<!tpu.dma_semaphore, #tpu.memory_space<semaphore_mem>>)
    %dma_wait3A_2842 = arith.constant 15 : i32
    %dma_wait3A_2843 = arith.constant 0 : i32
    %dma_wait3A_2844 = arith.constant 15 : i32
    %dma_wait3A_2845 = tpu.memref_slice %arg5[%dma_wait3A_2844] : memref<32x!tpu.dma_semaphore, #tpu.memory_space<semaphore_mem>> -> memref<1x!tpu.dma_semaphore, #tpu.memory_space<semaphore_mem>>
    %dma_wait3A_2846 = tpu.memref_squeeze %dma_wait3A_2845 : memref<1x!tpu.dma_semaphore, #tpu.memory_space<semaphore_mem>> -> memref<!tpu.dma_semaphore, #tpu.memory_space<semaphore_mem>>
    %dma_wait3A_2847 = arith.constant 0 : i32
    %dma_wait3A_2848 = tpu.memref_slice %arg2[%dma_wait3A_2843, %mul3A_0, %dma_wait3A_2847] : memref<1x4096x1024xf32, #tpu.memory_space<hbm>> -> memref<1x32x1024xf32, #tpu.memory_space<hbm>>
    %dma_wait3A_2849 = tpu.memref_squeeze %dma_wait3A_2848 : memref<1x32x1024xf32, #tpu.memory_space<hbm>> -> memref<32x1024xf32, #tpu.memory_space<hbm>>
    %dma_wait3A_2850 = arith.constant 0 : i32
    %dma_wait3A_2851 = arith.constant 0 : i32
    %dma_wait3A_2852 = tpu.memref_slice %arg3[%dma_wait3A_2842, %dma_wait3A_2850, %dma_wait3A_2851] : memref<32x32x1024xf32, #tpu.memory_space<vmem_shared>> -> memref<1x32x1024xf32, #tpu.memory_space<vmem_shared>>
    %dma_wait3A_2853 = tpu.memref_squeeze %dma_wait3A_2852 : memref<1x32x1024xf32, #tpu.memory_space<vmem_shared>> -> memref<32x1024xf32, #tpu.memory_space<vmem_shared>>
    tpu.wait_dma2 semaphore(%dma_wait3A_2846 : memref<!tpu.dma_semaphore, #tpu.memory_space<semaphore_mem>>) src(%dma_wait3A_2853 : memref<32x1024xf32, #tpu.memory_space<vmem_shared>>) dst(%dma_wait3A_2849 : memref<32x1024xf32, #tpu.memory_space<hbm>>)
    %dma_wait3A_2854 = arith.constant 31 : i32
    %dma_wait3A_2855 = arith.constant 31 : i32
    %dma_wait3A_2856 = tpu.memref_slice %arg4[%dma_wait3A_2855] : memref<32x!tpu.dma_semaphore, #tpu.memory_space<semaphore_mem>> -> memref<1x!tpu.dma_semaphore, #tpu.memory_space<semaphore_mem>>
    %dma_wait3A_2857 = tpu.memref_squeeze %dma_wait3A_2856 : memref<1x!tpu.dma_semaphore, #tpu.memory_space<semaphore_mem>> -> memref<!tpu.dma_semaphore, #tpu.memory_space<semaphore_mem>>
    %dma_wait3A_2858 = arith.constant 0 : i32
    %dma_wait3A_2859 = arith.constant 0 : i32
    %dma_wait3A_2860 = tpu.memref_slice %arg3[%dma_wait3A_2854, %dma_wait3A_2858, %dma_wait3A_2859] : memref<32x32x1024xf32, #tpu.memory_space<vmem_shared>> -> memref<1x32x1024xf32, #tpu.memory_space<vmem_shared>>
    %dma_wait3A_2861 = tpu.memref_squeeze %dma_wait3A_2860 : memref<1x32x1024xf32, #tpu.memory_space<vmem_shared>> -> memref<32x1024xf32, #tpu.memory_space<vmem_shared>>
    %dma_wait3A_2862 = arith.constant 0 : i32
    %dma_wait3A_2863 = tpu.memref_slice %arg1[%mul3A_0, %dma_wait3A_2862] : memref<8192x1024xf32, #tpu.memory_space<hbm>> -> memref<32x1024xf32, #tpu.memory_space<hbm>>
    tpu.wait_dma2 semaphore(%dma_wait3A_2857 : memref<!tpu.dma_semaphore, #tpu.memory_space<semaphore_mem>>) src(%dma_wait3A_2863 : memref<32x1024xf32, #tpu.memory_space<hbm>>) dst(%dma_wait3A_2861 : memref<32x1024xf32, #tpu.memory_space<vmem_shared>>)
    %add3A_2864 = arith.constant 2016 : i32
    %add3A_2865 = arith.addi %mul3A_0, %add3A_2864 : i32
    %dma_start3A_2866 = arith.constant 31 : i32
    %dma_start3A_2867 = arith.constant 0 : i32
    %dma_start3A_2868 = arith.constant 31 : i32
    %dma_start3A_2869 = tpu.memref_slice %arg5[%dma_start3A_2868] : memref<32x!tpu.dma_semaphore, #tpu.memory_space<semaphore_mem>> -> memref<1x!tpu.dma_semaphore, #tpu.memory_space<semaphore_mem>>
    %dma_start3A_2870 = tpu.memref_squeeze %dma_start3A_2869 : memref<1x!tpu.dma_semaphore, #tpu.memory_space<semaphore_mem>> -> memref<!tpu.dma_semaphore, #tpu.memory_space<semaphore_mem>>
    %dma_start3A_2871 = arith.constant 0 : i32
    %dma_start3A_2872 = tpu.memref_slice %arg2[%dma_start3A_2867, %add3A_2865, %dma_start3A_2871] : memref<1x4096x1024xf32, #tpu.memory_space<hbm>> -> memref<1x32x1024xf32, #tpu.memory_space<hbm>>
    %dma_start3A_2873 = tpu.memref_squeeze %dma_start3A_2872 : memref<1x32x1024xf32, #tpu.memory_space<hbm>> -> memref<32x1024xf32, #tpu.memory_space<hbm>>
    %dma_start3A_2874 = arith.constant 0 : i32
    %dma_start3A_2875 = arith.constant 0 : i32
    %dma_start3A_2876 = tpu.memref_slice %arg3[%dma_start3A_2866, %dma_start3A_2874, %dma_start3A_2875] : memref<32x32x1024xf32, #tpu.memory_space<vmem_shared>> -> memref<1x32x1024xf32, #tpu.memory_space<vmem_shared>>
    %dma_start3A_2877 = tpu.memref_squeeze %dma_start3A_2876 : memref<1x32x1024xf32, #tpu.memory_space<vmem_shared>> -> memref<32x1024xf32, #tpu.memory_space<vmem_shared>>
    tpu.enqueue_dma source(%dma_start3A_2877 : memref<32x1024xf32, #tpu.memory_space<vmem_shared>>) target(%dma_start3A_2873 : memref<32x1024xf32, #tpu.memory_space<hbm>>) target_semaphore(%dma_start3A_2870 : memref<!tpu.dma_semaphore, #tpu.memory_space<semaphore_mem>>)
    %dma_wait3A_2878 = arith.constant 16 : i32
    %dma_wait3A_2879 = arith.constant 0 : i32
    %dma_wait3A_2880 = arith.constant 16 : i32
    %dma_wait3A_2881 = tpu.memref_slice %arg5[%dma_wait3A_2880] : memref<32x!tpu.dma_semaphore, #tpu.memory_space<semaphore_mem>> -> memref<1x!tpu.dma_semaphore, #tpu.memory_space<semaphore_mem>>
    %dma_wait3A_2882 = tpu.memref_squeeze %dma_wait3A_2881 : memref<1x!tpu.dma_semaphore, #tpu.memory_space<semaphore_mem>> -> memref<!tpu.dma_semaphore, #tpu.memory_space<semaphore_mem>>
    %dma_wait3A_2883 = arith.constant 0 : i32
    %dma_wait3A_2884 = tpu.memref_slice %arg2[%dma_wait3A_2879, %mul3A_0, %dma_wait3A_2883] : memref<1x4096x1024xf32, #tpu.memory_space<hbm>> -> memref<1x32x1024xf32, #tpu.memory_space<hbm>>
    %dma_wait3A_2885 = tpu.memref_squeeze %dma_wait3A_2884 : memref<1x32x1024xf32, #tpu.memory_space<hbm>> -> memref<32x1024xf32, #tpu.memory_space<hbm>>
    %dma_wait3A_2886 = arith.constant 0 : i32
    %dma_wait3A_2887 = arith.constant 0 : i32
    %dma_wait3A_2888 = tpu.memref_slice %arg3[%dma_wait3A_2878, %dma_wait3A_2886, %dma_wait3A_2887] : memref<32x32x1024xf32, #tpu.memory_space<vmem_shared>> -> memref<1x32x1024xf32, #tpu.memory_space<vmem_shared>>
    %dma_wait3A_2889 = tpu.memref_squeeze %dma_wait3A_2888 : memref<1x32x1024xf32, #tpu.memory_space<vmem_shared>> -> memref<32x1024xf32, #tpu.memory_space<vmem_shared>>
    tpu.wait_dma2 semaphore(%dma_wait3A_2882 : memref<!tpu.dma_semaphore, #tpu.memory_space<semaphore_mem>>) src(%dma_wait3A_2889 : memref<32x1024xf32, #tpu.memory_space<vmem_shared>>) dst(%dma_wait3A_2885 : memref<32x1024xf32, #tpu.memory_space<hbm>>)
    %dma_wait3A_2890 = arith.constant 17 : i32
    %dma_wait3A_2891 = arith.constant 0 : i32
    %dma_wait3A_2892 = arith.constant 17 : i32
    %dma_wait3A_2893 = tpu.memref_slice %arg5[%dma_wait3A_2892] : memref<32x!tpu.dma_semaphore, #tpu.memory_space<semaphore_mem>> -> memref<1x!tpu.dma_semaphore, #tpu.memory_space<semaphore_mem>>
    %dma_wait3A_2894 = tpu.memref_squeeze %dma_wait3A_2893 : memref<1x!tpu.dma_semaphore, #tpu.memory_space<semaphore_mem>> -> memref<!tpu.dma_semaphore, #tpu.memory_space<semaphore_mem>>
    %dma_wait3A_2895 = arith.constant 0 : i32
    %dma_wait3A_2896 = tpu.memref_slice %arg2[%dma_wait3A_2891, %mul3A_0, %dma_wait3A_2895] : memref<1x4096x1024xf32, #tpu.memory_space<hbm>> -> memref<1x32x1024xf32, #tpu.memory_space<hbm>>
    %dma_wait3A_2897 = tpu.memref_squeeze %dma_wait3A_2896 : memref<1x32x1024xf32, #tpu.memory_space<hbm>> -> memref<32x1024xf32, #tpu.memory_space<hbm>>
    %dma_wait3A_2898 = arith.constant 0 : i32
    %dma_wait3A_2899 = arith.constant 0 : i32
    %dma_wait3A_2900 = tpu.memref_slice %arg3[%dma_wait3A_2890, %dma_wait3A_2898, %dma_wait3A_2899] : memref<32x32x1024xf32, #tpu.memory_space<vmem_shared>> -> memref<1x32x1024xf32, #tpu.memory_space<vmem_shared>>
    %dma_wait3A_2901 = tpu.memref_squeeze %dma_wait3A_2900 : memref<1x32x1024xf32, #tpu.memory_space<vmem_shared>> -> memref<32x1024xf32, #tpu.memory_space<vmem_shared>>
    tpu.wait_dma2 semaphore(%dma_wait3A_2894 : memref<!tpu.dma_semaphore, #tpu.memory_space<semaphore_mem>>) src(%dma_wait3A_2901 : memref<32x1024xf32, #tpu.memory_space<vmem_shared>>) dst(%dma_wait3A_2897 : memref<32x1024xf32, #tpu.memory_space<hbm>>)
    %dma_wait3A_2902 = arith.constant 18 : i32
    %dma_wait3A_2903 = arith.constant 0 : i32
    %dma_wait3A_2904 = arith.constant 18 : i32
    %dma_wait3A_2905 = tpu.memref_slice %arg5[%dma_wait3A_2904] : memref<32x!tpu.dma_semaphore, #tpu.memory_space<semaphore_mem>> -> memref<1x!tpu.dma_semaphore, #tpu.memory_space<semaphore_mem>>
    %dma_wait3A_2906 = tpu.memref_squeeze %dma_wait3A_2905 : memref<1x!tpu.dma_semaphore, #tpu.memory_space<semaphore_mem>> -> memref<!tpu.dma_semaphore, #tpu.memory_space<semaphore_mem>>
    %dma_wait3A_2907 = arith.constant 0 : i32
    %dma_wait3A_2908 = tpu.memref_slice %arg2[%dma_wait3A_2903, %mul3A_0, %dma_wait3A_2907] : memref<1x4096x1024xf32, #tpu.memory_space<hbm>> -> memref<1x32x1024xf32, #tpu.memory_space<hbm>>
    %dma_wait3A_2909 = tpu.memref_squeeze %dma_wait3A_2908 : memref<1x32x1024xf32, #tpu.memory_space<hbm>> -> memref<32x1024xf32, #tpu.memory_space<hbm>>
    %dma_wait3A_2910 = arith.constant 0 : i32
    %dma_wait3A_2911 = arith.constant 0 : i32
    %dma_wait3A_2912 = tpu.memref_slice %arg3[%dma_wait3A_2902, %dma_wait3A_2910, %dma_wait3A_2911] : memref<32x32x1024xf32, #tpu.memory_space<vmem_shared>> -> memref<1x32x1024xf32, #tpu.memory_space<vmem_shared>>
    %dma_wait3A_2913 = tpu.memref_squeeze %dma_wait3A_2912 : memref<1x32x1024xf32, #tpu.memory_space<vmem_shared>> -> memref<32x1024xf32, #tpu.memory_space<vmem_shared>>
    tpu.wait_dma2 semaphore(%dma_wait3A_2906 : memref<!tpu.dma_semaphore, #tpu.memory_space<semaphore_mem>>) src(%dma_wait3A_2913 : memref<32x1024xf32, #tpu.memory_space<vmem_shared>>) dst(%dma_wait3A_2909 : memref<32x1024xf32, #tpu.memory_space<hbm>>)
    %dma_wait3A_2914 = arith.constant 19 : i32
    %dma_wait3A_2915 = arith.constant 0 : i32
    %dma_wait3A_2916 = arith.constant 19 : i32
    %dma_wait3A_2917 = tpu.memref_slice %arg5[%dma_wait3A_2916] : memref<32x!tpu.dma_semaphore, #tpu.memory_space<semaphore_mem>> -> memref<1x!tpu.dma_semaphore, #tpu.memory_space<semaphore_mem>>
    %dma_wait3A_2918 = tpu.memref_squeeze %dma_wait3A_2917 : memref<1x!tpu.dma_semaphore, #tpu.memory_space<semaphore_mem>> -> memref<!tpu.dma_semaphore, #tpu.memory_space<semaphore_mem>>
    %dma_wait3A_2919 = arith.constant 0 : i32
    %dma_wait3A_2920 = tpu.memref_slice %arg2[%dma_wait3A_2915, %mul3A_0, %dma_wait3A_2919] : memref<1x4096x1024xf32, #tpu.memory_space<hbm>> -> memref<1x32x1024xf32, #tpu.memory_space<hbm>>
    %dma_wait3A_2921 = tpu.memref_squeeze %dma_wait3A_2920 : memref<1x32x1024xf32, #tpu.memory_space<hbm>> -> memref<32x1024xf32, #tpu.memory_space<hbm>>
    %dma_wait3A_2922 = arith.constant 0 : i32
    %dma_wait3A_2923 = arith.constant 0 : i32
    %dma_wait3A_2924 = tpu.memref_slice %arg3[%dma_wait3A_2914, %dma_wait3A_2922, %dma_wait3A_2923] : memref<32x32x1024xf32, #tpu.memory_space<vmem_shared>> -> memref<1x32x1024xf32, #tpu.memory_space<vmem_shared>>
    %dma_wait3A_2925 = tpu.memref_squeeze %dma_wait3A_2924 : memref<1x32x1024xf32, #tpu.memory_space<vmem_shared>> -> memref<32x1024xf32, #tpu.memory_space<vmem_shared>>
    tpu.wait_dma2 semaphore(%dma_wait3A_2918 : memref<!tpu.dma_semaphore, #tpu.memory_space<semaphore_mem>>) src(%dma_wait3A_2925 : memref<32x1024xf32, #tpu.memory_space<vmem_shared>>) dst(%dma_wait3A_2921 : memref<32x1024xf32, #tpu.memory_space<hbm>>)
    %dma_wait3A_2926 = arith.constant 20 : i32
    %dma_wait3A_2927 = arith.constant 0 : i32
    %dma_wait3A_2928 = arith.constant 20 : i32
    %dma_wait3A_2929 = tpu.memref_slice %arg5[%dma_wait3A_2928] : memref<32x!tpu.dma_semaphore, #tpu.memory_space<semaphore_mem>> -> memref<1x!tpu.dma_semaphore, #tpu.memory_space<semaphore_mem>>
    %dma_wait3A_2930 = tpu.memref_squeeze %dma_wait3A_2929 : memref<1x!tpu.dma_semaphore, #tpu.memory_space<semaphore_mem>> -> memref<!tpu.dma_semaphore, #tpu.memory_space<semaphore_mem>>
    %dma_wait3A_2931 = arith.constant 0 : i32
    %dma_wait3A_2932 = tpu.memref_slice %arg2[%dma_wait3A_2927, %mul3A_0, %dma_wait3A_2931] : memref<1x4096x1024xf32, #tpu.memory_space<hbm>> -> memref<1x32x1024xf32, #tpu.memory_space<hbm>>
    %dma_wait3A_2933 = tpu.memref_squeeze %dma_wait3A_2932 : memref<1x32x1024xf32, #tpu.memory_space<hbm>> -> memref<32x1024xf32, #tpu.memory_space<hbm>>
    %dma_wait3A_2934 = arith.constant 0 : i32
    %dma_wait3A_2935 = arith.constant 0 : i32
    %dma_wait3A_2936 = tpu.memref_slice %arg3[%dma_wait3A_2926, %dma_wait3A_2934, %dma_wait3A_2935] : memref<32x32x1024xf32, #tpu.memory_space<vmem_shared>> -> memref<1x32x1024xf32, #tpu.memory_space<vmem_shared>>
    %dma_wait3A_2937 = tpu.memref_squeeze %dma_wait3A_2936 : memref<1x32x1024xf32, #tpu.memory_space<vmem_shared>> -> memref<32x1024xf32, #tpu.memory_space<vmem_shared>>
    tpu.wait_dma2 semaphore(%dma_wait3A_2930 : memref<!tpu.dma_semaphore, #tpu.memory_space<semaphore_mem>>) src(%dma_wait3A_2937 : memref<32x1024xf32, #tpu.memory_space<vmem_shared>>) dst(%dma_wait3A_2933 : memref<32x1024xf32, #tpu.memory_space<hbm>>)
    %dma_wait3A_2938 = arith.constant 21 : i32
    %dma_wait3A_2939 = arith.constant 0 : i32
    %dma_wait3A_2940 = arith.constant 21 : i32
    %dma_wait3A_2941 = tpu.memref_slice %arg5[%dma_wait3A_2940] : memref<32x!tpu.dma_semaphore, #tpu.memory_space<semaphore_mem>> -> memref<1x!tpu.dma_semaphore, #tpu.memory_space<semaphore_mem>>
    %dma_wait3A_2942 = tpu.memref_squeeze %dma_wait3A_2941 : memref<1x!tpu.dma_semaphore, #tpu.memory_space<semaphore_mem>> -> memref<!tpu.dma_semaphore, #tpu.memory_space<semaphore_mem>>
    %dma_wait3A_2943 = arith.constant 0 : i32
    %dma_wait3A_2944 = tpu.memref_slice %arg2[%dma_wait3A_2939, %mul3A_0, %dma_wait3A_2943] : memref<1x4096x1024xf32, #tpu.memory_space<hbm>> -> memref<1x32x1024xf32, #tpu.memory_space<hbm>>
    %dma_wait3A_2945 = tpu.memref_squeeze %dma_wait3A_2944 : memref<1x32x1024xf32, #tpu.memory_space<hbm>> -> memref<32x1024xf32, #tpu.memory_space<hbm>>
    %dma_wait3A_2946 = arith.constant 0 : i32
    %dma_wait3A_2947 = arith.constant 0 : i32
    %dma_wait3A_2948 = tpu.memref_slice %arg3[%dma_wait3A_2938, %dma_wait3A_2946, %dma_wait3A_2947] : memref<32x32x1024xf32, #tpu.memory_space<vmem_shared>> -> memref<1x32x1024xf32, #tpu.memory_space<vmem_shared>>
    %dma_wait3A_2949 = tpu.memref_squeeze %dma_wait3A_2948 : memref<1x32x1024xf32, #tpu.memory_space<vmem_shared>> -> memref<32x1024xf32, #tpu.memory_space<vmem_shared>>
    tpu.wait_dma2 semaphore(%dma_wait3A_2942 : memref<!tpu.dma_semaphore, #tpu.memory_space<semaphore_mem>>) src(%dma_wait3A_2949 : memref<32x1024xf32, #tpu.memory_space<vmem_shared>>) dst(%dma_wait3A_2945 : memref<32x1024xf32, #tpu.memory_space<hbm>>)
    %dma_wait3A_2950 = arith.constant 22 : i32
    %dma_wait3A_2951 = arith.constant 0 : i32
    %dma_wait3A_2952 = arith.constant 22 : i32
    %dma_wait3A_2953 = tpu.memref_slice %arg5[%dma_wait3A_2952] : memref<32x!tpu.dma_semaphore, #tpu.memory_space<semaphore_mem>> -> memref<1x!tpu.dma_semaphore, #tpu.memory_space<semaphore_mem>>
    %dma_wait3A_2954 = tpu.memref_squeeze %dma_wait3A_2953 : memref<1x!tpu.dma_semaphore, #tpu.memory_space<semaphore_mem>> -> memref<!tpu.dma_semaphore, #tpu.memory_space<semaphore_mem>>
    %dma_wait3A_2955 = arith.constant 0 : i32
    %dma_wait3A_2956 = tpu.memref_slice %arg2[%dma_wait3A_2951, %mul3A_0, %dma_wait3A_2955] : memref<1x4096x1024xf32, #tpu.memory_space<hbm>> -> memref<1x32x1024xf32, #tpu.memory_space<hbm>>
    %dma_wait3A_2957 = tpu.memref_squeeze %dma_wait3A_2956 : memref<1x32x1024xf32, #tpu.memory_space<hbm>> -> memref<32x1024xf32, #tpu.memory_space<hbm>>
    %dma_wait3A_2958 = arith.constant 0 : i32
    %dma_wait3A_2959 = arith.constant 0 : i32
    %dma_wait3A_2960 = tpu.memref_slice %arg3[%dma_wait3A_2950, %dma_wait3A_2958, %dma_wait3A_2959] : memref<32x32x1024xf32, #tpu.memory_space<vmem_shared>> -> memref<1x32x1024xf32, #tpu.memory_space<vmem_shared>>
    %dma_wait3A_2961 = tpu.memref_squeeze %dma_wait3A_2960 : memref<1x32x1024xf32, #tpu.memory_space<vmem_shared>> -> memref<32x1024xf32, #tpu.memory_space<vmem_shared>>
    tpu.wait_dma2 semaphore(%dma_wait3A_2954 : memref<!tpu.dma_semaphore, #tpu.memory_space<semaphore_mem>>) src(%dma_wait3A_2961 : memref<32x1024xf32, #tpu.memory_space<vmem_shared>>) dst(%dma_wait3A_2957 : memref<32x1024xf32, #tpu.memory_space<hbm>>)
    %dma_wait3A_2962 = arith.constant 23 : i32
    %dma_wait3A_2963 = arith.constant 0 : i32
    %dma_wait3A_2964 = arith.constant 23 : i32
    %dma_wait3A_2965 = tpu.memref_slice %arg5[%dma_wait3A_2964] : memref<32x!tpu.dma_semaphore, #tpu.memory_space<semaphore_mem>> -> memref<1x!tpu.dma_semaphore, #tpu.memory_space<semaphore_mem>>
    %dma_wait3A_2966 = tpu.memref_squeeze %dma_wait3A_2965 : memref<1x!tpu.dma_semaphore, #tpu.memory_space<semaphore_mem>> -> memref<!tpu.dma_semaphore, #tpu.memory_space<semaphore_mem>>
    %dma_wait3A_2967 = arith.constant 0 : i32
    %dma_wait3A_2968 = tpu.memref_slice %arg2[%dma_wait3A_2963, %mul3A_0, %dma_wait3A_2967] : memref<1x4096x1024xf32, #tpu.memory_space<hbm>> -> memref<1x32x1024xf32, #tpu.memory_space<hbm>>
    %dma_wait3A_2969 = tpu.memref_squeeze %dma_wait3A_2968 : memref<1x32x1024xf32, #tpu.memory_space<hbm>> -> memref<32x1024xf32, #tpu.memory_space<hbm>>
    %dma_wait3A_2970 = arith.constant 0 : i32
    %dma_wait3A_2971 = arith.constant 0 : i32
    %dma_wait3A_2972 = tpu.memref_slice %arg3[%dma_wait3A_2962, %dma_wait3A_2970, %dma_wait3A_2971] : memref<32x32x1024xf32, #tpu.memory_space<vmem_shared>> -> memref<1x32x1024xf32, #tpu.memory_space<vmem_shared>>
    %dma_wait3A_2973 = tpu.memref_squeeze %dma_wait3A_2972 : memref<1x32x1024xf32, #tpu.memory_space<vmem_shared>> -> memref<32x1024xf32, #tpu.memory_space<vmem_shared>>
    tpu.wait_dma2 semaphore(%dma_wait3A_2966 : memref<!tpu.dma_semaphore, #tpu.memory_space<semaphore_mem>>) src(%dma_wait3A_2973 : memref<32x1024xf32, #tpu.memory_space<vmem_shared>>) dst(%dma_wait3A_2969 : memref<32x1024xf32, #tpu.memory_space<hbm>>)
    %dma_wait3A_2974 = arith.constant 24 : i32
    %dma_wait3A_2975 = arith.constant 0 : i32
    %dma_wait3A_2976 = arith.constant 24 : i32
    %dma_wait3A_2977 = tpu.memref_slice %arg5[%dma_wait3A_2976] : memref<32x!tpu.dma_semaphore, #tpu.memory_space<semaphore_mem>> -> memref<1x!tpu.dma_semaphore, #tpu.memory_space<semaphore_mem>>
    %dma_wait3A_2978 = tpu.memref_squeeze %dma_wait3A_2977 : memref<1x!tpu.dma_semaphore, #tpu.memory_space<semaphore_mem>> -> memref<!tpu.dma_semaphore, #tpu.memory_space<semaphore_mem>>
    %dma_wait3A_2979 = arith.constant 0 : i32
    %dma_wait3A_2980 = tpu.memref_slice %arg2[%dma_wait3A_2975, %mul3A_0, %dma_wait3A_2979] : memref<1x4096x1024xf32, #tpu.memory_space<hbm>> -> memref<1x32x1024xf32, #tpu.memory_space<hbm>>
    %dma_wait3A_2981 = tpu.memref_squeeze %dma_wait3A_2980 : memref<1x32x1024xf32, #tpu.memory_space<hbm>> -> memref<32x1024xf32, #tpu.memory_space<hbm>>
    %dma_wait3A_2982 = arith.constant 0 : i32
    %dma_wait3A_2983 = arith.constant 0 : i32
    %dma_wait3A_2984 = tpu.memref_slice %arg3[%dma_wait3A_2974, %dma_wait3A_2982, %dma_wait3A_2983] : memref<32x32x1024xf32, #tpu.memory_space<vmem_shared>> -> memref<1x32x1024xf32, #tpu.memory_space<vmem_shared>>
    %dma_wait3A_2985 = tpu.memref_squeeze %dma_wait3A_2984 : memref<1x32x1024xf32, #tpu.memory_space<vmem_shared>> -> memref<32x1024xf32, #tpu.memory_space<vmem_shared>>
    tpu.wait_dma2 semaphore(%dma_wait3A_2978 : memref<!tpu.dma_semaphore, #tpu.memory_space<semaphore_mem>>) src(%dma_wait3A_2985 : memref<32x1024xf32, #tpu.memory_space<vmem_shared>>) dst(%dma_wait3A_2981 : memref<32x1024xf32, #tpu.memory_space<hbm>>)
    %dma_wait3A_2986 = arith.constant 25 : i32
    %dma_wait3A_2987 = arith.constant 0 : i32
    %dma_wait3A_2988 = arith.constant 25 : i32
    %dma_wait3A_2989 = tpu.memref_slice %arg5[%dma_wait3A_2988] : memref<32x!tpu.dma_semaphore, #tpu.memory_space<semaphore_mem>> -> memref<1x!tpu.dma_semaphore, #tpu.memory_space<semaphore_mem>>
    %dma_wait3A_2990 = tpu.memref_squeeze %dma_wait3A_2989 : memref<1x!tpu.dma_semaphore, #tpu.memory_space<semaphore_mem>> -> memref<!tpu.dma_semaphore, #tpu.memory_space<semaphore_mem>>
    %dma_wait3A_2991 = arith.constant 0 : i32
    %dma_wait3A_2992 = tpu.memref_slice %arg2[%dma_wait3A_2987, %mul3A_0, %dma_wait3A_2991] : memref<1x4096x1024xf32, #tpu.memory_space<hbm>> -> memref<1x32x1024xf32, #tpu.memory_space<hbm>>
    %dma_wait3A_2993 = tpu.memref_squeeze %dma_wait3A_2992 : memref<1x32x1024xf32, #tpu.memory_space<hbm>> -> memref<32x1024xf32, #tpu.memory_space<hbm>>
    %dma_wait3A_2994 = arith.constant 0 : i32
    %dma_wait3A_2995 = arith.constant 0 : i32
    %dma_wait3A_2996 = tpu.memref_slice %arg3[%dma_wait3A_2986, %dma_wait3A_2994, %dma_wait3A_2995] : memref<32x32x1024xf32, #tpu.memory_space<vmem_shared>> -> memref<1x32x1024xf32, #tpu.memory_space<vmem_shared>>
    %dma_wait3A_2997 = tpu.memref_squeeze %dma_wait3A_2996 : memref<1x32x1024xf32, #tpu.memory_space<vmem_shared>> -> memref<32x1024xf32, #tpu.memory_space<vmem_shared>>
    tpu.wait_dma2 semaphore(%dma_wait3A_2990 : memref<!tpu.dma_semaphore, #tpu.memory_space<semaphore_mem>>) src(%dma_wait3A_2997 : memref<32x1024xf32, #tpu.memory_space<vmem_shared>>) dst(%dma_wait3A_2993 : memref<32x1024xf32, #tpu.memory_space<hbm>>)
    %dma_wait3A_2998 = arith.constant 26 : i32
    %dma_wait3A_2999 = arith.constant 0 : i32
    %dma_wait3A_3000 = arith.constant 26 : i32
    %dma_wait3A_3001 = tpu.memref_slice %arg5[%dma_wait3A_3000] : memref<32x!tpu.dma_semaphore, #tpu.memory_space<semaphore_mem>> -> memref<1x!tpu.dma_semaphore, #tpu.memory_space<semaphore_mem>>
    %dma_wait3A_3002 = tpu.memref_squeeze %dma_wait3A_3001 : memref<1x!tpu.dma_semaphore, #tpu.memory_space<semaphore_mem>> -> memref<!tpu.dma_semaphore, #tpu.memory_space<semaphore_mem>>
    %dma_wait3A_3003 = arith.constant 0 : i32
    %dma_wait3A_3004 = tpu.memref_slice %arg2[%dma_wait3A_2999, %mul3A_0, %dma_wait3A_3003] : memref<1x4096x1024xf32, #tpu.memory_space<hbm>> -> memref<1x32x1024xf32, #tpu.memory_space<hbm>>
    %dma_wait3A_3005 = tpu.memref_squeeze %dma_wait3A_3004 : memref<1x32x1024xf32, #tpu.memory_space<hbm>> -> memref<32x1024xf32, #tpu.memory_space<hbm>>
    %dma_wait3A_3006 = arith.constant 0 : i32
    %dma_wait3A_3007 = arith.constant 0 : i32
    %dma_wait3A_3008 = tpu.memref_slice %arg3[%dma_wait3A_2998, %dma_wait3A_3006, %dma_wait3A_3007] : memref<32x32x1024xf32, #tpu.memory_space<vmem_shared>> -> memref<1x32x1024xf32, #tpu.memory_space<vmem_shared>>
    %dma_wait3A_3009 = tpu.memref_squeeze %dma_wait3A_3008 : memref<1x32x1024xf32, #tpu.memory_space<vmem_shared>> -> memref<32x1024xf32, #tpu.memory_space<vmem_shared>>
    tpu.wait_dma2 semaphore(%dma_wait3A_3002 : memref<!tpu.dma_semaphore, #tpu.memory_space<semaphore_mem>>) src(%dma_wait3A_3009 : memref<32x1024xf32, #tpu.memory_space<vmem_shared>>) dst(%dma_wait3A_3005 : memref<32x1024xf32, #tpu.memory_space<hbm>>)
    %dma_wait3A_3010 = arith.constant 27 : i32
    %dma_wait3A_3011 = arith.constant 0 : i32
    %dma_wait3A_3012 = arith.constant 27 : i32
    %dma_wait3A_3013 = tpu.memref_slice %arg5[%dma_wait3A_3012] : memref<32x!tpu.dma_semaphore, #tpu.memory_space<semaphore_mem>> -> memref<1x!tpu.dma_semaphore, #tpu.memory_space<semaphore_mem>>
    %dma_wait3A_3014 = tpu.memref_squeeze %dma_wait3A_3013 : memref<1x!tpu.dma_semaphore, #tpu.memory_space<semaphore_mem>> -> memref<!tpu.dma_semaphore, #tpu.memory_space<semaphore_mem>>
    %dma_wait3A_3015 = arith.constant 0 : i32
    %dma_wait3A_3016 = tpu.memref_slice %arg2[%dma_wait3A_3011, %mul3A_0, %dma_wait3A_3015] : memref<1x4096x1024xf32, #tpu.memory_space<hbm>> -> memref<1x32x1024xf32, #tpu.memory_space<hbm>>
    %dma_wait3A_3017 = tpu.memref_squeeze %dma_wait3A_3016 : memref<1x32x1024xf32, #tpu.memory_space<hbm>> -> memref<32x1024xf32, #tpu.memory_space<hbm>>
    %dma_wait3A_3018 = arith.constant 0 : i32
    %dma_wait3A_3019 = arith.constant 0 : i32
    %dma_wait3A_3020 = tpu.memref_slice %arg3[%dma_wait3A_3010, %dma_wait3A_3018, %dma_wait3A_3019] : memref<32x32x1024xf32, #tpu.memory_space<vmem_shared>> -> memref<1x32x1024xf32, #tpu.memory_space<vmem_shared>>
    %dma_wait3A_3021 = tpu.memref_squeeze %dma_wait3A_3020 : memref<1x32x1024xf32, #tpu.memory_space<vmem_shared>> -> memref<32x1024xf32, #tpu.memory_space<vmem_shared>>
    tpu.wait_dma2 semaphore(%dma_wait3A_3014 : memref<!tpu.dma_semaphore, #tpu.memory_space<semaphore_mem>>) src(%dma_wait3A_3021 : memref<32x1024xf32, #tpu.memory_space<vmem_shared>>) dst(%dma_wait3A_3017 : memref<32x1024xf32, #tpu.memory_space<hbm>>)
    %dma_wait3A_3022 = arith.constant 28 : i32
    %dma_wait3A_3023 = arith.constant 0 : i32
    %dma_wait3A_3024 = arith.constant 28 : i32
    %dma_wait3A_3025 = tpu.memref_slice %arg5[%dma_wait3A_3024] : memref<32x!tpu.dma_semaphore, #tpu.memory_space<semaphore_mem>> -> memref<1x!tpu.dma_semaphore, #tpu.memory_space<semaphore_mem>>
    %dma_wait3A_3026 = tpu.memref_squeeze %dma_wait3A_3025 : memref<1x!tpu.dma_semaphore, #tpu.memory_space<semaphore_mem>> -> memref<!tpu.dma_semaphore, #tpu.memory_space<semaphore_mem>>
    %dma_wait3A_3027 = arith.constant 0 : i32
    %dma_wait3A_3028 = tpu.memref_slice %arg2[%dma_wait3A_3023, %mul3A_0, %dma_wait3A_3027] : memref<1x4096x1024xf32, #tpu.memory_space<hbm>> -> memref<1x32x1024xf32, #tpu.memory_space<hbm>>
    %dma_wait3A_3029 = tpu.memref_squeeze %dma_wait3A_3028 : memref<1x32x1024xf32, #tpu.memory_space<hbm>> -> memref<32x1024xf32, #tpu.memory_space<hbm>>
    %dma_wait3A_3030 = arith.constant 0 : i32
    %dma_wait3A_3031 = arith.constant 0 : i32
    %dma_wait3A_3032 = tpu.memref_slice %arg3[%dma_wait3A_3022, %dma_wait3A_3030, %dma_wait3A_3031] : memref<32x32x1024xf32, #tpu.memory_space<vmem_shared>> -> memref<1x32x1024xf32, #tpu.memory_space<vmem_shared>>
    %dma_wait3A_3033 = tpu.memref_squeeze %dma_wait3A_3032 : memref<1x32x1024xf32, #tpu.memory_space<vmem_shared>> -> memref<32x1024xf32, #tpu.memory_space<vmem_shared>>
    tpu.wait_dma2 semaphore(%dma_wait3A_3026 : memref<!tpu.dma_semaphore, #tpu.memory_space<semaphore_mem>>) src(%dma_wait3A_3033 : memref<32x1024xf32, #tpu.memory_space<vmem_shared>>) dst(%dma_wait3A_3029 : memref<32x1024xf32, #tpu.memory_space<hbm>>)
    %dma_wait3A_3034 = arith.constant 29 : i32
    %dma_wait3A_3035 = arith.constant 0 : i32
    %dma_wait3A_3036 = arith.constant 29 : i32
    %dma_wait3A_3037 = tpu.memref_slice %arg5[%dma_wait3A_3036] : memref<32x!tpu.dma_semaphore, #tpu.memory_space<semaphore_mem>> -> memref<1x!tpu.dma_semaphore, #tpu.memory_space<semaphore_mem>>
    %dma_wait3A_3038 = tpu.memref_squeeze %dma_wait3A_3037 : memref<1x!tpu.dma_semaphore, #tpu.memory_space<semaphore_mem>> -> memref<!tpu.dma_semaphore, #tpu.memory_space<semaphore_mem>>
    %dma_wait3A_3039 = arith.constant 0 : i32
    %dma_wait3A_3040 = tpu.memref_slice %arg2[%dma_wait3A_3035, %mul3A_0, %dma_wait3A_3039] : memref<1x4096x1024xf32, #tpu.memory_space<hbm>> -> memref<1x32x1024xf32, #tpu.memory_space<hbm>>
    %dma_wait3A_3041 = tpu.memref_squeeze %dma_wait3A_3040 : memref<1x32x1024xf32, #tpu.memory_space<hbm>> -> memref<32x1024xf32, #tpu.memory_space<hbm>>
    %dma_wait3A_3042 = arith.constant 0 : i32
    %dma_wait3A_3043 = arith.constant 0 : i32
    %dma_wait3A_3044 = tpu.memref_slice %arg3[%dma_wait3A_3034, %dma_wait3A_3042, %dma_wait3A_3043] : memref<32x32x1024xf32, #tpu.memory_space<vmem_shared>> -> memref<1x32x1024xf32, #tpu.memory_space<vmem_shared>>
    %dma_wait3A_3045 = tpu.memref_squeeze %dma_wait3A_3044 : memref<1x32x1024xf32, #tpu.memory_space<vmem_shared>> -> memref<32x1024xf32, #tpu.memory_space<vmem_shared>>
    tpu.wait_dma2 semaphore(%dma_wait3A_3038 : memref<!tpu.dma_semaphore, #tpu.memory_space<semaphore_mem>>) src(%dma_wait3A_3045 : memref<32x1024xf32, #tpu.memory_space<vmem_shared>>) dst(%dma_wait3A_3041 : memref<32x1024xf32, #tpu.memory_space<hbm>>)
    %dma_wait3A_3046 = arith.constant 30 : i32
    %dma_wait3A_3047 = arith.constant 0 : i32
    %dma_wait3A_3048 = arith.constant 30 : i32
    %dma_wait3A_3049 = tpu.memref_slice %arg5[%dma_wait3A_3048] : memref<32x!tpu.dma_semaphore, #tpu.memory_space<semaphore_mem>> -> memref<1x!tpu.dma_semaphore, #tpu.memory_space<semaphore_mem>>
    %dma_wait3A_3050 = tpu.memref_squeeze %dma_wait3A_3049 : memref<1x!tpu.dma_semaphore, #tpu.memory_space<semaphore_mem>> -> memref<!tpu.dma_semaphore, #tpu.memory_space<semaphore_mem>>
    %dma_wait3A_3051 = arith.constant 0 : i32
    %dma_wait3A_3052 = tpu.memref_slice %arg2[%dma_wait3A_3047, %mul3A_0, %dma_wait3A_3051] : memref<1x4096x1024xf32, #tpu.memory_space<hbm>> -> memref<1x32x1024xf32, #tpu.memory_space<hbm>>
    %dma_wait3A_3053 = tpu.memref_squeeze %dma_wait3A_3052 : memref<1x32x1024xf32, #tpu.memory_space<hbm>> -> memref<32x1024xf32, #tpu.memory_space<hbm>>
    %dma_wait3A_3054 = arith.constant 0 : i32
    %dma_wait3A_3055 = arith.constant 0 : i32
    %dma_wait3A_3056 = tpu.memref_slice %arg3[%dma_wait3A_3046, %dma_wait3A_3054, %dma_wait3A_3055] : memref<32x32x1024xf32, #tpu.memory_space<vmem_shared>> -> memref<1x32x1024xf32, #tpu.memory_space<vmem_shared>>
    %dma_wait3A_3057 = tpu.memref_squeeze %dma_wait3A_3056 : memref<1x32x1024xf32, #tpu.memory_space<vmem_shared>> -> memref<32x1024xf32, #tpu.memory_space<vmem_shared>>
    tpu.wait_dma2 semaphore(%dma_wait3A_3050 : memref<!tpu.dma_semaphore, #tpu.memory_space<semaphore_mem>>) src(%dma_wait3A_3057 : memref<32x1024xf32, #tpu.memory_space<vmem_shared>>) dst(%dma_wait3A_3053 : memref<32x1024xf32, #tpu.memory_space<hbm>>)
    %dma_wait3A_3058 = arith.constant 31 : i32
    %dma_wait3A_3059 = arith.constant 0 : i32
    %dma_wait3A_3060 = arith.constant 31 : i32
    %dma_wait3A_3061 = tpu.memref_slice %arg5[%dma_wait3A_3060] : memref<32x!tpu.dma_semaphore, #tpu.memory_space<semaphore_mem>> -> memref<1x!tpu.dma_semaphore, #tpu.memory_space<semaphore_mem>>
    %dma_wait3A_3062 = tpu.memref_squeeze %dma_wait3A_3061 : memref<1x!tpu.dma_semaphore, #tpu.memory_space<semaphore_mem>> -> memref<!tpu.dma_semaphore, #tpu.memory_space<semaphore_mem>>
    %dma_wait3A_3063 = arith.constant 0 : i32
    %dma_wait3A_3064 = tpu.memref_slice %arg2[%dma_wait3A_3059, %mul3A_0, %dma_wait3A_3063] : memref<1x4096x1024xf32, #tpu.memory_space<hbm>> -> memref<1x32x1024xf32, #tpu.memory_space<hbm>>
    %dma_wait3A_3065 = tpu.memref_squeeze %dma_wait3A_3064 : memref<1x32x1024xf32, #tpu.memory_space<hbm>> -> memref<32x1024xf32, #tpu.memory_space<hbm>>
    %dma_wait3A_3066 = arith.constant 0 : i32
    %dma_wait3A_3067 = arith.constant 0 : i32
    %dma_wait3A_3068 = tpu.memref_slice %arg3[%dma_wait3A_3058, %dma_wait3A_3066, %dma_wait3A_3067] : memref<32x32x1024xf32, #tpu.memory_space<vmem_shared>> -> memref<1x32x1024xf32, #tpu.memory_space<vmem_shared>>
    %dma_wait3A_3069 = tpu.memref_squeeze %dma_wait3A_3068 : memref<1x32x1024xf32, #tpu.memory_space<vmem_shared>> -> memref<32x1024xf32, #tpu.memory_space<vmem_shared>>
    tpu.wait_dma2 semaphore(%dma_wait3A_3062 : memref<!tpu.dma_semaphore, #tpu.memory_space<semaphore_mem>>) src(%dma_wait3A_3069 : memref<32x1024xf32, #tpu.memory_space<vmem_shared>>) dst(%dma_wait3A_3065 : memref<32x1024xf32, #tpu.memory_space<hbm>>)
    return
  }
}

</mosaic_0001>

<sc_bundles>
// kernel: kernel.3.cloned.1.call-start
scs
__scs_entry_jumppad:
0x0: {  	(pc) =	sbr.rel $0x88, $3  }
0x1: {  	(tag) =	ssettag $0x0;
	lr =	simm.s32 $0x1  }
0x2: {  	[smem:$0x3FA0] =	sst lr;
	_ =	strace $0xD0000000  }
0x3: {  	_ = 	snop  }
0x4: {  	_ = 	snop  }
0x5: {  	_ = 	snop  }
0x6: {  	_ = 	snop  }
0x7: {  	_ = 	snop  }
__scs_overlays_trampoline_lowered:
0x8: {  	[smem:$0x3FAF] =	sst s0  }
0x9: {  	[smem:$0x3FB0] =	sst s1  }
0xa: {  	[smem:$0x3FB1] =	sst s2  }
0xb: {  	[smem:$0x3FB2] =	sst s3  }
0xc: {  	[smem:$0x3FB3] =	sst s4  }
0xd: {  	[smem:$0x3FB4] =	sst s5  }
0xe: {  	[smem:$0x3FB5] =	sst s6  }
0xf: {  	[smem:$0x3FB6] =	sst s7  }
0x10: {  	[smem:$0x3FB7] =	sst s8  }
0x11: {  	[smem:$0x3FB8] =	sst s9;
	s0 =	simm.s32 @!p0 $0x0  }
0x12: {  	s1 =	sld [smem:$0x3F9E];
	s0 =	simm.s32 @p0 $0x1  }
0x13: {  	[smem:$0x3FB9] =	sst s0;
	s0 =	simm.s32 @!p1 $0x0  }
0x14: {  	s2 =	sld [smem:$0x3F9D];
	s0 =	simm.s32 @p1 $0x1  }
0x15: {  	[smem:$0x3FBA] =	sst s0;
	s0 =	simm.s32 @!p2 $0x0  }
0x16: {  	s3 =	sld [smem:$0x3FDB];
	s0 =	simm.s32 @p2 $0x1  }
0x17: {  	s4 =	simm.s32 $0x1BF5;
	[smem:$0x3FBC] =	sst s0  }
0x18: {  	s0 =	sld [smem:$0x3F9F];
	_ =	swait.ge [sflag:s4], $0x0  }
0x19: {  	s7 =	sld [smem:$0x3FA0]  }
0x1a: {  	s8 =	sadd.s32 $0xFFFFE003, lr  }
0x1b: {  	s9 =	sadd.s32 $0xFFFFFEF7, lr;
	s5 =	simm.s32 $0xFFFFFFFF;
	p2 =	slt.u32 s8, $0xFFFFF086  }
0x1c: {  	p1 =	slt.u32 s9, $0xF7A;
	s5 =	simm.s32 @!p2 $0x0  }
0x1d: {  	s5 =	simm.s32 @p1 $0x1;
	p0 =	seq.s32 s7, s2  }
0x1e: {  	s7 =	smul.u32 @!p0 $0xF7A, s2;
	p2 =	seq.s32 @!p0 s5, $0x0  }
0x1f: {  	s9 =	smul.u32 $0xF7A, s1;
	s8 =	simm.s32 @!p0 $0x1BF5;
	p2 =	por !p2, p0  }
0x20: {  	[sflag:s8] =	ssyncset.s32 @!p0 $0xFFFFF086;
	s6 =	sadd.s32 @!p0 s3, s7;
	s7 =	simm.s32 @!p0 $0x108  }
0x21: {  	s3 =	sadd.s32 s3, s9;
	s6 =	sadd.s32 @!p0 $0x88, s6;
	s7 =	simm.s32 @p2 $0x1082  }
0x22: {  	[simem:s7], [sflag:s8] =	dma.local @!p0 [hbm:s6], $0xF7A  }
0x23: {  	s9 =	sor.u32 $0xD0000000, s2;
	s6 =	simm.s32 $0x108;
	_ =	swait.ge @!p0 [sflag:s8], $0x0  }
0x24: {  	s3 =	sadd.s32 $0x88, s3;
	s6 =	simm.s32 @!p1 $0x1082;
	[sflag:s4] =	ssyncset.s32 $0xFFFFF086  }
0x25: {  	[simem:s6], [sflag:s4] =	dma.local [hbm:s3], $0xF7A  }
0x26: {  	[smem:$0x3FA0] =	sst s1;
	(tag) =	ssettag s2;
	_ =	strace s9  }
0x27: {  	s1 =	sld [smem:$0x3FB0]  }
0x28: {  	s2 =	sld [smem:$0x3FB1]  }
0x29: {  	s4 =	sld [smem:$0x3FB3]  }
0x2a: {  	p0 =	seq.s32 s5, $0x0;
	s5 =	sld [smem:$0x3FB4]  }
0x2b: {  	s6 =	sld [smem:$0x3FB5]  }
0x2c: {  	s7 =	sld [smem:$0x3FB6]  }
0x2d: {  	s3 =	simm.s32 $0x108;
	s8 =	sld [smem:$0x3FB7]  }
0x2e: {  	s3 =	simm.s32 @!p0 $0x1082;
	s9 =	sld [smem:$0x3FB8]  }
0x2f: {  	lr =	sadd.s32 s0, s3;
	s0 =	sld [smem:$0x3FAF]  }
0x30: {  	s3 =	sld [smem:$0x3FB2]  }
0x31: {  	[smem:$0x3FBB] =	sst s10  }
0x32: {  	s10 =	sld [smem:$0x3FB9];
	_ =	sdelay $0x3  }
0x33: {  	p0 =	seq.s32 s10, $0x1;
	s10 =	sld [smem:$0x3FBB];
	_ =	sdelay $0x3  }
0x34: {  	[smem:$0x3FBB] =	sst s10  }
0x35: {  	s10 =	sld [smem:$0x3FBA];
	_ =	sdelay $0x3  }
0x36: {  	p1 =	seq.s32 s10, $0x1;
	s10 =	sld [smem:$0x3FBB];
	_ =	sdelay $0x3  }
0x37: {  	[smem:$0x3FBB] =	sst s10  }
0x38: {  	s10 =	sld [smem:$0x3FBC]  }
0x39: {  	_ = 	snop;
	(pc) =	sbr.ind lr, $3  }
0x3a: {  	_ = 	snop  }
0x3b: {  	_ = 	snop  }
0x3c: {  	p2 =	seq.s32 s10, $0x1;
	s10 =	sld [smem:$0x3FBB]  }
0x3d: {  	_ =	shalt  }
0x3e: {  	_ =	shalt  }
0x3f: {  	_ =	shalt  }
0x40: {  	_ =	shalt  }
0x41: {  	_ =	shalt  }
0x42: {  	_ =	shalt  }
0x43: {  	_ =	shalt  }
0x44: {  	_ =	shalt  }
0x45: {  	_ =	shalt  }
0x46: {  	_ =	shalt  }
0x47: {  	_ =	shalt  }
0x48: {  	_ =	shalt  }
0x49: {  	_ =	shalt  }
0x4a: {  	_ =	shalt  }
0x4b: {  	_ =	shalt  }
0x4c: {  	_ =	shalt  }
0x4d: {  	_ =	shalt  }
0x4e: {  	_ =	shalt  }
0x4f: {  	_ =	shalt  }
0x50: {  	_ =	shalt  }
0x51: {  	_ =	shalt  }
0x52: {  	_ =	shalt  }
0x53: {  	_ =	shalt  }
0x54: {  	_ =	shalt  }
0x55: {  	_ =	shalt  }
0x56: {  	_ =	shalt  }
0x57: {  	_ =	shalt  }
0x58: {  	_ =	shalt  }
0x59: {  	_ =	shalt  }
0x5a: {  	_ =	shalt  }
0x5b: {  	_ =	shalt  }
0x5c: {  	_ =	shalt  }
0x5d: {  	_ =	shalt  }
0x5e: {  	_ =	shalt  }
0x5f: {  	_ =	shalt  }
0x60: {  	_ =	shalt  }
0x61: {  	_ =	shalt  }
0x62: {  	_ =	shalt  }
0x63: {  	_ =	shalt  }
0x64: {  	_ =	shalt  }
0x65: {  	_ =	shalt  }
0x66: {  	_ =	shalt  }
0x67: {  	_ =	shalt  }
0x68: {  	_ =	shalt  }
0x69: {  	_ =	shalt  }
0x6a: {  	_ =	shalt  }
0x6b: {  	_ =	shalt  }
0x6c: {  	_ =	shalt  }
0x6d: {  	_ =	shalt  }
0x6e: {  	_ =	shalt  }
0x6f: {  	_ =	shalt  }
0x70: {  	_ =	shalt  }
0x71: {  	_ =	shalt  }
0x72: {  	_ =	shalt  }
0x73: {  	_ =	shalt  }
0x74: {  	_ =	shalt  }
0x75: {  	_ =	shalt  }
0x76: {  	_ =	shalt  }
0x77: {  	_ =	shalt  }
0x78: {  	_ =	shalt  }
0x79: {  	_ =	shalt  }
0x7a: {  	_ =	shalt  }
0x7b: {  	_ =	shalt  }
0x7c: {  	_ =	shalt  }
0x7d: {  	_ =	shalt  }
0x7e: {  	_ =	shalt  }
0x7f: {  	_ =	shalt  }
0x80: {  	_ =	shalt  }
0x81: {  	_ =	shalt  }
0x82: {  	_ =	shalt  }
0x83: {  	_ =	shalt  }
0x84: {  	_ =	shalt  }
0x85: {  	_ =	shalt  }
0x86: {  	_ =	shalt  }
0x87: {  	_ =	shalt  }
.Lfunc_end0:
.L_simem_size_0:
called_computation_lowered:
.L_overlay_start_0:
0x88: {  	s0 =	sld [smem:$0x3FD9]  }
0x89: {  	s1 =	sld [smem:$0x3FFE];
	_ =	sdelay $0x1  }
0x8a: {  	s2 =	srdreg.scid  }
0x8b: {  	s4 =	sand.u32 $0x1, s2  }
0x8c: {  	s18 =	sshll.u32 s4, $0xA;
	s0 =	sadd.s32 s1, s0  }
0x8d: {  	[dreg:$0x0] =	wrdreg s4;
	s0 =	sadd.s32 s0, s18  }
0x8e: {  	s19 =	simm.s32 $0x0;
	[smem:$0x3FC7] =	sst s0  }
0x8f: {  	[smem:$0xF] =	sst s19  }
0x90: {  	s3 =	sld [smem:$0x3FC9]  }
0x91: {  	s2 =	sld [smem:$0x3FD0];
	(tm) =	ssettm $0x1  }
0x92: {  	s21 =	sld [smem:$0x3FFB];
	_ =	sdelay $0x3  }
0x93: {  	_ =	strace s21  }
0x94: {  	s0 =	sld [smem:$0x3FFC];
	_ =	sdelay $0x3  }
0x95: {  	_ =	strace s0  }
0x96: {  	s0 =	sld [smem:$0x3FFD];
	_ =	sdelay $0x1  }
0x97: {  	s20 =	simm.s32 $0x0  }
0x98: {  	s22 =	simm.s32 $0x1B8B;
	s23 =	simm.s32 $0x1B8E;
	s5 =	simm.s32 $0x9  }
0x99: {  	s26 =	simm.s32 $0xA;
	s28 =	simm.s32 $0x1000;
	_ =	strace s0  }
0x9a: {  	s30 =	simm.s32 $0xB;
	s31 =	simm.s32 $0x2000;
	_ =	strace $0x8FFFFFFF  }
0x9b: {  	s8 =	simm.s32 $0xC;
	s9 =	simm.s32 $0x3000;
	_ =	swait.ge [sflag:s22], $0x1  }
0x9c: {  	s11 =	simm.s32 $0x4000;
	s13 =	simm.s32 $0x5000;
	[sflag:s22] =	ssyncset.done $0x0  }
0x9d: {  	s16 =	simm.s32 $0xF;
	s4 =	sshll.u32 s4, $0x12;
	[sflag:s22] =	ssyncadd.s32 $0xFFFFFFFF  }
0x9e: {  	s17 =	simm.s32 $0x6000;
	s7 =	sor.u32 $0x1000, s4;
	[smem:$0x3FD2] =	sst s23  }
0x9f: {  	s6 =	sor.u32 $0x2000, s4;
	s24 =	sadd.s32 s4, s3;
	_ =	strace $0x80000046  }
0xa0: {  	[spmem:s20], [sflag:s5] =	dma.local [hbm:s24], $0x1000  }
0xa1: {  	s15 =	sor.u32 $0x6000, s4;
	s25 =	sadd.s32 s7, s3;
	s5 =	sor.u32 $0x3000, s4  }
0xa2: {  	[spmem:s28], [sflag:s26] =	dma.local [hbm:s25], $0x1000  }
0xa3: {  	s19 =	simm.s32 $0x10;
	s29 =	sadd.s32 s6, s3;
	s1 =	sadd.s32 s5, s3  }
0xa4: {  	[spmem:s31], [sflag:s30] =	dma.local [hbm:s29], $0x1000  }
0xa5: {  	[spmem:s9], [sflag:s8] =	dma.local [hbm:s1], $0x1000  }
0xa6: {  	s14 =	sadd.s32 s15, s3;
	s0 =	sor.u32 $0x5000, s4;
	s1 =	sor.u32 $0x4000, s4  }
0xa7: {  	s12 =	sadd.s32 s0, s3;
	s9 =	simm.s32 $0xD;
	s10 =	sadd.s32 s1, s3  }
0xa8: {  	[spmem:s11], [sflag:s9] =	dma.local [hbm:s10], $0x1000  }
0xa9: {  	s23 =	simm.s32 $0x11;
	s20 =	simm.s32 $0x7000;
	s10 =	simm.s32 $0xE  }
0xaa: {  	[spmem:s13], [sflag:s10] =	dma.local [hbm:s12], $0x1000  }
0xab: {  	s31 =	simm.s32 $0x8000;
	s11 =	simm.s32 $0x12;
	s13 =	sor.u32 $0x7000, s4  }
0xac: {  	[spmem:s17], [sflag:s16] =	dma.local [hbm:s14], $0x1000  }
0xad: {  	s12 =	simm.s32 $0x9000;
	s18 =	sadd.s32 s13, s3;
	s17 =	sor.u32 $0xA000, s4  }
0xae: {  	[spmem:s20], [sflag:s19] =	dma.local [hbm:s18], $0x1000  }
0xaf: {  	s16 =	simm.s32 $0x13;
	s19 =	sor.u32 $0x8000, s4;
	s18 =	sor.u32 $0x9000, s4  }
0xb0: {  	s14 =	sadd.s32 s17, s3;
	s20 =	simm.s32 $0xA000;
	s21 =	sadd.s32 s19, s3  }
0xb1: {  	[spmem:s31], [sflag:s23] =	dma.local [hbm:s21], $0x1000  }
0xb2: {  	s10 =	sadd.s32 s18, s3;
	s23 =	simm.s32 $0x14;
	s31 =	simm.s32 $0xB000  }
0xb3: {  	[spmem:s12], [sflag:s11] =	dma.local [hbm:s10], $0x1000  }
0xb4: {  	[spmem:s20], [sflag:s16] =	dma.local [hbm:s14], $0x1000  }
0xb5: {  	s12 =	simm.s32 $0x15;
	s16 =	sor.u32 $0xB000, s4;
	s14 =	sor.u32 $0xC000, s4  }
0xb6: {  	s20 =	simm.s32 $0xC000;
	s21 =	sadd.s32 s16, s3;
	s11 =	sadd.s32 s14, s3  }
0xb7: {  	[spmem:s31], [sflag:s23] =	dma.local [hbm:s21], $0x1000  }
0xb8: {  	[spmem:s20], [sflag:s12] =	dma.local [hbm:s11], $0x1000  }
0xb9: {  	s23 =	simm.s32 $0x16;
	s12 =	sor.u32 $0xD000, s4  }
0xba: {  	s31 =	simm.s32 $0xD000;
	s11 =	sor.u32 $0xE000, s4;
	s21 =	sadd.s32 s12, s3  }
0xbb: {  	[spmem:s31], [sflag:s23] =	dma.local [hbm:s21], $0x1000  }
0xbc: {  	s20 =	simm.s32 $0x17;
	s10 =	sadd.s32 s11, s3;
	s21 =	simm.s32 $0xE000  }
0xbd: {  	[spmem:s21], [sflag:s20] =	dma.local [hbm:s10], $0x1000  }
0xbe: {  	s9 =	sor.u32 $0x10000, s4;
	s31 =	simm.s32 $0xF000;
	s10 =	sor.u32 $0xF000, s4  }
0xbf: {  	s20 =	simm.s32 $0x18;
	s21 =	simm.s32 $0x19;
	s23 =	sadd.s32 s10, s3  }
0xc0: {  	[spmem:s31], [sflag:s20] =	dma.local [hbm:s23], $0x1000  }
0xc1: {  	s20 =	sadd.s32 s9, s3;
	s23 =	simm.s32 $0x10000;
	s31 =	simm.s32 $0x9  }
0xc2: {  	[spmem:s23], [sflag:s21] =	dma.local [hbm:s20], $0x1000  }
0xc3: {  	_ =	swait.ge [sflag:s31], $0x1000  }
0xc4: {  	s22 =	simm.s32 $0x0;
	s8 =	sor.u32 $0x11000, s4;
	[sflag:s31] =	ssyncset.done $0x0  }
0xc5: {  	s20 =	sadd.s32 s4, s2;
	s21 =	simm.s32 $0x29;
	[sflag:s31] =	ssyncadd.s32 $0xFFFFF000  }
0xc6: {  	[hbm:s20], [sflag:s21] =	dma.local [spmem:s22], $0x1000  }
0xc7: {  	s23 =	simm.s32 $0x1A;
	s20 =	sadd.s32 s8, s3;
	s22 =	simm.s32 $0x11000  }
0xc8: {  	[spmem:s22], [sflag:s23] =	dma.local [hbm:s20], $0x1000  }
0xc9: {  	s22 =	simm.s32 $0xA  }
0xca: {  	_ =	swait.ge [sflag:s22], $0x1000  }
0xcb: {  	s7 =	sadd.s32 s7, s2;
	[sflag:s22] =	ssyncset.done $0x0  }
0xcc: {  	s25 =	simm.s32 $0x1000;
	s23 =	simm.s32 $0x2A;
	[sflag:s22] =	ssyncadd.s32 $0xFFFFF000  }
0xcd: {  	[hbm:s7], [sflag:s23] =	dma.local [spmem:s25], $0x1000  }
0xce: {  	s7 =	sor.u32 $0x12000, s4  }
0xcf: {  	s22 =	simm.s32 $0x1B;
	s23 =	simm.s32 $0x12000;
	s25 =	sadd.s32 s7, s3  }
0xd0: {  	[spmem:s23], [sflag:s22] =	dma.local [hbm:s25], $0x1000  }
0xd1: {  	s23 =	simm.s32 $0xB  }
0xd2: {  	_ =	swait.ge [sflag:s23], $0x1000  }
0xd3: {  	s6 =	sadd.s32 s6, s2;
	[sflag:s23] =	ssyncset.done $0x0  }
0xd4: {  	s26 =	simm.s32 $0x2000;
	s25 =	simm.s32 $0x2B;
	[sflag:s23] =	ssyncadd.s32 $0xFFFFF000  }
0xd5: {  	[hbm:s6], [sflag:s25] =	dma.local [spmem:s26], $0x1000  }
0xd6: {  	s22 =	simm.s32 $0x1C;
	s6 =	sor.u32 $0x13000, s4  }
0xd7: {  	s23 =	simm.s32 $0x13000;
	s25 =	simm.s32 $0xC;
	s26 =	sadd.s32 s6, s3  }
0xd8: {  	[spmem:s23], [sflag:s22] =	dma.local [hbm:s26], $0x1000  }
0xd9: {  	_ =	swait.ge [sflag:s25], $0x1000  }
0xda: {  	s5 =	sadd.s32 s5, s2;
	[sflag:s25] =	ssyncset.done $0x0  }
0xdb: {  	s29 =	simm.s32 $0x3000;
	s26 =	simm.s32 $0x2C;
	[sflag:s25] =	ssyncadd.s32 $0xFFFFF000  }
0xdc: {  	[hbm:s5], [sflag:s26] =	dma.local [spmem:s29], $0x1000  }
0xdd: {  	s23 =	simm.s32 $0x1D;
	s5 =	sor.u32 $0x14000, s4  }
0xde: {  	s25 =	simm.s32 $0x14000;
	s29 =	simm.s32 $0xD;
	s22 =	sadd.s32 s5, s3  }
0xdf: {  	[spmem:s25], [sflag:s23] =	dma.local [hbm:s22], $0x1000  }
0xe0: {  	_ =	swait.ge [sflag:s29], $0x1000  }
0xe1: {  	s30 =	simm.s32 $0x4000;
	[sflag:s29] =	ssyncset.done $0x0  }
0xe2: {  	s1 =	sadd.s32 s1, s2;
	s22 =	simm.s32 $0x2D;
	[sflag:s29] =	ssyncadd.s32 $0xFFFFF000  }
0xe3: {  	[hbm:s1], [sflag:s22] =	dma.local [spmem:s30], $0x1000  }
0xe4: {  	s25 =	simm.s32 $0x1E;
	s1 =	sor.u32 $0x15000, s4  }
0xe5: {  	s29 =	simm.s32 $0x15000;
	s30 =	simm.s32 $0xE;
	s23 =	sadd.s32 s1, s3  }
0xe6: {  	[spmem:s29], [sflag:s25] =	dma.local [hbm:s23], $0x1000  }
0xe7: {  	_ =	swait.ge [sflag:s30], $0x1000  }
0xe8: {  	s0 =	sadd.s32 s0, s2;
	[sflag:s30] =	ssyncset.done $0x0  }
0xe9: {  	s24 =	simm.s32 $0x5000;
	s22 =	simm.s32 $0x2E;
	[sflag:s30] =	ssyncadd.s32 $0xFFFFF000  }
0xea: {  	[hbm:s0], [sflag:s22] =	dma.local [spmem:s24], $0x1000  }
0xeb: {  	s25 =	simm.s32 $0x16000;
	s0 =	sor.u32 $0x16000, s4  }
0xec: {  	s29 =	simm.s32 $0xF;
	s24 =	simm.s32 $0x1F;
	s23 =	sadd.s32 s0, s3  }
0xed: {  	[spmem:s25], [sflag:s24] =	dma.local [hbm:s23], $0x1000  }
0xee: {  	_ =	swait.ge [sflag:s29], $0x1000  }
0xef: {  	s15 =	sadd.s32 s15, s2;
	[sflag:s29] =	ssyncset.done $0x0  }
0xf0: {  	s28 =	simm.s32 $0x6000;
	s30 =	simm.s32 $0x2F;
	[sflag:s29] =	ssyncadd.s32 $0xFFFFF000  }
0xf1: {  	[hbm:s15], [sflag:s30] =	dma.local [spmem:s28], $0x1000  }
0xf2: {  	s23 =	simm.s32 $0x20;
	s15 =	sor.u32 $0x17000, s4  }
0xf3: {  	s24 =	simm.s32 $0x17000;
	s25 =	simm.s32 $0x10;
	s22 =	sadd.s32 s15, s3  }
0xf4: {  	[spmem:s24], [sflag:s23] =	dma.local [hbm:s22], $0x1000  }
0xf5: {  	_ =	swait.ge [sflag:s25], $0x1000  }
0xf6: {  	s13 =	sadd.s32 s13, s2;
	[sflag:s25] =	ssyncset.done $0x0  }
0xf7: {  	s29 =	simm.s32 $0x30;
	s24 =	simm.s32 $0x7000;
	[sflag:s25] =	ssyncadd.s32 $0xFFFFF000  }
0xf8: {  	[hbm:s13], [sflag:s29] =	dma.local [spmem:s24], $0x1000  }
0xf9: {  	s22 =	simm.s32 $0x21;
	s13 =	sor.u32 $0x18000, s4  }
0xfa: {  	s23 =	simm.s32 $0x18000;
	s25 =	simm.s32 $0x11;
	s30 =	sadd.s32 s13, s3  }
0xfb: {  	[spmem:s23], [sflag:s22] =	dma.local [hbm:s30], $0x1000  }
0xfc: {  	s19 =	sadd.s32 s19, s2;
	_ =	swait.ge [sflag:s25], $0x1000  }
0xfd: {  	s20 =	sor.u32 $0x19000, s4;
	s29 =	simm.s32 $0x31;
	[sflag:s25] =	ssyncset.done $0x0  }
0xfe: {  	s30 =	simm.s32 $0x8000;
	s22 =	sadd.s32 s20, s3;
	[sflag:s25] =	ssyncadd.s32 $0xFFFFF000  }
0xff: {  	[hbm:s19], [sflag:s29] =	dma.local [spmem:s30], $0x1000  }
0x100: {  	s23 =	simm.s32 $0x22;
	s25 =	simm.s32 $0x19000;
	s30 =	simm.s32 $0x12  }
0x101: {  	[spmem:s25], [sflag:s23] =	dma.local [hbm:s22], $0x1000  }
0x102: {  	_ =	swait.ge [sflag:s30], $0x1000  }
0x103: {  	s18 =	sadd.s32 s18, s2;
	[sflag:s30] =	ssyncset.done $0x0  }
0x104: {  	s22 =	simm.s32 $0x32;
	s25 =	simm.s32 $0x9000;
	[sflag:s30] =	ssyncadd.s32 $0xFFFFF000  }
0x105: {  	[hbm:s18], [sflag:s22] =	dma.local [spmem:s25], $0x1000  }
0x106: {  	s18 =	sor.u32 $0x1A000, s4  }
0x107: {  	s29 =	simm.s32 $0x23;
	s30 =	simm.s32 $0x1A000;
	s23 =	sadd.s32 s18, s3  }
0x108: {  	[spmem:s30], [sflag:s29] =	dma.local [hbm:s23], $0x1000  }
0x109: {  	s23 =	simm.s32 $0x13  }
0x10a: {  	_ =	swait.ge [sflag:s23], $0x1000  }
0x10b: {  	s17 =	sadd.s32 s17, s2;
	s22 =	sor.u32 $0x1B000, s4;
	[sflag:s23] =	ssyncset.done $0x0  }
0x10c: {  	s29 =	simm.s32 $0x33;
	s30 =	simm.s32 $0xA000;
	[sflag:s23] =	ssyncadd.s32 $0xFFFFF000  }
0x10d: {  	[hbm:s17], [sflag:s29] =	dma.local [spmem:s30], $0x1000  }
0x10e: {  	s23 =	sadd.s32 s22, s3;
	s29 =	simm.s32 $0x24;
	s30 =	simm.s32 $0x1B000  }
0x10f: {  	[spmem:s30], [sflag:s29] =	dma.local [hbm:s23], $0x1000  }
0x110: {  	s29 =	simm.s32 $0x14  }
0x111: {  	_ =	swait.ge [sflag:s29], $0x1000  }
0x112: {  	s16 =	sadd.s32 s16, s2;
	s19 =	sor.u32 $0x1C000, s4;
	[sflag:s29] =	ssyncset.done $0x0  }
0x113: {  	s30 =	simm.s32 $0x34;
	s23 =	simm.s32 $0xB000;
	[sflag:s29] =	ssyncadd.s32 $0xFFFFF000  }
0x114: {  	[hbm:s16], [sflag:s30] =	dma.local [spmem:s23], $0x1000  }
0x115: {  	s29 =	simm.s32 $0x25;
	[dreg:$0x4] =	wrdreg s19  }
0x116: {  	s16 =	sadd.s32 s19, s3;
	s30 =	simm.s32 $0x1C000;
	s19 =	simm.s32 $0x15  }
0x117: {  	[spmem:s30], [sflag:s29] =	dma.local [hbm:s16], $0x1000  }
0x118: {  	_ =	swait.ge [sflag:s19], $0x1000  }
0x119: {  	s14 =	sadd.s32 s14, s2;
	s29 =	simm.s32 $0x35;
	[sflag:s19] =	ssyncset.done $0x0  }
0x11a: {  	s30 =	simm.s32 $0xC000;
	[sflag:s19] =	ssyncadd.s32 $0xFFFFF000;
	s19 =	sor.u32 $0x1D000, s4  }
0x11b: {  	[hbm:s14], [sflag:s29] =	dma.local [spmem:s30], $0x1000  }
0x11c: {  	[dreg:$0x3] =	wrdreg s19;
	s14 =	sadd.s32 s19, s3  }
0x11d: {  	s29 =	simm.s32 $0x26;
	s30 =	simm.s32 $0x1D000;
	s19 =	simm.s32 $0x16  }
0x11e: {  	[spmem:s30], [sflag:s29] =	dma.local [hbm:s14], $0x1000  }
0x11f: {  	_ =	swait.ge [sflag:s19], $0x1000  }
0x120: {  	s12 =	sadd.s32 s12, s2;
	s17 =	sor.u32 $0x1E000, s4;
	[sflag:s19] =	ssyncset.done $0x0  }
0x121: {  	s29 =	simm.s32 $0x36;
	s30 =	simm.s32 $0xD000;
	[sflag:s19] =	ssyncadd.s32 $0xFFFFF000  }
0x122: {  	[hbm:s12], [sflag:s29] =	dma.local [spmem:s30], $0x1000  }
0x123: {  	s19 =	simm.s32 $0x27;
	[dreg:$0x1] =	wrdreg s17  }
0x124: {  	s12 =	sadd.s32 s17, s3;
	s29 =	simm.s32 $0x1E000;
	s30 =	simm.s32 $0x17  }
0x125: {  	[spmem:s29], [sflag:s19] =	dma.local [hbm:s12], $0x1000  }
0x126: {  	s11 =	sadd.s32 s11, s2;
	_ =	swait.ge [sflag:s30], $0x1000  }
0x127: {  	s16 =	simm.s32 $0xE000;
	s14 =	simm.s32 $0x37;
	[sflag:s30] =	ssyncset.done $0x0  }
0x128: {  	s29 =	sor.u32 $0x1F000, s4;
	s19 =	simm.s32 $0x28;
	[sflag:s30] =	ssyncadd.s32 $0xFFFFF000  }
0x129: {  	[hbm:s11], [sflag:s14] =	dma.local [spmem:s16], $0x1000  }
0x12a: {  	s17 =	sadd.s32 s29, s3;
	s30 =	simm.s32 $0x1F000;
	s14 =	simm.s32 $0x18  }
0x12b: {  	[spmem:s30], [sflag:s19] =	dma.local [hbm:s17], $0x1000  }
0x12c: {  	_ =	swait.ge [sflag:s14], $0x1000  }
0x12d: {  	[sflag:s14] =	ssyncset.done $0x0  }
0x12e: {  	s10 =	sadd.s32 s10, s2;
	[sflag:s14] =	ssyncadd.s32 $0xFFFFF000  }
0x12f: {  	s16 =	simm.s32 $0x38;
	s17 =	simm.s32 $0xF000;
	s19 =	simm.s32 $0x29  }
0x130: {  	[hbm:s10], [sflag:s16] =	dma.local [spmem:s17], $0x1000  }
0x131: {  	_ =	swait.ge [sflag:s19], $0x1000  }
0x132: {  	s31 =	simm.s32 $0x9;
	[sflag:s19] =	ssyncset.done $0x0  }
0x133: {  	s21 =	simm.s32 $0x0;
	s30 =	sor.u32 $0x20000, s4;
	[sflag:s19] =	ssyncadd.s32 $0xFFFFF000  }
0x134: {  	s12 =	simm.s32 $0x19;
	s11 =	sadd.s32 s30, s3;
	[dreg:$0x2] =	wrdreg s30  }
0x135: {  	[spmem:s21], [sflag:s31] =	dma.local [hbm:s11], $0x1000  }
0x136: {  	_ =	swait.ge [sflag:s12], $0x1000  }
0x137: {  	[sflag:s12] =	ssyncset.done $0x0  }
0x138: {  	s9 =	sadd.s32 s9, s2;
	[sflag:s12] =	ssyncadd.s32 $0xFFFFF000  }
0x139: {  	s14 =	simm.s32 $0x39;
	s16 =	simm.s32 $0x10000;
	s17 =	simm.s32 $0x2A  }
0x13a: {  	[hbm:s9], [sflag:s14] =	dma.local [spmem:s16], $0x1000  }
0x13b: {  	_ =	swait.ge [sflag:s17], $0x1000  }
0x13c: {  	s30 =	sor.u32 $0x21000, s4;
	[sflag:s17] =	ssyncset.done $0x0  }
0x13d: {  	s19 =	sadd.s32 s30, s3;
	[sflag:s17] =	ssyncadd.s32 $0xFFFFF000  }
0x13e: {  	s21 =	simm.s32 $0x1000;
	s31 =	simm.s32 $0xA;
	s11 =	simm.s32 $0x1A  }
0x13f: {  	[spmem:s21], [sflag:s31] =	dma.local [hbm:s19], $0x1000  }
0x140: {  	_ =	swait.ge [sflag:s11], $0x1000  }
0x141: {  	[sflag:s11] =	ssyncset.done $0x0  }
0x142: {  	s8 =	sadd.s32 s8, s2;
	[sflag:s11] =	ssyncadd.s32 $0xFFFFF000  }
0x143: {  	s12 =	simm.s32 $0x3A;
	s14 =	simm.s32 $0x11000;
	s16 =	simm.s32 $0x2B  }
0x144: {  	[hbm:s8], [sflag:s12] =	dma.local [spmem:s14], $0x1000  }
0x145: {  	_ =	swait.ge [sflag:s16], $0x1000  }
0x146: {  	[sflag:s16] =	ssyncset.done $0x0  }
0x147: {  	s9 =	simm.s32 $0x1B;
	s21 =	sor.u32 $0x22000, s4;
	[sflag:s16] =	ssyncadd.s32 $0xFFFFF000  }
0x148: {  	s19 =	simm.s32 $0x2000;
	s31 =	simm.s32 $0xB;
	s17 =	sadd.s32 s21, s3  }
0x149: {  	[spmem:s19], [sflag:s31] =	dma.local [hbm:s17], $0x1000  }
0x14a: {  	_ =	swait.ge [sflag:s9], $0x1000  }
0x14b: {  	[sflag:s9] =	ssyncset.done $0x0  }
0x14c: {  	s7 =	sadd.s32 s7, s2;
	[sflag:s9] =	ssyncadd.s32 $0xFFFFF000  }
0x14d: {  	s10 =	simm.s32 $0x3B;
	s11 =	simm.s32 $0x12000;
	s12 =	simm.s32 $0x2C  }
0x14e: {  	[hbm:s7], [sflag:s10] =	dma.local [spmem:s11], $0x1000  }
0x14f: {  	_ =	swait.ge [sflag:s12], $0x1000  }
0x150: {  	[sflag:s12] =	ssyncset.done $0x0  }
0x151: {  	s26 =	simm.s32 $0x3000;
	s19 =	sor.u32 $0x23000, s4;
	[sflag:s12] =	ssyncadd.s32 $0xFFFFF000  }
0x152: {  	s16 =	simm.s32 $0xC;
	s17 =	simm.s32 $0x1C;
	s14 =	sadd.s32 s19, s3  }
0x153: {  	[spmem:s26], [sflag:s16] =	dma.local [hbm:s14], $0x1000  }
0x154: {  	_ =	swait.ge [sflag:s17], $0x1000  }
0x155: {  	[sflag:s17] =	ssyncset.done $0x0  }
0x156: {  	s6 =	sadd.s32 s6, s2;
	[sflag:s17] =	ssyncadd.s32 $0xFFFFF000  }
0x157: {  	s31 =	simm.s32 $0x13000;
	s9 =	simm.s32 $0x2D;
	s26 =	simm.s32 $0x3C  }
0x158: {  	[hbm:s6], [sflag:s26] =	dma.local [spmem:s31], $0x1000  }
0x159: {  	_ =	swait.ge [sflag:s9], $0x1000  }
0x15a: {  	[sflag:s9] =	ssyncset.done $0x0  }
0x15b: {  	s11 =	simm.s32 $0x4000;
	s17 =	sor.u32 $0x24000, s4;
	[sflag:s9] =	ssyncadd.s32 $0xFFFFF000  }
0x15c: {  	s12 =	simm.s32 $0xD;
	s14 =	simm.s32 $0x1D;
	s10 =	sadd.s32 s17, s3  }
0x15d: {  	[spmem:s11], [sflag:s12] =	dma.local [hbm:s10], $0x1000  }
0x15e: {  	_ =	swait.ge [sflag:s14], $0x1000  }
0x15f: {  	[sflag:s14] =	ssyncset.done $0x0  }
0x160: {  	s5 =	sadd.s32 s5, s2;
	[sflag:s14] =	ssyncadd.s32 $0xFFFFF000  }
0x161: {  	s16 =	simm.s32 $0x3D;
	s26 =	simm.s32 $0x14000;
	s31 =	simm.s32 $0x2E  }
0x162: {  	[hbm:s5], [sflag:s16] =	dma.local [spmem:s26], $0x1000  }
0x163: {  	_ =	swait.ge [sflag:s31], $0x1000  }
0x164: {  	[sflag:s31] =	ssyncset.done $0x0  }
0x165: {  	s8 =	simm.s32 $0xE;
	s16 =	sor.u32 $0x25000, s4;
	[sflag:s31] =	ssyncadd.s32 $0xFFFFF000  }
0x166: {  	s7 =	simm.s32 $0x5000;
	s9 =	simm.s32 $0x1E;
	s6 =	sadd.s32 s16, s3  }
0x167: {  	[spmem:s7], [sflag:s8] =	dma.local [hbm:s6], $0x1000  }
0x168: {  	_ =	swait.ge [sflag:s9], $0x1000  }
0x169: {  	[sflag:s9] =	ssyncset.done $0x0  }
0x16a: {  	s1 =	sadd.s32 s1, s2;
	[sflag:s9] =	ssyncadd.s32 $0xFFFFF000  }
0x16b: {  	s10 =	simm.s32 $0x3E;
	s11 =	simm.s32 $0x15000;
	s12 =	simm.s32 $0x2F  }
0x16c: {  	[hbm:s1], [sflag:s10] =	dma.local [spmem:s11], $0x1000  }
0x16d: {  	_ =	swait.ge [sflag:s12], $0x1000  }
0x16e: {  	[sflag:s12] =	ssyncset.done $0x0  }
0x16f: {  	s28 =	simm.s32 $0x6000;
	s14 =	sor.u32 $0x26000, s4;
	[sflag:s12] =	ssyncadd.s32 $0xFFFFF000  }
0x170: {  	s26 =	sadd.s32 s14, s3;
	s5 =	simm.s32 $0x1F;
	s31 =	simm.s32 $0xF  }
0x171: {  	[spmem:s28], [sflag:s31] =	dma.local [hbm:s26], $0x1000  }
0x172: {  	_ =	swait.ge [sflag:s5], $0x1000  }
0x173: {  	[sflag:s5] =	ssyncset.done $0x0  }
0x174: {  	s0 =	sadd.s32 s0, s2;
	[sflag:s5] =	ssyncadd.s32 $0xFFFFF000  }
0x175: {  	s6 =	simm.s32 $0x3F;
	s7 =	simm.s32 $0x16000;
	s8 =	simm.s32 $0x30  }
0x176: {  	[hbm:s0], [sflag:s6] =	dma.local [spmem:s7], $0x1000  }
0x177: {  	_ =	swait.ge [sflag:s8], $0x1000  }
0x178: {  	[sflag:s8] =	ssyncset.done $0x0  }
0x179: {  	s12 =	sor.u32 $0x27000, s4;
	[sflag:s8] =	ssyncadd.s32 $0xFFFFF000  }
0x17a: {  	s10 =	simm.s32 $0x10;
	s11 =	simm.s32 $0x20;
	s9 =	sadd.s32 s12, s3  }
0x17b: {  	[spmem:s24], [sflag:s10] =	dma.local [hbm:s9], $0x1000  }
0x17c: {  	_ =	swait.ge [sflag:s11], $0x1000  }
0x17d: {  	[sflag:s11] =	ssyncset.done $0x0  }
0x17e: {  	s26 =	simm.s32 $0x40;
	[sflag:s11] =	ssyncadd.s32 $0xFFFFF000  }
0x17f: {  	s28 =	simm.s32 $0x17000;
	s31 =	simm.s32 $0x31;
	s24 =	sadd.s32 s15, s2  }
0x180: {  	[hbm:s24], [sflag:s26] =	dma.local [spmem:s28], $0x1000  }
0x181: {  	_ =	swait.ge [sflag:s31], $0x1000  }
0x182: {  	[sflag:s31] =	ssyncset.done $0x0  }
0x183: {  	s5 =	simm.s32 $0x8000;
	s11 =	sor.u32 $0x28000, s4;
	[sflag:s31] =	ssyncadd.s32 $0xFFFFF000  }
0x184: {  	s6 =	simm.s32 $0x11;
	s7 =	simm.s32 $0x21;
	s1 =	sadd.s32 s11, s3  }
0x185: {  	[spmem:s5], [sflag:s6] =	dma.local [hbm:s1], $0x1000  }
0x186: {  	_ =	swait.ge [sflag:s7], $0x1000  }
0x187: {  	[sflag:s7] =	ssyncset.done $0x0  }
0x188: {  	s8 =	sadd.s32 s13, s2;
	[sflag:s7] =	ssyncadd.s32 $0xFFFFF000  }
0x189: {  	s9 =	simm.s32 $0x18000;
	s10 =	simm.s32 $0x32;
	s26 =	simm.s32 $0x41  }
0x18a: {  	[hbm:s8], [sflag:s26] =	dma.local [spmem:s9], $0x1000  }
0x18b: {  	_ =	swait.ge [sflag:s10], $0x1000  }
0x18c: {  	s13 =	sor.u32 $0x29000, s4;
	[sflag:s10] =	ssyncset.done $0x0  }
0x18d: {  	s15 =	sadd.s32 s13, s3;
	s24 =	simm.s32 $0x12;
	[sflag:s10] =	ssyncadd.s32 $0xFFFFF000  }
0x18e: {  	[spmem:s25], [sflag:s24] =	dma.local [hbm:s15], $0x1000  }
0x18f: {  	s25 =	simm.s32 $0x22  }
0x190: {  	_ =	swait.ge [sflag:s25], $0x1000  }
0x191: {  	[sflag:s25] =	ssyncset.done $0x0  }
0x192: {  	s28 =	sadd.s32 s20, s2;
	[sflag:s25] =	ssyncadd.s32 $0xFFFFF000  }
0x193: {  	s31 =	simm.s32 $0x19000;
	s5 =	simm.s32 $0x33;
	s25 =	simm.s32 $0x42  }
0x194: {  	[hbm:s28], [sflag:s25] =	dma.local [spmem:s31], $0x1000  }
0x195: {  	_ =	swait.ge [sflag:s5], $0x1000  }
0x196: {  	[sflag:s5] =	ssyncset.done $0x0  }
0x197: {  	s7 =	simm.s32 $0xA000;
	s10 =	sor.u32 $0x2A000, s4;
	[sflag:s5] =	ssyncadd.s32 $0xFFFFF000  }
0x198: {  	s8 =	simm.s32 $0x13;
	s9 =	simm.s32 $0x23;
	s6 =	sadd.s32 s10, s3  }
0x199: {  	[spmem:s7], [sflag:s8] =	dma.local [hbm:s6], $0x1000  }
0x19a: {  	_ =	swait.ge [sflag:s9], $0x1000  }
0x19b: {  	[sflag:s9] =	ssyncset.done $0x0  }
0x19c: {  	s20 =	simm.s32 $0x34;
	[sflag:s9] =	ssyncadd.s32 $0xFFFFF000  }
0x19d: {  	s15 =	sadd.s32 s18, s2;
	s24 =	simm.s32 $0x43;
	s18 =	simm.s32 $0x1A000  }
0x19e: {  	[hbm:s15], [sflag:s24] =	dma.local [spmem:s18], $0x1000  }
0x19f: {  	_ =	swait.ge [sflag:s20], $0x1000  }
0x1a0: {  	[sflag:s20] =	ssyncset.done $0x0  }
0x1a1: {  	s9 =	sor.u32 $0x2B000, s4;
	[sflag:s20] =	ssyncadd.s32 $0xFFFFF000  }
0x1a2: {  	s1 =	simm.s32 $0x24;
	s31 =	simm.s32 $0x14;
	s28 =	sadd.s32 s9, s3  }
0x1a3: {  	[spmem:s23], [sflag:s31] =	dma.local [hbm:s28], $0x1000  }
0x1a4: {  	_ =	swait.ge [sflag:s1], $0x1000  }
0x1a5: {  	[sflag:s1] =	ssyncset.done $0x0  }
0x1a6: {  	s5 =	sadd.s32 s22, s2;
	[sflag:s1] =	ssyncadd.s32 $0xFFFFF000  }
0x1a7: {  	s6 =	simm.s32 $0x1B000;
	s7 =	simm.s32 $0x35;
	s23 =	simm.s32 $0x44  }
0x1a8: {  	[hbm:s5], [sflag:s23] =	dma.local [spmem:s6], $0x1000  }
0x1a9: {  	_ =	swait.ge [sflag:s7], $0x1000  }
0x1aa: {  	[sflag:s7] =	ssyncset.done $0x0  }
0x1ab: {  	s22 =	simm.s32 $0x25;
	s8 =	sor.u32 $0x2C000, s4;
	[sflag:s7] =	ssyncadd.s32 $0xFFFFF000  }
0x1ac: {  	s15 =	sadd.s32 s8, s3;
	s18 =	simm.s32 $0xC000;
	s20 =	simm.s32 $0x15  }
0x1ad: {  	[spmem:s18], [sflag:s20] =	dma.local [hbm:s15], $0x1000  }
0x1ae: {  	_ =	swait.ge [sflag:s22], $0x1000  }
0x1af: {  	[sflag:s22] =	ssyncset.done $0x0  }
0x1b0: {  	s31 =	simm.s32 $0x1C000;
	s28 =	rddreg [dreg:$0x4];
	[sflag:s22] =	ssyncadd.s32 $0xFFFFF000  }
0x1b1: {  	s1 =	simm.s32 $0x36;
	s0 =	sadd.s32 s28, s2;
	s22 =	simm.s32 $0x45  }
0x1b2: {  	[hbm:s0], [sflag:s22] =	dma.local [spmem:s31], $0x1000  }
0x1b3: {  	_ =	swait.ge [sflag:s1], $0x1000  }
0x1b4: {  	[sflag:s1] =	ssyncset.done $0x0  }
0x1b5: {  	s6 =	simm.s32 $0xD000;
	s7 =	sor.u32 $0x2D000, s4;
	[sflag:s1] =	ssyncadd.s32 $0xFFFFF000  }
0x1b6: {  	s5 =	sadd.s32 s7, s3;
	s15 =	simm.s32 $0x16;
	s18 =	simm.s32 $0x26  }
0x1b7: {  	[spmem:s6], [sflag:s15] =	dma.local [hbm:s5], $0x1000  }
0x1b8: {  	_ =	swait.ge [sflag:s18], $0x1000  }
0x1b9: {  	[sflag:s18] =	ssyncset.done $0x0  }
0x1ba: {  	s28 =	simm.s32 $0x1D000;
	s20 =	rddreg [dreg:$0x3];
	[sflag:s18] =	ssyncadd.s32 $0xFFFFF000  }
0x1bb: {  	s31 =	simm.s32 $0x37;
	s0 =	sadd.s32 s20, s2;
	s20 =	simm.s32 $0x46  }
0x1bc: {  	[hbm:s0], [sflag:s20] =	dma.local [spmem:s28], $0x1000  }
0x1bd: {  	_ =	swait.ge [sflag:s31], $0x1000  }
0x1be: {  	[sflag:s31] =	ssyncset.done $0x0  }
0x1bf: {  	s6 =	sor.u32 $0x2E000, s4;
	s5 =	simm.s32 $0xE000;
	[sflag:s31] =	ssyncadd.s32 $0xFFFFF000  }
0x1c0: {  	s15 =	simm.s32 $0x17;
	s1 =	sadd.s32 s6, s3;
	s18 =	simm.s32 $0x27  }
0x1c1: {  	[spmem:s5], [sflag:s15] =	dma.local [hbm:s1], $0x1000  }
0x1c2: {  	_ =	swait.ge [sflag:s18], $0x1000  }
0x1c3: {  	[sflag:s18] =	ssyncset.done $0x0  }
0x1c4: {  	s31 =	simm.s32 $0x1E000;
	s28 =	rddreg [dreg:$0x1];
	[sflag:s18] =	ssyncadd.s32 $0xFFFFF000  }
0x1c5: {  	s1 =	simm.s32 $0x38;
	s0 =	sadd.s32 s28, s2;
	s18 =	simm.s32 $0x47  }
0x1c6: {  	[hbm:s0], [sflag:s18] =	dma.local [spmem:s31], $0x1000  }
0x1c7: {  	s5 =	sor.u32 $0x2F000, s4;
	_ =	swait.ge [sflag:s1], $0x1000  }
0x1c8: {  	s15 =	sadd.s32 s5, s3;
	[sflag:s1] =	ssyncset.done $0x0  }
0x1c9: {  	s28 =	simm.s32 $0xF000;
	s31 =	simm.s32 $0x18;
	[sflag:s1] =	ssyncadd.s32 $0xFFFFF000  }
0x1ca: {  	[spmem:s28], [sflag:s31] =	dma.local [hbm:s15], $0x1000  }
0x1cb: {  	s15 =	simm.s32 $0x28  }
0x1cc: {  	_ =	swait.ge [sflag:s15], $0x1000  }
0x1cd: {  	[sflag:s15] =	ssyncset.done $0x0  }
0x1ce: {  	s28 =	sadd.s32 s29, s2;
	[sflag:s15] =	ssyncadd.s32 $0xFFFFF000  }
0x1cf: {  	s29 =	simm.s32 $0x1F000;
	s31 =	simm.s32 $0x39;
	s15 =	simm.s32 $0x48  }
0x1d0: {  	[hbm:s28], [sflag:s15] =	dma.local [spmem:s29], $0x1000  }
0x1d1: {  	s1 =	sor.u32 $0x30000, s4;
	_ =	swait.ge [sflag:s31], $0x1000  }
0x1d2: {  	s0 =	sadd.s32 s1, s3;
	[sflag:s31] =	ssyncset.done $0x0  }
0x1d3: {  	s29 =	simm.s32 $0x10000;
	s28 =	simm.s32 $0x19;
	[sflag:s31] =	ssyncadd.s32 $0xFFFFF000  }
0x1d4: {  	[spmem:s29], [sflag:s28] =	dma.local [hbm:s0], $0x1000  }
0x1d5: {  	s29 =	simm.s32 $0x9  }
0x1d6: {  	_ =	swait.ge [sflag:s29], $0x1000  }
0x1d7: {  	s28 =	simm.s32 $0x0;
	[sflag:s29] =	ssyncset.done $0x0;
	s31 =	rddreg [dreg:$0x2]  }
0x1d8: {  	[sflag:s29] =	ssyncadd.s32 $0xFFFFF000;
	s0 =	sadd.s32 s31, s2;
	s29 =	simm.s32 $0x29  }
0x1d9: {  	[hbm:s0], [sflag:s29] =	dma.local [spmem:s28], $0x1000  }
0x1da: {  	s28 =	simm.s32 $0x3A  }
0x1db: {  	s31 =	sor.u32 $0x31000, s4;
	_ =	swait.ge [sflag:s28], $0x1000  }
0x1dc: {  	s0 =	sadd.s32 s31, s3;
	[sflag:s28] =	ssyncset.done $0x0  }
0x1dd: {  	s29 =	simm.s32 $0x11000;
	[sflag:s28] =	ssyncadd.s32 $0xFFFFF000;
	s28 =	simm.s32 $0x1A  }
0x1de: {  	[spmem:s29], [sflag:s28] =	dma.local [hbm:s0], $0x1000  }
0x1df: {  	s29 =	simm.s32 $0xA  }
0x1e0: {  	_ =	swait.ge [sflag:s29], $0x1000  }
0x1e1: {  	s0 =	sadd.s32 s30, s2;
	[sflag:s29] =	ssyncset.done $0x0  }
0x1e2: {  	s28 =	simm.s32 $0x1000;
	[sflag:s29] =	ssyncadd.s32 $0xFFFFF000;
	s29 =	simm.s32 $0x2A  }
0x1e3: {  	[hbm:s0], [sflag:s29] =	dma.local [spmem:s28], $0x1000  }
0x1e4: {  	s28 =	simm.s32 $0x3B  }
0x1e5: {  	_ =	swait.ge [sflag:s28], $0x1000  }
0x1e6: {  	s0 =	sor.u32 $0x32000, s4;
	s29 =	simm.s32 $0x12000;
	[sflag:s28] =	ssyncset.done $0x0  }
0x1e7: {  	s30 =	sadd.s32 s0, s3;
	[sflag:s28] =	ssyncadd.s32 $0xFFFFF000;
	s28 =	simm.s32 $0x1B  }
0x1e8: {  	[spmem:s29], [sflag:s28] =	dma.local [hbm:s30], $0x1000  }
0x1e9: {  	s30 =	simm.s32 $0xB  }
0x1ea: {  	_ =	swait.ge [sflag:s30], $0x1000  }
0x1eb: {  	s21 =	sadd.s32 s21, s2;
	[sflag:s30] =	ssyncset.done $0x0  }
0x1ec: {  	s29 =	simm.s32 $0x2B;
	s28 =	simm.s32 $0x2000;
	[sflag:s30] =	ssyncadd.s32 $0xFFFFF000  }
0x1ed: {  	[hbm:s21], [sflag:s29] =	dma.local [spmem:s28], $0x1000  }
0x1ee: {  	s28 =	simm.s32 $0x3C  }
0x1ef: {  	_ =	swait.ge [sflag:s28], $0x1000  }
0x1f0: {  	s21 =	sor.u32 $0x33000, s4;
	s29 =	simm.s32 $0x13000;
	[sflag:s28] =	ssyncset.done $0x0  }
0x1f1: {  	s30 =	sadd.s32 s21, s3;
	[sflag:s28] =	ssyncadd.s32 $0xFFFFF000;
	s28 =	simm.s32 $0x1C  }
0x1f2: {  	[spmem:s29], [sflag:s28] =	dma.local [hbm:s30], $0x1000  }
0x1f3: {  	s30 =	simm.s32 $0xC  }
0x1f4: {  	_ =	swait.ge [sflag:s30], $0x1000  }
0x1f5: {  	s19 =	sadd.s32 s19, s2;
	[sflag:s30] =	ssyncset.done $0x0  }
0x1f6: {  	s29 =	simm.s32 $0x2C;
	s28 =	simm.s32 $0x3000;
	[sflag:s30] =	ssyncadd.s32 $0xFFFFF000  }
0x1f7: {  	[hbm:s19], [sflag:s29] =	dma.local [spmem:s28], $0x1000  }
0x1f8: {  	s28 =	simm.s32 $0x3D  }
0x1f9: {  	_ =	swait.ge [sflag:s28], $0x1000  }
0x1fa: {  	s19 =	sor.u32 $0x34000, s4;
	s29 =	simm.s32 $0x14000;
	[sflag:s28] =	ssyncset.done $0x0  }
0x1fb: {  	s30 =	sadd.s32 s19, s3;
	[sflag:s28] =	ssyncadd.s32 $0xFFFFF000;
	s28 =	simm.s32 $0x1D  }
0x1fc: {  	[spmem:s29], [sflag:s28] =	dma.local [hbm:s30], $0x1000  }
0x1fd: {  	s30 =	simm.s32 $0xD  }
0x1fe: {  	_ =	swait.ge [sflag:s30], $0x1000  }
0x1ff: {  	s17 =	sadd.s32 s17, s2;
	[sflag:s30] =	ssyncset.done $0x0  }
0x200: {  	s29 =	simm.s32 $0x2D;
	s28 =	simm.s32 $0x4000;
	[sflag:s30] =	ssyncadd.s32 $0xFFFFF000  }
0x201: {  	[hbm:s17], [sflag:s29] =	dma.local [spmem:s28], $0x1000  }
0x202: {  	s28 =	simm.s32 $0x3E  }
0x203: {  	_ =	swait.ge [sflag:s28], $0x1000  }
0x204: {  	s17 =	sor.u32 $0x35000, s4;
	s29 =	simm.s32 $0x15000;
	[sflag:s28] =	ssyncset.done $0x0  }
0x205: {  	s30 =	sadd.s32 s17, s3;
	[sflag:s28] =	ssyncadd.s32 $0xFFFFF000;
	s28 =	simm.s32 $0x1E  }
0x206: {  	[spmem:s29], [sflag:s28] =	dma.local [hbm:s30], $0x1000  }
0x207: {  	s30 =	simm.s32 $0xE  }
0x208: {  	_ =	swait.ge [sflag:s30], $0x1000  }
0x209: {  	s16 =	sadd.s32 s16, s2;
	[sflag:s30] =	ssyncset.done $0x0  }
0x20a: {  	s29 =	simm.s32 $0x2E;
	s28 =	simm.s32 $0x5000;
	[sflag:s30] =	ssyncadd.s32 $0xFFFFF000  }
0x20b: {  	[hbm:s16], [sflag:s29] =	dma.local [spmem:s28], $0x1000  }
0x20c: {  	s28 =	simm.s32 $0x3F  }
0x20d: {  	_ =	swait.ge [sflag:s28], $0x1000  }
0x20e: {  	s16 =	sor.u32 $0x36000, s4;
	s29 =	simm.s32 $0x16000;
	[sflag:s28] =	ssyncset.done $0x0  }
0x20f: {  	s30 =	sadd.s32 s16, s3;
	[sflag:s28] =	ssyncadd.s32 $0xFFFFF000;
	s28 =	simm.s32 $0x1F  }
0x210: {  	[spmem:s29], [sflag:s28] =	dma.local [hbm:s30], $0x1000  }
0x211: {  	s30 =	simm.s32 $0xF  }
0x212: {  	_ =	swait.ge [sflag:s30], $0x1000  }
0x213: {  	s14 =	sadd.s32 s14, s2;
	[sflag:s30] =	ssyncset.done $0x0  }
0x214: {  	s29 =	simm.s32 $0x2F;
	s28 =	simm.s32 $0x6000;
	[sflag:s30] =	ssyncadd.s32 $0xFFFFF000  }
0x215: {  	[hbm:s14], [sflag:s29] =	dma.local [spmem:s28], $0x1000  }
0x216: {  	s29 =	simm.s32 $0x40  }
0x217: {  	_ =	swait.ge [sflag:s29], $0x1000  }
0x218: {  	s14 =	sor.u32 $0x37000, s4;
	s28 =	simm.s32 $0x17000;
	[sflag:s29] =	ssyncset.done $0x0  }
0x219: {  	s30 =	sadd.s32 s14, s3;
	[sflag:s29] =	ssyncadd.s32 $0xFFFFF000;
	s29 =	simm.s32 $0x20  }
0x21a: {  	[spmem:s28], [sflag:s29] =	dma.local [hbm:s30], $0x1000  }
0x21b: {  	s30 =	simm.s32 $0x10  }
0x21c: {  	_ =	swait.ge [sflag:s30], $0x1000  }
0x21d: {  	[sflag:s30] =	ssyncset.done $0x0  }
0x21e: {  	[sflag:s30] =	ssyncadd.s32 $0xFFFFF000  }
0x21f: {  	s12 =	sadd.s32 s12, s2;
	s29 =	simm.s32 $0x30;
	s28 =	simm.s32 $0x7000  }
0x220: {  	[hbm:s12], [sflag:s29] =	dma.local [spmem:s28], $0x1000  }
0x221: {  	_ =	swait.ge [sflag:s26], $0x1000  }
0x222: {  	s12 =	sor.u32 $0x38000, s4;
	s29 =	simm.s32 $0x18000;
	[sflag:s26] =	ssyncset.done $0x0  }
0x223: {  	s28 =	simm.s32 $0x21;
	s30 =	sadd.s32 s12, s3;
	[sflag:s26] =	ssyncadd.s32 $0xFFFFF000  }
0x224: {  	[spmem:s29], [sflag:s28] =	dma.local [hbm:s30], $0x1000  }
0x225: {  	s30 =	simm.s32 $0x11  }
0x226: {  	_ =	swait.ge [sflag:s30], $0x1000  }
0x227: {  	[sflag:s30] =	ssyncset.done $0x0  }
0x228: {  	[sflag:s30] =	ssyncadd.s32 $0xFFFFF000  }
0x229: {  	s11 =	sadd.s32 s11, s2;
	s29 =	simm.s32 $0x31;
	s28 =	simm.s32 $0x8000  }
0x22a: {  	[hbm:s11], [sflag:s29] =	dma.local [spmem:s28], $0x1000  }
0x22b: {  	_ =	swait.ge [sflag:s25], $0x1000  }
0x22c: {  	s11 =	sor.u32 $0x39000, s4;
	s29 =	simm.s32 $0x19000;
	[sflag:s25] =	ssyncset.done $0x0  }
0x22d: {  	s28 =	simm.s32 $0x22;
	s30 =	sadd.s32 s11, s3;
	[sflag:s25] =	ssyncadd.s32 $0xFFFFF000  }
0x22e: {  	[spmem:s29], [sflag:s28] =	dma.local [hbm:s30], $0x1000  }
0x22f: {  	s30 =	simm.s32 $0x12  }
0x230: {  	_ =	swait.ge [sflag:s30], $0x1000  }
0x231: {  	[sflag:s30] =	ssyncset.done $0x0  }
0x232: {  	[sflag:s30] =	ssyncadd.s32 $0xFFFFF000  }
0x233: {  	s13 =	sadd.s32 s13, s2;
	s29 =	simm.s32 $0x32;
	s28 =	simm.s32 $0x9000  }
0x234: {  	[hbm:s13], [sflag:s29] =	dma.local [spmem:s28], $0x1000  }
0x235: {  	_ =	swait.ge [sflag:s24], $0x1000  }
0x236: {  	s13 =	sor.u32 $0x3A000, s4;
	s29 =	simm.s32 $0x1A000;
	[sflag:s24] =	ssyncset.done $0x0  }
0x237: {  	s28 =	simm.s32 $0x23;
	s30 =	sadd.s32 s13, s3;
	[sflag:s24] =	ssyncadd.s32 $0xFFFFF000  }
0x238: {  	[spmem:s29], [sflag:s28] =	dma.local [hbm:s30], $0x1000  }
0x239: {  	s30 =	simm.s32 $0x13  }
0x23a: {  	_ =	swait.ge [sflag:s30], $0x1000  }
0x23b: {  	[sflag:s30] =	ssyncset.done $0x0  }
0x23c: {  	[sflag:s30] =	ssyncadd.s32 $0xFFFFF000  }
0x23d: {  	s10 =	sadd.s32 s10, s2;
	s29 =	simm.s32 $0x33;
	s28 =	simm.s32 $0xA000  }
0x23e: {  	[hbm:s10], [sflag:s29] =	dma.local [spmem:s28], $0x1000  }
0x23f: {  	_ =	swait.ge [sflag:s23], $0x1000  }
0x240: {  	s10 =	sor.u32 $0x3B000, s4;
	s29 =	simm.s32 $0x1B000;
	[sflag:s23] =	ssyncset.done $0x0  }
0x241: {  	s28 =	simm.s32 $0x24;
	s30 =	sadd.s32 s10, s3;
	[sflag:s23] =	ssyncadd.s32 $0xFFFFF000  }
0x242: {  	[spmem:s29], [sflag:s28] =	dma.local [hbm:s30], $0x1000  }
0x243: {  	s30 =	simm.s32 $0x14  }
0x244: {  	_ =	swait.ge [sflag:s30], $0x1000  }
0x245: {  	[sflag:s30] =	ssyncset.done $0x0  }
0x246: {  	[sflag:s30] =	ssyncadd.s32 $0xFFFFF000  }
0x247: {  	s9 =	sadd.s32 s9, s2;
	s29 =	simm.s32 $0x34;
	s28 =	simm.s32 $0xB000  }
0x248: {  	[hbm:s9], [sflag:s29] =	dma.local [spmem:s28], $0x1000  }
0x249: {  	_ =	swait.ge [sflag:s22], $0x1000  }
0x24a: {  	s9 =	sor.u32 $0x3C000, s4;
	s29 =	simm.s32 $0x1C000;
	[sflag:s22] =	ssyncset.done $0x0  }
0x24b: {  	s28 =	simm.s32 $0x25;
	s30 =	sadd.s32 s9, s3;
	[sflag:s22] =	ssyncadd.s32 $0xFFFFF000  }
0x24c: {  	[spmem:s29], [sflag:s28] =	dma.local [hbm:s30], $0x1000  }
0x24d: {  	s30 =	simm.s32 $0x15  }
0x24e: {  	_ =	swait.ge [sflag:s30], $0x1000  }
0x24f: {  	[sflag:s30] =	ssyncset.done $0x0  }
0x250: {  	[sflag:s30] =	ssyncadd.s32 $0xFFFFF000  }
0x251: {  	s8 =	sadd.s32 s8, s2;
	s29 =	simm.s32 $0x35;
	s28 =	simm.s32 $0xC000  }
0x252: {  	[hbm:s8], [sflag:s29] =	dma.local [spmem:s28], $0x1000  }
0x253: {  	_ =	swait.ge [sflag:s20], $0x1000  }
0x254: {  	s8 =	sor.u32 $0x3D000, s4;
	s29 =	simm.s32 $0x1D000;
	[sflag:s20] =	ssyncset.done $0x0  }
0x255: {  	s28 =	simm.s32 $0x26;
	s30 =	sadd.s32 s8, s3;
	[sflag:s20] =	ssyncadd.s32 $0xFFFFF000  }
0x256: {  	[spmem:s29], [sflag:s28] =	dma.local [hbm:s30], $0x1000  }
0x257: {  	s30 =	simm.s32 $0x16  }
0x258: {  	_ =	swait.ge [sflag:s30], $0x1000  }
0x259: {  	[sflag:s30] =	ssyncset.done $0x0  }
0x25a: {  	[sflag:s30] =	ssyncadd.s32 $0xFFFFF000  }
0x25b: {  	s7 =	sadd.s32 s7, s2;
	s29 =	simm.s32 $0x36;
	s28 =	simm.s32 $0xD000  }
0x25c: {  	[hbm:s7], [sflag:s29] =	dma.local [spmem:s28], $0x1000  }
0x25d: {  	_ =	swait.ge [sflag:s18], $0x1000  }
0x25e: {  	s7 =	sor.u32 $0x3E000, s4;
	s29 =	simm.s32 $0x1E000;
	[sflag:s18] =	ssyncset.done $0x0  }
0x25f: {  	s28 =	simm.s32 $0x27;
	s30 =	sadd.s32 s7, s3;
	[sflag:s18] =	ssyncadd.s32 $0xFFFFF000  }
0x260: {  	[spmem:s29], [sflag:s28] =	dma.local [hbm:s30], $0x1000  }
0x261: {  	s30 =	simm.s32 $0x17  }
0x262: {  	_ =	swait.ge [sflag:s30], $0x1000  }
0x263: {  	[sflag:s30] =	ssyncset.done $0x0  }
0x264: {  	[sflag:s30] =	ssyncadd.s32 $0xFFFFF000  }
0x265: {  	s6 =	sadd.s32 s6, s2;
	s29 =	simm.s32 $0x37;
	s28 =	simm.s32 $0xE000  }
0x266: {  	[hbm:s6], [sflag:s29] =	dma.local [spmem:s28], $0x1000  }
0x267: {  	_ =	swait.ge [sflag:s15], $0x1000  }
0x268: {  	s4 =	sor.u32 $0x3F000, s4;
	[sflag:s15] =	ssyncset.done $0x0  }
0x269: {  	s3 =	sadd.s32 s4, s3;
	[sflag:s15] =	ssyncadd.s32 $0xFFFFF000  }
0x26a: {  	s30 =	simm.s32 $0x18;
	s6 =	simm.s32 $0x1F000;
	s29 =	simm.s32 $0x28  }
0x26b: {  	[spmem:s6], [sflag:s29] =	dma.local [hbm:s3], $0x1000  }
0x26c: {  	_ =	swait.ge [sflag:s30], $0x1000  }
0x26d: {  	s5 =	sadd.s32 s5, s2;
	[sflag:s30] =	ssyncset.done $0x0  }
0x26e: {  	s28 =	simm.s32 $0x38;
	[sflag:s30] =	ssyncadd.s32 $0xFFFFF000;
	s30 =	simm.s32 $0xF000  }
0x26f: {  	[hbm:s5], [sflag:s28] =	dma.local [spmem:s30], $0x1000  }
0x270: {  	s5 =	simm.s32 $0x29  }
0x271: {  	_ =	swait.ge [sflag:s5], $0x1000  }
0x272: {  	[sflag:s5] =	ssyncset.done $0x0  }
0x273: {  	[sflag:s5] =	ssyncadd.s32 $0xFFFFF000;
	_ =	sdelay $0x1  }
0x274: {  	s28 =	simm.s32 $0x19  }
0x275: {  	_ =	swait.ge [sflag:s28], $0x1000  }
0x276: {  	[sflag:s28] =	ssyncset.done $0x0  }
0x277: {  	s1 =	sadd.s32 s1, s2;
	[sflag:s28] =	ssyncadd.s32 $0xFFFFF000  }
0x278: {  	s29 =	simm.s32 $0x39;
	s30 =	simm.s32 $0x10000;
	s5 =	simm.s32 $0x2A  }
0x279: {  	[hbm:s1], [sflag:s29] =	dma.local [spmem:s30], $0x1000  }
0x27a: {  	_ =	swait.ge [sflag:s5], $0x1000  }
0x27b: {  	[sflag:s5] =	ssyncset.done $0x0  }
0x27c: {  	[sflag:s5] =	ssyncadd.s32 $0xFFFFF000;
	_ =	sdelay $0x1  }
0x27d: {  	s28 =	simm.s32 $0x1A  }
0x27e: {  	_ =	swait.ge [sflag:s28], $0x1000  }
0x27f: {  	[sflag:s28] =	ssyncset.done $0x0  }
0x280: {  	s29 =	sadd.s32 s31, s2;
	[sflag:s28] =	ssyncadd.s32 $0xFFFFF000  }
0x281: {  	s30 =	simm.s32 $0x3A;
	s31 =	simm.s32 $0x11000;
	s28 =	simm.s32 $0x2B  }
0x282: {  	[hbm:s29], [sflag:s30] =	dma.local [spmem:s31], $0x1000  }
0x283: {  	_ =	swait.ge [sflag:s28], $0x1000  }
0x284: {  	[sflag:s28] =	ssyncset.done $0x0  }
0x285: {  	[sflag:s28] =	ssyncadd.s32 $0xFFFFF000;
	_ =	sdelay $0x1  }
0x286: {  	s29 =	simm.s32 $0x1B  }
0x287: {  	_ =	swait.ge [sflag:s29], $0x1000  }
0x288: {  	[sflag:s29] =	ssyncset.done $0x0  }
0x289: {  	s0 =	sadd.s32 s0, s2;
	[sflag:s29] =	ssyncadd.s32 $0xFFFFF000  }
0x28a: {  	s5 =	simm.s32 $0x2C;
	s30 =	simm.s32 $0x3B;
	s31 =	simm.s32 $0x12000  }
0x28b: {  	[hbm:s0], [sflag:s30] =	dma.local [spmem:s31], $0x1000  }
0x28c: {  	_ =	swait.ge [sflag:s5], $0x1000  }
0x28d: {  	[sflag:s5] =	ssyncset.done $0x0  }
0x28e: {  	[sflag:s5] =	ssyncadd.s32 $0xFFFFF000;
	_ =	sdelay $0x1  }
0x28f: {  	s28 =	simm.s32 $0x1C  }
0x290: {  	_ =	swait.ge [sflag:s28], $0x1000  }
0x291: {  	[sflag:s28] =	ssyncset.done $0x0  }
0x292: {  	s3 =	simm.s32 $0x2D;
	[sflag:s28] =	ssyncadd.s32 $0xFFFFF000  }
0x293: {  	s29 =	sadd.s32 s21, s2;
	s30 =	simm.s32 $0x3C;
	s31 =	simm.s32 $0x13000  }
0x294: {  	[hbm:s29], [sflag:s30] =	dma.local [spmem:s31], $0x1000  }
0x295: {  	_ =	swait.ge [sflag:s3], $0x1000  }
0x296: {  	[sflag:s3] =	ssyncset.done $0x0  }
0x297: {  	[sflag:s3] =	ssyncadd.s32 $0xFFFFF000;
	_ =	sdelay $0x1  }
0x298: {  	s5 =	simm.s32 $0x1D  }
0x299: {  	_ =	swait.ge [sflag:s5], $0x1000  }
0x29a: {  	[sflag:s5] =	ssyncset.done $0x0  }
0x29b: {  	s21 =	sadd.s32 s19, s2;
	[sflag:s5] =	ssyncadd.s32 $0xFFFFF000  }
0x29c: {  	s28 =	simm.s32 $0x3D;
	s29 =	simm.s32 $0x14000;
	s30 =	simm.s32 $0x2E  }
0x29d: {  	[hbm:s21], [sflag:s28] =	dma.local [spmem:s29], $0x1000  }
0x29e: {  	_ =	swait.ge [sflag:s30], $0x1000  }
0x29f: {  	[sflag:s30] =	ssyncset.done $0x0  }
0x2a0: {  	[sflag:s30] =	ssyncadd.s32 $0xFFFFF000;
	_ =	sdelay $0x1  }
0x2a1: {  	s31 =	simm.s32 $0x1E  }
0x2a2: {  	_ =	swait.ge [sflag:s31], $0x1000  }
0x2a3: {  	[sflag:s31] =	ssyncset.done $0x0  }
0x2a4: {  	s1 =	sadd.s32 s17, s2;
	[sflag:s31] =	ssyncadd.s32 $0xFFFFF000  }
0x2a5: {  	s17 =	simm.s32 $0x2F;
	s3 =	simm.s32 $0x3E;
	s5 =	simm.s32 $0x15000  }
0x2a6: {  	[hbm:s1], [sflag:s3] =	dma.local [spmem:s5], $0x1000  }
0x2a7: {  	_ =	swait.ge [sflag:s17], $0x1000  }
0x2a8: {  	[sflag:s17] =	ssyncset.done $0x0  }
0x2a9: {  	[sflag:s17] =	ssyncadd.s32 $0xFFFFF000;
	_ =	sdelay $0x1  }
0x2aa: {  	s19 =	simm.s32 $0x1F  }
0x2ab: {  	_ =	swait.ge [sflag:s19], $0x1000  }
0x2ac: {  	[sflag:s19] =	ssyncset.done $0x0  }
0x2ad: {  	s21 =	sadd.s32 s16, s2;
	[sflag:s19] =	ssyncadd.s32 $0xFFFFF000  }
0x2ae: {  	s28 =	simm.s32 $0x3F;
	s29 =	simm.s32 $0x16000;
	s30 =	simm.s32 $0x30  }
0x2af: {  	[hbm:s21], [sflag:s28] =	dma.local [spmem:s29], $0x1000  }
0x2b0: {  	_ =	swait.ge [sflag:s30], $0x1000  }
0x2b1: {  	[sflag:s30] =	ssyncset.done $0x0  }
0x2b2: {  	[sflag:s30] =	ssyncadd.s32 $0xFFFFF000;
	_ =	sdelay $0x1  }
0x2b3: {  	s31 =	simm.s32 $0x20  }
0x2b4: {  	_ =	swait.ge [sflag:s31], $0x1000  }
0x2b5: {  	[sflag:s31] =	ssyncset.done $0x0  }
0x2b6: {  	s1 =	sadd.s32 s14, s2;
	[sflag:s31] =	ssyncadd.s32 $0xFFFFF000  }
0x2b7: {  	s3 =	simm.s32 $0x40;
	s5 =	simm.s32 $0x17000;
	s14 =	simm.s32 $0x31  }
0x2b8: {  	[hbm:s1], [sflag:s3] =	dma.local [spmem:s5], $0x1000  }
0x2b9: {  	_ =	swait.ge [sflag:s14], $0x1000  }
0x2ba: {  	[sflag:s14] =	ssyncset.done $0x0  }
0x2bb: {  	[sflag:s14] =	ssyncadd.s32 $0xFFFFF000;
	_ =	sdelay $0x1  }
0x2bc: {  	s16 =	simm.s32 $0x21  }
0x2bd: {  	_ =	swait.ge [sflag:s16], $0x1000  }
0x2be: {  	[sflag:s16] =	ssyncset.done $0x0  }
0x2bf: {  	[sflag:s16] =	ssyncadd.s32 $0xFFFFF000  }
0x2c0: {  	s17 =	sadd.s32 s12, s2;
	s19 =	simm.s32 $0x18000;
	s21 =	simm.s32 $0x32  }
0x2c1: {  	[hbm:s17], [sflag:s26] =	dma.local [spmem:s19], $0x1000  }
0x2c2: {  	_ =	swait.ge [sflag:s21], $0x1000  }
0x2c3: {  	[sflag:s21] =	ssyncset.done $0x0  }
0x2c4: {  	[sflag:s21] =	ssyncadd.s32 $0xFFFFF000;
	_ =	sdelay $0x1  }
0x2c5: {  	s28 =	simm.s32 $0x22  }
0x2c6: {  	_ =	swait.ge [sflag:s28], $0x1000  }
0x2c7: {  	[sflag:s28] =	ssyncset.done $0x0  }
0x2c8: {  	[sflag:s28] =	ssyncadd.s32 $0xFFFFF000  }
0x2c9: {  	s29 =	sadd.s32 s11, s2;
	s30 =	simm.s32 $0x19000;
	s31 =	simm.s32 $0x33  }
0x2ca: {  	[hbm:s29], [sflag:s25] =	dma.local [spmem:s30], $0x1000  }
0x2cb: {  	_ =	swait.ge [sflag:s31], $0x1000  }
0x2cc: {  	[sflag:s31] =	ssyncset.done $0x0  }
0x2cd: {  	[sflag:s31] =	ssyncadd.s32 $0xFFFFF000;
	_ =	sdelay $0x1  }
0x2ce: {  	s1 =	simm.s32 $0x23  }
0x2cf: {  	_ =	swait.ge [sflag:s1], $0x1000  }
0x2d0: {  	[sflag:s1] =	ssyncset.done $0x0  }
0x2d1: {  	[sflag:s1] =	ssyncadd.s32 $0xFFFFF000  }
0x2d2: {  	s11 =	simm.s32 $0x34;
	s3 =	sadd.s32 s13, s2;
	s5 =	simm.s32 $0x1A000  }
0x2d3: {  	[hbm:s3], [sflag:s24] =	dma.local [spmem:s5], $0x1000  }
0x2d4: {  	_ =	swait.ge [sflag:s11], $0x1000  }
0x2d5: {  	[sflag:s11] =	ssyncset.done $0x0  }
0x2d6: {  	[sflag:s11] =	ssyncadd.s32 $0xFFFFF000;
	_ =	sdelay $0x1  }
0x2d7: {  	s12 =	simm.s32 $0x24  }
0x2d8: {  	_ =	swait.ge [sflag:s12], $0x1000  }
0x2d9: {  	[sflag:s12] =	ssyncset.done $0x0  }
0x2da: {  	[sflag:s12] =	ssyncadd.s32 $0xFFFFF000  }
0x2db: {  	s13 =	sadd.s32 s10, s2;
	s14 =	simm.s32 $0x1B000;
	s16 =	simm.s32 $0x35  }
0x2dc: {  	[hbm:s13], [sflag:s23] =	dma.local [spmem:s14], $0x1000  }
0x2dd: {  	_ =	swait.ge [sflag:s16], $0x1000  }
0x2de: {  	[sflag:s16] =	ssyncset.done $0x0  }
0x2df: {  	[sflag:s16] =	ssyncadd.s32 $0xFFFFF000;
	_ =	sdelay $0x1  }
0x2e0: {  	s17 =	simm.s32 $0x25  }
0x2e1: {  	_ =	swait.ge [sflag:s17], $0x1000  }
0x2e2: {  	[sflag:s17] =	ssyncset.done $0x0  }
0x2e3: {  	[sflag:s17] =	ssyncadd.s32 $0xFFFFF000  }
0x2e4: {  	s19 =	sadd.s32 s9, s2;
	s21 =	simm.s32 $0x1C000;
	s28 =	simm.s32 $0x36  }
0x2e5: {  	[hbm:s19], [sflag:s22] =	dma.local [spmem:s21], $0x1000  }
0x2e6: {  	_ =	swait.ge [sflag:s28], $0x1000  }
0x2e7: {  	[sflag:s28] =	ssyncset.done $0x0  }
0x2e8: {  	[sflag:s28] =	ssyncadd.s32 $0xFFFFF000;
	_ =	sdelay $0x1  }
0x2e9: {  	s29 =	simm.s32 $0x26  }
0x2ea: {  	_ =	swait.ge [sflag:s29], $0x1000  }
0x2eb: {  	[sflag:s29] =	ssyncset.done $0x0  }
0x2ec: {  	[sflag:s29] =	ssyncadd.s32 $0xFFFFF000  }
0x2ed: {  	s30 =	sadd.s32 s8, s2;
	s31 =	simm.s32 $0x1D000;
	s1 =	simm.s32 $0x37  }
0x2ee: {  	[hbm:s30], [sflag:s20] =	dma.local [spmem:s31], $0x1000  }
0x2ef: {  	_ =	swait.ge [sflag:s1], $0x1000  }
0x2f0: {  	[sflag:s1] =	ssyncset.done $0x0  }
0x2f1: {  	[sflag:s1] =	ssyncadd.s32 $0xFFFFF000;
	_ =	sdelay $0x1  }
0x2f2: {  	s3 =	simm.s32 $0x27  }
0x2f3: {  	_ =	swait.ge [sflag:s3], $0x1000  }
0x2f4: {  	[sflag:s3] =	ssyncset.done $0x0  }
0x2f5: {  	[sflag:s3] =	ssyncadd.s32 $0xFFFFF000  }
0x2f6: {  	s8 =	simm.s32 $0x38;
	s5 =	sadd.s32 s7, s2;
	s7 =	simm.s32 $0x1E000  }
0x2f7: {  	[hbm:s5], [sflag:s18] =	dma.local [spmem:s7], $0x1000  }
0x2f8: {  	_ =	swait.ge [sflag:s8], $0x1000  }
0x2f9: {  	[sflag:s8] =	ssyncset.done $0x0  }
0x2fa: {  	[sflag:s8] =	ssyncadd.s32 $0xFFFFF000;
	_ =	sdelay $0x1  }
0x2fb: {  	s9 =	simm.s32 $0x28  }
0x2fc: {  	_ =	swait.ge [sflag:s9], $0x1000  }
0x2fd: {  	[sflag:s9] =	ssyncset.done $0x0  }
0x2fe: {  	[sflag:s9] =	ssyncadd.s32 $0xFFFFF000  }
0x2ff: {  	s10 =	sadd.s32 s4, s2;
	s11 =	simm.s32 $0x39  }
0x300: {  	[hbm:s10], [sflag:s15] =	dma.local [spmem:s6], $0x1000  }
0x301: {  	_ =	swait.ge [sflag:s11], $0x1000  }
0x302: {  	[sflag:s11] =	ssyncset.done $0x0  }
0x303: {  	[sflag:s11] =	ssyncadd.s32 $0xFFFFF000;
	_ =	sdelay $0x1  }
0x304: {  	s12 =	simm.s32 $0x3A  }
0x305: {  	_ =	swait.ge [sflag:s12], $0x1000  }
0x306: {  	[sflag:s12] =	ssyncset.done $0x0  }
0x307: {  	[sflag:s12] =	ssyncadd.s32 $0xFFFFF000;
	_ =	sdelay $0x1  }
0x308: {  	s13 =	simm.s32 $0x3B  }
0x309: {  	_ =	swait.ge [sflag:s13], $0x1000  }
0x30a: {  	[sflag:s13] =	ssyncset.done $0x0  }
0x30b: {  	[sflag:s13] =	ssyncadd.s32 $0xFFFFF000;
	_ =	sdelay $0x1  }
0x30c: {  	s14 =	simm.s32 $0x3C  }
0x30d: {  	_ =	swait.ge [sflag:s14], $0x1000  }
0x30e: {  	[sflag:s14] =	ssyncset.done $0x0  }
0x30f: {  	[sflag:s14] =	ssyncadd.s32 $0xFFFFF000;
	_ =	sdelay $0x1  }
0x310: {  	s16 =	simm.s32 $0x3D  }
0x311: {  	_ =	swait.ge [sflag:s16], $0x1000  }
0x312: {  	[sflag:s16] =	ssyncset.done $0x0  }
0x313: {  	[sflag:s16] =	ssyncadd.s32 $0xFFFFF000;
	_ =	sdelay $0x1  }
0x314: {  	s17 =	simm.s32 $0x3E  }
0x315: {  	_ =	swait.ge [sflag:s17], $0x1000  }
0x316: {  	[sflag:s17] =	ssyncset.done $0x0  }
0x317: {  	[sflag:s17] =	ssyncadd.s32 $0xFFFFF000;
	_ =	sdelay $0x1  }
0x318: {  	s19 =	simm.s32 $0x3F  }
0x319: {  	_ =	swait.ge [sflag:s19], $0x1000  }
0x31a: {  	[sflag:s19] =	ssyncset.done $0x0  }
0x31b: {  	[sflag:s19] =	ssyncadd.s32 $0xFFFFF000;
	_ =	sdelay $0x1  }
0x31c: {  	s21 =	simm.s32 $0x40  }
0x31d: {  	_ =	swait.ge [sflag:s21], $0x1000  }
0x31e: {  	[sflag:s21] =	ssyncset.done $0x0  }
0x31f: {  	[sflag:s21] =	ssyncadd.s32 $0xFFFFF000;
	_ =	sdelay $0x2  }
0x320: {  	_ =	swait.ge [sflag:s26], $0x1000  }
0x321: {  	[sflag:s26] =	ssyncset.done $0x0  }
0x322: {  	[sflag:s26] =	ssyncadd.s32 $0xFFFFF000;
	_ =	sdelay $0x2  }
0x323: {  	_ =	swait.ge [sflag:s25], $0x1000  }
0x324: {  	[sflag:s25] =	ssyncset.done $0x0  }
0x325: {  	[sflag:s25] =	ssyncadd.s32 $0xFFFFF000;
	_ =	sdelay $0x2  }
0x326: {  	_ =	swait.ge [sflag:s24], $0x1000  }
0x327: {  	[sflag:s24] =	ssyncset.done $0x0  }
0x328: {  	[sflag:s24] =	ssyncadd.s32 $0xFFFFF000;
	_ =	sdelay $0x2  }
0x329: {  	_ =	swait.ge [sflag:s23], $0x1000  }
0x32a: {  	[sflag:s23] =	ssyncset.done $0x0  }
0x32b: {  	[sflag:s23] =	ssyncadd.s32 $0xFFFFF000;
	_ =	sdelay $0x2  }
0x32c: {  	_ =	swait.ge [sflag:s22], $0x1000  }
0x32d: {  	[sflag:s22] =	ssyncset.done $0x0  }
0x32e: {  	[sflag:s22] =	ssyncadd.s32 $0xFFFFF000;
	_ =	sdelay $0x2  }
0x32f: {  	_ =	swait.ge [sflag:s20], $0x1000  }
0x330: {  	[sflag:s20] =	ssyncset.done $0x0  }
0x331: {  	[sflag:s20] =	ssyncadd.s32 $0xFFFFF000;
	_ =	sdelay $0x2  }
0x332: {  	_ =	swait.ge [sflag:s18], $0x1000  }
0x333: {  	[sflag:s18] =	ssyncset.done $0x0  }
0x334: {  	[sflag:s18] =	ssyncadd.s32 $0xFFFFF000;
	_ =	sdelay $0x2  }
0x335: {  	_ =	swait.ge [sflag:s15], $0x1000  }
0x336: {  	[sflag:s15] =	ssyncset.done $0x0  }
0x337: {  	[sflag:s15] =	ssyncadd.s32 $0xFFFFF000  }
0x338: {  	_ =	strace $0x90000046  }
0x339: {  	_ =	sfence  }
0x33a: {  	s28 =	sld [smem:$0x0];
	_ =	sdelay $0x1  }
0x33b: {  	s29 =	srdreg.scid  }
0x33c: {  	s30 =	sshll.u32 s29, $0xD;
	s2 =	sshrl.u32 s29, $0x2  }
0x33d: {  	s1 =	sand.u32 $0x4000, s30;
	s31 =	rddreg [dreg:$0x0];
	s0 =	sadd.s32 s2, s28  }
0x33e: {  	s1 =	sor.u32 s1, s31;
	s0 =	sshll.u32 s0, $0x11  }
0x33f: {  	s0 =	sor.u32 s0, s1  }
0x340: {  	s0 =	sadd.s32 $0x8F2B, s0;
	(pc) =	sbr.abs _section_cstart, $3  }
0x341: {  	[sflag:s0] =	ssyncadd.remote.s32 $0x1  }
0x342: {  	_ =	strace $0x9FFFFFFF  }
0x343: {  	(tm) =	ssettm $0x7FFFFFFF  }

</sc_bundles>
